<compile_context>
chip_gen: v7x
topology: tpu7x:2x2x1
jax: 0.10.2.dev20260603
libtpu: 0.0.44.dev20260713+nightly
codegen_flags: <defaults>
</compile_context>

<pallas_src>
import functools

import jax
import jax.numpy as jnp
from jax import lax
from jax.experimental import pallas as pl
from jax.experimental.pallas import tpu as pltpu
from jax.experimental.pallas import tpu_sc as plsc

_EPS = 0.001
_NC = 19
_NBINS = 384
_HW = _NBINS * 16
_CH = 2048


def _make_k1(bsz, npix):
    info = plsc.get_sparse_core_info()
    nw = info.num_cores * info.num_subcores
    tiles_per_b = nw // bsz
    per_tile = npix // tiles_per_b
    nsteps = per_tile // _CH
    mesh = plsc.VectorSubcoreMesh(core_axis_name="c", subcore_axis_name="s")

    @functools.partial(
        pl.kernel, mesh=mesh,
        out_type=jax.ShapeDtypeStruct((nw * _HW,), jnp.float32),
        compiler_params=pltpu.CompilerParams(
            needs_layout_passes=False, use_tc_tiling_on_sc=False),
        scratch_types=[
            pltpu.VMEM((2, _NC, _CH), jnp.float32),
            pltpu.VMEM((2, _CH), jnp.int32),
            pltpu.VMEM((_HW,), jnp.float32),
            pltpu.SemaphoreType.DMA,
            pltpu.SemaphoreType.DMA,
        ],
    )
    def k1(pred_hbm, true_hbm, out_hbm, pbuf, tbuf, hist, sem0, sem1):
        wid = lax.axis_index("s") * info.num_cores + lax.axis_index("c")
        b = wid // tiles_per_b
        pix0 = (wid % tiles_per_b) * per_tile
        sems = (sem0, sem1)

        def zero_hist(r, carry):
            hist[pl.ds(r * 16, 16)] = jnp.zeros((16,), jnp.float32)
            return carry
        lax.fori_loop(0, _NBINS, zero_hist, 0)

        def copies(s, slot):
            return [
                pltpu.make_async_copy(
                    pred_hbm.at[b, :, pl.ds(pix0 + s * _CH, _CH)],
                    pbuf.at[slot], sems[slot]),
                pltpu.make_async_copy(
                    true_hbm.at[pl.ds(b * npix + pix0 + s * _CH, _CH)],
                    tbuf.at[slot], sems[slot]),
            ]

        def start(s, slot):
            for cp in copies(s, slot):
                cp.start()

        def wait(s, slot):
            for cp in copies(s, slot):
                cp.wait()

        start(0, 0)
        lane = lax.iota(jnp.int32, 16)
        ones = jnp.ones((16,), jnp.float32)

        def process(slot):
            def pix(i, c2):
                sl = pl.ds(i * 16, 16)
                v = pbuf[slot, 0, sl]
                idx = jnp.zeros((16,), jnp.int32)
                for c in range(1, _NC):
                    xc = pbuf[slot, c, sl]
                    m = xc > v
                    v = jnp.where(m, xc, v)
                    idx = jnp.where(m, jnp.full((16,), c, jnp.int32), idx)
                t = tbuf[slot, sl]
                bins = (idx * _NC + t) * 16 + lane
                plsc.addupdate_scatter(hist, [bins], ones)
                return c2

            def pix8(q, c2):
                for u in range(8):
                    pix(q * 8 + u, c2)
                return c2

            lax.fori_loop(0, _CH // 128, pix8, 0)

        def pair(j, carry):
            s0 = 2 * j
            s1 = s0 + 1
            start(s1, 1)
            wait(s0, 0)
            process(0)
            @pl.when(s1 + 1 < nsteps)
            def _():
                start(s1 + 1, 0)
            wait(s1, 1)
            process(1)
            return carry

        lax.fori_loop(0, nsteps // 2, pair, 0)
        pltpu.sync_copy(hist, out_hbm.at[pl.ds(wid * _HW, _HW)])

    return k1


def _make_k2(nw):
    info = plsc.get_sparse_core_info()
    mesh = plsc.VectorSubcoreMesh(core_axis_name="c", subcore_axis_name="s")

    @functools.partial(
        pl.kernel, mesh=mesh,
        out_type=jax.ShapeDtypeStruct((16,), jnp.float32),
        compiler_params=pltpu.CompilerParams(needs_layout_passes=False),
        scratch_types=[
            pltpu.VMEM((_HW,), jnp.float32),
            pltpu.VMEM((2 * _HW,), jnp.float32),
            pltpu.VMEM((16,), jnp.float32),
            pltpu.SemaphoreType.DMA,
        ],
    )
    def k2(hists_hbm, out_hbm, acc, tmp, obuf, sem):
        wid = lax.axis_index("s") * info.num_cores + lax.axis_index("c")

        @pl.when(wid == 0)
        def _():
            pltpu.sync_copy(hists_hbm.at[pl.ds(0, _HW)], acc)

            def cp_src(w, slot):
                return pltpu.make_async_copy(
                    hists_hbm.at[pl.ds(w * _HW, _HW)],
                    tmp.at[pl.ds(slot * _HW, _HW)], sem)

            cp_src(1, 0).start()

            def add_src(j, carry):
                w = 1 + 2 * j

                def do(w_, slot):
                    @pl.when(w_ + 1 < nw)
                    def _():
                        cp_src(w_ + 1, 1 - slot).start()
                    cp_src(w_, slot).wait()

                    def add_row(r, c2):
                        for u in range(8):
                            sl = pl.ds((r * 8 + u) * 16, 16)
                            acc[sl] = acc[sl] + tmp[pl.ds(slot * _HW + (r * 8 + u) * 16, 16)]
                        return c2
                    lax.fori_loop(0, _NBINS // 8, add_row, 0)

                do(w, 0)
                @pl.when(w + 1 < nw)
                def _():
                    do(w + 1, 1)
                return carry
            lax.fori_loop(0, (nw - 1 + 1) // 2, add_src, 0)

            lane = lax.iota(jnp.int32, 16)
            zero = jnp.zeros((16,), jnp.float32)

            def accum(bin_, carry):
                a1, a2, b1, b2, d1, d2 = carry
                p = bin_ // _NC
                t = bin_ - p * _NC
                s = lax.reduce_sum(acc[pl.ds(bin_ * 16, 16)], axes=(0,))
                sv = jnp.full((16,), s, jnp.float32)
                pv = jnp.full((16,), p, jnp.int32)
                tv = jnp.full((16,), t, jnp.int32)
                a1 = a1 + jnp.where(lane == pv, sv, zero)
                a2 = a2 + jnp.where(lane == pv - 16, sv, zero)
                b1 = b1 + jnp.where(lane == tv, sv, zero)
                b2 = b2 + jnp.where(lane == tv - 16, sv, zero)
                dv = jnp.where(pv == tv, sv, zero)
                d1 = d1 + jnp.where(lane == pv, dv, zero)
                d2 = d2 + jnp.where(lane == pv - 16, dv, zero)
                return (a1, a2, b1, b2, d1, d2)

            init = (zero, zero, zero, zero, zero, zero)
            a1, a2, b1, b2, d1, d2 = lax.fori_loop(0, _NC * _NC, accum, init)

            dice1 = 2.0 * d1 / (a1 + b1 + _EPS)
            dice2 = 2.0 * d2 / (a2 + b2 + _EPS)
            jac1 = d1 / (a1 + b1 - d1 + _EPS)
            jac2 = d2 / (a2 + b2 - d2 + _EPS)
            dm = (jnp.full((16,), lax.reduce_sum(dice1, axes=(0,)), jnp.float32)
                  + jnp.full((16,), lax.reduce_sum(dice2, axes=(0,)), jnp.float32)
                  ) / float(_NC)
            jm = (jnp.full((16,), lax.reduce_sum(jac1, axes=(0,)), jnp.float32)
                  + jnp.full((16,), lax.reduce_sum(jac2, axes=(0,)), jnp.float32)
                  ) / float(_NC)
            obuf[...] = 1.0 - (dm + jm) / 2.0
            pltpu.sync_copy(obuf, out_hbm)

    return k2


@jax.jit
def _run(pred, true):
    bsz, nc, h, w = pred.shape
    npix = h * w
    pred2 = pred.reshape(bsz, nc, npix)
    true2 = true.reshape(-1).astype(jnp.int32)
    info = plsc.get_sparse_core_info()
    nw = info.num_cores * info.num_subcores
    hists = _make_k1(bsz, npix)(pred2, true2)
    out = _make_k2(nw)(hists)
    return out[0]


def kernel(pred, true):
    return _run(pred, true)

# --- scband reference (transcript-rebuilt; emitter-appended) ---
"""Pipeline reference for scband-emlabel-map-loss-30769145708627 (READ-ONLY COPY).

The authoritative reference and input builder live on the scoring server;
editing this copy changes nothing except your own understanding.
"""

import jax, jax.numpy as jnp
import numpy as np

EPS = 0.001
NUM_CLASSES = 19


def _fast_hist(pred, true, num_classes):
    # faithful to torch: mask on 'true' arg, bincount of num_classes*true + pred
    mask = (true >= 0) & (true < num_classes)
    idx = jnp.where(mask, num_classes * true + pred, 0)
    hist = jnp.bincount(idx, weights=mask.astype(jnp.float32), length=num_classes ** 2)
    return hist.reshape(num_classes, num_classes)


def nanmean(x):
    return jnp.nanmean(x)


def dice_coefficient(hist, eps=EPS):
    A_inter_B = jnp.diag(hist)
    A = hist.sum(axis=1)
    B = hist.sum(axis=0)
    dice = 2 * A_inter_B / (A + B + eps)
    return nanmean(dice)


def jaccard_index(hist, eps=EPS):
    A_inter_B = jnp.diag(hist)
    A = hist.sum(axis=1)
    B = hist.sum(axis=0)
    jaccard = A_inter_B / (A + B - A_inter_B + eps)
    return nanmean(jaccard)


def setup_inputs(seed: int = 0) -> dict:
    key = jax.random.key(seed)
    k1, k2 = jax.random.split(key)
    pred = jax.random.normal(k1, (8, NUM_CLASSES, 512, 512), dtype=jnp.float32)
    true = jax.random.randint(k2, (8, 512, 512), 0, NUM_CLASSES, dtype=jnp.int64 if jax.config.jax_enable_x64 else jnp.int32)
    return {"pred": pred, "true": true}


def reference(pred, true):
    # logit=True: argmax over class dim
    p = jnp.argmax(pred, axis=1)
    hist = jnp.zeros((NUM_CLASSES, NUM_CLASSES), dtype=jnp.float32)
    for b in range(true.shape[0]):
        # note: original passes (t, p) into _fast_hist(pred=t, true=p)
        hist = hist + _fast_hist(true[b].flatten(), p[b].flatten(), NUM_CLASSES)
    loss = 0.0
    losses = [dice_coefficient, jaccard_index]
    for m in losses:
        loss = loss + m(hist, EPS)
    # average_loss=True
    return 1 - loss / len(losses)

if __name__ == "__main__":
    import jax
    _d = setup_inputs()
    print(jax.jit(kernel)(*tuple(_d.values())))

</pallas_src>

<mosaic_0001>
#map = affine_map<(d0, d1) -> (0)>
module attributes {stable_mosaic.version = 14 : i64} {
  func.func @k2(%arg0: i32, %arg1: i32, %arg2: memref<196608xf32, #tpu.memory_space<hbm>>, %arg3: memref<16xf32, #tpu.memory_space<hbm>>, %arg4: memref<6144xf32, #tpu.memory_space<vmem>>, %arg5: memref<12288xf32, #tpu.memory_space<vmem>>, %arg6: memref<16xf32, #tpu.memory_space<vmem>>, %arg7: memref<!tpu.dma_semaphore, #tpu.memory_space<semaphore_mem>>) attributes {dimension_semantics = [#tpu.dimension_semantics<core_parallel>, #tpu.dimension_semantics<subcore_parallel>], iteration_bounds = array<i64: 2, 16>, scalar_prefetch = 0 : i64, scratch_operands = 4 : i64, tpu.core_type = #tpu.core_type<sc_vector_subcore>, window_params = [{transform_indices = #map}, {transform_indices = #map}]} {
    %mul3A = arith.constant 2 : i32
    %mul3A_0 = arith.muli %arg1, %mul3A : i32
    %add3A = arith.addi %mul3A_0, %arg0 : i32
    %eq3A = arith.constant 0 : i32
    %eq3A_1 = arith.cmpi eq, %add3A, %eq3A : i32
    %convert_element_type3A = arith.extui %eq3A_1 : i1 to i32
    %cond3A = arith.constant 0 : i32
    %cond3A_2 = arith.cmpi ne, %convert_element_type3A, %cond3A : i32
    scf.if %cond3A_2 {
      "tpu.region"() ({
        %run_scoped3A = tpu.sem_alloc : memref<!tpu.dma_semaphore, #tpu.memory_space<semaphore_mem>>
        %dma_start3A_83 = arith.constant 0 : i32
        %dma_start3A_84 = tpu.memref_slice %arg2[%dma_start3A_83] : memref<196608xf32, #tpu.memory_space<hbm>> -> memref<6144xf32, #tpu.memory_space<hbm>>
        %dma_start3A_85 = arith.constant 0 : i32
        %dma_start3A_86 = tpu.memref_slice %arg2[%dma_start3A_85] : memref<196608xf32, #tpu.memory_space<hbm>> -> memref<6144xf32, #tpu.memory_space<hbm>>
        tpu.enqueue_dma source(%dma_start3A_86 : memref<6144xf32, #tpu.memory_space<hbm>>) target(%arg4 : memref<6144xf32, #tpu.memory_space<vmem>>) target_semaphore(%run_scoped3A : memref<!tpu.dma_semaphore, #tpu.memory_space<semaphore_mem>>)
        %dma_wait3A = arith.constant 0 : i32
        %dma_wait3A_87 = tpu.memref_slice %arg2[%dma_wait3A] : memref<196608xf32, #tpu.memory_space<hbm>> -> memref<6144xf32, #tpu.memory_space<hbm>>
        %dma_wait3A_88 = arith.constant 0 : i32
        %dma_wait3A_89 = tpu.memref_slice %arg2[%dma_wait3A_88] : memref<196608xf32, #tpu.memory_space<hbm>> -> memref<6144xf32, #tpu.memory_space<hbm>>
        tpu.wait_dma2 semaphore(%run_scoped3A : memref<!tpu.dma_semaphore, #tpu.memory_space<semaphore_mem>>) src(%dma_wait3A_89 : memref<6144xf32, #tpu.memory_space<hbm>>) dst(%arg4 : memref<6144xf32, #tpu.memory_space<vmem>>)
        tpu.yield
      }) : () -> ()
      %dma_start3A = arith.constant 0 : i32
      %dma_start3A_3 = tpu.memref_slice %arg5[%dma_start3A] : memref<12288xf32, #tpu.memory_space<vmem>> -> memref<6144xf32, #tpu.memory_space<vmem>>
      %dma_start3A_4 = arith.constant 6144 : i32
      %dma_start3A_5 = tpu.memref_slice %arg2[%dma_start3A_4] : memref<196608xf32, #tpu.memory_space<hbm>> -> memref<6144xf32, #tpu.memory_space<hbm>>
      %dma_start3A_6 = arith.constant 0 : i32
      %dma_start3A_7 = tpu.memref_slice %arg5[%dma_start3A_6] : memref<12288xf32, #tpu.memory_space<vmem>> -> memref<6144xf32, #tpu.memory_space<vmem>>
      %dma_start3A_8 = arith.constant 6144 : i32
      %dma_start3A_9 = tpu.memref_slice %arg2[%dma_start3A_8] : memref<196608xf32, #tpu.memory_space<hbm>> -> memref<6144xf32, #tpu.memory_space<hbm>>
      tpu.enqueue_dma source(%dma_start3A_9 : memref<6144xf32, #tpu.memory_space<hbm>>) target(%dma_start3A_7 : memref<6144xf32, #tpu.memory_space<vmem>>) target_semaphore(%arg7 : memref<!tpu.dma_semaphore, #tpu.memory_space<semaphore_mem>>)
      %scan3A = arith.constant 0 : i32
      %scan3A_10 = arith.constant 0 : i32
      %scan3A_11 = arith.constant 16 : i32
      %scan3A_12 = arith.addi %scan3A_10, %scan3A_11 : i32
      %scan3A_13 = arith.constant 1 : i32
      scf.for %scan3A_83 = %scan3A_10 to %scan3A_12 step %scan3A_13  : i32 {
        %mul3A_84 = arith.constant 2 : i32
        %mul3A_85 = arith.muli %mul3A_84, %scan3A_83 : i32
        %add3A_86 = arith.constant 1 : i32
        %add3A_87 = arith.addi %add3A_86, %mul3A_85 : i32
        %add3A_88 = arith.constant 1 : i32
        %add3A_89 = arith.addi %add3A_87, %add3A_88 : i32
        %lt3A = arith.constant 32 : i32
        %lt3A_90 = arith.cmpi slt, %add3A_89, %lt3A : i32
        %convert_element_type3A_91 = arith.extui %lt3A_90 : i1 to i32
        %cond3A_92 = arith.constant 0 : i32
        %cond3A_93 = arith.cmpi ne, %convert_element_type3A_91, %cond3A_92 : i32
        scf.if %cond3A_93 {
          %add3A_114 = arith.constant 1 : i32
          %add3A_115 = arith.addi %add3A_87, %add3A_114 : i32
          %mul3A_116 = arith.constant 6144 : i32
          %mul3A_117 = arith.muli %add3A_115, %mul3A_116 : i32
          %dma_start3A_118 = arith.constant 6144 : i32
          %dma_start3A_119 = tpu.memref_slice %arg5[%dma_start3A_118] : memref<12288xf32, #tpu.memory_space<vmem>> -> memref<6144xf32, #tpu.memory_space<vmem>>
          %dma_start3A_120 = tpu.memref_slice %arg2[%mul3A_117] : memref<196608xf32, #tpu.memory_space<hbm>> -> memref<6144xf32, #tpu.memory_space<hbm>>
          %dma_start3A_121 = arith.constant 6144 : i32
          %dma_start3A_122 = tpu.memref_slice %arg5[%dma_start3A_121] : memref<12288xf32, #tpu.memory_space<vmem>> -> memref<6144xf32, #tpu.memory_space<vmem>>
          %dma_start3A_123 = tpu.memref_slice %arg2[%mul3A_117] : memref<196608xf32, #tpu.memory_space<hbm>> -> memref<6144xf32, #tpu.memory_space<hbm>>
          tpu.enqueue_dma source(%dma_start3A_123 : memref<6144xf32, #tpu.memory_space<hbm>>) target(%dma_start3A_122 : memref<6144xf32, #tpu.memory_space<vmem>>) target_semaphore(%arg7 : memref<!tpu.dma_semaphore, #tpu.memory_space<semaphore_mem>>)
        } else {
        }
        %mul3A_94 = arith.constant 6144 : i32
        %mul3A_95 = arith.muli %add3A_87, %mul3A_94 : i32
        %dma_wait3A = arith.constant 0 : i32
        %dma_wait3A_96 = tpu.memref_slice %arg5[%dma_wait3A] : memref<12288xf32, #tpu.memory_space<vmem>> -> memref<6144xf32, #tpu.memory_space<vmem>>
        %dma_wait3A_97 = tpu.memref_slice %arg2[%mul3A_95] : memref<196608xf32, #tpu.memory_space<hbm>> -> memref<6144xf32, #tpu.memory_space<hbm>>
        %dma_wait3A_98 = arith.constant 0 : i32
        %dma_wait3A_99 = tpu.memref_slice %arg5[%dma_wait3A_98] : memref<12288xf32, #tpu.memory_space<vmem>> -> memref<6144xf32, #tpu.memory_space<vmem>>
        %dma_wait3A_100 = tpu.memref_slice %arg2[%mul3A_95] : memref<196608xf32, #tpu.memory_space<hbm>> -> memref<6144xf32, #tpu.memory_space<hbm>>
        tpu.wait_dma2 semaphore(%arg7 : memref<!tpu.dma_semaphore, #tpu.memory_space<semaphore_mem>>) src(%dma_wait3A_100 : memref<6144xf32, #tpu.memory_space<hbm>>) dst(%dma_wait3A_99 : memref<6144xf32, #tpu.memory_space<vmem>>)
        %scan3A_101 = arith.constant 0 : i32
        %scan3A_102 = arith.constant 0 : i32
        %scan3A_103 = arith.constant 48 : i32
        %scan3A_104 = arith.addi %scan3A_102, %scan3A_103 : i32
        %scan3A_105 = arith.constant 1 : i32
        scf.for %scan3A_114 = %scan3A_102 to %scan3A_104 step %scan3A_105  : i32 {
          %mul3A_115 = arith.constant 8 : i32
          %mul3A_116 = arith.muli %scan3A_114, %mul3A_115 : i32
          %add3A_117 = arith.constant 0 : i32
          %add3A_118 = arith.addi %mul3A_116, %add3A_117 : i32
          %mul3A_119 = arith.constant 16 : i32
          %mul3A_120 = arith.muli %add3A_118, %mul3A_119 : i32
          %get3A = arith.index_cast %mul3A_120 : i32 to index
          %get3A_121 = tpu.vector_load %arg4[%get3A] {strides = array<i32>} : memref<6144xf32, #tpu.memory_space<vmem>>, vector<16xf32>,
          %mul3A_122 = arith.constant 8 : i32
          %mul3A_123 = arith.muli %scan3A_114, %mul3A_122 : i32
          %add3A_124 = arith.constant 0 : i32
          %add3A_125 = arith.addi %mul3A_123, %add3A_124 : i32
          %mul3A_126 = arith.constant 16 : i32
          %mul3A_127 = arith.muli %add3A_125, %mul3A_126 : i32
          %add3A_128 = arith.constant 0 : i32
          %add3A_129 = arith.addi %add3A_128, %mul3A_127 : i32
          %get3A_130 = arith.index_cast %add3A_129 : i32 to index
          %get3A_131 = tpu.vector_load %arg5[%get3A_130] {strides = array<i32>} : memref<12288xf32, #tpu.memory_space<vmem>>, vector<16xf32>,
          %add3A_132 = arith.addf %get3A_121, %get3A_131 : vector<16xf32>
          %swap3A_133 = arith.index_cast %mul3A_120 : i32 to index
          %swap3A_134 = tpu.vector_load %arg4[%swap3A_133] {strides = array<i32>} : memref<6144xf32, #tpu.memory_space<vmem>>, vector<16xf32>,
          tpu.vector_store %arg4[%swap3A_133], %add3A_132 {strides = array<i32>} : memref<6144xf32, #tpu.memory_space<vmem>>, vector<16xf32>,
          %mul3A_135 = arith.constant 8 : i32
          %mul3A_136 = arith.muli %scan3A_114, %mul3A_135 : i32
          %add3A_137 = arith.constant 1 : i32
          %add3A_138 = arith.addi %mul3A_136, %add3A_137 : i32
          %mul3A_139 = arith.constant 16 : i32
          %mul3A_140 = arith.muli %add3A_138, %mul3A_139 : i32
          %get3A_141 = arith.index_cast %mul3A_140 : i32 to index
          %get3A_142 = tpu.vector_load %arg4[%get3A_141] {strides = array<i32>} : memref<6144xf32, #tpu.memory_space<vmem>>, vector<16xf32>,
          %mul3A_143 = arith.constant 8 : i32
          %mul3A_144 = arith.muli %scan3A_114, %mul3A_143 : i32
          %add3A_145 = arith.constant 1 : i32
          %add3A_146 = arith.addi %mul3A_144, %add3A_145 : i32
          %mul3A_147 = arith.constant 16 : i32
          %mul3A_148 = arith.muli %add3A_146, %mul3A_147 : i32
          %add3A_149 = arith.constant 0 : i32
          %add3A_150 = arith.addi %add3A_149, %mul3A_148 : i32
          %get3A_151 = arith.index_cast %add3A_150 : i32 to index
          %get3A_152 = tpu.vector_load %arg5[%get3A_151] {strides = array<i32>} : memref<12288xf32, #tpu.memory_space<vmem>>, vector<16xf32>,
          %add3A_153 = arith.addf %get3A_142, %get3A_152 : vector<16xf32>
          %swap3A_154 = arith.index_cast %mul3A_140 : i32 to index
          %swap3A_155 = tpu.vector_load %arg4[%swap3A_154] {strides = array<i32>} : memref<6144xf32, #tpu.memory_space<vmem>>, vector<16xf32>,
          tpu.vector_store %arg4[%swap3A_154], %add3A_153 {strides = array<i32>} : memref<6144xf32, #tpu.memory_space<vmem>>, vector<16xf32>,
          %mul3A_156 = arith.constant 8 : i32
          %mul3A_157 = arith.muli %scan3A_114, %mul3A_156 : i32
          %add3A_158 = arith.constant 2 : i32
          %add3A_159 = arith.addi %mul3A_157, %add3A_158 : i32
          %mul3A_160 = arith.constant 16 : i32
          %mul3A_161 = arith.muli %add3A_159, %mul3A_160 : i32
          %get3A_162 = arith.index_cast %mul3A_161 : i32 to index
          %get3A_163 = tpu.vector_load %arg4[%get3A_162] {strides = array<i32>} : memref<6144xf32, #tpu.memory_space<vmem>>, vector<16xf32>,
          %mul3A_164 = arith.constant 8 : i32
          %mul3A_165 = arith.muli %scan3A_114, %mul3A_164 : i32
          %add3A_166 = arith.constant 2 : i32
          %add3A_167 = arith.addi %mul3A_165, %add3A_166 : i32
          %mul3A_168 = arith.constant 16 : i32
          %mul3A_169 = arith.muli %add3A_167, %mul3A_168 : i32
          %add3A_170 = arith.constant 0 : i32
          %add3A_171 = arith.addi %add3A_170, %mul3A_169 : i32
          %get3A_172 = arith.index_cast %add3A_171 : i32 to index
          %get3A_173 = tpu.vector_load %arg5[%get3A_172] {strides = array<i32>} : memref<12288xf32, #tpu.memory_space<vmem>>, vector<16xf32>,
          %add3A_174 = arith.addf %get3A_163, %get3A_173 : vector<16xf32>
          %swap3A_175 = arith.index_cast %mul3A_161 : i32 to index
          %swap3A_176 = tpu.vector_load %arg4[%swap3A_175] {strides = array<i32>} : memref<6144xf32, #tpu.memory_space<vmem>>, vector<16xf32>,
          tpu.vector_store %arg4[%swap3A_175], %add3A_174 {strides = array<i32>} : memref<6144xf32, #tpu.memory_space<vmem>>, vector<16xf32>,
          %mul3A_177 = arith.constant 8 : i32
          %mul3A_178 = arith.muli %scan3A_114, %mul3A_177 : i32
          %add3A_179 = arith.constant 3 : i32
          %add3A_180 = arith.addi %mul3A_178, %add3A_179 : i32
          %mul3A_181 = arith.constant 16 : i32
          %mul3A_182 = arith.muli %add3A_180, %mul3A_181 : i32
          %get3A_183 = arith.index_cast %mul3A_182 : i32 to index
          %get3A_184 = tpu.vector_load %arg4[%get3A_183] {strides = array<i32>} : memref<6144xf32, #tpu.memory_space<vmem>>, vector<16xf32>,
          %mul3A_185 = arith.constant 8 : i32
          %mul3A_186 = arith.muli %scan3A_114, %mul3A_185 : i32
          %add3A_187 = arith.constant 3 : i32
          %add3A_188 = arith.addi %mul3A_186, %add3A_187 : i32
          %mul3A_189 = arith.constant 16 : i32
          %mul3A_190 = arith.muli %add3A_188, %mul3A_189 : i32
          %add3A_191 = arith.constant 0 : i32
          %add3A_192 = arith.addi %add3A_191, %mul3A_190 : i32
          %get3A_193 = arith.index_cast %add3A_192 : i32 to index
          %get3A_194 = tpu.vector_load %arg5[%get3A_193] {strides = array<i32>} : memref<12288xf32, #tpu.memory_space<vmem>>, vector<16xf32>,
          %add3A_195 = arith.addf %get3A_184, %get3A_194 : vector<16xf32>
          %swap3A_196 = arith.index_cast %mul3A_182 : i32 to index
          %swap3A_197 = tpu.vector_load %arg4[%swap3A_196] {strides = array<i32>} : memref<6144xf32, #tpu.memory_space<vmem>>, vector<16xf32>,
          tpu.vector_store %arg4[%swap3A_196], %add3A_195 {strides = array<i32>} : memref<6144xf32, #tpu.memory_space<vmem>>, vector<16xf32>,
          %mul3A_198 = arith.constant 8 : i32
          %mul3A_199 = arith.muli %scan3A_114, %mul3A_198 : i32
          %add3A_200 = arith.constant 4 : i32
          %add3A_201 = arith.addi %mul3A_199, %add3A_200 : i32
          %mul3A_202 = arith.constant 16 : i32
          %mul3A_203 = arith.muli %add3A_201, %mul3A_202 : i32
          %get3A_204 = arith.index_cast %mul3A_203 : i32 to index
          %get3A_205 = tpu.vector_load %arg4[%get3A_204] {strides = array<i32>} : memref<6144xf32, #tpu.memory_space<vmem>>, vector<16xf32>,
          %mul3A_206 = arith.constant 8 : i32
          %mul3A_207 = arith.muli %scan3A_114, %mul3A_206 : i32
          %add3A_208 = arith.constant 4 : i32
          %add3A_209 = arith.addi %mul3A_207, %add3A_208 : i32
          %mul3A_210 = arith.constant 16 : i32
          %mul3A_211 = arith.muli %add3A_209, %mul3A_210 : i32
          %add3A_212 = arith.constant 0 : i32
          %add3A_213 = arith.addi %add3A_212, %mul3A_211 : i32
          %get3A_214 = arith.index_cast %add3A_213 : i32 to index
          %get3A_215 = tpu.vector_load %arg5[%get3A_214] {strides = array<i32>} : memref<12288xf32, #tpu.memory_space<vmem>>, vector<16xf32>,
          %add3A_216 = arith.addf %get3A_205, %get3A_215 : vector<16xf32>
          %swap3A_217 = arith.index_cast %mul3A_203 : i32 to index
          %swap3A_218 = tpu.vector_load %arg4[%swap3A_217] {strides = array<i32>} : memref<6144xf32, #tpu.memory_space<vmem>>, vector<16xf32>,
          tpu.vector_store %arg4[%swap3A_217], %add3A_216 {strides = array<i32>} : memref<6144xf32, #tpu.memory_space<vmem>>, vector<16xf32>,
          %mul3A_219 = arith.constant 8 : i32
          %mul3A_220 = arith.muli %scan3A_114, %mul3A_219 : i32
          %add3A_221 = arith.constant 5 : i32
          %add3A_222 = arith.addi %mul3A_220, %add3A_221 : i32
          %mul3A_223 = arith.constant 16 : i32
          %mul3A_224 = arith.muli %add3A_222, %mul3A_223 : i32
          %get3A_225 = arith.index_cast %mul3A_224 : i32 to index
          %get3A_226 = tpu.vector_load %arg4[%get3A_225] {strides = array<i32>} : memref<6144xf32, #tpu.memory_space<vmem>>, vector<16xf32>,
          %mul3A_227 = arith.constant 8 : i32
          %mul3A_228 = arith.muli %scan3A_114, %mul3A_227 : i32
          %add3A_229 = arith.constant 5 : i32
          %add3A_230 = arith.addi %mul3A_228, %add3A_229 : i32
          %mul3A_231 = arith.constant 16 : i32
          %mul3A_232 = arith.muli %add3A_230, %mul3A_231 : i32
          %add3A_233 = arith.constant 0 : i32
          %add3A_234 = arith.addi %add3A_233, %mul3A_232 : i32
          %get3A_235 = arith.index_cast %add3A_234 : i32 to index
          %get3A_236 = tpu.vector_load %arg5[%get3A_235] {strides = array<i32>} : memref<12288xf32, #tpu.memory_space<vmem>>, vector<16xf32>,
          %add3A_237 = arith.addf %get3A_226, %get3A_236 : vector<16xf32>
          %swap3A_238 = arith.index_cast %mul3A_224 : i32 to index
          %swap3A_239 = tpu.vector_load %arg4[%swap3A_238] {strides = array<i32>} : memref<6144xf32, #tpu.memory_space<vmem>>, vector<16xf32>,
          tpu.vector_store %arg4[%swap3A_238], %add3A_237 {strides = array<i32>} : memref<6144xf32, #tpu.memory_space<vmem>>, vector<16xf32>,
          %mul3A_240 = arith.constant 8 : i32
          %mul3A_241 = arith.muli %scan3A_114, %mul3A_240 : i32
          %add3A_242 = arith.constant 6 : i32
          %add3A_243 = arith.addi %mul3A_241, %add3A_242 : i32
          %mul3A_244 = arith.constant 16 : i32
          %mul3A_245 = arith.muli %add3A_243, %mul3A_244 : i32
          %get3A_246 = arith.index_cast %mul3A_245 : i32 to index
          %get3A_247 = tpu.vector_load %arg4[%get3A_246] {strides = array<i32>} : memref<6144xf32, #tpu.memory_space<vmem>>, vector<16xf32>,
          %mul3A_248 = arith.constant 8 : i32
          %mul3A_249 = arith.muli %scan3A_114, %mul3A_248 : i32
          %add3A_250 = arith.constant 6 : i32
          %add3A_251 = arith.addi %mul3A_249, %add3A_250 : i32
          %mul3A_252 = arith.constant 16 : i32
          %mul3A_253 = arith.muli %add3A_251, %mul3A_252 : i32
          %add3A_254 = arith.constant 0 : i32
          %add3A_255 = arith.addi %add3A_254, %mul3A_253 : i32
          %get3A_256 = arith.index_cast %add3A_255 : i32 to index
          %get3A_257 = tpu.vector_load %arg5[%get3A_256] {strides = array<i32>} : memref<12288xf32, #tpu.memory_space<vmem>>, vector<16xf32>,
          %add3A_258 = arith.addf %get3A_247, %get3A_257 : vector<16xf32>
          %swap3A_259 = arith.index_cast %mul3A_245 : i32 to index
          %swap3A_260 = tpu.vector_load %arg4[%swap3A_259] {strides = array<i32>} : memref<6144xf32, #tpu.memory_space<vmem>>, vector<16xf32>,
          tpu.vector_store %arg4[%swap3A_259], %add3A_258 {strides = array<i32>} : memref<6144xf32, #tpu.memory_space<vmem>>, vector<16xf32>,
          %mul3A_261 = arith.constant 8 : i32
          %mul3A_262 = arith.muli %scan3A_114, %mul3A_261 : i32
          %add3A_263 = arith.constant 7 : i32
          %add3A_264 = arith.addi %mul3A_262, %add3A_263 : i32
          %mul3A_265 = arith.constant 16 : i32
          %mul3A_266 = arith.muli %add3A_264, %mul3A_265 : i32
          %get3A_267 = arith.index_cast %mul3A_266 : i32 to index
          %get3A_268 = tpu.vector_load %arg4[%get3A_267] {strides = array<i32>} : memref<6144xf32, #tpu.memory_space<vmem>>, vector<16xf32>,
          %mul3A_269 = arith.constant 8 : i32
          %mul3A_270 = arith.muli %scan3A_114, %mul3A_269 : i32
          %add3A_271 = arith.constant 7 : i32
          %add3A_272 = arith.addi %mul3A_270, %add3A_271 : i32
          %mul3A_273 = arith.constant 16 : i32
          %mul3A_274 = arith.muli %add3A_272, %mul3A_273 : i32
          %add3A_275 = arith.constant 0 : i32
          %add3A_276 = arith.addi %add3A_275, %mul3A_274 : i32
          %get3A_277 = arith.index_cast %add3A_276 : i32 to index
          %get3A_278 = tpu.vector_load %arg5[%get3A_277] {strides = array<i32>} : memref<12288xf32, #tpu.memory_space<vmem>>, vector<16xf32>,
          %add3A_279 = arith.addf %get3A_268, %get3A_278 : vector<16xf32>
          %swap3A_280 = arith.index_cast %mul3A_266 : i32 to index
          %swap3A_281 = tpu.vector_load %arg4[%swap3A_280] {strides = array<i32>} : memref<6144xf32, #tpu.memory_space<vmem>>, vector<16xf32>,
          tpu.vector_store %arg4[%swap3A_280], %add3A_279 {strides = array<i32>} : memref<6144xf32, #tpu.memory_space<vmem>>, vector<16xf32>,
        }
        %scan3A_106 = arith.constant 48 : i32
        %add3A_107 = arith.constant 1 : i32
        %add3A_108 = arith.addi %add3A_87, %add3A_107 : i32
        %lt3A_109 = arith.constant 32 : i32
        %lt3A_110 = arith.cmpi slt, %add3A_108, %lt3A_109 : i32
        %convert_element_type3A_111 = arith.extui %lt3A_110 : i1 to i32
        %cond3A_112 = arith.constant 0 : i32
        %cond3A_113 = arith.cmpi ne, %convert_element_type3A_111, %cond3A_112 : i32
        scf.if %cond3A_113 {
          %add3A_114 = arith.constant 1 : i32
          %add3A_115 = arith.addi %add3A_87, %add3A_114 : i32
          %add3A_116 = arith.constant 1 : i32
          %add3A_117 = arith.addi %add3A_115, %add3A_116 : i32
          %lt3A_118 = arith.constant 32 : i32
          %lt3A_119 = arith.cmpi slt, %add3A_117, %lt3A_118 : i32
          %convert_element_type3A_120 = arith.extui %lt3A_119 : i1 to i32
          %cond3A_121 = arith.constant 0 : i32
          %cond3A_122 = arith.cmpi ne, %convert_element_type3A_120, %cond3A_121 : i32
          scf.if %cond3A_122 {
            %add3A_137 = arith.constant 1 : i32
            %add3A_138 = arith.addi %add3A_115, %add3A_137 : i32
            %mul3A_139 = arith.constant 6144 : i32
            %mul3A_140 = arith.muli %add3A_138, %mul3A_139 : i32
            %dma_start3A_141 = arith.constant 0 : i32
            %dma_start3A_142 = tpu.memref_slice %arg5[%dma_start3A_141] : memref<12288xf32, #tpu.memory_space<vmem>> -> memref<6144xf32, #tpu.memory_space<vmem>>
            %dma_start3A_143 = tpu.memref_slice %arg2[%mul3A_140] : memref<196608xf32, #tpu.memory_space<hbm>> -> memref<6144xf32, #tpu.memory_space<hbm>>
            %dma_start3A_144 = arith.constant 0 : i32
            %dma_start3A_145 = tpu.memref_slice %arg5[%dma_start3A_144] : memref<12288xf32, #tpu.memory_space<vmem>> -> memref<6144xf32, #tpu.memory_space<vmem>>
            %dma_start3A_146 = tpu.memref_slice %arg2[%mul3A_140] : memref<196608xf32, #tpu.memory_space<hbm>> -> memref<6144xf32, #tpu.memory_space<hbm>>
            tpu.enqueue_dma source(%dma_start3A_146 : memref<6144xf32, #tpu.memory_space<hbm>>) target(%dma_start3A_145 : memref<6144xf32, #tpu.memory_space<vmem>>) target_semaphore(%arg7 : memref<!tpu.dma_semaphore, #tpu.memory_space<semaphore_mem>>)
          } else {
          }
          %mul3A_123 = arith.constant 6144 : i32
          %mul3A_124 = arith.muli %add3A_115, %mul3A_123 : i32
          %dma_wait3A_125 = arith.constant 6144 : i32
          %dma_wait3A_126 = tpu.memref_slice %arg5[%dma_wait3A_125] : memref<12288xf32, #tpu.memory_space<vmem>> -> memref<6144xf32, #tpu.memory_space<vmem>>
          %dma_wait3A_127 = tpu.memref_slice %arg2[%mul3A_124] : memref<196608xf32, #tpu.memory_space<hbm>> -> memref<6144xf32, #tpu.memory_space<hbm>>
          %dma_wait3A_128 = arith.constant 6144 : i32
          %dma_wait3A_129 = tpu.memref_slice %arg5[%dma_wait3A_128] : memref<12288xf32, #tpu.memory_space<vmem>> -> memref<6144xf32, #tpu.memory_space<vmem>>
          %dma_wait3A_130 = tpu.memref_slice %arg2[%mul3A_124] : memref<196608xf32, #tpu.memory_space<hbm>> -> memref<6144xf32, #tpu.memory_space<hbm>>
          tpu.wait_dma2 semaphore(%arg7 : memref<!tpu.dma_semaphore, #tpu.memory_space<semaphore_mem>>) src(%dma_wait3A_130 : memref<6144xf32, #tpu.memory_space<hbm>>) dst(%dma_wait3A_129 : memref<6144xf32, #tpu.memory_space<vmem>>)
          %scan3A_131 = arith.constant 0 : i32
          %scan3A_132 = arith.constant 0 : i32
          %scan3A_133 = arith.constant 48 : i32
          %scan3A_134 = arith.addi %scan3A_132, %scan3A_133 : i32
          %scan3A_135 = arith.constant 1 : i32
          scf.for %scan3A_137 = %scan3A_132 to %scan3A_134 step %scan3A_135  : i32 {
            %mul3A_138 = arith.constant 8 : i32
            %mul3A_139 = arith.muli %scan3A_137, %mul3A_138 : i32
            %add3A_140 = arith.constant 0 : i32
            %add3A_141 = arith.addi %mul3A_139, %add3A_140 : i32
            %mul3A_142 = arith.constant 16 : i32
            %mul3A_143 = arith.muli %add3A_141, %mul3A_142 : i32
            %get3A = arith.index_cast %mul3A_143 : i32 to index
            %get3A_144 = tpu.vector_load %arg4[%get3A] {strides = array<i32>} : memref<6144xf32, #tpu.memory_space<vmem>>, vector<16xf32>,
            %mul3A_145 = arith.constant 8 : i32
            %mul3A_146 = arith.muli %scan3A_137, %mul3A_145 : i32
            %add3A_147 = arith.constant 0 : i32
            %add3A_148 = arith.addi %mul3A_146, %add3A_147 : i32
            %mul3A_149 = arith.constant 16 : i32
            %mul3A_150 = arith.muli %add3A_148, %mul3A_149 : i32
            %add3A_151 = arith.constant 6144 : i32
            %add3A_152 = arith.addi %add3A_151, %mul3A_150 : i32
            %get3A_153 = arith.index_cast %add3A_152 : i32 to index
            %get3A_154 = tpu.vector_load %arg5[%get3A_153] {strides = array<i32>} : memref<12288xf32, #tpu.memory_space<vmem>>, vector<16xf32>,
            %add3A_155 = arith.addf %get3A_144, %get3A_154 : vector<16xf32>
            %swap3A_156 = arith.index_cast %mul3A_143 : i32 to index
            %swap3A_157 = tpu.vector_load %arg4[%swap3A_156] {strides = array<i32>} : memref<6144xf32, #tpu.memory_space<vmem>>, vector<16xf32>,
            tpu.vector_store %arg4[%swap3A_156], %add3A_155 {strides = array<i32>} : memref<6144xf32, #tpu.memory_space<vmem>>, vector<16xf32>,
            %mul3A_158 = arith.constant 8 : i32
            %mul3A_159 = arith.muli %scan3A_137, %mul3A_158 : i32
            %add3A_160 = arith.constant 1 : i32
            %add3A_161 = arith.addi %mul3A_159, %add3A_160 : i32
            %mul3A_162 = arith.constant 16 : i32
            %mul3A_163 = arith.muli %add3A_161, %mul3A_162 : i32
            %get3A_164 = arith.index_cast %mul3A_163 : i32 to index
            %get3A_165 = tpu.vector_load %arg4[%get3A_164] {strides = array<i32>} : memref<6144xf32, #tpu.memory_space<vmem>>, vector<16xf32>,
            %mul3A_166 = arith.constant 8 : i32
            %mul3A_167 = arith.muli %scan3A_137, %mul3A_166 : i32
            %add3A_168 = arith.constant 1 : i32
            %add3A_169 = arith.addi %mul3A_167, %add3A_168 : i32
            %mul3A_170 = arith.constant 16 : i32
            %mul3A_171 = arith.muli %add3A_169, %mul3A_170 : i32
            %add3A_172 = arith.constant 6144 : i32
            %add3A_173 = arith.addi %add3A_172, %mul3A_171 : i32
            %get3A_174 = arith.index_cast %add3A_173 : i32 to index
            %get3A_175 = tpu.vector_load %arg5[%get3A_174] {strides = array<i32>} : memref<12288xf32, #tpu.memory_space<vmem>>, vector<16xf32>,
            %add3A_176 = arith.addf %get3A_165, %get3A_175 : vector<16xf32>
            %swap3A_177 = arith.index_cast %mul3A_163 : i32 to index
            %swap3A_178 = tpu.vector_load %arg4[%swap3A_177] {strides = array<i32>} : memref<6144xf32, #tpu.memory_space<vmem>>, vector<16xf32>,
            tpu.vector_store %arg4[%swap3A_177], %add3A_176 {strides = array<i32>} : memref<6144xf32, #tpu.memory_space<vmem>>, vector<16xf32>,
            %mul3A_179 = arith.constant 8 : i32
            %mul3A_180 = arith.muli %scan3A_137, %mul3A_179 : i32
            %add3A_181 = arith.constant 2 : i32
            %add3A_182 = arith.addi %mul3A_180, %add3A_181 : i32
            %mul3A_183 = arith.constant 16 : i32
            %mul3A_184 = arith.muli %add3A_182, %mul3A_183 : i32
            %get3A_185 = arith.index_cast %mul3A_184 : i32 to index
            %get3A_186 = tpu.vector_load %arg4[%get3A_185] {strides = array<i32>} : memref<6144xf32, #tpu.memory_space<vmem>>, vector<16xf32>,
            %mul3A_187 = arith.constant 8 : i32
            %mul3A_188 = arith.muli %scan3A_137, %mul3A_187 : i32
            %add3A_189 = arith.constant 2 : i32
            %add3A_190 = arith.addi %mul3A_188, %add3A_189 : i32
            %mul3A_191 = arith.constant 16 : i32
            %mul3A_192 = arith.muli %add3A_190, %mul3A_191 : i32
            %add3A_193 = arith.constant 6144 : i32
            %add3A_194 = arith.addi %add3A_193, %mul3A_192 : i32
            %get3A_195 = arith.index_cast %add3A_194 : i32 to index
            %get3A_196 = tpu.vector_load %arg5[%get3A_195] {strides = array<i32>} : memref<12288xf32, #tpu.memory_space<vmem>>, vector<16xf32>,
            %add3A_197 = arith.addf %get3A_186, %get3A_196 : vector<16xf32>
            %swap3A_198 = arith.index_cast %mul3A_184 : i32 to index
            %swap3A_199 = tpu.vector_load %arg4[%swap3A_198] {strides = array<i32>} : memref<6144xf32, #tpu.memory_space<vmem>>, vector<16xf32>,
            tpu.vector_store %arg4[%swap3A_198], %add3A_197 {strides = array<i32>} : memref<6144xf32, #tpu.memory_space<vmem>>, vector<16xf32>,
            %mul3A_200 = arith.constant 8 : i32
            %mul3A_201 = arith.muli %scan3A_137, %mul3A_200 : i32
            %add3A_202 = arith.constant 3 : i32
            %add3A_203 = arith.addi %mul3A_201, %add3A_202 : i32
            %mul3A_204 = arith.constant 16 : i32
            %mul3A_205 = arith.muli %add3A_203, %mul3A_204 : i32
            %get3A_206 = arith.index_cast %mul3A_205 : i32 to index
            %get3A_207 = tpu.vector_load %arg4[%get3A_206] {strides = array<i32>} : memref<6144xf32, #tpu.memory_space<vmem>>, vector<16xf32>,
            %mul3A_208 = arith.constant 8 : i32
            %mul3A_209 = arith.muli %scan3A_137, %mul3A_208 : i32
            %add3A_210 = arith.constant 3 : i32
            %add3A_211 = arith.addi %mul3A_209, %add3A_210 : i32
            %mul3A_212 = arith.constant 16 : i32
            %mul3A_213 = arith.muli %add3A_211, %mul3A_212 : i32
            %add3A_214 = arith.constant 6144 : i32
            %add3A_215 = arith.addi %add3A_214, %mul3A_213 : i32
            %get3A_216 = arith.index_cast %add3A_215 : i32 to index
            %get3A_217 = tpu.vector_load %arg5[%get3A_216] {strides = array<i32>} : memref<12288xf32, #tpu.memory_space<vmem>>, vector<16xf32>,
            %add3A_218 = arith.addf %get3A_207, %get3A_217 : vector<16xf32>
            %swap3A_219 = arith.index_cast %mul3A_205 : i32 to index
            %swap3A_220 = tpu.vector_load %arg4[%swap3A_219] {strides = array<i32>} : memref<6144xf32, #tpu.memory_space<vmem>>, vector<16xf32>,
            tpu.vector_store %arg4[%swap3A_219], %add3A_218 {strides = array<i32>} : memref<6144xf32, #tpu.memory_space<vmem>>, vector<16xf32>,
            %mul3A_221 = arith.constant 8 : i32
            %mul3A_222 = arith.muli %scan3A_137, %mul3A_221 : i32
            %add3A_223 = arith.constant 4 : i32
            %add3A_224 = arith.addi %mul3A_222, %add3A_223 : i32
            %mul3A_225 = arith.constant 16 : i32
            %mul3A_226 = arith.muli %add3A_224, %mul3A_225 : i32
            %get3A_227 = arith.index_cast %mul3A_226 : i32 to index
            %get3A_228 = tpu.vector_load %arg4[%get3A_227] {strides = array<i32>} : memref<6144xf32, #tpu.memory_space<vmem>>, vector<16xf32>,
            %mul3A_229 = arith.constant 8 : i32
            %mul3A_230 = arith.muli %scan3A_137, %mul3A_229 : i32
            %add3A_231 = arith.constant 4 : i32
            %add3A_232 = arith.addi %mul3A_230, %add3A_231 : i32
            %mul3A_233 = arith.constant 16 : i32
            %mul3A_234 = arith.muli %add3A_232, %mul3A_233 : i32
            %add3A_235 = arith.constant 6144 : i32
            %add3A_236 = arith.addi %add3A_235, %mul3A_234 : i32
            %get3A_237 = arith.index_cast %add3A_236 : i32 to index
            %get3A_238 = tpu.vector_load %arg5[%get3A_237] {strides = array<i32>} : memref<12288xf32, #tpu.memory_space<vmem>>, vector<16xf32>,
            %add3A_239 = arith.addf %get3A_228, %get3A_238 : vector<16xf32>
            %swap3A_240 = arith.index_cast %mul3A_226 : i32 to index
            %swap3A_241 = tpu.vector_load %arg4[%swap3A_240] {strides = array<i32>} : memref<6144xf32, #tpu.memory_space<vmem>>, vector<16xf32>,
            tpu.vector_store %arg4[%swap3A_240], %add3A_239 {strides = array<i32>} : memref<6144xf32, #tpu.memory_space<vmem>>, vector<16xf32>,
            %mul3A_242 = arith.constant 8 : i32
            %mul3A_243 = arith.muli %scan3A_137, %mul3A_242 : i32
            %add3A_244 = arith.constant 5 : i32
            %add3A_245 = arith.addi %mul3A_243, %add3A_244 : i32
            %mul3A_246 = arith.constant 16 : i32
            %mul3A_247 = arith.muli %add3A_245, %mul3A_246 : i32
            %get3A_248 = arith.index_cast %mul3A_247 : i32 to index
            %get3A_249 = tpu.vector_load %arg4[%get3A_248] {strides = array<i32>} : memref<6144xf32, #tpu.memory_space<vmem>>, vector<16xf32>,
            %mul3A_250 = arith.constant 8 : i32
            %mul3A_251 = arith.muli %scan3A_137, %mul3A_250 : i32
            %add3A_252 = arith.constant 5 : i32
            %add3A_253 = arith.addi %mul3A_251, %add3A_252 : i32
            %mul3A_254 = arith.constant 16 : i32
            %mul3A_255 = arith.muli %add3A_253, %mul3A_254 : i32
            %add3A_256 = arith.constant 6144 : i32
            %add3A_257 = arith.addi %add3A_256, %mul3A_255 : i32
            %get3A_258 = arith.index_cast %add3A_257 : i32 to index
            %get3A_259 = tpu.vector_load %arg5[%get3A_258] {strides = array<i32>} : memref<12288xf32, #tpu.memory_space<vmem>>, vector<16xf32>,
            %add3A_260 = arith.addf %get3A_249, %get3A_259 : vector<16xf32>
            %swap3A_261 = arith.index_cast %mul3A_247 : i32 to index
            %swap3A_262 = tpu.vector_load %arg4[%swap3A_261] {strides = array<i32>} : memref<6144xf32, #tpu.memory_space<vmem>>, vector<16xf32>,
            tpu.vector_store %arg4[%swap3A_261], %add3A_260 {strides = array<i32>} : memref<6144xf32, #tpu.memory_space<vmem>>, vector<16xf32>,
            %mul3A_263 = arith.constant 8 : i32
            %mul3A_264 = arith.muli %scan3A_137, %mul3A_263 : i32
            %add3A_265 = arith.constant 6 : i32
            %add3A_266 = arith.addi %mul3A_264, %add3A_265 : i32
            %mul3A_267 = arith.constant 16 : i32
            %mul3A_268 = arith.muli %add3A_266, %mul3A_267 : i32
            %get3A_269 = arith.index_cast %mul3A_268 : i32 to index
            %get3A_270 = tpu.vector_load %arg4[%get3A_269] {strides = array<i32>} : memref<6144xf32, #tpu.memory_space<vmem>>, vector<16xf32>,
            %mul3A_271 = arith.constant 8 : i32
            %mul3A_272 = arith.muli %scan3A_137, %mul3A_271 : i32
            %add3A_273 = arith.constant 6 : i32
            %add3A_274 = arith.addi %mul3A_272, %add3A_273 : i32
            %mul3A_275 = arith.constant 16 : i32
            %mul3A_276 = arith.muli %add3A_274, %mul3A_275 : i32
            %add3A_277 = arith.constant 6144 : i32
            %add3A_278 = arith.addi %add3A_277, %mul3A_276 : i32
            %get3A_279 = arith.index_cast %add3A_278 : i32 to index
            %get3A_280 = tpu.vector_load %arg5[%get3A_279] {strides = array<i32>} : memref<12288xf32, #tpu.memory_space<vmem>>, vector<16xf32>,
            %add3A_281 = arith.addf %get3A_270, %get3A_280 : vector<16xf32>
            %swap3A_282 = arith.index_cast %mul3A_268 : i32 to index
            %swap3A_283 = tpu.vector_load %arg4[%swap3A_282] {strides = array<i32>} : memref<6144xf32, #tpu.memory_space<vmem>>, vector<16xf32>,
            tpu.vector_store %arg4[%swap3A_282], %add3A_281 {strides = array<i32>} : memref<6144xf32, #tpu.memory_space<vmem>>, vector<16xf32>,
            %mul3A_284 = arith.constant 8 : i32
            %mul3A_285 = arith.muli %scan3A_137, %mul3A_284 : i32
            %add3A_286 = arith.constant 7 : i32
            %add3A_287 = arith.addi %mul3A_285, %add3A_286 : i32
            %mul3A_288 = arith.constant 16 : i32
            %mul3A_289 = arith.muli %add3A_287, %mul3A_288 : i32
            %get3A_290 = arith.index_cast %mul3A_289 : i32 to index
            %get3A_291 = tpu.vector_load %arg4[%get3A_290] {strides = array<i32>} : memref<6144xf32, #tpu.memory_space<vmem>>, vector<16xf32>,
            %mul3A_292 = arith.constant 8 : i32
            %mul3A_293 = arith.muli %scan3A_137, %mul3A_292 : i32
            %add3A_294 = arith.constant 7 : i32
            %add3A_295 = arith.addi %mul3A_293, %add3A_294 : i32
            %mul3A_296 = arith.constant 16 : i32
            %mul3A_297 = arith.muli %add3A_295, %mul3A_296 : i32
            %add3A_298 = arith.constant 6144 : i32
            %add3A_299 = arith.addi %add3A_298, %mul3A_297 : i32
            %get3A_300 = arith.index_cast %add3A_299 : i32 to index
            %get3A_301 = tpu.vector_load %arg5[%get3A_300] {strides = array<i32>} : memref<12288xf32, #tpu.memory_space<vmem>>, vector<16xf32>,
            %add3A_302 = arith.addf %get3A_291, %get3A_301 : vector<16xf32>
            %swap3A_303 = arith.index_cast %mul3A_289 : i32 to index
            %swap3A_304 = tpu.vector_load %arg4[%swap3A_303] {strides = array<i32>} : memref<6144xf32, #tpu.memory_space<vmem>>, vector<16xf32>,
            tpu.vector_store %arg4[%swap3A_303], %add3A_302 {strides = array<i32>} : memref<6144xf32, #tpu.memory_space<vmem>>, vector<16xf32>,
          }
          %scan3A_136 = arith.constant 48 : i32
        } else {
        }
      }
      %scan3A_14 = arith.constant 16 : i32
      %iota3A = tpu.iota {dimensions = array<i32: 0>} : vector<16xi32>
      %broadcast_in_dim3A = arith.constant 0.000000e+00 : f32
      %broadcast_in_dim3A_15 = vector.broadcast %broadcast_in_dim3A : f32 to vector<16xf32>
      %scan3A_16 = arith.constant 0 : i32
      %scan3A_17 = arith.constant 361 : i32
      %scan3A_18 = arith.addi %scan3A_16, %scan3A_17 : i32
      %scan3A_19 = arith.constant 1 : i32
      %scan3A_20:6 = scf.for %scan3A_83 = %scan3A_16 to %scan3A_18 step %scan3A_19 iter_args(%scan3A_84 = %broadcast_in_dim3A_15, %scan3A_85 = %broadcast_in_dim3A_15, %scan3A_86 = %broadcast_in_dim3A_15, %scan3A_87 = %broadcast_in_dim3A_15, %scan3A_88 = %broadcast_in_dim3A_15, %scan3A_89 = %broadcast_in_dim3A_15) -> (vector<16xf32>, vector<16xf32>, vector<16xf32>, vector<16xf32>, vector<16xf32>, vector<16xf32>)  : i32 {
        %jit3A = arith.constant 19 : i32
        %div3A_90 = arith.divsi %scan3A_83, %jit3A : i32
        %sign3A = arith.constant 0 : i32
        %sign3A_91 = arith.cmpi sgt, %scan3A_83, %sign3A : i32
        %sign3A_92 = arith.extui %sign3A_91 : i1 to i32
        %sign3A_93 = arith.constant 0 : i32
        %sign3A_94 = arith.cmpi slt, %scan3A_83, %sign3A_93 : i32
        %sign3A_95 = arith.extui %sign3A_94 : i1 to i32
        %sign3A_96 = arith.subi %sign3A_92, %sign3A_95 : i32
        %sign3A_97 = arith.constant 0 : i32
        %sign3A_98 = arith.cmpi sgt, %jit3A, %sign3A_97 : i32
        %sign3A_99 = arith.extui %sign3A_98 : i1 to i32
        %sign3A_100 = arith.constant 0 : i32
        %sign3A_101 = arith.cmpi slt, %jit3A, %sign3A_100 : i32
        %sign3A_102 = arith.extui %sign3A_101 : i1 to i32
        %sign3A_103 = arith.subi %sign3A_99, %sign3A_102 : i32
        %ne3A = arith.cmpi ne, %sign3A_96, %sign3A_103 : i32
        %rem3A = arith.remsi %scan3A_83, %jit3A : i32
        %ne3A_104 = arith.constant 0 : i32
        %ne3A_105 = arith.cmpi ne, %rem3A, %ne3A_104 : i32
        %and3A = arith.andi %ne3A, %ne3A_105 : i1
        %sub3A_106 = arith.constant 1 : i32
        %sub3A_107 = arith.subi %div3A_90, %sub3A_106 : i32
        %select_n3A = arith.select %and3A, %sub3A_107, %div3A_90 : i32
        %mul3A_108 = arith.constant 19 : i32
        %mul3A_109 = arith.muli %select_n3A, %mul3A_108 : i32
        %sub3A_110 = arith.subi %scan3A_83, %mul3A_109 : i32
        %mul3A_111 = arith.constant 16 : i32
        %mul3A_112 = arith.muli %scan3A_83, %mul3A_111 : i32
        %get3A = arith.index_cast %mul3A_112 : i32 to index
        %get3A_113 = tpu.vector_load %arg4[%get3A] {strides = array<i32>} : memref<6144xf32, #tpu.memory_space<vmem>>, vector<16xf32>,
        %reduce_sum3A_114 = arith.constant true
        %reduce_sum3A_115 = vector.broadcast %reduce_sum3A_114 : i1 to vector<16xi1>
        %reduce_sum3A_116 = tpu.scan <sum>, %get3A_113 masked %reduce_sum3A_115 : vector<16xf32>, vector<16xi1> -> vector<16xf32>
        %reduce_sum3A_117 = vector.extract %reduce_sum3A_116[15] : f32 from vector<16xf32>
        %broadcast_in_dim3A_118 = vector.broadcast %reduce_sum3A_117 : f32 to vector<16xf32>
        %broadcast_in_dim3A_119 = vector.broadcast %select_n3A : i32 to vector<16xi32>
        %broadcast_in_dim3A_120 = vector.broadcast %sub3A_110 : i32 to vector<16xi32>
        %eq3A_121 = arith.cmpi eq, %iota3A, %broadcast_in_dim3A_119 : vector<16xi32>
        %select_n3A_122 = arith.select %eq3A_121, %broadcast_in_dim3A_118, %broadcast_in_dim3A_15 : vector<16xi1>, vector<16xf32>
        %add3A_123 = arith.addf %scan3A_84, %select_n3A_122 : vector<16xf32>
        %sub3A_124 = arith.constant 16 : i32
        %sub3A_125 = vector.broadcast %sub3A_124 : i32 to vector<16xi32>
        %sub3A_126 = arith.subi %broadcast_in_dim3A_119, %sub3A_125 : vector<16xi32>
        %eq3A_127 = arith.cmpi eq, %iota3A, %sub3A_126 : vector<16xi32>
        %select_n3A_128 = arith.select %eq3A_127, %broadcast_in_dim3A_118, %broadcast_in_dim3A_15 : vector<16xi1>, vector<16xf32>
        %add3A_129 = arith.addf %scan3A_85, %select_n3A_128 : vector<16xf32>
        %eq3A_130 = arith.cmpi eq, %iota3A, %broadcast_in_dim3A_120 : vector<16xi32>
        %select_n3A_131 = arith.select %eq3A_130, %broadcast_in_dim3A_118, %broadcast_in_dim3A_15 : vector<16xi1>, vector<16xf32>
        %add3A_132 = arith.addf %scan3A_86, %select_n3A_131 : vector<16xf32>
        %sub3A_133 = arith.constant 16 : i32
        %sub3A_134 = vector.broadcast %sub3A_133 : i32 to vector<16xi32>
        %sub3A_135 = arith.subi %broadcast_in_dim3A_120, %sub3A_134 : vector<16xi32>
        %eq3A_136 = arith.cmpi eq, %iota3A, %sub3A_135 : vector<16xi32>
        %select_n3A_137 = arith.select %eq3A_136, %broadcast_in_dim3A_118, %broadcast_in_dim3A_15 : vector<16xi1>, vector<16xf32>
        %add3A_138 = arith.addf %scan3A_87, %select_n3A_137 : vector<16xf32>
        %eq3A_139 = arith.cmpi eq, %broadcast_in_dim3A_119, %broadcast_in_dim3A_120 : vector<16xi32>
        %select_n3A_140 = arith.select %eq3A_139, %broadcast_in_dim3A_118, %broadcast_in_dim3A_15 : vector<16xi1>, vector<16xf32>
        %eq3A_141 = arith.cmpi eq, %iota3A, %broadcast_in_dim3A_119 : vector<16xi32>
        %select_n3A_142 = arith.select %eq3A_141, %select_n3A_140, %broadcast_in_dim3A_15 : vector<16xi1>, vector<16xf32>
        %add3A_143 = arith.addf %scan3A_88, %select_n3A_142 : vector<16xf32>
        %sub3A_144 = arith.constant 16 : i32
        %sub3A_145 = vector.broadcast %sub3A_144 : i32 to vector<16xi32>
        %sub3A_146 = arith.subi %broadcast_in_dim3A_119, %sub3A_145 : vector<16xi32>
        %eq3A_147 = arith.cmpi eq, %iota3A, %sub3A_146 : vector<16xi32>
        %select_n3A_148 = arith.select %eq3A_147, %select_n3A_140, %broadcast_in_dim3A_15 : vector<16xi1>, vector<16xf32>
        %add3A_149 = arith.addf %scan3A_89, %select_n3A_148 : vector<16xf32>
        scf.yield %add3A_123, %add3A_129, %add3A_132, %add3A_138, %add3A_143, %add3A_149 : vector<16xf32>, vector<16xf32>, vector<16xf32>, vector<16xf32>, vector<16xf32>, vector<16xf32>
      }
      %scan3A_21 = arith.constant 361 : i32
      %mul3A_22 = arith.constant 2.000000e+00 : f32
      %mul3A_23 = vector.broadcast %mul3A_22 : f32 to vector<16xf32>
      %mul3A_24 = arith.mulf %mul3A_23, %scan3A_20#4 : vector<16xf32>
      %add3A_25 = arith.addf %scan3A_20#0, %scan3A_20#2 : vector<16xf32>
      %add3A_26 = arith.constant 1.000000e-03 : f32
      %add3A_27 = vector.broadcast %add3A_26 : f32 to vector<16xf32>
      %add3A_28 = arith.addf %add3A_25, %add3A_27 : vector<16xf32>
      %div3A = arith.divf %mul3A_24, %add3A_28 : vector<16xf32>
      %mul3A_29 = arith.constant 2.000000e+00 : f32
      %mul3A_30 = vector.broadcast %mul3A_29 : f32 to vector<16xf32>
      %mul3A_31 = arith.mulf %mul3A_30, %scan3A_20#5 : vector<16xf32>
      %add3A_32 = arith.addf %scan3A_20#1, %scan3A_20#3 : vector<16xf32>
      %add3A_33 = arith.constant 1.000000e-03 : f32
      %add3A_34 = vector.broadcast %add3A_33 : f32 to vector<16xf32>
      %add3A_35 = arith.addf %add3A_32, %add3A_34 : vector<16xf32>
      %div3A_36 = arith.divf %mul3A_31, %add3A_35 : vector<16xf32>
      %add3A_37 = arith.addf %scan3A_20#0, %scan3A_20#2 : vector<16xf32>
      %sub3A = arith.subf %add3A_37, %scan3A_20#4 : vector<16xf32>
      %add3A_38 = arith.constant 1.000000e-03 : f32
      %add3A_39 = vector.broadcast %add3A_38 : f32 to vector<16xf32>
      %add3A_40 = arith.addf %sub3A, %add3A_39 : vector<16xf32>
      %div3A_41 = arith.divf %scan3A_20#4, %add3A_40 : vector<16xf32>
      %add3A_42 = arith.addf %scan3A_20#1, %scan3A_20#3 : vector<16xf32>
      %sub3A_43 = arith.subf %add3A_42, %scan3A_20#5 : vector<16xf32>
      %add3A_44 = arith.constant 1.000000e-03 : f32
      %add3A_45 = vector.broadcast %add3A_44 : f32 to vector<16xf32>
      %add3A_46 = arith.addf %sub3A_43, %add3A_45 : vector<16xf32>
      %div3A_47 = arith.divf %scan3A_20#5, %add3A_46 : vector<16xf32>
      %reduce_sum3A = arith.constant true
      %reduce_sum3A_48 = vector.broadcast %reduce_sum3A : i1 to vector<16xi1>
      %reduce_sum3A_49 = tpu.scan <sum>, %div3A masked %reduce_sum3A_48 : vector<16xf32>, vector<16xi1> -> vector<16xf32>
      %reduce_sum3A_50 = vector.extract %reduce_sum3A_49[15] : f32 from vector<16xf32>
      %broadcast_in_dim3A_51 = vector.broadcast %reduce_sum3A_50 : f32 to vector<16xf32>
      %reduce_sum3A_52 = arith.constant true
      %reduce_sum3A_53 = vector.broadcast %reduce_sum3A_52 : i1 to vector<16xi1>
      %reduce_sum3A_54 = tpu.scan <sum>, %div3A_36 masked %reduce_sum3A_53 : vector<16xf32>, vector<16xi1> -> vector<16xf32>
      %reduce_sum3A_55 = vector.extract %reduce_sum3A_54[15] : f32 from vector<16xf32>
      %broadcast_in_dim3A_56 = vector.broadcast %reduce_sum3A_55 : f32 to vector<16xf32>
      %add3A_57 = arith.addf %broadcast_in_dim3A_51, %broadcast_in_dim3A_56 : vector<16xf32>
      %div3A_58 = arith.constant 1.900000e+01 : f32
      %div3A_59 = vector.broadcast %div3A_58 : f32 to vector<16xf32>
      %div3A_60 = arith.divf %add3A_57, %div3A_59 : vector<16xf32>
      %reduce_sum3A_61 = arith.constant true
      %reduce_sum3A_62 = vector.broadcast %reduce_sum3A_61 : i1 to vector<16xi1>
      %reduce_sum3A_63 = tpu.scan <sum>, %div3A_41 masked %reduce_sum3A_62 : vector<16xf32>, vector<16xi1> -> vector<16xf32>
      %reduce_sum3A_64 = vector.extract %reduce_sum3A_63[15] : f32 from vector<16xf32>
      %broadcast_in_dim3A_65 = vector.broadcast %reduce_sum3A_64 : f32 to vector<16xf32>
      %reduce_sum3A_66 = arith.constant true
      %reduce_sum3A_67 = vector.broadcast %reduce_sum3A_66 : i1 to vector<16xi1>
      %reduce_sum3A_68 = tpu.scan <sum>, %div3A_47 masked %reduce_sum3A_67 : vector<16xf32>, vector<16xi1> -> vector<16xf32>
      %reduce_sum3A_69 = vector.extract %reduce_sum3A_68[15] : f32 from vector<16xf32>
      %broadcast_in_dim3A_70 = vector.broadcast %reduce_sum3A_69 : f32 to vector<16xf32>
      %add3A_71 = arith.addf %broadcast_in_dim3A_65, %broadcast_in_dim3A_70 : vector<16xf32>
      %div3A_72 = arith.constant 1.900000e+01 : f32
      %div3A_73 = vector.broadcast %div3A_72 : f32 to vector<16xf32>
      %div3A_74 = arith.divf %add3A_71, %div3A_73 : vector<16xf32>
      %add3A_75 = arith.addf %div3A_60, %div3A_74 : vector<16xf32>
      %div3A_76 = arith.constant 2.000000e+00 : f32
      %div3A_77 = vector.broadcast %div3A_76 : f32 to vector<16xf32>
      %div3A_78 = arith.divf %add3A_75, %div3A_77 : vector<16xf32>
      %sub3A_79 = arith.constant 1.000000e+00 : f32
      %sub3A_80 = vector.broadcast %sub3A_79 : f32 to vector<16xf32>
      %sub3A_81 = arith.subf %sub3A_80, %div3A_78 : vector<16xf32>
      %swap3A = arith.constant 0 : index
      %swap3A_82 = tpu.vector_load %arg6[%swap3A] {strides = array<i32>} : memref<16xf32, #tpu.memory_space<vmem>>, vector<16xf32>,
      tpu.vector_store %arg6[%swap3A], %sub3A_81 {strides = array<i32>} : memref<16xf32, #tpu.memory_space<vmem>>, vector<16xf32>,
      "tpu.region"() ({
        %run_scoped3A = tpu.sem_alloc : memref<!tpu.dma_semaphore, #tpu.memory_space<semaphore_mem>>
        tpu.enqueue_dma source(%arg6 : memref<16xf32, #tpu.memory_space<vmem>>) target(%arg3 : memref<16xf32, #tpu.memory_space<hbm>>) target_semaphore(%run_scoped3A : memref<!tpu.dma_semaphore, #tpu.memory_space<semaphore_mem>>)
        tpu.wait_dma2 semaphore(%run_scoped3A : memref<!tpu.dma_semaphore, #tpu.memory_space<semaphore_mem>>) src(%arg6 : memref<16xf32, #tpu.memory_space<vmem>>) dst(%arg3 : memref<16xf32, #tpu.memory_space<hbm>>)
        tpu.yield
      }) : () -> ()
    } else {
    }
    return
  }
}

#map = affine_map<(d0, d1) -> (0, 0, 0)>
#map1 = affine_map<(d0, d1) -> (0)>
module attributes {stable_mosaic.version = 14 : i64} {
  func.func @k1(%arg0: i32, %arg1: i32, %arg2: memref<8x19x262144xf32, #tpu.memory_space<hbm>>, %arg3: memref<2097152xi32, #tpu.memory_space<hbm>>, %arg4: memref<196608xf32, #tpu.memory_space<hbm>>, %arg5: memref<2x19x2048xf32, #tpu.memory_space<vmem>>, %arg6: memref<2x2048xi32, #tpu.memory_space<vmem>>, %arg7: memref<6144xf32, #tpu.memory_space<vmem>>, %arg8: memref<!tpu.dma_semaphore, #tpu.memory_space<semaphore_mem>>, %arg9: memref<!tpu.dma_semaphore, #tpu.memory_space<semaphore_mem>>) attributes {dimension_semantics = [#tpu.dimension_semantics<core_parallel>, #tpu.dimension_semantics<subcore_parallel>], iteration_bounds = array<i64: 2, 16>, scalar_prefetch = 0 : i64, scratch_operands = 5 : i64, tpu.core_type = #tpu.core_type<sc_vector_subcore>, window_params = [{transform_indices = #map}, {transform_indices = #map1}, {transform_indices = #map1}]} {
    %mul3A = arith.constant 2 : i32
    %mul3A_0 = arith.muli %arg1, %mul3A : i32
    %add3A = arith.addi %mul3A_0, %arg0 : i32
    %jit3A = arith.constant 4 : i32
    %div3A = arith.divsi %add3A, %jit3A : i32
    %sign3A = arith.constant 0 : i32
    %sign3A_1 = arith.cmpi sgt, %add3A, %sign3A : i32
    %sign3A_2 = arith.extui %sign3A_1 : i1 to i32
    %sign3A_3 = arith.constant 0 : i32
    %sign3A_4 = arith.cmpi slt, %add3A, %sign3A_3 : i32
    %sign3A_5 = arith.extui %sign3A_4 : i1 to i32
    %sign3A_6 = arith.subi %sign3A_2, %sign3A_5 : i32
    %sign3A_7 = arith.constant 0 : i32
    %sign3A_8 = arith.cmpi sgt, %jit3A, %sign3A_7 : i32
    %sign3A_9 = arith.extui %sign3A_8 : i1 to i32
    %sign3A_10 = arith.constant 0 : i32
    %sign3A_11 = arith.cmpi slt, %jit3A, %sign3A_10 : i32
    %sign3A_12 = arith.extui %sign3A_11 : i1 to i32
    %sign3A_13 = arith.subi %sign3A_9, %sign3A_12 : i32
    %ne3A = arith.cmpi ne, %sign3A_6, %sign3A_13 : i32
    %rem3A = arith.remsi %add3A, %jit3A : i32
    %ne3A_14 = arith.constant 0 : i32
    %ne3A_15 = arith.cmpi ne, %rem3A, %ne3A_14 : i32
    %and3A = arith.andi %ne3A, %ne3A_15 : i1
    %sub3A = arith.constant 1 : i32
    %sub3A_16 = arith.subi %div3A, %sub3A : i32
    %select_n3A = arith.select %and3A, %sub3A_16, %div3A : i32
    %jit3A_17 = arith.constant 4 : i32
    %eq3A = arith.constant 0 : i32
    %eq3A_18 = arith.cmpi eq, %jit3A_17, %eq3A : i32
    %jit3A_19 = arith.constant 1 : i32
    %select_n3A_20 = arith.select %eq3A_18, %jit3A_19, %jit3A_17 : i32
    %rem3A_21 = arith.remsi %add3A, %select_n3A_20 : i32
    %ne3A_22 = arith.constant 0 : i32
    %ne3A_23 = arith.cmpi ne, %rem3A_21, %ne3A_22 : i32
    %lt3A = arith.constant 0 : i32
    %lt3A_24 = arith.cmpi slt, %rem3A_21, %lt3A : i32
    %lt3A_25 = arith.constant 0 : i32
    %lt3A_26 = arith.cmpi slt, %select_n3A_20, %lt3A_25 : i32
    %ne3A_27 = arith.xori %lt3A_24, %lt3A_26 : i1
    %and3A_28 = arith.andi %ne3A_27, %ne3A_23 : i1
    %add3A_29 = arith.addi %rem3A_21, %select_n3A_20 : i32
    %select_n3A_30 = arith.select %and3A_28, %add3A_29, %rem3A_21 : i32
    %mul3A_31 = arith.constant 65536 : i32
    %mul3A_32 = arith.muli %select_n3A_30, %mul3A_31 : i32
    %scan3A = arith.constant 0 : i32
    %scan3A_33 = arith.constant 0 : i32
    %scan3A_34 = arith.constant 384 : i32
    %scan3A_35 = arith.addi %scan3A_33, %scan3A_34 : i32
    %scan3A_36 = arith.constant 1 : i32
    scf.for %scan3A_77 = %scan3A_33 to %scan3A_35 step %scan3A_36  : i32 {
      %broadcast_in_dim3A_78 = arith.constant 0.000000e+00 : f32
      %broadcast_in_dim3A_79 = vector.broadcast %broadcast_in_dim3A_78 : f32 to vector<16xf32>
      %mul3A_80 = arith.constant 16 : i32
      %mul3A_81 = arith.muli %scan3A_77, %mul3A_80 : i32
      %swap3A = arith.index_cast %mul3A_81 : i32 to index
      %swap3A_82 = tpu.vector_load %arg7[%swap3A] {strides = array<i32>} : memref<6144xf32, #tpu.memory_space<vmem>>, vector<16xf32>,
      tpu.vector_store %arg7[%swap3A], %broadcast_in_dim3A_79 {strides = array<i32>} : memref<6144xf32, #tpu.memory_space<vmem>>, vector<16xf32>,
    }
    %scan3A_37 = arith.constant 384 : i32
    %add3A_38 = arith.constant 0 : i32
    %add3A_39 = arith.addi %mul3A_32, %add3A_38 : i32
    %mul3A_40 = arith.constant 262144 : i32
    %mul3A_41 = arith.muli %select_n3A, %mul3A_40 : i32
    %add3A_42 = arith.addi %mul3A_41, %mul3A_32 : i32
    %add3A_43 = arith.constant 0 : i32
    %add3A_44 = arith.addi %add3A_42, %add3A_43 : i32
    %dma_start3A = arith.constant 0 : i32
    %dma_start3A_45 = arith.constant 0 : i32
    %dma_start3A_46 = arith.constant 0 : i32
    %dma_start3A_47 = tpu.memref_slice %arg5[%dma_start3A, %dma_start3A_45, %dma_start3A_46] : memref<2x19x2048xf32, #tpu.memory_space<vmem>> -> memref<1x19x2048xf32, #tpu.memory_space<vmem>>
    %dma_start3A_48 = tpu.memref_squeeze %dma_start3A_47 : memref<1x19x2048xf32, #tpu.memory_space<vmem>> -> memref<19x2048xf32, #tpu.memory_space<vmem>>
    %dma_start3A_49 = arith.constant 0 : i32
    %dma_start3A_50 = tpu.memref_slice %arg2[%select_n3A, %dma_start3A_49, %add3A_39] : memref<8x19x262144xf32, #tpu.memory_space<hbm>> -> memref<1x19x2048xf32, #tpu.memory_space<hbm>>
    %dma_start3A_51 = tpu.memref_squeeze %dma_start3A_50 : memref<1x19x2048xf32, #tpu.memory_space<hbm>> -> memref<19x2048xf32, #tpu.memory_space<hbm>>
    %dma_start3A_52 = arith.constant 0 : i32
    %dma_start3A_53 = arith.constant 0 : i32
    %dma_start3A_54 = tpu.memref_slice %arg5[%dma_start3A, %dma_start3A_52, %dma_start3A_53] : memref<2x19x2048xf32, #tpu.memory_space<vmem>> -> memref<1x19x2048xf32, #tpu.memory_space<vmem>>
    %dma_start3A_55 = tpu.memref_squeeze %dma_start3A_54 : memref<1x19x2048xf32, #tpu.memory_space<vmem>> -> memref<19x2048xf32, #tpu.memory_space<vmem>>
    %dma_start3A_56 = arith.constant 0 : i32
    %dma_start3A_57 = tpu.memref_slice %arg2[%select_n3A, %dma_start3A_56, %add3A_39] : memref<8x19x262144xf32, #tpu.memory_space<hbm>> -> memref<1x19x2048xf32, #tpu.memory_space<hbm>>
    %dma_start3A_58 = tpu.memref_squeeze %dma_start3A_57 : memref<1x19x2048xf32, #tpu.memory_space<hbm>> -> memref<19x2048xf32, #tpu.memory_space<hbm>>
    tpu.enqueue_dma source(%dma_start3A_58 : memref<19x2048xf32, #tpu.memory_space<hbm>>) target(%dma_start3A_55 : memref<19x2048xf32, #tpu.memory_space<vmem>>) target_semaphore(%arg8 : memref<!tpu.dma_semaphore, #tpu.memory_space<semaphore_mem>>)
    %dma_start3A_59 = arith.constant 0 : i32
    %dma_start3A_60 = arith.constant 0 : i32
    %dma_start3A_61 = tpu.memref_slice %arg6[%dma_start3A_59, %dma_start3A_60] : memref<2x2048xi32, #tpu.memory_space<vmem>> -> memref<1x2048xi32, #tpu.memory_space<vmem>>
    %dma_start3A_62 = tpu.memref_squeeze %dma_start3A_61 : memref<1x2048xi32, #tpu.memory_space<vmem>> -> memref<2048xi32, #tpu.memory_space<vmem>>
    %dma_start3A_63 = tpu.memref_slice %arg3[%add3A_44] : memref<2097152xi32, #tpu.memory_space<hbm>> -> memref<2048xi32, #tpu.memory_space<hbm>>
    %dma_start3A_64 = arith.constant 0 : i32
    %dma_start3A_65 = tpu.memref_slice %arg6[%dma_start3A_59, %dma_start3A_64] : memref<2x2048xi32, #tpu.memory_space<vmem>> -> memref<1x2048xi32, #tpu.memory_space<vmem>>
    %dma_start3A_66 = tpu.memref_squeeze %dma_start3A_65 : memref<1x2048xi32, #tpu.memory_space<vmem>> -> memref<2048xi32, #tpu.memory_space<vmem>>
    %dma_start3A_67 = tpu.memref_slice %arg3[%add3A_44] : memref<2097152xi32, #tpu.memory_space<hbm>> -> memref<2048xi32, #tpu.memory_space<hbm>>
    tpu.enqueue_dma source(%dma_start3A_67 : memref<2048xi32, #tpu.memory_space<hbm>>) target(%dma_start3A_66 : memref<2048xi32, #tpu.memory_space<vmem>>) target_semaphore(%arg8 : memref<!tpu.dma_semaphore, #tpu.memory_space<semaphore_mem>>)
    %iota3A = tpu.iota {dimensions = array<i32: 0>} : vector<16xi32>
    %broadcast_in_dim3A = arith.constant 1.000000e+00 : f32
    %broadcast_in_dim3A_68 = vector.broadcast %broadcast_in_dim3A : f32 to vector<16xf32>
    %scan3A_69 = arith.constant 0 : i32
    %scan3A_70 = arith.constant 0 : i32
    %scan3A_71 = arith.constant 16 : i32
    %scan3A_72 = arith.addi %scan3A_70, %scan3A_71 : i32
    %scan3A_73 = arith.constant 1 : i32
    scf.for %scan3A_77 = %scan3A_70 to %scan3A_72 step %scan3A_73  : i32 {
      %mul3A_78 = arith.constant 2 : i32
      %mul3A_79 = arith.muli %mul3A_78, %scan3A_77 : i32
      %add3A_80 = arith.constant 1 : i32
      %add3A_81 = arith.addi %mul3A_79, %add3A_80 : i32
      %mul3A_82 = arith.constant 2048 : i32
      %mul3A_83 = arith.muli %add3A_81, %mul3A_82 : i32
      %add3A_84 = arith.addi %mul3A_32, %mul3A_83 : i32
      %mul3A_85 = arith.constant 262144 : i32
      %mul3A_86 = arith.muli %select_n3A, %mul3A_85 : i32
      %add3A_87 = arith.addi %mul3A_86, %mul3A_32 : i32
      %mul3A_88 = arith.constant 2048 : i32
      %mul3A_89 = arith.muli %add3A_81, %mul3A_88 : i32
      %add3A_90 = arith.addi %add3A_87, %mul3A_89 : i32
      %dma_start3A_91 = arith.constant 1 : i32
      %dma_start3A_92 = arith.constant 0 : i32
      %dma_start3A_93 = arith.constant 0 : i32
      %dma_start3A_94 = tpu.memref_slice %arg5[%dma_start3A_91, %dma_start3A_92, %dma_start3A_93] : memref<2x19x2048xf32, #tpu.memory_space<vmem>> -> memref<1x19x2048xf32, #tpu.memory_space<vmem>>
      %dma_start3A_95 = tpu.memref_squeeze %dma_start3A_94 : memref<1x19x2048xf32, #tpu.memory_space<vmem>> -> memref<19x2048xf32, #tpu.memory_space<vmem>>
      %dma_start3A_96 = arith.constant 0 : i32
      %dma_start3A_97 = tpu.memref_slice %arg2[%select_n3A, %dma_start3A_96, %add3A_84] : memref<8x19x262144xf32, #tpu.memory_space<hbm>> -> memref<1x19x2048xf32, #tpu.memory_space<hbm>>
      %dma_start3A_98 = tpu.memref_squeeze %dma_start3A_97 : memref<1x19x2048xf32, #tpu.memory_space<hbm>> -> memref<19x2048xf32, #tpu.memory_space<hbm>>
      %dma_start3A_99 = arith.constant 0 : i32
      %dma_start3A_100 = arith.constant 0 : i32
      %dma_start3A_101 = tpu.memref_slice %arg5[%dma_start3A_91, %dma_start3A_99, %dma_start3A_100] : memref<2x19x2048xf32, #tpu.memory_space<vmem>> -> memref<1x19x2048xf32, #tpu.memory_space<vmem>>
      %dma_start3A_102 = tpu.memref_squeeze %dma_start3A_101 : memref<1x19x2048xf32, #tpu.memory_space<vmem>> -> memref<19x2048xf32, #tpu.memory_space<vmem>>
      %dma_start3A_103 = arith.constant 0 : i32
      %dma_start3A_104 = tpu.memref_slice %arg2[%select_n3A, %dma_start3A_103, %add3A_84] : memref<8x19x262144xf32, #tpu.memory_space<hbm>> -> memref<1x19x2048xf32, #tpu.memory_space<hbm>>
      %dma_start3A_105 = tpu.memref_squeeze %dma_start3A_104 : memref<1x19x2048xf32, #tpu.memory_space<hbm>> -> memref<19x2048xf32, #tpu.memory_space<hbm>>
      tpu.enqueue_dma source(%dma_start3A_105 : memref<19x2048xf32, #tpu.memory_space<hbm>>) target(%dma_start3A_102 : memref<19x2048xf32, #tpu.memory_space<vmem>>) target_semaphore(%arg9 : memref<!tpu.dma_semaphore, #tpu.memory_space<semaphore_mem>>)
      %dma_start3A_106 = arith.constant 1 : i32
      %dma_start3A_107 = arith.constant 0 : i32
      %dma_start3A_108 = tpu.memref_slice %arg6[%dma_start3A_106, %dma_start3A_107] : memref<2x2048xi32, #tpu.memory_space<vmem>> -> memref<1x2048xi32, #tpu.memory_space<vmem>>
      %dma_start3A_109 = tpu.memref_squeeze %dma_start3A_108 : memref<1x2048xi32, #tpu.memory_space<vmem>> -> memref<2048xi32, #tpu.memory_space<vmem>>
      %dma_start3A_110 = tpu.memref_slice %arg3[%add3A_90] : memref<2097152xi32, #tpu.memory_space<hbm>> -> memref<2048xi32, #tpu.memory_space<hbm>>
      %dma_start3A_111 = arith.constant 0 : i32
      %dma_start3A_112 = tpu.memref_slice %arg6[%dma_start3A_106, %dma_start3A_111] : memref<2x2048xi32, #tpu.memory_space<vmem>> -> memref<1x2048xi32, #tpu.memory_space<vmem>>
      %dma_start3A_113 = tpu.memref_squeeze %dma_start3A_112 : memref<1x2048xi32, #tpu.memory_space<vmem>> -> memref<2048xi32, #tpu.memory_space<vmem>>
      %dma_start3A_114 = tpu.memref_slice %arg3[%add3A_90] : memref<2097152xi32, #tpu.memory_space<hbm>> -> memref<2048xi32, #tpu.memory_space<hbm>>
      tpu.enqueue_dma source(%dma_start3A_114 : memref<2048xi32, #tpu.memory_space<hbm>>) target(%dma_start3A_113 : memref<2048xi32, #tpu.memory_space<vmem>>) target_semaphore(%arg9 : memref<!tpu.dma_semaphore, #tpu.memory_space<semaphore_mem>>)
      %mul3A_115 = arith.constant 2048 : i32
      %mul3A_116 = arith.muli %mul3A_79, %mul3A_115 : i32
      %add3A_117 = arith.addi %mul3A_32, %mul3A_116 : i32
      %mul3A_118 = arith.constant 262144 : i32
      %mul3A_119 = arith.muli %select_n3A, %mul3A_118 : i32
      %add3A_120 = arith.addi %mul3A_119, %mul3A_32 : i32
      %mul3A_121 = arith.constant 2048 : i32
      %mul3A_122 = arith.muli %mul3A_79, %mul3A_121 : i32
      %add3A_123 = arith.addi %add3A_120, %mul3A_122 : i32
      %dma_wait3A = arith.constant 0 : i32
      %dma_wait3A_124 = arith.constant 0 : i32
      %dma_wait3A_125 = arith.constant 0 : i32
      %dma_wait3A_126 = tpu.memref_slice %arg5[%dma_wait3A, %dma_wait3A_124, %dma_wait3A_125] : memref<2x19x2048xf32, #tpu.memory_space<vmem>> -> memref<1x19x2048xf32, #tpu.memory_space<vmem>>
      %dma_wait3A_127 = tpu.memref_squeeze %dma_wait3A_126 : memref<1x19x2048xf32, #tpu.memory_space<vmem>> -> memref<19x2048xf32, #tpu.memory_space<vmem>>
      %dma_wait3A_128 = arith.constant 0 : i32
      %dma_wait3A_129 = tpu.memref_slice %arg2[%select_n3A, %dma_wait3A_128, %add3A_117] : memref<8x19x262144xf32, #tpu.memory_space<hbm>> -> memref<1x19x2048xf32, #tpu.memory_space<hbm>>
      %dma_wait3A_130 = tpu.memref_squeeze %dma_wait3A_129 : memref<1x19x2048xf32, #tpu.memory_space<hbm>> -> memref<19x2048xf32, #tpu.memory_space<hbm>>
      %dma_wait3A_131 = arith.constant 0 : i32
      %dma_wait3A_132 = arith.constant 0 : i32
      %dma_wait3A_133 = tpu.memref_slice %arg5[%dma_wait3A, %dma_wait3A_131, %dma_wait3A_132] : memref<2x19x2048xf32, #tpu.memory_space<vmem>> -> memref<1x19x2048xf32, #tpu.memory_space<vmem>>
      %dma_wait3A_134 = tpu.memref_squeeze %dma_wait3A_133 : memref<1x19x2048xf32, #tpu.memory_space<vmem>> -> memref<19x2048xf32, #tpu.memory_space<vmem>>
      %dma_wait3A_135 = arith.constant 0 : i32
      %dma_wait3A_136 = tpu.memref_slice %arg2[%select_n3A, %dma_wait3A_135, %add3A_117] : memref<8x19x262144xf32, #tpu.memory_space<hbm>> -> memref<1x19x2048xf32, #tpu.memory_space<hbm>>
      %dma_wait3A_137 = tpu.memref_squeeze %dma_wait3A_136 : memref<1x19x2048xf32, #tpu.memory_space<hbm>> -> memref<19x2048xf32, #tpu.memory_space<hbm>>
      tpu.wait_dma2 semaphore(%arg8 : memref<!tpu.dma_semaphore, #tpu.memory_space<semaphore_mem>>) src(%dma_wait3A_137 : memref<19x2048xf32, #tpu.memory_space<hbm>>) dst(%dma_wait3A_134 : memref<19x2048xf32, #tpu.memory_space<vmem>>)
      %dma_wait3A_138 = arith.constant 0 : i32
      %dma_wait3A_139 = arith.constant 0 : i32
      %dma_wait3A_140 = tpu.memref_slice %arg6[%dma_wait3A_138, %dma_wait3A_139] : memref<2x2048xi32, #tpu.memory_space<vmem>> -> memref<1x2048xi32, #tpu.memory_space<vmem>>
      %dma_wait3A_141 = tpu.memref_squeeze %dma_wait3A_140 : memref<1x2048xi32, #tpu.memory_space<vmem>> -> memref<2048xi32, #tpu.memory_space<vmem>>
      %dma_wait3A_142 = tpu.memref_slice %arg3[%add3A_123] : memref<2097152xi32, #tpu.memory_space<hbm>> -> memref<2048xi32, #tpu.memory_space<hbm>>
      %dma_wait3A_143 = arith.constant 0 : i32
      %dma_wait3A_144 = tpu.memref_slice %arg6[%dma_wait3A_138, %dma_wait3A_143] : memref<2x2048xi32, #tpu.memory_space<vmem>> -> memref<1x2048xi32, #tpu.memory_space<vmem>>
      %dma_wait3A_145 = tpu.memref_squeeze %dma_wait3A_144 : memref<1x2048xi32, #tpu.memory_space<vmem>> -> memref<2048xi32, #tpu.memory_space<vmem>>
      %dma_wait3A_146 = tpu.memref_slice %arg3[%add3A_123] : memref<2097152xi32, #tpu.memory_space<hbm>> -> memref<2048xi32, #tpu.memory_space<hbm>>
      tpu.wait_dma2 semaphore(%arg8 : memref<!tpu.dma_semaphore, #tpu.memory_space<semaphore_mem>>) src(%dma_wait3A_146 : memref<2048xi32, #tpu.memory_space<hbm>>) dst(%dma_wait3A_145 : memref<2048xi32, #tpu.memory_space<vmem>>)
      %scan3A_147 = arith.constant 0 : i32
      %scan3A_148 = arith.constant 0 : i32
      %scan3A_149 = arith.constant 16 : i32
      %scan3A_150 = arith.addi %scan3A_148, %scan3A_149 : i32
      %scan3A_151 = arith.constant 1 : i32
      scf.for %scan3A_197 = %scan3A_148 to %scan3A_150 step %scan3A_151  : i32 {
        %mul3A_198 = arith.constant 8 : i32
        %mul3A_199 = arith.muli %scan3A_197, %mul3A_198 : i32
        %add3A_200 = arith.constant 0 : i32
        %add3A_201 = arith.addi %mul3A_199, %add3A_200 : i32
        %mul3A_202 = arith.constant 16 : i32
        %mul3A_203 = arith.muli %add3A_201, %mul3A_202 : i32
        %get3A = arith.constant 0 : i32
        %get3A_204 = arith.constant 0 : i32
        %get3A_205 = arith.index_cast %get3A : i32 to index
        %get3A_206 = arith.index_cast %get3A_204 : i32 to index
        %get3A_207 = arith.index_cast %mul3A_203 : i32 to index
        %get3A_208 = tpu.vector_load %arg5[%get3A_205, %get3A_206, %get3A_207] {strides = array<i32>} : memref<2x19x2048xf32, #tpu.memory_space<vmem>>, vector<16xf32>,
        %broadcast_in_dim3A_209 = arith.constant 0 : i32
        %broadcast_in_dim3A_210 = vector.broadcast %broadcast_in_dim3A_209 : i32 to vector<16xi32>
        %get3A_211 = arith.constant 0 : i32
        %get3A_212 = arith.constant 1 : i32
        %get3A_213 = arith.index_cast %get3A_211 : i32 to index
        %get3A_214 = arith.index_cast %get3A_212 : i32 to index
        %get3A_215 = arith.index_cast %mul3A_203 : i32 to index
        %get3A_216 = tpu.vector_load %arg5[%get3A_213, %get3A_214, %get3A_215] {strides = array<i32>} : memref<2x19x2048xf32, #tpu.memory_space<vmem>>, vector<16xf32>,
        %gt3A = arith.cmpf ogt, %get3A_216, %get3A_208 : vector<16xf32>
        %select_n3A_217 = arith.select %gt3A, %get3A_216, %get3A_208 : vector<16xi1>, vector<16xf32>
        %broadcast_in_dim3A_218 = arith.constant 1 : i32
        %broadcast_in_dim3A_219 = vector.broadcast %broadcast_in_dim3A_218 : i32 to vector<16xi32>
        %select_n3A_220 = arith.select %gt3A, %broadcast_in_dim3A_219, %broadcast_in_dim3A_210 : vector<16xi1>, vector<16xi32>
        %get3A_221 = arith.constant 0 : i32
        %get3A_222 = arith.constant 2 : i32
        %get3A_223 = arith.index_cast %get3A_221 : i32 to index
        %get3A_224 = arith.index_cast %get3A_222 : i32 to index
        %get3A_225 = arith.index_cast %mul3A_203 : i32 to index
        %get3A_226 = tpu.vector_load %arg5[%get3A_223, %get3A_224, %get3A_225] {strides = array<i32>} : memref<2x19x2048xf32, #tpu.memory_space<vmem>>, vector<16xf32>,
        %gt3A_227 = arith.cmpf ogt, %get3A_226, %select_n3A_217 : vector<16xf32>
        %select_n3A_228 = arith.select %gt3A_227, %get3A_226, %select_n3A_217 : vector<16xi1>, vector<16xf32>
        %broadcast_in_dim3A_229 = arith.constant 2 : i32
        %broadcast_in_dim3A_230 = vector.broadcast %broadcast_in_dim3A_229 : i32 to vector<16xi32>
        %select_n3A_231 = arith.select %gt3A_227, %broadcast_in_dim3A_230, %select_n3A_220 : vector<16xi1>, vector<16xi32>
        %get3A_232 = arith.constant 0 : i32
        %get3A_233 = arith.constant 3 : i32
        %get3A_234 = arith.index_cast %get3A_232 : i32 to index
        %get3A_235 = arith.index_cast %get3A_233 : i32 to index
        %get3A_236 = arith.index_cast %mul3A_203 : i32 to index
        %get3A_237 = tpu.vector_load %arg5[%get3A_234, %get3A_235, %get3A_236] {strides = array<i32>} : memref<2x19x2048xf32, #tpu.memory_space<vmem>>, vector<16xf32>,
        %gt3A_238 = arith.cmpf ogt, %get3A_237, %select_n3A_228 : vector<16xf32>
        %select_n3A_239 = arith.select %gt3A_238, %get3A_237, %select_n3A_228 : vector<16xi1>, vector<16xf32>
        %broadcast_in_dim3A_240 = arith.constant 3 : i32
        %broadcast_in_dim3A_241 = vector.broadcast %broadcast_in_dim3A_240 : i32 to vector<16xi32>
        %select_n3A_242 = arith.select %gt3A_238, %broadcast_in_dim3A_241, %select_n3A_231 : vector<16xi1>, vector<16xi32>
        %get3A_243 = arith.constant 0 : i32
        %get3A_244 = arith.constant 4 : i32
        %get3A_245 = arith.index_cast %get3A_243 : i32 to index
        %get3A_246 = arith.index_cast %get3A_244 : i32 to index
        %get3A_247 = arith.index_cast %mul3A_203 : i32 to index
        %get3A_248 = tpu.vector_load %arg5[%get3A_245, %get3A_246, %get3A_247] {strides = array<i32>} : memref<2x19x2048xf32, #tpu.memory_space<vmem>>, vector<16xf32>,
        %gt3A_249 = arith.cmpf ogt, %get3A_248, %select_n3A_239 : vector<16xf32>
        %select_n3A_250 = arith.select %gt3A_249, %get3A_248, %select_n3A_239 : vector<16xi1>, vector<16xf32>
        %broadcast_in_dim3A_251 = arith.constant 4 : i32
        %broadcast_in_dim3A_252 = vector.broadcast %broadcast_in_dim3A_251 : i32 to vector<16xi32>
        %select_n3A_253 = arith.select %gt3A_249, %broadcast_in_dim3A_252, %select_n3A_242 : vector<16xi1>, vector<16xi32>
        %get3A_254 = arith.constant 0 : i32
        %get3A_255 = arith.constant 5 : i32
        %get3A_256 = arith.index_cast %get3A_254 : i32 to index
        %get3A_257 = arith.index_cast %get3A_255 : i32 to index
        %get3A_258 = arith.index_cast %mul3A_203 : i32 to index
        %get3A_259 = tpu.vector_load %arg5[%get3A_256, %get3A_257, %get3A_258] {strides = array<i32>} : memref<2x19x2048xf32, #tpu.memory_space<vmem>>, vector<16xf32>,
        %gt3A_260 = arith.cmpf ogt, %get3A_259, %select_n3A_250 : vector<16xf32>
        %select_n3A_261 = arith.select %gt3A_260, %get3A_259, %select_n3A_250 : vector<16xi1>, vector<16xf32>
        %broadcast_in_dim3A_262 = arith.constant 5 : i32
        %broadcast_in_dim3A_263 = vector.broadcast %broadcast_in_dim3A_262 : i32 to vector<16xi32>
        %select_n3A_264 = arith.select %gt3A_260, %broadcast_in_dim3A_263, %select_n3A_253 : vector<16xi1>, vector<16xi32>
        %get3A_265 = arith.constant 0 : i32
        %get3A_266 = arith.constant 6 : i32
        %get3A_267 = arith.index_cast %get3A_265 : i32 to index
        %get3A_268 = arith.index_cast %get3A_266 : i32 to index
        %get3A_269 = arith.index_cast %mul3A_203 : i32 to index
        %get3A_270 = tpu.vector_load %arg5[%get3A_267, %get3A_268, %get3A_269] {strides = array<i32>} : memref<2x19x2048xf32, #tpu.memory_space<vmem>>, vector<16xf32>,
        %gt3A_271 = arith.cmpf ogt, %get3A_270, %select_n3A_261 : vector<16xf32>
        %select_n3A_272 = arith.select %gt3A_271, %get3A_270, %select_n3A_261 : vector<16xi1>, vector<16xf32>
        %broadcast_in_dim3A_273 = arith.constant 6 : i32
        %broadcast_in_dim3A_274 = vector.broadcast %broadcast_in_dim3A_273 : i32 to vector<16xi32>
        %select_n3A_275 = arith.select %gt3A_271, %broadcast_in_dim3A_274, %select_n3A_264 : vector<16xi1>, vector<16xi32>
        %get3A_276 = arith.constant 0 : i32
        %get3A_277 = arith.constant 7 : i32
        %get3A_278 = arith.index_cast %get3A_276 : i32 to index
        %get3A_279 = arith.index_cast %get3A_277 : i32 to index
        %get3A_280 = arith.index_cast %mul3A_203 : i32 to index
        %get3A_281 = tpu.vector_load %arg5[%get3A_278, %get3A_279, %get3A_280] {strides = array<i32>} : memref<2x19x2048xf32, #tpu.memory_space<vmem>>, vector<16xf32>,
        %gt3A_282 = arith.cmpf ogt, %get3A_281, %select_n3A_272 : vector<16xf32>
        %select_n3A_283 = arith.select %gt3A_282, %get3A_281, %select_n3A_272 : vector<16xi1>, vector<16xf32>
        %broadcast_in_dim3A_284 = arith.constant 7 : i32
        %broadcast_in_dim3A_285 = vector.broadcast %broadcast_in_dim3A_284 : i32 to vector<16xi32>
        %select_n3A_286 = arith.select %gt3A_282, %broadcast_in_dim3A_285, %select_n3A_275 : vector<16xi1>, vector<16xi32>
        %get3A_287 = arith.constant 0 : i32
        %get3A_288 = arith.constant 8 : i32
        %get3A_289 = arith.index_cast %get3A_287 : i32 to index
        %get3A_290 = arith.index_cast %get3A_288 : i32 to index
        %get3A_291 = arith.index_cast %mul3A_203 : i32 to index
        %get3A_292 = tpu.vector_load %arg5[%get3A_289, %get3A_290, %get3A_291] {strides = array<i32>} : memref<2x19x2048xf32, #tpu.memory_space<vmem>>, vector<16xf32>,
        %gt3A_293 = arith.cmpf ogt, %get3A_292, %select_n3A_283 : vector<16xf32>
        %select_n3A_294 = arith.select %gt3A_293, %get3A_292, %select_n3A_283 : vector<16xi1>, vector<16xf32>
        %broadcast_in_dim3A_295 = arith.constant 8 : i32
        %broadcast_in_dim3A_296 = vector.broadcast %broadcast_in_dim3A_295 : i32 to vector<16xi32>
        %select_n3A_297 = arith.select %gt3A_293, %broadcast_in_dim3A_296, %select_n3A_286 : vector<16xi1>, vector<16xi32>
        %get3A_298 = arith.constant 0 : i32
        %get3A_299 = arith.constant 9 : i32
        %get3A_300 = arith.index_cast %get3A_298 : i32 to index
        %get3A_301 = arith.index_cast %get3A_299 : i32 to index
        %get3A_302 = arith.index_cast %mul3A_203 : i32 to index
        %get3A_303 = tpu.vector_load %arg5[%get3A_300, %get3A_301, %get3A_302] {strides = array<i32>} : memref<2x19x2048xf32, #tpu.memory_space<vmem>>, vector<16xf32>,
        %gt3A_304 = arith.cmpf ogt, %get3A_303, %select_n3A_294 : vector<16xf32>
        %select_n3A_305 = arith.select %gt3A_304, %get3A_303, %select_n3A_294 : vector<16xi1>, vector<16xf32>
        %broadcast_in_dim3A_306 = arith.constant 9 : i32
        %broadcast_in_dim3A_307 = vector.broadcast %broadcast_in_dim3A_306 : i32 to vector<16xi32>
        %select_n3A_308 = arith.select %gt3A_304, %broadcast_in_dim3A_307, %select_n3A_297 : vector<16xi1>, vector<16xi32>
        %get3A_309 = arith.constant 0 : i32
        %get3A_310 = arith.constant 10 : i32
        %get3A_311 = arith.index_cast %get3A_309 : i32 to index
        %get3A_312 = arith.index_cast %get3A_310 : i32 to index
        %get3A_313 = arith.index_cast %mul3A_203 : i32 to index
        %get3A_314 = tpu.vector_load %arg5[%get3A_311, %get3A_312, %get3A_313] {strides = array<i32>} : memref<2x19x2048xf32, #tpu.memory_space<vmem>>, vector<16xf32>,
        %gt3A_315 = arith.cmpf ogt, %get3A_314, %select_n3A_305 : vector<16xf32>
        %select_n3A_316 = arith.select %gt3A_315, %get3A_314, %select_n3A_305 : vector<16xi1>, vector<16xf32>
        %broadcast_in_dim3A_317 = arith.constant 10 : i32
        %broadcast_in_dim3A_318 = vector.broadcast %broadcast_in_dim3A_317 : i32 to vector<16xi32>
        %select_n3A_319 = arith.select %gt3A_315, %broadcast_in_dim3A_318, %select_n3A_308 : vector<16xi1>, vector<16xi32>
        %get3A_320 = arith.constant 0 : i32
        %get3A_321 = arith.constant 11 : i32
        %get3A_322 = arith.index_cast %get3A_320 : i32 to index
        %get3A_323 = arith.index_cast %get3A_321 : i32 to index
        %get3A_324 = arith.index_cast %mul3A_203 : i32 to index
        %get3A_325 = tpu.vector_load %arg5[%get3A_322, %get3A_323, %get3A_324] {strides = array<i32>} : memref<2x19x2048xf32, #tpu.memory_space<vmem>>, vector<16xf32>,
        %gt3A_326 = arith.cmpf ogt, %get3A_325, %select_n3A_316 : vector<16xf32>
        %select_n3A_327 = arith.select %gt3A_326, %get3A_325, %select_n3A_316 : vector<16xi1>, vector<16xf32>
        %broadcast_in_dim3A_328 = arith.constant 11 : i32
        %broadcast_in_dim3A_329 = vector.broadcast %broadcast_in_dim3A_328 : i32 to vector<16xi32>
        %select_n3A_330 = arith.select %gt3A_326, %broadcast_in_dim3A_329, %select_n3A_319 : vector<16xi1>, vector<16xi32>
        %get3A_331 = arith.constant 0 : i32
        %get3A_332 = arith.constant 12 : i32
        %get3A_333 = arith.index_cast %get3A_331 : i32 to index
        %get3A_334 = arith.index_cast %get3A_332 : i32 to index
        %get3A_335 = arith.index_cast %mul3A_203 : i32 to index
        %get3A_336 = tpu.vector_load %arg5[%get3A_333, %get3A_334, %get3A_335] {strides = array<i32>} : memref<2x19x2048xf32, #tpu.memory_space<vmem>>, vector<16xf32>,
        %gt3A_337 = arith.cmpf ogt, %get3A_336, %select_n3A_327 : vector<16xf32>
        %select_n3A_338 = arith.select %gt3A_337, %get3A_336, %select_n3A_327 : vector<16xi1>, vector<16xf32>
        %broadcast_in_dim3A_339 = arith.constant 12 : i32
        %broadcast_in_dim3A_340 = vector.broadcast %broadcast_in_dim3A_339 : i32 to vector<16xi32>
        %select_n3A_341 = arith.select %gt3A_337, %broadcast_in_dim3A_340, %select_n3A_330 : vector<16xi1>, vector<16xi32>
        %get3A_342 = arith.constant 0 : i32
        %get3A_343 = arith.constant 13 : i32
        %get3A_344 = arith.index_cast %get3A_342 : i32 to index
        %get3A_345 = arith.index_cast %get3A_343 : i32 to index
        %get3A_346 = arith.index_cast %mul3A_203 : i32 to index
        %get3A_347 = tpu.vector_load %arg5[%get3A_344, %get3A_345, %get3A_346] {strides = array<i32>} : memref<2x19x2048xf32, #tpu.memory_space<vmem>>, vector<16xf32>,
        %gt3A_348 = arith.cmpf ogt, %get3A_347, %select_n3A_338 : vector<16xf32>
        %select_n3A_349 = arith.select %gt3A_348, %get3A_347, %select_n3A_338 : vector<16xi1>, vector<16xf32>
        %broadcast_in_dim3A_350 = arith.constant 13 : i32
        %broadcast_in_dim3A_351 = vector.broadcast %broadcast_in_dim3A_350 : i32 to vector<16xi32>
        %select_n3A_352 = arith.select %gt3A_348, %broadcast_in_dim3A_351, %select_n3A_341 : vector<16xi1>, vector<16xi32>
        %get3A_353 = arith.constant 0 : i32
        %get3A_354 = arith.constant 14 : i32
        %get3A_355 = arith.index_cast %get3A_353 : i32 to index
        %get3A_356 = arith.index_cast %get3A_354 : i32 to index
        %get3A_357 = arith.index_cast %mul3A_203 : i32 to index
        %get3A_358 = tpu.vector_load %arg5[%get3A_355, %get3A_356, %get3A_357] {strides = array<i32>} : memref<2x19x2048xf32, #tpu.memory_space<vmem>>, vector<16xf32>,
        %gt3A_359 = arith.cmpf ogt, %get3A_358, %select_n3A_349 : vector<16xf32>
        %select_n3A_360 = arith.select %gt3A_359, %get3A_358, %select_n3A_349 : vector<16xi1>, vector<16xf32>
        %broadcast_in_dim3A_361 = arith.constant 14 : i32
        %broadcast_in_dim3A_362 = vector.broadcast %broadcast_in_dim3A_361 : i32 to vector<16xi32>
        %select_n3A_363 = arith.select %gt3A_359, %broadcast_in_dim3A_362, %select_n3A_352 : vector<16xi1>, vector<16xi32>
        %get3A_364 = arith.constant 0 : i32
        %get3A_365 = arith.constant 15 : i32
        %get3A_366 = arith.index_cast %get3A_364 : i32 to index
        %get3A_367 = arith.index_cast %get3A_365 : i32 to index
        %get3A_368 = arith.index_cast %mul3A_203 : i32 to index
        %get3A_369 = tpu.vector_load %arg5[%get3A_366, %get3A_367, %get3A_368] {strides = array<i32>} : memref<2x19x2048xf32, #tpu.memory_space<vmem>>, vector<16xf32>,
        %gt3A_370 = arith.cmpf ogt, %get3A_369, %select_n3A_360 : vector<16xf32>
        %select_n3A_371 = arith.select %gt3A_370, %get3A_369, %select_n3A_360 : vector<16xi1>, vector<16xf32>
        %broadcast_in_dim3A_372 = arith.constant 15 : i32
        %broadcast_in_dim3A_373 = vector.broadcast %broadcast_in_dim3A_372 : i32 to vector<16xi32>
        %select_n3A_374 = arith.select %gt3A_370, %broadcast_in_dim3A_373, %select_n3A_363 : vector<16xi1>, vector<16xi32>
        %get3A_375 = arith.constant 0 : i32
        %get3A_376 = arith.constant 16 : i32
        %get3A_377 = arith.index_cast %get3A_375 : i32 to index
        %get3A_378 = arith.index_cast %get3A_376 : i32 to index
        %get3A_379 = arith.index_cast %mul3A_203 : i32 to index
        %get3A_380 = tpu.vector_load %arg5[%get3A_377, %get3A_378, %get3A_379] {strides = array<i32>} : memref<2x19x2048xf32, #tpu.memory_space<vmem>>, vector<16xf32>,
        %gt3A_381 = arith.cmpf ogt, %get3A_380, %select_n3A_371 : vector<16xf32>
        %select_n3A_382 = arith.select %gt3A_381, %get3A_380, %select_n3A_371 : vector<16xi1>, vector<16xf32>
        %broadcast_in_dim3A_383 = arith.constant 16 : i32
        %broadcast_in_dim3A_384 = vector.broadcast %broadcast_in_dim3A_383 : i32 to vector<16xi32>
        %select_n3A_385 = arith.select %gt3A_381, %broadcast_in_dim3A_384, %select_n3A_374 : vector<16xi1>, vector<16xi32>
        %get3A_386 = arith.constant 0 : i32
        %get3A_387 = arith.constant 17 : i32
        %get3A_388 = arith.index_cast %get3A_386 : i32 to index
        %get3A_389 = arith.index_cast %get3A_387 : i32 to index
        %get3A_390 = arith.index_cast %mul3A_203 : i32 to index
        %get3A_391 = tpu.vector_load %arg5[%get3A_388, %get3A_389, %get3A_390] {strides = array<i32>} : memref<2x19x2048xf32, #tpu.memory_space<vmem>>, vector<16xf32>,
        %gt3A_392 = arith.cmpf ogt, %get3A_391, %select_n3A_382 : vector<16xf32>
        %select_n3A_393 = arith.select %gt3A_392, %get3A_391, %select_n3A_382 : vector<16xi1>, vector<16xf32>
        %broadcast_in_dim3A_394 = arith.constant 17 : i32
        %broadcast_in_dim3A_395 = vector.broadcast %broadcast_in_dim3A_394 : i32 to vector<16xi32>
        %select_n3A_396 = arith.select %gt3A_392, %broadcast_in_dim3A_395, %select_n3A_385 : vector<16xi1>, vector<16xi32>
        %get3A_397 = arith.constant 0 : i32
        %get3A_398 = arith.constant 18 : i32
        %get3A_399 = arith.index_cast %get3A_397 : i32 to index
        %get3A_400 = arith.index_cast %get3A_398 : i32 to index
        %get3A_401 = arith.index_cast %mul3A_203 : i32 to index
        %get3A_402 = tpu.vector_load %arg5[%get3A_399, %get3A_400, %get3A_401] {strides = array<i32>} : memref<2x19x2048xf32, #tpu.memory_space<vmem>>, vector<16xf32>,
        %gt3A_403 = arith.cmpf ogt, %get3A_402, %select_n3A_393 : vector<16xf32>
        %select_n3A_404 = arith.select %gt3A_403, %get3A_402, %select_n3A_393 : vector<16xi1>, vector<16xf32>
        %broadcast_in_dim3A_405 = arith.constant 18 : i32
        %broadcast_in_dim3A_406 = vector.broadcast %broadcast_in_dim3A_405 : i32 to vector<16xi32>
        %select_n3A_407 = arith.select %gt3A_403, %broadcast_in_dim3A_406, %select_n3A_396 : vector<16xi1>, vector<16xi32>
        %get3A_408 = arith.constant 0 : i32
        %get3A_409 = arith.index_cast %get3A_408 : i32 to index
        %get3A_410 = arith.index_cast %mul3A_203 : i32 to index
        %get3A_411 = tpu.vector_load %arg6[%get3A_409, %get3A_410] {strides = array<i32>} : memref<2x2048xi32, #tpu.memory_space<vmem>>, vector<16xi32>,
        %mul3A_412 = arith.constant 19 : i32
        %mul3A_413 = vector.broadcast %mul3A_412 : i32 to vector<16xi32>
        %mul3A_414 = arith.muli %select_n3A_407, %mul3A_413 : vector<16xi32>
        %add3A_415 = arith.addi %mul3A_414, %get3A_411 : vector<16xi32>
        %mul3A_416 = arith.constant 16 : i32
        %mul3A_417 = vector.broadcast %mul3A_416 : i32 to vector<16xi32>
        %mul3A_418 = arith.muli %add3A_415, %mul3A_417 : vector<16xi32>
        %add3A_419 = arith.addi %mul3A_418, %iota3A : vector<16xi32>
        tpu.vector_store_idx %arg7[%add3A_419], %broadcast_in_dim3A_68 {add = true} : memref<6144xf32, #tpu.memory_space<vmem>>[vector<16xi32>], vector<16xf32>,
        %mul3A_420 = arith.constant 8 : i32
        %mul3A_421 = arith.muli %scan3A_197, %mul3A_420 : i32
        %add3A_422 = arith.constant 1 : i32
        %add3A_423 = arith.addi %mul3A_421, %add3A_422 : i32
        %mul3A_424 = arith.constant 16 : i32
        %mul3A_425 = arith.muli %add3A_423, %mul3A_424 : i32
        %get3A_426 = arith.constant 0 : i32
        %get3A_427 = arith.constant 0 : i32
        %get3A_428 = arith.index_cast %get3A_426 : i32 to index
        %get3A_429 = arith.index_cast %get3A_427 : i32 to index
        %get3A_430 = arith.index_cast %mul3A_425 : i32 to index
        %get3A_431 = tpu.vector_load %arg5[%get3A_428, %get3A_429, %get3A_430] {strides = array<i32>} : memref<2x19x2048xf32, #tpu.memory_space<vmem>>, vector<16xf32>,
        %broadcast_in_dim3A_432 = arith.constant 0 : i32
        %broadcast_in_dim3A_433 = vector.broadcast %broadcast_in_dim3A_432 : i32 to vector<16xi32>
        %get3A_434 = arith.constant 0 : i32
        %get3A_435 = arith.constant 1 : i32
        %get3A_436 = arith.index_cast %get3A_434 : i32 to index
        %get3A_437 = arith.index_cast %get3A_435 : i32 to index
        %get3A_438 = arith.index_cast %mul3A_425 : i32 to index
        %get3A_439 = tpu.vector_load %arg5[%get3A_436, %get3A_437, %get3A_438] {strides = array<i32>} : memref<2x19x2048xf32, #tpu.memory_space<vmem>>, vector<16xf32>,
        %gt3A_440 = arith.cmpf ogt, %get3A_439, %get3A_431 : vector<16xf32>
        %select_n3A_441 = arith.select %gt3A_440, %get3A_439, %get3A_431 : vector<16xi1>, vector<16xf32>
        %broadcast_in_dim3A_442 = arith.constant 1 : i32
        %broadcast_in_dim3A_443 = vector.broadcast %broadcast_in_dim3A_442 : i32 to vector<16xi32>
        %select_n3A_444 = arith.select %gt3A_440, %broadcast_in_dim3A_443, %broadcast_in_dim3A_433 : vector<16xi1>, vector<16xi32>
        %get3A_445 = arith.constant 0 : i32
        %get3A_446 = arith.constant 2 : i32
        %get3A_447 = arith.index_cast %get3A_445 : i32 to index
        %get3A_448 = arith.index_cast %get3A_446 : i32 to index
        %get3A_449 = arith.index_cast %mul3A_425 : i32 to index
        %get3A_450 = tpu.vector_load %arg5[%get3A_447, %get3A_448, %get3A_449] {strides = array<i32>} : memref<2x19x2048xf32, #tpu.memory_space<vmem>>, vector<16xf32>,
        %gt3A_451 = arith.cmpf ogt, %get3A_450, %select_n3A_441 : vector<16xf32>
        %select_n3A_452 = arith.select %gt3A_451, %get3A_450, %select_n3A_441 : vector<16xi1>, vector<16xf32>
        %broadcast_in_dim3A_453 = arith.constant 2 : i32
        %broadcast_in_dim3A_454 = vector.broadcast %broadcast_in_dim3A_453 : i32 to vector<16xi32>
        %select_n3A_455 = arith.select %gt3A_451, %broadcast_in_dim3A_454, %select_n3A_444 : vector<16xi1>, vector<16xi32>
        %get3A_456 = arith.constant 0 : i32
        %get3A_457 = arith.constant 3 : i32
        %get3A_458 = arith.index_cast %get3A_456 : i32 to index
        %get3A_459 = arith.index_cast %get3A_457 : i32 to index
        %get3A_460 = arith.index_cast %mul3A_425 : i32 to index
        %get3A_461 = tpu.vector_load %arg5[%get3A_458, %get3A_459, %get3A_460] {strides = array<i32>} : memref<2x19x2048xf32, #tpu.memory_space<vmem>>, vector<16xf32>,
        %gt3A_462 = arith.cmpf ogt, %get3A_461, %select_n3A_452 : vector<16xf32>
        %select_n3A_463 = arith.select %gt3A_462, %get3A_461, %select_n3A_452 : vector<16xi1>, vector<16xf32>
        %broadcast_in_dim3A_464 = arith.constant 3 : i32
        %broadcast_in_dim3A_465 = vector.broadcast %broadcast_in_dim3A_464 : i32 to vector<16xi32>
        %select_n3A_466 = arith.select %gt3A_462, %broadcast_in_dim3A_465, %select_n3A_455 : vector<16xi1>, vector<16xi32>
        %get3A_467 = arith.constant 0 : i32
        %get3A_468 = arith.constant 4 : i32
        %get3A_469 = arith.index_cast %get3A_467 : i32 to index
        %get3A_470 = arith.index_cast %get3A_468 : i32 to index
        %get3A_471 = arith.index_cast %mul3A_425 : i32 to index
        %get3A_472 = tpu.vector_load %arg5[%get3A_469, %get3A_470, %get3A_471] {strides = array<i32>} : memref<2x19x2048xf32, #tpu.memory_space<vmem>>, vector<16xf32>,
        %gt3A_473 = arith.cmpf ogt, %get3A_472, %select_n3A_463 : vector<16xf32>
        %select_n3A_474 = arith.select %gt3A_473, %get3A_472, %select_n3A_463 : vector<16xi1>, vector<16xf32>
        %broadcast_in_dim3A_475 = arith.constant 4 : i32
        %broadcast_in_dim3A_476 = vector.broadcast %broadcast_in_dim3A_475 : i32 to vector<16xi32>
        %select_n3A_477 = arith.select %gt3A_473, %broadcast_in_dim3A_476, %select_n3A_466 : vector<16xi1>, vector<16xi32>
        %get3A_478 = arith.constant 0 : i32
        %get3A_479 = arith.constant 5 : i32
        %get3A_480 = arith.index_cast %get3A_478 : i32 to index
        %get3A_481 = arith.index_cast %get3A_479 : i32 to index
        %get3A_482 = arith.index_cast %mul3A_425 : i32 to index
        %get3A_483 = tpu.vector_load %arg5[%get3A_480, %get3A_481, %get3A_482] {strides = array<i32>} : memref<2x19x2048xf32, #tpu.memory_space<vmem>>, vector<16xf32>,
        %gt3A_484 = arith.cmpf ogt, %get3A_483, %select_n3A_474 : vector<16xf32>
        %select_n3A_485 = arith.select %gt3A_484, %get3A_483, %select_n3A_474 : vector<16xi1>, vector<16xf32>
        %broadcast_in_dim3A_486 = arith.constant 5 : i32
        %broadcast_in_dim3A_487 = vector.broadcast %broadcast_in_dim3A_486 : i32 to vector<16xi32>
        %select_n3A_488 = arith.select %gt3A_484, %broadcast_in_dim3A_487, %select_n3A_477 : vector<16xi1>, vector<16xi32>
        %get3A_489 = arith.constant 0 : i32
        %get3A_490 = arith.constant 6 : i32
        %get3A_491 = arith.index_cast %get3A_489 : i32 to index
        %get3A_492 = arith.index_cast %get3A_490 : i32 to index
        %get3A_493 = arith.index_cast %mul3A_425 : i32 to index
        %get3A_494 = tpu.vector_load %arg5[%get3A_491, %get3A_492, %get3A_493] {strides = array<i32>} : memref<2x19x2048xf32, #tpu.memory_space<vmem>>, vector<16xf32>,
        %gt3A_495 = arith.cmpf ogt, %get3A_494, %select_n3A_485 : vector<16xf32>
        %select_n3A_496 = arith.select %gt3A_495, %get3A_494, %select_n3A_485 : vector<16xi1>, vector<16xf32>
        %broadcast_in_dim3A_497 = arith.constant 6 : i32
        %broadcast_in_dim3A_498 = vector.broadcast %broadcast_in_dim3A_497 : i32 to vector<16xi32>
        %select_n3A_499 = arith.select %gt3A_495, %broadcast_in_dim3A_498, %select_n3A_488 : vector<16xi1>, vector<16xi32>
        %get3A_500 = arith.constant 0 : i32
        %get3A_501 = arith.constant 7 : i32
        %get3A_502 = arith.index_cast %get3A_500 : i32 to index
        %get3A_503 = arith.index_cast %get3A_501 : i32 to index
        %get3A_504 = arith.index_cast %mul3A_425 : i32 to index
        %get3A_505 = tpu.vector_load %arg5[%get3A_502, %get3A_503, %get3A_504] {strides = array<i32>} : memref<2x19x2048xf32, #tpu.memory_space<vmem>>, vector<16xf32>,
        %gt3A_506 = arith.cmpf ogt, %get3A_505, %select_n3A_496 : vector<16xf32>
        %select_n3A_507 = arith.select %gt3A_506, %get3A_505, %select_n3A_496 : vector<16xi1>, vector<16xf32>
        %broadcast_in_dim3A_508 = arith.constant 7 : i32
        %broadcast_in_dim3A_509 = vector.broadcast %broadcast_in_dim3A_508 : i32 to vector<16xi32>
        %select_n3A_510 = arith.select %gt3A_506, %broadcast_in_dim3A_509, %select_n3A_499 : vector<16xi1>, vector<16xi32>
        %get3A_511 = arith.constant 0 : i32
        %get3A_512 = arith.constant 8 : i32
        %get3A_513 = arith.index_cast %get3A_511 : i32 to index
        %get3A_514 = arith.index_cast %get3A_512 : i32 to index
        %get3A_515 = arith.index_cast %mul3A_425 : i32 to index
        %get3A_516 = tpu.vector_load %arg5[%get3A_513, %get3A_514, %get3A_515] {strides = array<i32>} : memref<2x19x2048xf32, #tpu.memory_space<vmem>>, vector<16xf32>,
        %gt3A_517 = arith.cmpf ogt, %get3A_516, %select_n3A_507 : vector<16xf32>
        %select_n3A_518 = arith.select %gt3A_517, %get3A_516, %select_n3A_507 : vector<16xi1>, vector<16xf32>
        %broadcast_in_dim3A_519 = arith.constant 8 : i32
        %broadcast_in_dim3A_520 = vector.broadcast %broadcast_in_dim3A_519 : i32 to vector<16xi32>
        %select_n3A_521 = arith.select %gt3A_517, %broadcast_in_dim3A_520, %select_n3A_510 : vector<16xi1>, vector<16xi32>
        %get3A_522 = arith.constant 0 : i32
        %get3A_523 = arith.constant 9 : i32
        %get3A_524 = arith.index_cast %get3A_522 : i32 to index
        %get3A_525 = arith.index_cast %get3A_523 : i32 to index
        %get3A_526 = arith.index_cast %mul3A_425 : i32 to index
        %get3A_527 = tpu.vector_load %arg5[%get3A_524, %get3A_525, %get3A_526] {strides = array<i32>} : memref<2x19x2048xf32, #tpu.memory_space<vmem>>, vector<16xf32>,
        %gt3A_528 = arith.cmpf ogt, %get3A_527, %select_n3A_518 : vector<16xf32>
        %select_n3A_529 = arith.select %gt3A_528, %get3A_527, %select_n3A_518 : vector<16xi1>, vector<16xf32>
        %broadcast_in_dim3A_530 = arith.constant 9 : i32
        %broadcast_in_dim3A_531 = vector.broadcast %broadcast_in_dim3A_530 : i32 to vector<16xi32>
        %select_n3A_532 = arith.select %gt3A_528, %broadcast_in_dim3A_531, %select_n3A_521 : vector<16xi1>, vector<16xi32>
        %get3A_533 = arith.constant 0 : i32
        %get3A_534 = arith.constant 10 : i32
        %get3A_535 = arith.index_cast %get3A_533 : i32 to index
        %get3A_536 = arith.index_cast %get3A_534 : i32 to index
        %get3A_537 = arith.index_cast %mul3A_425 : i32 to index
        %get3A_538 = tpu.vector_load %arg5[%get3A_535, %get3A_536, %get3A_537] {strides = array<i32>} : memref<2x19x2048xf32, #tpu.memory_space<vmem>>, vector<16xf32>,
        %gt3A_539 = arith.cmpf ogt, %get3A_538, %select_n3A_529 : vector<16xf32>
        %select_n3A_540 = arith.select %gt3A_539, %get3A_538, %select_n3A_529 : vector<16xi1>, vector<16xf32>
        %broadcast_in_dim3A_541 = arith.constant 10 : i32
        %broadcast_in_dim3A_542 = vector.broadcast %broadcast_in_dim3A_541 : i32 to vector<16xi32>
        %select_n3A_543 = arith.select %gt3A_539, %broadcast_in_dim3A_542, %select_n3A_532 : vector<16xi1>, vector<16xi32>
        %get3A_544 = arith.constant 0 : i32
        %get3A_545 = arith.constant 11 : i32
        %get3A_546 = arith.index_cast %get3A_544 : i32 to index
        %get3A_547 = arith.index_cast %get3A_545 : i32 to index
        %get3A_548 = arith.index_cast %mul3A_425 : i32 to index
        %get3A_549 = tpu.vector_load %arg5[%get3A_546, %get3A_547, %get3A_548] {strides = array<i32>} : memref<2x19x2048xf32, #tpu.memory_space<vmem>>, vector<16xf32>,
        %gt3A_550 = arith.cmpf ogt, %get3A_549, %select_n3A_540 : vector<16xf32>
        %select_n3A_551 = arith.select %gt3A_550, %get3A_549, %select_n3A_540 : vector<16xi1>, vector<16xf32>
        %broadcast_in_dim3A_552 = arith.constant 11 : i32
        %broadcast_in_dim3A_553 = vector.broadcast %broadcast_in_dim3A_552 : i32 to vector<16xi32>
        %select_n3A_554 = arith.select %gt3A_550, %broadcast_in_dim3A_553, %select_n3A_543 : vector<16xi1>, vector<16xi32>
        %get3A_555 = arith.constant 0 : i32
        %get3A_556 = arith.constant 12 : i32
        %get3A_557 = arith.index_cast %get3A_555 : i32 to index
        %get3A_558 = arith.index_cast %get3A_556 : i32 to index
        %get3A_559 = arith.index_cast %mul3A_425 : i32 to index
        %get3A_560 = tpu.vector_load %arg5[%get3A_557, %get3A_558, %get3A_559] {strides = array<i32>} : memref<2x19x2048xf32, #tpu.memory_space<vmem>>, vector<16xf32>,
        %gt3A_561 = arith.cmpf ogt, %get3A_560, %select_n3A_551 : vector<16xf32>
        %select_n3A_562 = arith.select %gt3A_561, %get3A_560, %select_n3A_551 : vector<16xi1>, vector<16xf32>
        %broadcast_in_dim3A_563 = arith.constant 12 : i32
        %broadcast_in_dim3A_564 = vector.broadcast %broadcast_in_dim3A_563 : i32 to vector<16xi32>
        %select_n3A_565 = arith.select %gt3A_561, %broadcast_in_dim3A_564, %select_n3A_554 : vector<16xi1>, vector<16xi32>
        %get3A_566 = arith.constant 0 : i32
        %get3A_567 = arith.constant 13 : i32
        %get3A_568 = arith.index_cast %get3A_566 : i32 to index
        %get3A_569 = arith.index_cast %get3A_567 : i32 to index
        %get3A_570 = arith.index_cast %mul3A_425 : i32 to index
        %get3A_571 = tpu.vector_load %arg5[%get3A_568, %get3A_569, %get3A_570] {strides = array<i32>} : memref<2x19x2048xf32, #tpu.memory_space<vmem>>, vector<16xf32>,
        %gt3A_572 = arith.cmpf ogt, %get3A_571, %select_n3A_562 : vector<16xf32>
        %select_n3A_573 = arith.select %gt3A_572, %get3A_571, %select_n3A_562 : vector<16xi1>, vector<16xf32>
        %broadcast_in_dim3A_574 = arith.constant 13 : i32
        %broadcast_in_dim3A_575 = vector.broadcast %broadcast_in_dim3A_574 : i32 to vector<16xi32>
        %select_n3A_576 = arith.select %gt3A_572, %broadcast_in_dim3A_575, %select_n3A_565 : vector<16xi1>, vector<16xi32>
        %get3A_577 = arith.constant 0 : i32
        %get3A_578 = arith.constant 14 : i32
        %get3A_579 = arith.index_cast %get3A_577 : i32 to index
        %get3A_580 = arith.index_cast %get3A_578 : i32 to index
        %get3A_581 = arith.index_cast %mul3A_425 : i32 to index
        %get3A_582 = tpu.vector_load %arg5[%get3A_579, %get3A_580, %get3A_581] {strides = array<i32>} : memref<2x19x2048xf32, #tpu.memory_space<vmem>>, vector<16xf32>,
        %gt3A_583 = arith.cmpf ogt, %get3A_582, %select_n3A_573 : vector<16xf32>
        %select_n3A_584 = arith.select %gt3A_583, %get3A_582, %select_n3A_573 : vector<16xi1>, vector<16xf32>
        %broadcast_in_dim3A_585 = arith.constant 14 : i32
        %broadcast_in_dim3A_586 = vector.broadcast %broadcast_in_dim3A_585 : i32 to vector<16xi32>
        %select_n3A_587 = arith.select %gt3A_583, %broadcast_in_dim3A_586, %select_n3A_576 : vector<16xi1>, vector<16xi32>
        %get3A_588 = arith.constant 0 : i32
        %get3A_589 = arith.constant 15 : i32
        %get3A_590 = arith.index_cast %get3A_588 : i32 to index
        %get3A_591 = arith.index_cast %get3A_589 : i32 to index
        %get3A_592 = arith.index_cast %mul3A_425 : i32 to index
        %get3A_593 = tpu.vector_load %arg5[%get3A_590, %get3A_591, %get3A_592] {strides = array<i32>} : memref<2x19x2048xf32, #tpu.memory_space<vmem>>, vector<16xf32>,
        %gt3A_594 = arith.cmpf ogt, %get3A_593, %select_n3A_584 : vector<16xf32>
        %select_n3A_595 = arith.select %gt3A_594, %get3A_593, %select_n3A_584 : vector<16xi1>, vector<16xf32>
        %broadcast_in_dim3A_596 = arith.constant 15 : i32
        %broadcast_in_dim3A_597 = vector.broadcast %broadcast_in_dim3A_596 : i32 to vector<16xi32>
        %select_n3A_598 = arith.select %gt3A_594, %broadcast_in_dim3A_597, %select_n3A_587 : vector<16xi1>, vector<16xi32>
        %get3A_599 = arith.constant 0 : i32
        %get3A_600 = arith.constant 16 : i32
        %get3A_601 = arith.index_cast %get3A_599 : i32 to index
        %get3A_602 = arith.index_cast %get3A_600 : i32 to index
        %get3A_603 = arith.index_cast %mul3A_425 : i32 to index
        %get3A_604 = tpu.vector_load %arg5[%get3A_601, %get3A_602, %get3A_603] {strides = array<i32>} : memref<2x19x2048xf32, #tpu.memory_space<vmem>>, vector<16xf32>,
        %gt3A_605 = arith.cmpf ogt, %get3A_604, %select_n3A_595 : vector<16xf32>
        %select_n3A_606 = arith.select %gt3A_605, %get3A_604, %select_n3A_595 : vector<16xi1>, vector<16xf32>
        %broadcast_in_dim3A_607 = arith.constant 16 : i32
        %broadcast_in_dim3A_608 = vector.broadcast %broadcast_in_dim3A_607 : i32 to vector<16xi32>
        %select_n3A_609 = arith.select %gt3A_605, %broadcast_in_dim3A_608, %select_n3A_598 : vector<16xi1>, vector<16xi32>
        %get3A_610 = arith.constant 0 : i32
        %get3A_611 = arith.constant 17 : i32
        %get3A_612 = arith.index_cast %get3A_610 : i32 to index
        %get3A_613 = arith.index_cast %get3A_611 : i32 to index
        %get3A_614 = arith.index_cast %mul3A_425 : i32 to index
        %get3A_615 = tpu.vector_load %arg5[%get3A_612, %get3A_613, %get3A_614] {strides = array<i32>} : memref<2x19x2048xf32, #tpu.memory_space<vmem>>, vector<16xf32>,
        %gt3A_616 = arith.cmpf ogt, %get3A_615, %select_n3A_606 : vector<16xf32>
        %select_n3A_617 = arith.select %gt3A_616, %get3A_615, %select_n3A_606 : vector<16xi1>, vector<16xf32>
        %broadcast_in_dim3A_618 = arith.constant 17 : i32
        %broadcast_in_dim3A_619 = vector.broadcast %broadcast_in_dim3A_618 : i32 to vector<16xi32>
        %select_n3A_620 = arith.select %gt3A_616, %broadcast_in_dim3A_619, %select_n3A_609 : vector<16xi1>, vector<16xi32>
        %get3A_621 = arith.constant 0 : i32
        %get3A_622 = arith.constant 18 : i32
        %get3A_623 = arith.index_cast %get3A_621 : i32 to index
        %get3A_624 = arith.index_cast %get3A_622 : i32 to index
        %get3A_625 = arith.index_cast %mul3A_425 : i32 to index
        %get3A_626 = tpu.vector_load %arg5[%get3A_623, %get3A_624, %get3A_625] {strides = array<i32>} : memref<2x19x2048xf32, #tpu.memory_space<vmem>>, vector<16xf32>,
        %gt3A_627 = arith.cmpf ogt, %get3A_626, %select_n3A_617 : vector<16xf32>
        %select_n3A_628 = arith.select %gt3A_627, %get3A_626, %select_n3A_617 : vector<16xi1>, vector<16xf32>
        %broadcast_in_dim3A_629 = arith.constant 18 : i32
        %broadcast_in_dim3A_630 = vector.broadcast %broadcast_in_dim3A_629 : i32 to vector<16xi32>
        %select_n3A_631 = arith.select %gt3A_627, %broadcast_in_dim3A_630, %select_n3A_620 : vector<16xi1>, vector<16xi32>
        %get3A_632 = arith.constant 0 : i32
        %get3A_633 = arith.index_cast %get3A_632 : i32 to index
        %get3A_634 = arith.index_cast %mul3A_425 : i32 to index
        %get3A_635 = tpu.vector_load %arg6[%get3A_633, %get3A_634] {strides = array<i32>} : memref<2x2048xi32, #tpu.memory_space<vmem>>, vector<16xi32>,
        %mul3A_636 = arith.constant 19 : i32
        %mul3A_637 = vector.broadcast %mul3A_636 : i32 to vector<16xi32>
        %mul3A_638 = arith.muli %select_n3A_631, %mul3A_637 : vector<16xi32>
        %add3A_639 = arith.addi %mul3A_638, %get3A_635 : vector<16xi32>
        %mul3A_640 = arith.constant 16 : i32
        %mul3A_641 = vector.broadcast %mul3A_640 : i32 to vector<16xi32>
        %mul3A_642 = arith.muli %add3A_639, %mul3A_641 : vector<16xi32>
        %add3A_643 = arith.addi %mul3A_642, %iota3A : vector<16xi32>
        tpu.vector_store_idx %arg7[%add3A_643], %broadcast_in_dim3A_68 {add = true} : memref<6144xf32, #tpu.memory_space<vmem>>[vector<16xi32>], vector<16xf32>,
        %mul3A_644 = arith.constant 8 : i32
        %mul3A_645 = arith.muli %scan3A_197, %mul3A_644 : i32
        %add3A_646 = arith.constant 2 : i32
        %add3A_647 = arith.addi %mul3A_645, %add3A_646 : i32
        %mul3A_648 = arith.constant 16 : i32
        %mul3A_649 = arith.muli %add3A_647, %mul3A_648 : i32
        %get3A_650 = arith.constant 0 : i32
        %get3A_651 = arith.constant 0 : i32
        %get3A_652 = arith.index_cast %get3A_650 : i32 to index
        %get3A_653 = arith.index_cast %get3A_651 : i32 to index
        %get3A_654 = arith.index_cast %mul3A_649 : i32 to index
        %get3A_655 = tpu.vector_load %arg5[%get3A_652, %get3A_653, %get3A_654] {strides = array<i32>} : memref<2x19x2048xf32, #tpu.memory_space<vmem>>, vector<16xf32>,
        %broadcast_in_dim3A_656 = arith.constant 0 : i32
        %broadcast_in_dim3A_657 = vector.broadcast %broadcast_in_dim3A_656 : i32 to vector<16xi32>
        %get3A_658 = arith.constant 0 : i32
        %get3A_659 = arith.constant 1 : i32
        %get3A_660 = arith.index_cast %get3A_658 : i32 to index
        %get3A_661 = arith.index_cast %get3A_659 : i32 to index
        %get3A_662 = arith.index_cast %mul3A_649 : i32 to index
        %get3A_663 = tpu.vector_load %arg5[%get3A_660, %get3A_661, %get3A_662] {strides = array<i32>} : memref<2x19x2048xf32, #tpu.memory_space<vmem>>, vector<16xf32>,
        %gt3A_664 = arith.cmpf ogt, %get3A_663, %get3A_655 : vector<16xf32>
        %select_n3A_665 = arith.select %gt3A_664, %get3A_663, %get3A_655 : vector<16xi1>, vector<16xf32>
        %broadcast_in_dim3A_666 = arith.constant 1 : i32
        %broadcast_in_dim3A_667 = vector.broadcast %broadcast_in_dim3A_666 : i32 to vector<16xi32>
        %select_n3A_668 = arith.select %gt3A_664, %broadcast_in_dim3A_667, %broadcast_in_dim3A_657 : vector<16xi1>, vector<16xi32>
        %get3A_669 = arith.constant 0 : i32
        %get3A_670 = arith.constant 2 : i32
        %get3A_671 = arith.index_cast %get3A_669 : i32 to index
        %get3A_672 = arith.index_cast %get3A_670 : i32 to index
        %get3A_673 = arith.index_cast %mul3A_649 : i32 to index
        %get3A_674 = tpu.vector_load %arg5[%get3A_671, %get3A_672, %get3A_673] {strides = array<i32>} : memref<2x19x2048xf32, #tpu.memory_space<vmem>>, vector<16xf32>,
        %gt3A_675 = arith.cmpf ogt, %get3A_674, %select_n3A_665 : vector<16xf32>
        %select_n3A_676 = arith.select %gt3A_675, %get3A_674, %select_n3A_665 : vector<16xi1>, vector<16xf32>
        %broadcast_in_dim3A_677 = arith.constant 2 : i32
        %broadcast_in_dim3A_678 = vector.broadcast %broadcast_in_dim3A_677 : i32 to vector<16xi32>
        %select_n3A_679 = arith.select %gt3A_675, %broadcast_in_dim3A_678, %select_n3A_668 : vector<16xi1>, vector<16xi32>
        %get3A_680 = arith.constant 0 : i32
        %get3A_681 = arith.constant 3 : i32
        %get3A_682 = arith.index_cast %get3A_680 : i32 to index
        %get3A_683 = arith.index_cast %get3A_681 : i32 to index
        %get3A_684 = arith.index_cast %mul3A_649 : i32 to index
        %get3A_685 = tpu.vector_load %arg5[%get3A_682, %get3A_683, %get3A_684] {strides = array<i32>} : memref<2x19x2048xf32, #tpu.memory_space<vmem>>, vector<16xf32>,
        %gt3A_686 = arith.cmpf ogt, %get3A_685, %select_n3A_676 : vector<16xf32>
        %select_n3A_687 = arith.select %gt3A_686, %get3A_685, %select_n3A_676 : vector<16xi1>, vector<16xf32>
        %broadcast_in_dim3A_688 = arith.constant 3 : i32
        %broadcast_in_dim3A_689 = vector.broadcast %broadcast_in_dim3A_688 : i32 to vector<16xi32>
        %select_n3A_690 = arith.select %gt3A_686, %broadcast_in_dim3A_689, %select_n3A_679 : vector<16xi1>, vector<16xi32>
        %get3A_691 = arith.constant 0 : i32
        %get3A_692 = arith.constant 4 : i32
        %get3A_693 = arith.index_cast %get3A_691 : i32 to index
        %get3A_694 = arith.index_cast %get3A_692 : i32 to index
        %get3A_695 = arith.index_cast %mul3A_649 : i32 to index
        %get3A_696 = tpu.vector_load %arg5[%get3A_693, %get3A_694, %get3A_695] {strides = array<i32>} : memref<2x19x2048xf32, #tpu.memory_space<vmem>>, vector<16xf32>,
        %gt3A_697 = arith.cmpf ogt, %get3A_696, %select_n3A_687 : vector<16xf32>
        %select_n3A_698 = arith.select %gt3A_697, %get3A_696, %select_n3A_687 : vector<16xi1>, vector<16xf32>
        %broadcast_in_dim3A_699 = arith.constant 4 : i32
        %broadcast_in_dim3A_700 = vector.broadcast %broadcast_in_dim3A_699 : i32 to vector<16xi32>
        %select_n3A_701 = arith.select %gt3A_697, %broadcast_in_dim3A_700, %select_n3A_690 : vector<16xi1>, vector<16xi32>
        %get3A_702 = arith.constant 0 : i32
        %get3A_703 = arith.constant 5 : i32
        %get3A_704 = arith.index_cast %get3A_702 : i32 to index
        %get3A_705 = arith.index_cast %get3A_703 : i32 to index
        %get3A_706 = arith.index_cast %mul3A_649 : i32 to index
        %get3A_707 = tpu.vector_load %arg5[%get3A_704, %get3A_705, %get3A_706] {strides = array<i32>} : memref<2x19x2048xf32, #tpu.memory_space<vmem>>, vector<16xf32>,
        %gt3A_708 = arith.cmpf ogt, %get3A_707, %select_n3A_698 : vector<16xf32>
        %select_n3A_709 = arith.select %gt3A_708, %get3A_707, %select_n3A_698 : vector<16xi1>, vector<16xf32>
        %broadcast_in_dim3A_710 = arith.constant 5 : i32
        %broadcast_in_dim3A_711 = vector.broadcast %broadcast_in_dim3A_710 : i32 to vector<16xi32>
        %select_n3A_712 = arith.select %gt3A_708, %broadcast_in_dim3A_711, %select_n3A_701 : vector<16xi1>, vector<16xi32>
        %get3A_713 = arith.constant 0 : i32
        %get3A_714 = arith.constant 6 : i32
        %get3A_715 = arith.index_cast %get3A_713 : i32 to index
        %get3A_716 = arith.index_cast %get3A_714 : i32 to index
        %get3A_717 = arith.index_cast %mul3A_649 : i32 to index
        %get3A_718 = tpu.vector_load %arg5[%get3A_715, %get3A_716, %get3A_717] {strides = array<i32>} : memref<2x19x2048xf32, #tpu.memory_space<vmem>>, vector<16xf32>,
        %gt3A_719 = arith.cmpf ogt, %get3A_718, %select_n3A_709 : vector<16xf32>
        %select_n3A_720 = arith.select %gt3A_719, %get3A_718, %select_n3A_709 : vector<16xi1>, vector<16xf32>
        %broadcast_in_dim3A_721 = arith.constant 6 : i32
        %broadcast_in_dim3A_722 = vector.broadcast %broadcast_in_dim3A_721 : i32 to vector<16xi32>
        %select_n3A_723 = arith.select %gt3A_719, %broadcast_in_dim3A_722, %select_n3A_712 : vector<16xi1>, vector<16xi32>
        %get3A_724 = arith.constant 0 : i32
        %get3A_725 = arith.constant 7 : i32
        %get3A_726 = arith.index_cast %get3A_724 : i32 to index
        %get3A_727 = arith.index_cast %get3A_725 : i32 to index
        %get3A_728 = arith.index_cast %mul3A_649 : i32 to index
        %get3A_729 = tpu.vector_load %arg5[%get3A_726, %get3A_727, %get3A_728] {strides = array<i32>} : memref<2x19x2048xf32, #tpu.memory_space<vmem>>, vector<16xf32>,
        %gt3A_730 = arith.cmpf ogt, %get3A_729, %select_n3A_720 : vector<16xf32>
        %select_n3A_731 = arith.select %gt3A_730, %get3A_729, %select_n3A_720 : vector<16xi1>, vector<16xf32>
        %broadcast_in_dim3A_732 = arith.constant 7 : i32
        %broadcast_in_dim3A_733 = vector.broadcast %broadcast_in_dim3A_732 : i32 to vector<16xi32>
        %select_n3A_734 = arith.select %gt3A_730, %broadcast_in_dim3A_733, %select_n3A_723 : vector<16xi1>, vector<16xi32>
        %get3A_735 = arith.constant 0 : i32
        %get3A_736 = arith.constant 8 : i32
        %get3A_737 = arith.index_cast %get3A_735 : i32 to index
        %get3A_738 = arith.index_cast %get3A_736 : i32 to index
        %get3A_739 = arith.index_cast %mul3A_649 : i32 to index
        %get3A_740 = tpu.vector_load %arg5[%get3A_737, %get3A_738, %get3A_739] {strides = array<i32>} : memref<2x19x2048xf32, #tpu.memory_space<vmem>>, vector<16xf32>,
        %gt3A_741 = arith.cmpf ogt, %get3A_740, %select_n3A_731 : vector<16xf32>
        %select_n3A_742 = arith.select %gt3A_741, %get3A_740, %select_n3A_731 : vector<16xi1>, vector<16xf32>
        %broadcast_in_dim3A_743 = arith.constant 8 : i32
        %broadcast_in_dim3A_744 = vector.broadcast %broadcast_in_dim3A_743 : i32 to vector<16xi32>
        %select_n3A_745 = arith.select %gt3A_741, %broadcast_in_dim3A_744, %select_n3A_734 : vector<16xi1>, vector<16xi32>
        %get3A_746 = arith.constant 0 : i32
        %get3A_747 = arith.constant 9 : i32
        %get3A_748 = arith.index_cast %get3A_746 : i32 to index
        %get3A_749 = arith.index_cast %get3A_747 : i32 to index
        %get3A_750 = arith.index_cast %mul3A_649 : i32 to index
        %get3A_751 = tpu.vector_load %arg5[%get3A_748, %get3A_749, %get3A_750] {strides = array<i32>} : memref<2x19x2048xf32, #tpu.memory_space<vmem>>, vector<16xf32>,
        %gt3A_752 = arith.cmpf ogt, %get3A_751, %select_n3A_742 : vector<16xf32>
        %select_n3A_753 = arith.select %gt3A_752, %get3A_751, %select_n3A_742 : vector<16xi1>, vector<16xf32>
        %broadcast_in_dim3A_754 = arith.constant 9 : i32
        %broadcast_in_dim3A_755 = vector.broadcast %broadcast_in_dim3A_754 : i32 to vector<16xi32>
        %select_n3A_756 = arith.select %gt3A_752, %broadcast_in_dim3A_755, %select_n3A_745 : vector<16xi1>, vector<16xi32>
        %get3A_757 = arith.constant 0 : i32
        %get3A_758 = arith.constant 10 : i32
        %get3A_759 = arith.index_cast %get3A_757 : i32 to index
        %get3A_760 = arith.index_cast %get3A_758 : i32 to index
        %get3A_761 = arith.index_cast %mul3A_649 : i32 to index
        %get3A_762 = tpu.vector_load %arg5[%get3A_759, %get3A_760, %get3A_761] {strides = array<i32>} : memref<2x19x2048xf32, #tpu.memory_space<vmem>>, vector<16xf32>,
        %gt3A_763 = arith.cmpf ogt, %get3A_762, %select_n3A_753 : vector<16xf32>
        %select_n3A_764 = arith.select %gt3A_763, %get3A_762, %select_n3A_753 : vector<16xi1>, vector<16xf32>
        %broadcast_in_dim3A_765 = arith.constant 10 : i32
        %broadcast_in_dim3A_766 = vector.broadcast %broadcast_in_dim3A_765 : i32 to vector<16xi32>
        %select_n3A_767 = arith.select %gt3A_763, %broadcast_in_dim3A_766, %select_n3A_756 : vector<16xi1>, vector<16xi32>
        %get3A_768 = arith.constant 0 : i32
        %get3A_769 = arith.constant 11 : i32
        %get3A_770 = arith.index_cast %get3A_768 : i32 to index
        %get3A_771 = arith.index_cast %get3A_769 : i32 to index
        %get3A_772 = arith.index_cast %mul3A_649 : i32 to index
        %get3A_773 = tpu.vector_load %arg5[%get3A_770, %get3A_771, %get3A_772] {strides = array<i32>} : memref<2x19x2048xf32, #tpu.memory_space<vmem>>, vector<16xf32>,
        %gt3A_774 = arith.cmpf ogt, %get3A_773, %select_n3A_764 : vector<16xf32>
        %select_n3A_775 = arith.select %gt3A_774, %get3A_773, %select_n3A_764 : vector<16xi1>, vector<16xf32>
        %broadcast_in_dim3A_776 = arith.constant 11 : i32
        %broadcast_in_dim3A_777 = vector.broadcast %broadcast_in_dim3A_776 : i32 to vector<16xi32>
        %select_n3A_778 = arith.select %gt3A_774, %broadcast_in_dim3A_777, %select_n3A_767 : vector<16xi1>, vector<16xi32>
        %get3A_779 = arith.constant 0 : i32
        %get3A_780 = arith.constant 12 : i32
        %get3A_781 = arith.index_cast %get3A_779 : i32 to index
        %get3A_782 = arith.index_cast %get3A_780 : i32 to index
        %get3A_783 = arith.index_cast %mul3A_649 : i32 to index
        %get3A_784 = tpu.vector_load %arg5[%get3A_781, %get3A_782, %get3A_783] {strides = array<i32>} : memref<2x19x2048xf32, #tpu.memory_space<vmem>>, vector<16xf32>,
        %gt3A_785 = arith.cmpf ogt, %get3A_784, %select_n3A_775 : vector<16xf32>
        %select_n3A_786 = arith.select %gt3A_785, %get3A_784, %select_n3A_775 : vector<16xi1>, vector<16xf32>
        %broadcast_in_dim3A_787 = arith.constant 12 : i32
        %broadcast_in_dim3A_788 = vector.broadcast %broadcast_in_dim3A_787 : i32 to vector<16xi32>
        %select_n3A_789 = arith.select %gt3A_785, %broadcast_in_dim3A_788, %select_n3A_778 : vector<16xi1>, vector<16xi32>
        %get3A_790 = arith.constant 0 : i32
        %get3A_791 = arith.constant 13 : i32
        %get3A_792 = arith.index_cast %get3A_790 : i32 to index
        %get3A_793 = arith.index_cast %get3A_791 : i32 to index
        %get3A_794 = arith.index_cast %mul3A_649 : i32 to index
        %get3A_795 = tpu.vector_load %arg5[%get3A_792, %get3A_793, %get3A_794] {strides = array<i32>} : memref<2x19x2048xf32, #tpu.memory_space<vmem>>, vector<16xf32>,
        %gt3A_796 = arith.cmpf ogt, %get3A_795, %select_n3A_786 : vector<16xf32>
        %select_n3A_797 = arith.select %gt3A_796, %get3A_795, %select_n3A_786 : vector<16xi1>, vector<16xf32>
        %broadcast_in_dim3A_798 = arith.constant 13 : i32
        %broadcast_in_dim3A_799 = vector.broadcast %broadcast_in_dim3A_798 : i32 to vector<16xi32>
        %select_n3A_800 = arith.select %gt3A_796, %broadcast_in_dim3A_799, %select_n3A_789 : vector<16xi1>, vector<16xi32>
        %get3A_801 = arith.constant 0 : i32
        %get3A_802 = arith.constant 14 : i32
        %get3A_803 = arith.index_cast %get3A_801 : i32 to index
        %get3A_804 = arith.index_cast %get3A_802 : i32 to index
        %get3A_805 = arith.index_cast %mul3A_649 : i32 to index
        %get3A_806 = tpu.vector_load %arg5[%get3A_803, %get3A_804, %get3A_805] {strides = array<i32>} : memref<2x19x2048xf32, #tpu.memory_space<vmem>>, vector<16xf32>,
        %gt3A_807 = arith.cmpf ogt, %get3A_806, %select_n3A_797 : vector<16xf32>
        %select_n3A_808 = arith.select %gt3A_807, %get3A_806, %select_n3A_797 : vector<16xi1>, vector<16xf32>
        %broadcast_in_dim3A_809 = arith.constant 14 : i32
        %broadcast_in_dim3A_810 = vector.broadcast %broadcast_in_dim3A_809 : i32 to vector<16xi32>
        %select_n3A_811 = arith.select %gt3A_807, %broadcast_in_dim3A_810, %select_n3A_800 : vector<16xi1>, vector<16xi32>
        %get3A_812 = arith.constant 0 : i32
        %get3A_813 = arith.constant 15 : i32
        %get3A_814 = arith.index_cast %get3A_812 : i32 to index
        %get3A_815 = arith.index_cast %get3A_813 : i32 to index
        %get3A_816 = arith.index_cast %mul3A_649 : i32 to index
        %get3A_817 = tpu.vector_load %arg5[%get3A_814, %get3A_815, %get3A_816] {strides = array<i32>} : memref<2x19x2048xf32, #tpu.memory_space<vmem>>, vector<16xf32>,
        %gt3A_818 = arith.cmpf ogt, %get3A_817, %select_n3A_808 : vector<16xf32>
        %select_n3A_819 = arith.select %gt3A_818, %get3A_817, %select_n3A_808 : vector<16xi1>, vector<16xf32>
        %broadcast_in_dim3A_820 = arith.constant 15 : i32
        %broadcast_in_dim3A_821 = vector.broadcast %broadcast_in_dim3A_820 : i32 to vector<16xi32>
        %select_n3A_822 = arith.select %gt3A_818, %broadcast_in_dim3A_821, %select_n3A_811 : vector<16xi1>, vector<16xi32>
        %get3A_823 = arith.constant 0 : i32
        %get3A_824 = arith.constant 16 : i32
        %get3A_825 = arith.index_cast %get3A_823 : i32 to index
        %get3A_826 = arith.index_cast %get3A_824 : i32 to index
        %get3A_827 = arith.index_cast %mul3A_649 : i32 to index
        %get3A_828 = tpu.vector_load %arg5[%get3A_825, %get3A_826, %get3A_827] {strides = array<i32>} : memref<2x19x2048xf32, #tpu.memory_space<vmem>>, vector<16xf32>,
        %gt3A_829 = arith.cmpf ogt, %get3A_828, %select_n3A_819 : vector<16xf32>
        %select_n3A_830 = arith.select %gt3A_829, %get3A_828, %select_n3A_819 : vector<16xi1>, vector<16xf32>
        %broadcast_in_dim3A_831 = arith.constant 16 : i32
        %broadcast_in_dim3A_832 = vector.broadcast %broadcast_in_dim3A_831 : i32 to vector<16xi32>
        %select_n3A_833 = arith.select %gt3A_829, %broadcast_in_dim3A_832, %select_n3A_822 : vector<16xi1>, vector<16xi32>
        %get3A_834 = arith.constant 0 : i32
        %get3A_835 = arith.constant 17 : i32
        %get3A_836 = arith.index_cast %get3A_834 : i32 to index
        %get3A_837 = arith.index_cast %get3A_835 : i32 to index
        %get3A_838 = arith.index_cast %mul3A_649 : i32 to index
        %get3A_839 = tpu.vector_load %arg5[%get3A_836, %get3A_837, %get3A_838] {strides = array<i32>} : memref<2x19x2048xf32, #tpu.memory_space<vmem>>, vector<16xf32>,
        %gt3A_840 = arith.cmpf ogt, %get3A_839, %select_n3A_830 : vector<16xf32>
        %select_n3A_841 = arith.select %gt3A_840, %get3A_839, %select_n3A_830 : vector<16xi1>, vector<16xf32>
        %broadcast_in_dim3A_842 = arith.constant 17 : i32
        %broadcast_in_dim3A_843 = vector.broadcast %broadcast_in_dim3A_842 : i32 to vector<16xi32>
        %select_n3A_844 = arith.select %gt3A_840, %broadcast_in_dim3A_843, %select_n3A_833 : vector<16xi1>, vector<16xi32>
        %get3A_845 = arith.constant 0 : i32
        %get3A_846 = arith.constant 18 : i32
        %get3A_847 = arith.index_cast %get3A_845 : i32 to index
        %get3A_848 = arith.index_cast %get3A_846 : i32 to index
        %get3A_849 = arith.index_cast %mul3A_649 : i32 to index
        %get3A_850 = tpu.vector_load %arg5[%get3A_847, %get3A_848, %get3A_849] {strides = array<i32>} : memref<2x19x2048xf32, #tpu.memory_space<vmem>>, vector<16xf32>,
        %gt3A_851 = arith.cmpf ogt, %get3A_850, %select_n3A_841 : vector<16xf32>
        %select_n3A_852 = arith.select %gt3A_851, %get3A_850, %select_n3A_841 : vector<16xi1>, vector<16xf32>
        %broadcast_in_dim3A_853 = arith.constant 18 : i32
        %broadcast_in_dim3A_854 = vector.broadcast %broadcast_in_dim3A_853 : i32 to vector<16xi32>
        %select_n3A_855 = arith.select %gt3A_851, %broadcast_in_dim3A_854, %select_n3A_844 : vector<16xi1>, vector<16xi32>
        %get3A_856 = arith.constant 0 : i32
        %get3A_857 = arith.index_cast %get3A_856 : i32 to index
        %get3A_858 = arith.index_cast %mul3A_649 : i32 to index
        %get3A_859 = tpu.vector_load %arg6[%get3A_857, %get3A_858] {strides = array<i32>} : memref<2x2048xi32, #tpu.memory_space<vmem>>, vector<16xi32>,
        %mul3A_860 = arith.constant 19 : i32
        %mul3A_861 = vector.broadcast %mul3A_860 : i32 to vector<16xi32>
        %mul3A_862 = arith.muli %select_n3A_855, %mul3A_861 : vector<16xi32>
        %add3A_863 = arith.addi %mul3A_862, %get3A_859 : vector<16xi32>
        %mul3A_864 = arith.constant 16 : i32
        %mul3A_865 = vector.broadcast %mul3A_864 : i32 to vector<16xi32>
        %mul3A_866 = arith.muli %add3A_863, %mul3A_865 : vector<16xi32>
        %add3A_867 = arith.addi %mul3A_866, %iota3A : vector<16xi32>
        tpu.vector_store_idx %arg7[%add3A_867], %broadcast_in_dim3A_68 {add = true} : memref<6144xf32, #tpu.memory_space<vmem>>[vector<16xi32>], vector<16xf32>,
        %mul3A_868 = arith.constant 8 : i32
        %mul3A_869 = arith.muli %scan3A_197, %mul3A_868 : i32
        %add3A_870 = arith.constant 3 : i32
        %add3A_871 = arith.addi %mul3A_869, %add3A_870 : i32
        %mul3A_872 = arith.constant 16 : i32
        %mul3A_873 = arith.muli %add3A_871, %mul3A_872 : i32
        %get3A_874 = arith.constant 0 : i32
        %get3A_875 = arith.constant 0 : i32
        %get3A_876 = arith.index_cast %get3A_874 : i32 to index
        %get3A_877 = arith.index_cast %get3A_875 : i32 to index
        %get3A_878 = arith.index_cast %mul3A_873 : i32 to index
        %get3A_879 = tpu.vector_load %arg5[%get3A_876, %get3A_877, %get3A_878] {strides = array<i32>} : memref<2x19x2048xf32, #tpu.memory_space<vmem>>, vector<16xf32>,
        %broadcast_in_dim3A_880 = arith.constant 0 : i32
        %broadcast_in_dim3A_881 = vector.broadcast %broadcast_in_dim3A_880 : i32 to vector<16xi32>
        %get3A_882 = arith.constant 0 : i32
        %get3A_883 = arith.constant 1 : i32
        %get3A_884 = arith.index_cast %get3A_882 : i32 to index
        %get3A_885 = arith.index_cast %get3A_883 : i32 to index
        %get3A_886 = arith.index_cast %mul3A_873 : i32 to index
        %get3A_887 = tpu.vector_load %arg5[%get3A_884, %get3A_885, %get3A_886] {strides = array<i32>} : memref<2x19x2048xf32, #tpu.memory_space<vmem>>, vector<16xf32>,
        %gt3A_888 = arith.cmpf ogt, %get3A_887, %get3A_879 : vector<16xf32>
        %select_n3A_889 = arith.select %gt3A_888, %get3A_887, %get3A_879 : vector<16xi1>, vector<16xf32>
        %broadcast_in_dim3A_890 = arith.constant 1 : i32
        %broadcast_in_dim3A_891 = vector.broadcast %broadcast_in_dim3A_890 : i32 to vector<16xi32>
        %select_n3A_892 = arith.select %gt3A_888, %broadcast_in_dim3A_891, %broadcast_in_dim3A_881 : vector<16xi1>, vector<16xi32>
        %get3A_893 = arith.constant 0 : i32
        %get3A_894 = arith.constant 2 : i32
        %get3A_895 = arith.index_cast %get3A_893 : i32 to index
        %get3A_896 = arith.index_cast %get3A_894 : i32 to index
        %get3A_897 = arith.index_cast %mul3A_873 : i32 to index
        %get3A_898 = tpu.vector_load %arg5[%get3A_895, %get3A_896, %get3A_897] {strides = array<i32>} : memref<2x19x2048xf32, #tpu.memory_space<vmem>>, vector<16xf32>,
        %gt3A_899 = arith.cmpf ogt, %get3A_898, %select_n3A_889 : vector<16xf32>
        %select_n3A_900 = arith.select %gt3A_899, %get3A_898, %select_n3A_889 : vector<16xi1>, vector<16xf32>
        %broadcast_in_dim3A_901 = arith.constant 2 : i32
        %broadcast_in_dim3A_902 = vector.broadcast %broadcast_in_dim3A_901 : i32 to vector<16xi32>
        %select_n3A_903 = arith.select %gt3A_899, %broadcast_in_dim3A_902, %select_n3A_892 : vector<16xi1>, vector<16xi32>
        %get3A_904 = arith.constant 0 : i32
        %get3A_905 = arith.constant 3 : i32
        %get3A_906 = arith.index_cast %get3A_904 : i32 to index
        %get3A_907 = arith.index_cast %get3A_905 : i32 to index
        %get3A_908 = arith.index_cast %mul3A_873 : i32 to index
        %get3A_909 = tpu.vector_load %arg5[%get3A_906, %get3A_907, %get3A_908] {strides = array<i32>} : memref<2x19x2048xf32, #tpu.memory_space<vmem>>, vector<16xf32>,
        %gt3A_910 = arith.cmpf ogt, %get3A_909, %select_n3A_900 : vector<16xf32>
        %select_n3A_911 = arith.select %gt3A_910, %get3A_909, %select_n3A_900 : vector<16xi1>, vector<16xf32>
        %broadcast_in_dim3A_912 = arith.constant 3 : i32
        %broadcast_in_dim3A_913 = vector.broadcast %broadcast_in_dim3A_912 : i32 to vector<16xi32>
        %select_n3A_914 = arith.select %gt3A_910, %broadcast_in_dim3A_913, %select_n3A_903 : vector<16xi1>, vector<16xi32>
        %get3A_915 = arith.constant 0 : i32
        %get3A_916 = arith.constant 4 : i32
        %get3A_917 = arith.index_cast %get3A_915 : i32 to index
        %get3A_918 = arith.index_cast %get3A_916 : i32 to index
        %get3A_919 = arith.index_cast %mul3A_873 : i32 to index
        %get3A_920 = tpu.vector_load %arg5[%get3A_917, %get3A_918, %get3A_919] {strides = array<i32>} : memref<2x19x2048xf32, #tpu.memory_space<vmem>>, vector<16xf32>,
        %gt3A_921 = arith.cmpf ogt, %get3A_920, %select_n3A_911 : vector<16xf32>
        %select_n3A_922 = arith.select %gt3A_921, %get3A_920, %select_n3A_911 : vector<16xi1>, vector<16xf32>
        %broadcast_in_dim3A_923 = arith.constant 4 : i32
        %broadcast_in_dim3A_924 = vector.broadcast %broadcast_in_dim3A_923 : i32 to vector<16xi32>
        %select_n3A_925 = arith.select %gt3A_921, %broadcast_in_dim3A_924, %select_n3A_914 : vector<16xi1>, vector<16xi32>
        %get3A_926 = arith.constant 0 : i32
        %get3A_927 = arith.constant 5 : i32
        %get3A_928 = arith.index_cast %get3A_926 : i32 to index
        %get3A_929 = arith.index_cast %get3A_927 : i32 to index
        %get3A_930 = arith.index_cast %mul3A_873 : i32 to index
        %get3A_931 = tpu.vector_load %arg5[%get3A_928, %get3A_929, %get3A_930] {strides = array<i32>} : memref<2x19x2048xf32, #tpu.memory_space<vmem>>, vector<16xf32>,
        %gt3A_932 = arith.cmpf ogt, %get3A_931, %select_n3A_922 : vector<16xf32>
        %select_n3A_933 = arith.select %gt3A_932, %get3A_931, %select_n3A_922 : vector<16xi1>, vector<16xf32>
        %broadcast_in_dim3A_934 = arith.constant 5 : i32
        %broadcast_in_dim3A_935 = vector.broadcast %broadcast_in_dim3A_934 : i32 to vector<16xi32>
        %select_n3A_936 = arith.select %gt3A_932, %broadcast_in_dim3A_935, %select_n3A_925 : vector<16xi1>, vector<16xi32>
        %get3A_937 = arith.constant 0 : i32
        %get3A_938 = arith.constant 6 : i32
        %get3A_939 = arith.index_cast %get3A_937 : i32 to index
        %get3A_940 = arith.index_cast %get3A_938 : i32 to index
        %get3A_941 = arith.index_cast %mul3A_873 : i32 to index
        %get3A_942 = tpu.vector_load %arg5[%get3A_939, %get3A_940, %get3A_941] {strides = array<i32>} : memref<2x19x2048xf32, #tpu.memory_space<vmem>>, vector<16xf32>,
        %gt3A_943 = arith.cmpf ogt, %get3A_942, %select_n3A_933 : vector<16xf32>
        %select_n3A_944 = arith.select %gt3A_943, %get3A_942, %select_n3A_933 : vector<16xi1>, vector<16xf32>
        %broadcast_in_dim3A_945 = arith.constant 6 : i32
        %broadcast_in_dim3A_946 = vector.broadcast %broadcast_in_dim3A_945 : i32 to vector<16xi32>
        %select_n3A_947 = arith.select %gt3A_943, %broadcast_in_dim3A_946, %select_n3A_936 : vector<16xi1>, vector<16xi32>
        %get3A_948 = arith.constant 0 : i32
        %get3A_949 = arith.constant 7 : i32
        %get3A_950 = arith.index_cast %get3A_948 : i32 to index
        %get3A_951 = arith.index_cast %get3A_949 : i32 to index
        %get3A_952 = arith.index_cast %mul3A_873 : i32 to index
        %get3A_953 = tpu.vector_load %arg5[%get3A_950, %get3A_951, %get3A_952] {strides = array<i32>} : memref<2x19x2048xf32, #tpu.memory_space<vmem>>, vector<16xf32>,
        %gt3A_954 = arith.cmpf ogt, %get3A_953, %select_n3A_944 : vector<16xf32>
        %select_n3A_955 = arith.select %gt3A_954, %get3A_953, %select_n3A_944 : vector<16xi1>, vector<16xf32>
        %broadcast_in_dim3A_956 = arith.constant 7 : i32
        %broadcast_in_dim3A_957 = vector.broadcast %broadcast_in_dim3A_956 : i32 to vector<16xi32>
        %select_n3A_958 = arith.select %gt3A_954, %broadcast_in_dim3A_957, %select_n3A_947 : vector<16xi1>, vector<16xi32>
        %get3A_959 = arith.constant 0 : i32
        %get3A_960 = arith.constant 8 : i32
        %get3A_961 = arith.index_cast %get3A_959 : i32 to index
        %get3A_962 = arith.index_cast %get3A_960 : i32 to index
        %get3A_963 = arith.index_cast %mul3A_873 : i32 to index
        %get3A_964 = tpu.vector_load %arg5[%get3A_961, %get3A_962, %get3A_963] {strides = array<i32>} : memref<2x19x2048xf32, #tpu.memory_space<vmem>>, vector<16xf32>,
        %gt3A_965 = arith.cmpf ogt, %get3A_964, %select_n3A_955 : vector<16xf32>
        %select_n3A_966 = arith.select %gt3A_965, %get3A_964, %select_n3A_955 : vector<16xi1>, vector<16xf32>
        %broadcast_in_dim3A_967 = arith.constant 8 : i32
        %broadcast_in_dim3A_968 = vector.broadcast %broadcast_in_dim3A_967 : i32 to vector<16xi32>
        %select_n3A_969 = arith.select %gt3A_965, %broadcast_in_dim3A_968, %select_n3A_958 : vector<16xi1>, vector<16xi32>
        %get3A_970 = arith.constant 0 : i32
        %get3A_971 = arith.constant 9 : i32
        %get3A_972 = arith.index_cast %get3A_970 : i32 to index
        %get3A_973 = arith.index_cast %get3A_971 : i32 to index
        %get3A_974 = arith.index_cast %mul3A_873 : i32 to index
        %get3A_975 = tpu.vector_load %arg5[%get3A_972, %get3A_973, %get3A_974] {strides = array<i32>} : memref<2x19x2048xf32, #tpu.memory_space<vmem>>, vector<16xf32>,
        %gt3A_976 = arith.cmpf ogt, %get3A_975, %select_n3A_966 : vector<16xf32>
        %select_n3A_977 = arith.select %gt3A_976, %get3A_975, %select_n3A_966 : vector<16xi1>, vector<16xf32>
        %broadcast_in_dim3A_978 = arith.constant 9 : i32
        %broadcast_in_dim3A_979 = vector.broadcast %broadcast_in_dim3A_978 : i32 to vector<16xi32>
        %select_n3A_980 = arith.select %gt3A_976, %broadcast_in_dim3A_979, %select_n3A_969 : vector<16xi1>, vector<16xi32>
        %get3A_981 = arith.constant 0 : i32
        %get3A_982 = arith.constant 10 : i32
        %get3A_983 = arith.index_cast %get3A_981 : i32 to index
        %get3A_984 = arith.index_cast %get3A_982 : i32 to index
        %get3A_985 = arith.index_cast %mul3A_873 : i32 to index
        %get3A_986 = tpu.vector_load %arg5[%get3A_983, %get3A_984, %get3A_985] {strides = array<i32>} : memref<2x19x2048xf32, #tpu.memory_space<vmem>>, vector<16xf32>,
        %gt3A_987 = arith.cmpf ogt, %get3A_986, %select_n3A_977 : vector<16xf32>
        %select_n3A_988 = arith.select %gt3A_987, %get3A_986, %select_n3A_977 : vector<16xi1>, vector<16xf32>
        %broadcast_in_dim3A_989 = arith.constant 10 : i32
        %broadcast_in_dim3A_990 = vector.broadcast %broadcast_in_dim3A_989 : i32 to vector<16xi32>
        %select_n3A_991 = arith.select %gt3A_987, %broadcast_in_dim3A_990, %select_n3A_980 : vector<16xi1>, vector<16xi32>
        %get3A_992 = arith.constant 0 : i32
        %get3A_993 = arith.constant 11 : i32
        %get3A_994 = arith.index_cast %get3A_992 : i32 to index
        %get3A_995 = arith.index_cast %get3A_993 : i32 to index
        %get3A_996 = arith.index_cast %mul3A_873 : i32 to index
        %get3A_997 = tpu.vector_load %arg5[%get3A_994, %get3A_995, %get3A_996] {strides = array<i32>} : memref<2x19x2048xf32, #tpu.memory_space<vmem>>, vector<16xf32>,
        %gt3A_998 = arith.cmpf ogt, %get3A_997, %select_n3A_988 : vector<16xf32>
        %select_n3A_999 = arith.select %gt3A_998, %get3A_997, %select_n3A_988 : vector<16xi1>, vector<16xf32>
        %broadcast_in_dim3A_1000 = arith.constant 11 : i32
        %broadcast_in_dim3A_1001 = vector.broadcast %broadcast_in_dim3A_1000 : i32 to vector<16xi32>
        %select_n3A_1002 = arith.select %gt3A_998, %broadcast_in_dim3A_1001, %select_n3A_991 : vector<16xi1>, vector<16xi32>
        %get3A_1003 = arith.constant 0 : i32
        %get3A_1004 = arith.constant 12 : i32
        %get3A_1005 = arith.index_cast %get3A_1003 : i32 to index
        %get3A_1006 = arith.index_cast %get3A_1004 : i32 to index
        %get3A_1007 = arith.index_cast %mul3A_873 : i32 to index
        %get3A_1008 = tpu.vector_load %arg5[%get3A_1005, %get3A_1006, %get3A_1007] {strides = array<i32>} : memref<2x19x2048xf32, #tpu.memory_space<vmem>>, vector<16xf32>,
        %gt3A_1009 = arith.cmpf ogt, %get3A_1008, %select_n3A_999 : vector<16xf32>
        %select_n3A_1010 = arith.select %gt3A_1009, %get3A_1008, %select_n3A_999 : vector<16xi1>, vector<16xf32>
        %broadcast_in_dim3A_1011 = arith.constant 12 : i32
        %broadcast_in_dim3A_1012 = vector.broadcast %broadcast_in_dim3A_1011 : i32 to vector<16xi32>
        %select_n3A_1013 = arith.select %gt3A_1009, %broadcast_in_dim3A_1012, %select_n3A_1002 : vector<16xi1>, vector<16xi32>
        %get3A_1014 = arith.constant 0 : i32
        %get3A_1015 = arith.constant 13 : i32
        %get3A_1016 = arith.index_cast %get3A_1014 : i32 to index
        %get3A_1017 = arith.index_cast %get3A_1015 : i32 to index
        %get3A_1018 = arith.index_cast %mul3A_873 : i32 to index
        %get3A_1019 = tpu.vector_load %arg5[%get3A_1016, %get3A_1017, %get3A_1018] {strides = array<i32>} : memref<2x19x2048xf32, #tpu.memory_space<vmem>>, vector<16xf32>,
        %gt3A_1020 = arith.cmpf ogt, %get3A_1019, %select_n3A_1010 : vector<16xf32>
        %select_n3A_1021 = arith.select %gt3A_1020, %get3A_1019, %select_n3A_1010 : vector<16xi1>, vector<16xf32>
        %broadcast_in_dim3A_1022 = arith.constant 13 : i32
        %broadcast_in_dim3A_1023 = vector.broadcast %broadcast_in_dim3A_1022 : i32 to vector<16xi32>
        %select_n3A_1024 = arith.select %gt3A_1020, %broadcast_in_dim3A_1023, %select_n3A_1013 : vector<16xi1>, vector<16xi32>
        %get3A_1025 = arith.constant 0 : i32
        %get3A_1026 = arith.constant 14 : i32
        %get3A_1027 = arith.index_cast %get3A_1025 : i32 to index
        %get3A_1028 = arith.index_cast %get3A_1026 : i32 to index
        %get3A_1029 = arith.index_cast %mul3A_873 : i32 to index
        %get3A_1030 = tpu.vector_load %arg5[%get3A_1027, %get3A_1028, %get3A_1029] {strides = array<i32>} : memref<2x19x2048xf32, #tpu.memory_space<vmem>>, vector<16xf32>,
        %gt3A_1031 = arith.cmpf ogt, %get3A_1030, %select_n3A_1021 : vector<16xf32>
        %select_n3A_1032 = arith.select %gt3A_1031, %get3A_1030, %select_n3A_1021 : vector<16xi1>, vector<16xf32>
        %broadcast_in_dim3A_1033 = arith.constant 14 : i32
        %broadcast_in_dim3A_1034 = vector.broadcast %broadcast_in_dim3A_1033 : i32 to vector<16xi32>
        %select_n3A_1035 = arith.select %gt3A_1031, %broadcast_in_dim3A_1034, %select_n3A_1024 : vector<16xi1>, vector<16xi32>
        %get3A_1036 = arith.constant 0 : i32
        %get3A_1037 = arith.constant 15 : i32
        %get3A_1038 = arith.index_cast %get3A_1036 : i32 to index
        %get3A_1039 = arith.index_cast %get3A_1037 : i32 to index
        %get3A_1040 = arith.index_cast %mul3A_873 : i32 to index
        %get3A_1041 = tpu.vector_load %arg5[%get3A_1038, %get3A_1039, %get3A_1040] {strides = array<i32>} : memref<2x19x2048xf32, #tpu.memory_space<vmem>>, vector<16xf32>,
        %gt3A_1042 = arith.cmpf ogt, %get3A_1041, %select_n3A_1032 : vector<16xf32>
        %select_n3A_1043 = arith.select %gt3A_1042, %get3A_1041, %select_n3A_1032 : vector<16xi1>, vector<16xf32>
        %broadcast_in_dim3A_1044 = arith.constant 15 : i32
        %broadcast_in_dim3A_1045 = vector.broadcast %broadcast_in_dim3A_1044 : i32 to vector<16xi32>
        %select_n3A_1046 = arith.select %gt3A_1042, %broadcast_in_dim3A_1045, %select_n3A_1035 : vector<16xi1>, vector<16xi32>
        %get3A_1047 = arith.constant 0 : i32
        %get3A_1048 = arith.constant 16 : i32
        %get3A_1049 = arith.index_cast %get3A_1047 : i32 to index
        %get3A_1050 = arith.index_cast %get3A_1048 : i32 to index
        %get3A_1051 = arith.index_cast %mul3A_873 : i32 to index
        %get3A_1052 = tpu.vector_load %arg5[%get3A_1049, %get3A_1050, %get3A_1051] {strides = array<i32>} : memref<2x19x2048xf32, #tpu.memory_space<vmem>>, vector<16xf32>,
        %gt3A_1053 = arith.cmpf ogt, %get3A_1052, %select_n3A_1043 : vector<16xf32>
        %select_n3A_1054 = arith.select %gt3A_1053, %get3A_1052, %select_n3A_1043 : vector<16xi1>, vector<16xf32>
        %broadcast_in_dim3A_1055 = arith.constant 16 : i32
        %broadcast_in_dim3A_1056 = vector.broadcast %broadcast_in_dim3A_1055 : i32 to vector<16xi32>
        %select_n3A_1057 = arith.select %gt3A_1053, %broadcast_in_dim3A_1056, %select_n3A_1046 : vector<16xi1>, vector<16xi32>
        %get3A_1058 = arith.constant 0 : i32
        %get3A_1059 = arith.constant 17 : i32
        %get3A_1060 = arith.index_cast %get3A_1058 : i32 to index
        %get3A_1061 = arith.index_cast %get3A_1059 : i32 to index
        %get3A_1062 = arith.index_cast %mul3A_873 : i32 to index
        %get3A_1063 = tpu.vector_load %arg5[%get3A_1060, %get3A_1061, %get3A_1062] {strides = array<i32>} : memref<2x19x2048xf32, #tpu.memory_space<vmem>>, vector<16xf32>,
        %gt3A_1064 = arith.cmpf ogt, %get3A_1063, %select_n3A_1054 : vector<16xf32>
        %select_n3A_1065 = arith.select %gt3A_1064, %get3A_1063, %select_n3A_1054 : vector<16xi1>, vector<16xf32>
        %broadcast_in_dim3A_1066 = arith.constant 17 : i32
        %broadcast_in_dim3A_1067 = vector.broadcast %broadcast_in_dim3A_1066 : i32 to vector<16xi32>
        %select_n3A_1068 = arith.select %gt3A_1064, %broadcast_in_dim3A_1067, %select_n3A_1057 : vector<16xi1>, vector<16xi32>
        %get3A_1069 = arith.constant 0 : i32
        %get3A_1070 = arith.constant 18 : i32
        %get3A_1071 = arith.index_cast %get3A_1069 : i32 to index
        %get3A_1072 = arith.index_cast %get3A_1070 : i32 to index
        %get3A_1073 = arith.index_cast %mul3A_873 : i32 to index
        %get3A_1074 = tpu.vector_load %arg5[%get3A_1071, %get3A_1072, %get3A_1073] {strides = array<i32>} : memref<2x19x2048xf32, #tpu.memory_space<vmem>>, vector<16xf32>,
        %gt3A_1075 = arith.cmpf ogt, %get3A_1074, %select_n3A_1065 : vector<16xf32>
        %select_n3A_1076 = arith.select %gt3A_1075, %get3A_1074, %select_n3A_1065 : vector<16xi1>, vector<16xf32>
        %broadcast_in_dim3A_1077 = arith.constant 18 : i32
        %broadcast_in_dim3A_1078 = vector.broadcast %broadcast_in_dim3A_1077 : i32 to vector<16xi32>
        %select_n3A_1079 = arith.select %gt3A_1075, %broadcast_in_dim3A_1078, %select_n3A_1068 : vector<16xi1>, vector<16xi32>
        %get3A_1080 = arith.constant 0 : i32
        %get3A_1081 = arith.index_cast %get3A_1080 : i32 to index
        %get3A_1082 = arith.index_cast %mul3A_873 : i32 to index
        %get3A_1083 = tpu.vector_load %arg6[%get3A_1081, %get3A_1082] {strides = array<i32>} : memref<2x2048xi32, #tpu.memory_space<vmem>>, vector<16xi32>,
        %mul3A_1084 = arith.constant 19 : i32
        %mul3A_1085 = vector.broadcast %mul3A_1084 : i32 to vector<16xi32>
        %mul3A_1086 = arith.muli %select_n3A_1079, %mul3A_1085 : vector<16xi32>
        %add3A_1087 = arith.addi %mul3A_1086, %get3A_1083 : vector<16xi32>
        %mul3A_1088 = arith.constant 16 : i32
        %mul3A_1089 = vector.broadcast %mul3A_1088 : i32 to vector<16xi32>
        %mul3A_1090 = arith.muli %add3A_1087, %mul3A_1089 : vector<16xi32>
        %add3A_1091 = arith.addi %mul3A_1090, %iota3A : vector<16xi32>
        tpu.vector_store_idx %arg7[%add3A_1091], %broadcast_in_dim3A_68 {add = true} : memref<6144xf32, #tpu.memory_space<vmem>>[vector<16xi32>], vector<16xf32>,
        %mul3A_1092 = arith.constant 8 : i32
        %mul3A_1093 = arith.muli %scan3A_197, %mul3A_1092 : i32
        %add3A_1094 = arith.constant 4 : i32
        %add3A_1095 = arith.addi %mul3A_1093, %add3A_1094 : i32
        %mul3A_1096 = arith.constant 16 : i32
        %mul3A_1097 = arith.muli %add3A_1095, %mul3A_1096 : i32
        %get3A_1098 = arith.constant 0 : i32
        %get3A_1099 = arith.constant 0 : i32
        %get3A_1100 = arith.index_cast %get3A_1098 : i32 to index
        %get3A_1101 = arith.index_cast %get3A_1099 : i32 to index
        %get3A_1102 = arith.index_cast %mul3A_1097 : i32 to index
        %get3A_1103 = tpu.vector_load %arg5[%get3A_1100, %get3A_1101, %get3A_1102] {strides = array<i32>} : memref<2x19x2048xf32, #tpu.memory_space<vmem>>, vector<16xf32>,
        %broadcast_in_dim3A_1104 = arith.constant 0 : i32
        %broadcast_in_dim3A_1105 = vector.broadcast %broadcast_in_dim3A_1104 : i32 to vector<16xi32>
        %get3A_1106 = arith.constant 0 : i32
        %get3A_1107 = arith.constant 1 : i32
        %get3A_1108 = arith.index_cast %get3A_1106 : i32 to index
        %get3A_1109 = arith.index_cast %get3A_1107 : i32 to index
        %get3A_1110 = arith.index_cast %mul3A_1097 : i32 to index
        %get3A_1111 = tpu.vector_load %arg5[%get3A_1108, %get3A_1109, %get3A_1110] {strides = array<i32>} : memref<2x19x2048xf32, #tpu.memory_space<vmem>>, vector<16xf32>,
        %gt3A_1112 = arith.cmpf ogt, %get3A_1111, %get3A_1103 : vector<16xf32>
        %select_n3A_1113 = arith.select %gt3A_1112, %get3A_1111, %get3A_1103 : vector<16xi1>, vector<16xf32>
        %broadcast_in_dim3A_1114 = arith.constant 1 : i32
        %broadcast_in_dim3A_1115 = vector.broadcast %broadcast_in_dim3A_1114 : i32 to vector<16xi32>
        %select_n3A_1116 = arith.select %gt3A_1112, %broadcast_in_dim3A_1115, %broadcast_in_dim3A_1105 : vector<16xi1>, vector<16xi32>
        %get3A_1117 = arith.constant 0 : i32
        %get3A_1118 = arith.constant 2 : i32
        %get3A_1119 = arith.index_cast %get3A_1117 : i32 to index
        %get3A_1120 = arith.index_cast %get3A_1118 : i32 to index
        %get3A_1121 = arith.index_cast %mul3A_1097 : i32 to index
        %get3A_1122 = tpu.vector_load %arg5[%get3A_1119, %get3A_1120, %get3A_1121] {strides = array<i32>} : memref<2x19x2048xf32, #tpu.memory_space<vmem>>, vector<16xf32>,
        %gt3A_1123 = arith.cmpf ogt, %get3A_1122, %select_n3A_1113 : vector<16xf32>
        %select_n3A_1124 = arith.select %gt3A_1123, %get3A_1122, %select_n3A_1113 : vector<16xi1>, vector<16xf32>
        %broadcast_in_dim3A_1125 = arith.constant 2 : i32
        %broadcast_in_dim3A_1126 = vector.broadcast %broadcast_in_dim3A_1125 : i32 to vector<16xi32>
        %select_n3A_1127 = arith.select %gt3A_1123, %broadcast_in_dim3A_1126, %select_n3A_1116 : vector<16xi1>, vector<16xi32>
        %get3A_1128 = arith.constant 0 : i32
        %get3A_1129 = arith.constant 3 : i32
        %get3A_1130 = arith.index_cast %get3A_1128 : i32 to index
        %get3A_1131 = arith.index_cast %get3A_1129 : i32 to index
        %get3A_1132 = arith.index_cast %mul3A_1097 : i32 to index
        %get3A_1133 = tpu.vector_load %arg5[%get3A_1130, %get3A_1131, %get3A_1132] {strides = array<i32>} : memref<2x19x2048xf32, #tpu.memory_space<vmem>>, vector<16xf32>,
        %gt3A_1134 = arith.cmpf ogt, %get3A_1133, %select_n3A_1124 : vector<16xf32>
        %select_n3A_1135 = arith.select %gt3A_1134, %get3A_1133, %select_n3A_1124 : vector<16xi1>, vector<16xf32>
        %broadcast_in_dim3A_1136 = arith.constant 3 : i32
        %broadcast_in_dim3A_1137 = vector.broadcast %broadcast_in_dim3A_1136 : i32 to vector<16xi32>
        %select_n3A_1138 = arith.select %gt3A_1134, %broadcast_in_dim3A_1137, %select_n3A_1127 : vector<16xi1>, vector<16xi32>
        %get3A_1139 = arith.constant 0 : i32
        %get3A_1140 = arith.constant 4 : i32
        %get3A_1141 = arith.index_cast %get3A_1139 : i32 to index
        %get3A_1142 = arith.index_cast %get3A_1140 : i32 to index
        %get3A_1143 = arith.index_cast %mul3A_1097 : i32 to index
        %get3A_1144 = tpu.vector_load %arg5[%get3A_1141, %get3A_1142, %get3A_1143] {strides = array<i32>} : memref<2x19x2048xf32, #tpu.memory_space<vmem>>, vector<16xf32>,
        %gt3A_1145 = arith.cmpf ogt, %get3A_1144, %select_n3A_1135 : vector<16xf32>
        %select_n3A_1146 = arith.select %gt3A_1145, %get3A_1144, %select_n3A_1135 : vector<16xi1>, vector<16xf32>
        %broadcast_in_dim3A_1147 = arith.constant 4 : i32
        %broadcast_in_dim3A_1148 = vector.broadcast %broadcast_in_dim3A_1147 : i32 to vector<16xi32>
        %select_n3A_1149 = arith.select %gt3A_1145, %broadcast_in_dim3A_1148, %select_n3A_1138 : vector<16xi1>, vector<16xi32>
        %get3A_1150 = arith.constant 0 : i32
        %get3A_1151 = arith.constant 5 : i32
        %get3A_1152 = arith.index_cast %get3A_1150 : i32 to index
        %get3A_1153 = arith.index_cast %get3A_1151 : i32 to index
        %get3A_1154 = arith.index_cast %mul3A_1097 : i32 to index
        %get3A_1155 = tpu.vector_load %arg5[%get3A_1152, %get3A_1153, %get3A_1154] {strides = array<i32>} : memref<2x19x2048xf32, #tpu.memory_space<vmem>>, vector<16xf32>,
        %gt3A_1156 = arith.cmpf ogt, %get3A_1155, %select_n3A_1146 : vector<16xf32>
        %select_n3A_1157 = arith.select %gt3A_1156, %get3A_1155, %select_n3A_1146 : vector<16xi1>, vector<16xf32>
        %broadcast_in_dim3A_1158 = arith.constant 5 : i32
        %broadcast_in_dim3A_1159 = vector.broadcast %broadcast_in_dim3A_1158 : i32 to vector<16xi32>
        %select_n3A_1160 = arith.select %gt3A_1156, %broadcast_in_dim3A_1159, %select_n3A_1149 : vector<16xi1>, vector<16xi32>
        %get3A_1161 = arith.constant 0 : i32
        %get3A_1162 = arith.constant 6 : i32
        %get3A_1163 = arith.index_cast %get3A_1161 : i32 to index
        %get3A_1164 = arith.index_cast %get3A_1162 : i32 to index
        %get3A_1165 = arith.index_cast %mul3A_1097 : i32 to index
        %get3A_1166 = tpu.vector_load %arg5[%get3A_1163, %get3A_1164, %get3A_1165] {strides = array<i32>} : memref<2x19x2048xf32, #tpu.memory_space<vmem>>, vector<16xf32>,
        %gt3A_1167 = arith.cmpf ogt, %get3A_1166, %select_n3A_1157 : vector<16xf32>
        %select_n3A_1168 = arith.select %gt3A_1167, %get3A_1166, %select_n3A_1157 : vector<16xi1>, vector<16xf32>
        %broadcast_in_dim3A_1169 = arith.constant 6 : i32
        %broadcast_in_dim3A_1170 = vector.broadcast %broadcast_in_dim3A_1169 : i32 to vector<16xi32>
        %select_n3A_1171 = arith.select %gt3A_1167, %broadcast_in_dim3A_1170, %select_n3A_1160 : vector<16xi1>, vector<16xi32>
        %get3A_1172 = arith.constant 0 : i32
        %get3A_1173 = arith.constant 7 : i32
        %get3A_1174 = arith.index_cast %get3A_1172 : i32 to index
        %get3A_1175 = arith.index_cast %get3A_1173 : i32 to index
        %get3A_1176 = arith.index_cast %mul3A_1097 : i32 to index
        %get3A_1177 = tpu.vector_load %arg5[%get3A_1174, %get3A_1175, %get3A_1176] {strides = array<i32>} : memref<2x19x2048xf32, #tpu.memory_space<vmem>>, vector<16xf32>,
        %gt3A_1178 = arith.cmpf ogt, %get3A_1177, %select_n3A_1168 : vector<16xf32>
        %select_n3A_1179 = arith.select %gt3A_1178, %get3A_1177, %select_n3A_1168 : vector<16xi1>, vector<16xf32>
        %broadcast_in_dim3A_1180 = arith.constant 7 : i32
        %broadcast_in_dim3A_1181 = vector.broadcast %broadcast_in_dim3A_1180 : i32 to vector<16xi32>
        %select_n3A_1182 = arith.select %gt3A_1178, %broadcast_in_dim3A_1181, %select_n3A_1171 : vector<16xi1>, vector<16xi32>
        %get3A_1183 = arith.constant 0 : i32
        %get3A_1184 = arith.constant 8 : i32
        %get3A_1185 = arith.index_cast %get3A_1183 : i32 to index
        %get3A_1186 = arith.index_cast %get3A_1184 : i32 to index
        %get3A_1187 = arith.index_cast %mul3A_1097 : i32 to index
        %get3A_1188 = tpu.vector_load %arg5[%get3A_1185, %get3A_1186, %get3A_1187] {strides = array<i32>} : memref<2x19x2048xf32, #tpu.memory_space<vmem>>, vector<16xf32>,
        %gt3A_1189 = arith.cmpf ogt, %get3A_1188, %select_n3A_1179 : vector<16xf32>
        %select_n3A_1190 = arith.select %gt3A_1189, %get3A_1188, %select_n3A_1179 : vector<16xi1>, vector<16xf32>
        %broadcast_in_dim3A_1191 = arith.constant 8 : i32
        %broadcast_in_dim3A_1192 = vector.broadcast %broadcast_in_dim3A_1191 : i32 to vector<16xi32>
        %select_n3A_1193 = arith.select %gt3A_1189, %broadcast_in_dim3A_1192, %select_n3A_1182 : vector<16xi1>, vector<16xi32>
        %get3A_1194 = arith.constant 0 : i32
        %get3A_1195 = arith.constant 9 : i32
        %get3A_1196 = arith.index_cast %get3A_1194 : i32 to index
        %get3A_1197 = arith.index_cast %get3A_1195 : i32 to index
        %get3A_1198 = arith.index_cast %mul3A_1097 : i32 to index
        %get3A_1199 = tpu.vector_load %arg5[%get3A_1196, %get3A_1197, %get3A_1198] {strides = array<i32>} : memref<2x19x2048xf32, #tpu.memory_space<vmem>>, vector<16xf32>,
        %gt3A_1200 = arith.cmpf ogt, %get3A_1199, %select_n3A_1190 : vector<16xf32>
        %select_n3A_1201 = arith.select %gt3A_1200, %get3A_1199, %select_n3A_1190 : vector<16xi1>, vector<16xf32>
        %broadcast_in_dim3A_1202 = arith.constant 9 : i32
        %broadcast_in_dim3A_1203 = vector.broadcast %broadcast_in_dim3A_1202 : i32 to vector<16xi32>
        %select_n3A_1204 = arith.select %gt3A_1200, %broadcast_in_dim3A_1203, %select_n3A_1193 : vector<16xi1>, vector<16xi32>
        %get3A_1205 = arith.constant 0 : i32
        %get3A_1206 = arith.constant 10 : i32
        %get3A_1207 = arith.index_cast %get3A_1205 : i32 to index
        %get3A_1208 = arith.index_cast %get3A_1206 : i32 to index
        %get3A_1209 = arith.index_cast %mul3A_1097 : i32 to index
        %get3A_1210 = tpu.vector_load %arg5[%get3A_1207, %get3A_1208, %get3A_1209] {strides = array<i32>} : memref<2x19x2048xf32, #tpu.memory_space<vmem>>, vector<16xf32>,
        %gt3A_1211 = arith.cmpf ogt, %get3A_1210, %select_n3A_1201 : vector<16xf32>
        %select_n3A_1212 = arith.select %gt3A_1211, %get3A_1210, %select_n3A_1201 : vector<16xi1>, vector<16xf32>
        %broadcast_in_dim3A_1213 = arith.constant 10 : i32
        %broadcast_in_dim3A_1214 = vector.broadcast %broadcast_in_dim3A_1213 : i32 to vector<16xi32>
        %select_n3A_1215 = arith.select %gt3A_1211, %broadcast_in_dim3A_1214, %select_n3A_1204 : vector<16xi1>, vector<16xi32>
        %get3A_1216 = arith.constant 0 : i32
        %get3A_1217 = arith.constant 11 : i32
        %get3A_1218 = arith.index_cast %get3A_1216 : i32 to index
        %get3A_1219 = arith.index_cast %get3A_1217 : i32 to index
        %get3A_1220 = arith.index_cast %mul3A_1097 : i32 to index
        %get3A_1221 = tpu.vector_load %arg5[%get3A_1218, %get3A_1219, %get3A_1220] {strides = array<i32>} : memref<2x19x2048xf32, #tpu.memory_space<vmem>>, vector<16xf32>,
        %gt3A_1222 = arith.cmpf ogt, %get3A_1221, %select_n3A_1212 : vector<16xf32>
        %select_n3A_1223 = arith.select %gt3A_1222, %get3A_1221, %select_n3A_1212 : vector<16xi1>, vector<16xf32>
        %broadcast_in_dim3A_1224 = arith.constant 11 : i32
        %broadcast_in_dim3A_1225 = vector.broadcast %broadcast_in_dim3A_1224 : i32 to vector<16xi32>
        %select_n3A_1226 = arith.select %gt3A_1222, %broadcast_in_dim3A_1225, %select_n3A_1215 : vector<16xi1>, vector<16xi32>
        %get3A_1227 = arith.constant 0 : i32
        %get3A_1228 = arith.constant 12 : i32
        %get3A_1229 = arith.index_cast %get3A_1227 : i32 to index
        %get3A_1230 = arith.index_cast %get3A_1228 : i32 to index
        %get3A_1231 = arith.index_cast %mul3A_1097 : i32 to index
        %get3A_1232 = tpu.vector_load %arg5[%get3A_1229, %get3A_1230, %get3A_1231] {strides = array<i32>} : memref<2x19x2048xf32, #tpu.memory_space<vmem>>, vector<16xf32>,
        %gt3A_1233 = arith.cmpf ogt, %get3A_1232, %select_n3A_1223 : vector<16xf32>
        %select_n3A_1234 = arith.select %gt3A_1233, %get3A_1232, %select_n3A_1223 : vector<16xi1>, vector<16xf32>
        %broadcast_in_dim3A_1235 = arith.constant 12 : i32
        %broadcast_in_dim3A_1236 = vector.broadcast %broadcast_in_dim3A_1235 : i32 to vector<16xi32>
        %select_n3A_1237 = arith.select %gt3A_1233, %broadcast_in_dim3A_1236, %select_n3A_1226 : vector<16xi1>, vector<16xi32>
        %get3A_1238 = arith.constant 0 : i32
        %get3A_1239 = arith.constant 13 : i32
        %get3A_1240 = arith.index_cast %get3A_1238 : i32 to index
        %get3A_1241 = arith.index_cast %get3A_1239 : i32 to index
        %get3A_1242 = arith.index_cast %mul3A_1097 : i32 to index
        %get3A_1243 = tpu.vector_load %arg5[%get3A_1240, %get3A_1241, %get3A_1242] {strides = array<i32>} : memref<2x19x2048xf32, #tpu.memory_space<vmem>>, vector<16xf32>,
        %gt3A_1244 = arith.cmpf ogt, %get3A_1243, %select_n3A_1234 : vector<16xf32>
        %select_n3A_1245 = arith.select %gt3A_1244, %get3A_1243, %select_n3A_1234 : vector<16xi1>, vector<16xf32>
        %broadcast_in_dim3A_1246 = arith.constant 13 : i32
        %broadcast_in_dim3A_1247 = vector.broadcast %broadcast_in_dim3A_1246 : i32 to vector<16xi32>
        %select_n3A_1248 = arith.select %gt3A_1244, %broadcast_in_dim3A_1247, %select_n3A_1237 : vector<16xi1>, vector<16xi32>
        %get3A_1249 = arith.constant 0 : i32
        %get3A_1250 = arith.constant 14 : i32
        %get3A_1251 = arith.index_cast %get3A_1249 : i32 to index
        %get3A_1252 = arith.index_cast %get3A_1250 : i32 to index
        %get3A_1253 = arith.index_cast %mul3A_1097 : i32 to index
        %get3A_1254 = tpu.vector_load %arg5[%get3A_1251, %get3A_1252, %get3A_1253] {strides = array<i32>} : memref<2x19x2048xf32, #tpu.memory_space<vmem>>, vector<16xf32>,
        %gt3A_1255 = arith.cmpf ogt, %get3A_1254, %select_n3A_1245 : vector<16xf32>
        %select_n3A_1256 = arith.select %gt3A_1255, %get3A_1254, %select_n3A_1245 : vector<16xi1>, vector<16xf32>
        %broadcast_in_dim3A_1257 = arith.constant 14 : i32
        %broadcast_in_dim3A_1258 = vector.broadcast %broadcast_in_dim3A_1257 : i32 to vector<16xi32>
        %select_n3A_1259 = arith.select %gt3A_1255, %broadcast_in_dim3A_1258, %select_n3A_1248 : vector<16xi1>, vector<16xi32>
        %get3A_1260 = arith.constant 0 : i32
        %get3A_1261 = arith.constant 15 : i32
        %get3A_1262 = arith.index_cast %get3A_1260 : i32 to index
        %get3A_1263 = arith.index_cast %get3A_1261 : i32 to index
        %get3A_1264 = arith.index_cast %mul3A_1097 : i32 to index
        %get3A_1265 = tpu.vector_load %arg5[%get3A_1262, %get3A_1263, %get3A_1264] {strides = array<i32>} : memref<2x19x2048xf32, #tpu.memory_space<vmem>>, vector<16xf32>,
        %gt3A_1266 = arith.cmpf ogt, %get3A_1265, %select_n3A_1256 : vector<16xf32>
        %select_n3A_1267 = arith.select %gt3A_1266, %get3A_1265, %select_n3A_1256 : vector<16xi1>, vector<16xf32>
        %broadcast_in_dim3A_1268 = arith.constant 15 : i32
        %broadcast_in_dim3A_1269 = vector.broadcast %broadcast_in_dim3A_1268 : i32 to vector<16xi32>
        %select_n3A_1270 = arith.select %gt3A_1266, %broadcast_in_dim3A_1269, %select_n3A_1259 : vector<16xi1>, vector<16xi32>
        %get3A_1271 = arith.constant 0 : i32
        %get3A_1272 = arith.constant 16 : i32
        %get3A_1273 = arith.index_cast %get3A_1271 : i32 to index
        %get3A_1274 = arith.index_cast %get3A_1272 : i32 to index
        %get3A_1275 = arith.index_cast %mul3A_1097 : i32 to index
        %get3A_1276 = tpu.vector_load %arg5[%get3A_1273, %get3A_1274, %get3A_1275] {strides = array<i32>} : memref<2x19x2048xf32, #tpu.memory_space<vmem>>, vector<16xf32>,
        %gt3A_1277 = arith.cmpf ogt, %get3A_1276, %select_n3A_1267 : vector<16xf32>
        %select_n3A_1278 = arith.select %gt3A_1277, %get3A_1276, %select_n3A_1267 : vector<16xi1>, vector<16xf32>
        %broadcast_in_dim3A_1279 = arith.constant 16 : i32
        %broadcast_in_dim3A_1280 = vector.broadcast %broadcast_in_dim3A_1279 : i32 to vector<16xi32>
        %select_n3A_1281 = arith.select %gt3A_1277, %broadcast_in_dim3A_1280, %select_n3A_1270 : vector<16xi1>, vector<16xi32>
        %get3A_1282 = arith.constant 0 : i32
        %get3A_1283 = arith.constant 17 : i32
        %get3A_1284 = arith.index_cast %get3A_1282 : i32 to index
        %get3A_1285 = arith.index_cast %get3A_1283 : i32 to index
        %get3A_1286 = arith.index_cast %mul3A_1097 : i32 to index
        %get3A_1287 = tpu.vector_load %arg5[%get3A_1284, %get3A_1285, %get3A_1286] {strides = array<i32>} : memref<2x19x2048xf32, #tpu.memory_space<vmem>>, vector<16xf32>,
        %gt3A_1288 = arith.cmpf ogt, %get3A_1287, %select_n3A_1278 : vector<16xf32>
        %select_n3A_1289 = arith.select %gt3A_1288, %get3A_1287, %select_n3A_1278 : vector<16xi1>, vector<16xf32>
        %broadcast_in_dim3A_1290 = arith.constant 17 : i32
        %broadcast_in_dim3A_1291 = vector.broadcast %broadcast_in_dim3A_1290 : i32 to vector<16xi32>
        %select_n3A_1292 = arith.select %gt3A_1288, %broadcast_in_dim3A_1291, %select_n3A_1281 : vector<16xi1>, vector<16xi32>
        %get3A_1293 = arith.constant 0 : i32
        %get3A_1294 = arith.constant 18 : i32
        %get3A_1295 = arith.index_cast %get3A_1293 : i32 to index
        %get3A_1296 = arith.index_cast %get3A_1294 : i32 to index
        %get3A_1297 = arith.index_cast %mul3A_1097 : i32 to index
        %get3A_1298 = tpu.vector_load %arg5[%get3A_1295, %get3A_1296, %get3A_1297] {strides = array<i32>} : memref<2x19x2048xf32, #tpu.memory_space<vmem>>, vector<16xf32>,
        %gt3A_1299 = arith.cmpf ogt, %get3A_1298, %select_n3A_1289 : vector<16xf32>
        %select_n3A_1300 = arith.select %gt3A_1299, %get3A_1298, %select_n3A_1289 : vector<16xi1>, vector<16xf32>
        %broadcast_in_dim3A_1301 = arith.constant 18 : i32
        %broadcast_in_dim3A_1302 = vector.broadcast %broadcast_in_dim3A_1301 : i32 to vector<16xi32>
        %select_n3A_1303 = arith.select %gt3A_1299, %broadcast_in_dim3A_1302, %select_n3A_1292 : vector<16xi1>, vector<16xi32>
        %get3A_1304 = arith.constant 0 : i32
        %get3A_1305 = arith.index_cast %get3A_1304 : i32 to index
        %get3A_1306 = arith.index_cast %mul3A_1097 : i32 to index
        %get3A_1307 = tpu.vector_load %arg6[%get3A_1305, %get3A_1306] {strides = array<i32>} : memref<2x2048xi32, #tpu.memory_space<vmem>>, vector<16xi32>,
        %mul3A_1308 = arith.constant 19 : i32
        %mul3A_1309 = vector.broadcast %mul3A_1308 : i32 to vector<16xi32>
        %mul3A_1310 = arith.muli %select_n3A_1303, %mul3A_1309 : vector<16xi32>
        %add3A_1311 = arith.addi %mul3A_1310, %get3A_1307 : vector<16xi32>
        %mul3A_1312 = arith.constant 16 : i32
        %mul3A_1313 = vector.broadcast %mul3A_1312 : i32 to vector<16xi32>
        %mul3A_1314 = arith.muli %add3A_1311, %mul3A_1313 : vector<16xi32>
        %add3A_1315 = arith.addi %mul3A_1314, %iota3A : vector<16xi32>
        tpu.vector_store_idx %arg7[%add3A_1315], %broadcast_in_dim3A_68 {add = true} : memref<6144xf32, #tpu.memory_space<vmem>>[vector<16xi32>], vector<16xf32>,
        %mul3A_1316 = arith.constant 8 : i32
        %mul3A_1317 = arith.muli %scan3A_197, %mul3A_1316 : i32
        %add3A_1318 = arith.constant 5 : i32
        %add3A_1319 = arith.addi %mul3A_1317, %add3A_1318 : i32
        %mul3A_1320 = arith.constant 16 : i32
        %mul3A_1321 = arith.muli %add3A_1319, %mul3A_1320 : i32
        %get3A_1322 = arith.constant 0 : i32
        %get3A_1323 = arith.constant 0 : i32
        %get3A_1324 = arith.index_cast %get3A_1322 : i32 to index
        %get3A_1325 = arith.index_cast %get3A_1323 : i32 to index
        %get3A_1326 = arith.index_cast %mul3A_1321 : i32 to index
        %get3A_1327 = tpu.vector_load %arg5[%get3A_1324, %get3A_1325, %get3A_1326] {strides = array<i32>} : memref<2x19x2048xf32, #tpu.memory_space<vmem>>, vector<16xf32>,
        %broadcast_in_dim3A_1328 = arith.constant 0 : i32
        %broadcast_in_dim3A_1329 = vector.broadcast %broadcast_in_dim3A_1328 : i32 to vector<16xi32>
        %get3A_1330 = arith.constant 0 : i32
        %get3A_1331 = arith.constant 1 : i32
        %get3A_1332 = arith.index_cast %get3A_1330 : i32 to index
        %get3A_1333 = arith.index_cast %get3A_1331 : i32 to index
        %get3A_1334 = arith.index_cast %mul3A_1321 : i32 to index
        %get3A_1335 = tpu.vector_load %arg5[%get3A_1332, %get3A_1333, %get3A_1334] {strides = array<i32>} : memref<2x19x2048xf32, #tpu.memory_space<vmem>>, vector<16xf32>,
        %gt3A_1336 = arith.cmpf ogt, %get3A_1335, %get3A_1327 : vector<16xf32>
        %select_n3A_1337 = arith.select %gt3A_1336, %get3A_1335, %get3A_1327 : vector<16xi1>, vector<16xf32>
        %broadcast_in_dim3A_1338 = arith.constant 1 : i32
        %broadcast_in_dim3A_1339 = vector.broadcast %broadcast_in_dim3A_1338 : i32 to vector<16xi32>
        %select_n3A_1340 = arith.select %gt3A_1336, %broadcast_in_dim3A_1339, %broadcast_in_dim3A_1329 : vector<16xi1>, vector<16xi32>
        %get3A_1341 = arith.constant 0 : i32
        %get3A_1342 = arith.constant 2 : i32
        %get3A_1343 = arith.index_cast %get3A_1341 : i32 to index
        %get3A_1344 = arith.index_cast %get3A_1342 : i32 to index
        %get3A_1345 = arith.index_cast %mul3A_1321 : i32 to index
        %get3A_1346 = tpu.vector_load %arg5[%get3A_1343, %get3A_1344, %get3A_1345] {strides = array<i32>} : memref<2x19x2048xf32, #tpu.memory_space<vmem>>, vector<16xf32>,
        %gt3A_1347 = arith.cmpf ogt, %get3A_1346, %select_n3A_1337 : vector<16xf32>
        %select_n3A_1348 = arith.select %gt3A_1347, %get3A_1346, %select_n3A_1337 : vector<16xi1>, vector<16xf32>
        %broadcast_in_dim3A_1349 = arith.constant 2 : i32
        %broadcast_in_dim3A_1350 = vector.broadcast %broadcast_in_dim3A_1349 : i32 to vector<16xi32>
        %select_n3A_1351 = arith.select %gt3A_1347, %broadcast_in_dim3A_1350, %select_n3A_1340 : vector<16xi1>, vector<16xi32>
        %get3A_1352 = arith.constant 0 : i32
        %get3A_1353 = arith.constant 3 : i32
        %get3A_1354 = arith.index_cast %get3A_1352 : i32 to index
        %get3A_1355 = arith.index_cast %get3A_1353 : i32 to index
        %get3A_1356 = arith.index_cast %mul3A_1321 : i32 to index
        %get3A_1357 = tpu.vector_load %arg5[%get3A_1354, %get3A_1355, %get3A_1356] {strides = array<i32>} : memref<2x19x2048xf32, #tpu.memory_space<vmem>>, vector<16xf32>,
        %gt3A_1358 = arith.cmpf ogt, %get3A_1357, %select_n3A_1348 : vector<16xf32>
        %select_n3A_1359 = arith.select %gt3A_1358, %get3A_1357, %select_n3A_1348 : vector<16xi1>, vector<16xf32>
        %broadcast_in_dim3A_1360 = arith.constant 3 : i32
        %broadcast_in_dim3A_1361 = vector.broadcast %broadcast_in_dim3A_1360 : i32 to vector<16xi32>
        %select_n3A_1362 = arith.select %gt3A_1358, %broadcast_in_dim3A_1361, %select_n3A_1351 : vector<16xi1>, vector<16xi32>
        %get3A_1363 = arith.constant 0 : i32
        %get3A_1364 = arith.constant 4 : i32
        %get3A_1365 = arith.index_cast %get3A_1363 : i32 to index
        %get3A_1366 = arith.index_cast %get3A_1364 : i32 to index
        %get3A_1367 = arith.index_cast %mul3A_1321 : i32 to index
        %get3A_1368 = tpu.vector_load %arg5[%get3A_1365, %get3A_1366, %get3A_1367] {strides = array<i32>} : memref<2x19x2048xf32, #tpu.memory_space<vmem>>, vector<16xf32>,
        %gt3A_1369 = arith.cmpf ogt, %get3A_1368, %select_n3A_1359 : vector<16xf32>
        %select_n3A_1370 = arith.select %gt3A_1369, %get3A_1368, %select_n3A_1359 : vector<16xi1>, vector<16xf32>
        %broadcast_in_dim3A_1371 = arith.constant 4 : i32
        %broadcast_in_dim3A_1372 = vector.broadcast %broadcast_in_dim3A_1371 : i32 to vector<16xi32>
        %select_n3A_1373 = arith.select %gt3A_1369, %broadcast_in_dim3A_1372, %select_n3A_1362 : vector<16xi1>, vector<16xi32>
        %get3A_1374 = arith.constant 0 : i32
        %get3A_1375 = arith.constant 5 : i32
        %get3A_1376 = arith.index_cast %get3A_1374 : i32 to index
        %get3A_1377 = arith.index_cast %get3A_1375 : i32 to index
        %get3A_1378 = arith.index_cast %mul3A_1321 : i32 to index
        %get3A_1379 = tpu.vector_load %arg5[%get3A_1376, %get3A_1377, %get3A_1378] {strides = array<i32>} : memref<2x19x2048xf32, #tpu.memory_space<vmem>>, vector<16xf32>,
        %gt3A_1380 = arith.cmpf ogt, %get3A_1379, %select_n3A_1370 : vector<16xf32>
        %select_n3A_1381 = arith.select %gt3A_1380, %get3A_1379, %select_n3A_1370 : vector<16xi1>, vector<16xf32>
        %broadcast_in_dim3A_1382 = arith.constant 5 : i32
        %broadcast_in_dim3A_1383 = vector.broadcast %broadcast_in_dim3A_1382 : i32 to vector<16xi32>
        %select_n3A_1384 = arith.select %gt3A_1380, %broadcast_in_dim3A_1383, %select_n3A_1373 : vector<16xi1>, vector<16xi32>
        %get3A_1385 = arith.constant 0 : i32
        %get3A_1386 = arith.constant 6 : i32
        %get3A_1387 = arith.index_cast %get3A_1385 : i32 to index
        %get3A_1388 = arith.index_cast %get3A_1386 : i32 to index
        %get3A_1389 = arith.index_cast %mul3A_1321 : i32 to index
        %get3A_1390 = tpu.vector_load %arg5[%get3A_1387, %get3A_1388, %get3A_1389] {strides = array<i32>} : memref<2x19x2048xf32, #tpu.memory_space<vmem>>, vector<16xf32>,
        %gt3A_1391 = arith.cmpf ogt, %get3A_1390, %select_n3A_1381 : vector<16xf32>
        %select_n3A_1392 = arith.select %gt3A_1391, %get3A_1390, %select_n3A_1381 : vector<16xi1>, vector<16xf32>
        %broadcast_in_dim3A_1393 = arith.constant 6 : i32
        %broadcast_in_dim3A_1394 = vector.broadcast %broadcast_in_dim3A_1393 : i32 to vector<16xi32>
        %select_n3A_1395 = arith.select %gt3A_1391, %broadcast_in_dim3A_1394, %select_n3A_1384 : vector<16xi1>, vector<16xi32>
        %get3A_1396 = arith.constant 0 : i32
        %get3A_1397 = arith.constant 7 : i32
        %get3A_1398 = arith.index_cast %get3A_1396 : i32 to index
        %get3A_1399 = arith.index_cast %get3A_1397 : i32 to index
        %get3A_1400 = arith.index_cast %mul3A_1321 : i32 to index
        %get3A_1401 = tpu.vector_load %arg5[%get3A_1398, %get3A_1399, %get3A_1400] {strides = array<i32>} : memref<2x19x2048xf32, #tpu.memory_space<vmem>>, vector<16xf32>,
        %gt3A_1402 = arith.cmpf ogt, %get3A_1401, %select_n3A_1392 : vector<16xf32>
        %select_n3A_1403 = arith.select %gt3A_1402, %get3A_1401, %select_n3A_1392 : vector<16xi1>, vector<16xf32>
        %broadcast_in_dim3A_1404 = arith.constant 7 : i32
        %broadcast_in_dim3A_1405 = vector.broadcast %broadcast_in_dim3A_1404 : i32 to vector<16xi32>
        %select_n3A_1406 = arith.select %gt3A_1402, %broadcast_in_dim3A_1405, %select_n3A_1395 : vector<16xi1>, vector<16xi32>
        %get3A_1407 = arith.constant 0 : i32
        %get3A_1408 = arith.constant 8 : i32
        %get3A_1409 = arith.index_cast %get3A_1407 : i32 to index
        %get3A_1410 = arith.index_cast %get3A_1408 : i32 to index
        %get3A_1411 = arith.index_cast %mul3A_1321 : i32 to index
        %get3A_1412 = tpu.vector_load %arg5[%get3A_1409, %get3A_1410, %get3A_1411] {strides = array<i32>} : memref<2x19x2048xf32, #tpu.memory_space<vmem>>, vector<16xf32>,
        %gt3A_1413 = arith.cmpf ogt, %get3A_1412, %select_n3A_1403 : vector<16xf32>
        %select_n3A_1414 = arith.select %gt3A_1413, %get3A_1412, %select_n3A_1403 : vector<16xi1>, vector<16xf32>
        %broadcast_in_dim3A_1415 = arith.constant 8 : i32
        %broadcast_in_dim3A_1416 = vector.broadcast %broadcast_in_dim3A_1415 : i32 to vector<16xi32>
        %select_n3A_1417 = arith.select %gt3A_1413, %broadcast_in_dim3A_1416, %select_n3A_1406 : vector<16xi1>, vector<16xi32>
        %get3A_1418 = arith.constant 0 : i32
        %get3A_1419 = arith.constant 9 : i32
        %get3A_1420 = arith.index_cast %get3A_1418 : i32 to index
        %get3A_1421 = arith.index_cast %get3A_1419 : i32 to index
        %get3A_1422 = arith.index_cast %mul3A_1321 : i32 to index
        %get3A_1423 = tpu.vector_load %arg5[%get3A_1420, %get3A_1421, %get3A_1422] {strides = array<i32>} : memref<2x19x2048xf32, #tpu.memory_space<vmem>>, vector<16xf32>,
        %gt3A_1424 = arith.cmpf ogt, %get3A_1423, %select_n3A_1414 : vector<16xf32>
        %select_n3A_1425 = arith.select %gt3A_1424, %get3A_1423, %select_n3A_1414 : vector<16xi1>, vector<16xf32>
        %broadcast_in_dim3A_1426 = arith.constant 9 : i32
        %broadcast_in_dim3A_1427 = vector.broadcast %broadcast_in_dim3A_1426 : i32 to vector<16xi32>
        %select_n3A_1428 = arith.select %gt3A_1424, %broadcast_in_dim3A_1427, %select_n3A_1417 : vector<16xi1>, vector<16xi32>
        %get3A_1429 = arith.constant 0 : i32
        %get3A_1430 = arith.constant 10 : i32
        %get3A_1431 = arith.index_cast %get3A_1429 : i32 to index
        %get3A_1432 = arith.index_cast %get3A_1430 : i32 to index
        %get3A_1433 = arith.index_cast %mul3A_1321 : i32 to index
        %get3A_1434 = tpu.vector_load %arg5[%get3A_1431, %get3A_1432, %get3A_1433] {strides = array<i32>} : memref<2x19x2048xf32, #tpu.memory_space<vmem>>, vector<16xf32>,
        %gt3A_1435 = arith.cmpf ogt, %get3A_1434, %select_n3A_1425 : vector<16xf32>
        %select_n3A_1436 = arith.select %gt3A_1435, %get3A_1434, %select_n3A_1425 : vector<16xi1>, vector<16xf32>
        %broadcast_in_dim3A_1437 = arith.constant 10 : i32
        %broadcast_in_dim3A_1438 = vector.broadcast %broadcast_in_dim3A_1437 : i32 to vector<16xi32>
        %select_n3A_1439 = arith.select %gt3A_1435, %broadcast_in_dim3A_1438, %select_n3A_1428 : vector<16xi1>, vector<16xi32>
        %get3A_1440 = arith.constant 0 : i32
        %get3A_1441 = arith.constant 11 : i32
        %get3A_1442 = arith.index_cast %get3A_1440 : i32 to index
        %get3A_1443 = arith.index_cast %get3A_1441 : i32 to index
        %get3A_1444 = arith.index_cast %mul3A_1321 : i32 to index
        %get3A_1445 = tpu.vector_load %arg5[%get3A_1442, %get3A_1443, %get3A_1444] {strides = array<i32>} : memref<2x19x2048xf32, #tpu.memory_space<vmem>>, vector<16xf32>,
        %gt3A_1446 = arith.cmpf ogt, %get3A_1445, %select_n3A_1436 : vector<16xf32>
        %select_n3A_1447 = arith.select %gt3A_1446, %get3A_1445, %select_n3A_1436 : vector<16xi1>, vector<16xf32>
        %broadcast_in_dim3A_1448 = arith.constant 11 : i32
        %broadcast_in_dim3A_1449 = vector.broadcast %broadcast_in_dim3A_1448 : i32 to vector<16xi32>
        %select_n3A_1450 = arith.select %gt3A_1446, %broadcast_in_dim3A_1449, %select_n3A_1439 : vector<16xi1>, vector<16xi32>
        %get3A_1451 = arith.constant 0 : i32
        %get3A_1452 = arith.constant 12 : i32
        %get3A_1453 = arith.index_cast %get3A_1451 : i32 to index
        %get3A_1454 = arith.index_cast %get3A_1452 : i32 to index
        %get3A_1455 = arith.index_cast %mul3A_1321 : i32 to index
        %get3A_1456 = tpu.vector_load %arg5[%get3A_1453, %get3A_1454, %get3A_1455] {strides = array<i32>} : memref<2x19x2048xf32, #tpu.memory_space<vmem>>, vector<16xf32>,
        %gt3A_1457 = arith.cmpf ogt, %get3A_1456, %select_n3A_1447 : vector<16xf32>
        %select_n3A_1458 = arith.select %gt3A_1457, %get3A_1456, %select_n3A_1447 : vector<16xi1>, vector<16xf32>
        %broadcast_in_dim3A_1459 = arith.constant 12 : i32
        %broadcast_in_dim3A_1460 = vector.broadcast %broadcast_in_dim3A_1459 : i32 to vector<16xi32>
        %select_n3A_1461 = arith.select %gt3A_1457, %broadcast_in_dim3A_1460, %select_n3A_1450 : vector<16xi1>, vector<16xi32>
        %get3A_1462 = arith.constant 0 : i32
        %get3A_1463 = arith.constant 13 : i32
        %get3A_1464 = arith.index_cast %get3A_1462 : i32 to index
        %get3A_1465 = arith.index_cast %get3A_1463 : i32 to index
        %get3A_1466 = arith.index_cast %mul3A_1321 : i32 to index
        %get3A_1467 = tpu.vector_load %arg5[%get3A_1464, %get3A_1465, %get3A_1466] {strides = array<i32>} : memref<2x19x2048xf32, #tpu.memory_space<vmem>>, vector<16xf32>,
        %gt3A_1468 = arith.cmpf ogt, %get3A_1467, %select_n3A_1458 : vector<16xf32>
        %select_n3A_1469 = arith.select %gt3A_1468, %get3A_1467, %select_n3A_1458 : vector<16xi1>, vector<16xf32>
        %broadcast_in_dim3A_1470 = arith.constant 13 : i32
        %broadcast_in_dim3A_1471 = vector.broadcast %broadcast_in_dim3A_1470 : i32 to vector<16xi32>
        %select_n3A_1472 = arith.select %gt3A_1468, %broadcast_in_dim3A_1471, %select_n3A_1461 : vector<16xi1>, vector<16xi32>
        %get3A_1473 = arith.constant 0 : i32
        %get3A_1474 = arith.constant 14 : i32
        %get3A_1475 = arith.index_cast %get3A_1473 : i32 to index
        %get3A_1476 = arith.index_cast %get3A_1474 : i32 to index
        %get3A_1477 = arith.index_cast %mul3A_1321 : i32 to index
        %get3A_1478 = tpu.vector_load %arg5[%get3A_1475, %get3A_1476, %get3A_1477] {strides = array<i32>} : memref<2x19x2048xf32, #tpu.memory_space<vmem>>, vector<16xf32>,
        %gt3A_1479 = arith.cmpf ogt, %get3A_1478, %select_n3A_1469 : vector<16xf32>
        %select_n3A_1480 = arith.select %gt3A_1479, %get3A_1478, %select_n3A_1469 : vector<16xi1>, vector<16xf32>
        %broadcast_in_dim3A_1481 = arith.constant 14 : i32
        %broadcast_in_dim3A_1482 = vector.broadcast %broadcast_in_dim3A_1481 : i32 to vector<16xi32>
        %select_n3A_1483 = arith.select %gt3A_1479, %broadcast_in_dim3A_1482, %select_n3A_1472 : vector<16xi1>, vector<16xi32>
        %get3A_1484 = arith.constant 0 : i32
        %get3A_1485 = arith.constant 15 : i32
        %get3A_1486 = arith.index_cast %get3A_1484 : i32 to index
        %get3A_1487 = arith.index_cast %get3A_1485 : i32 to index
        %get3A_1488 = arith.index_cast %mul3A_1321 : i32 to index
        %get3A_1489 = tpu.vector_load %arg5[%get3A_1486, %get3A_1487, %get3A_1488] {strides = array<i32>} : memref<2x19x2048xf32, #tpu.memory_space<vmem>>, vector<16xf32>,
        %gt3A_1490 = arith.cmpf ogt, %get3A_1489, %select_n3A_1480 : vector<16xf32>
        %select_n3A_1491 = arith.select %gt3A_1490, %get3A_1489, %select_n3A_1480 : vector<16xi1>, vector<16xf32>
        %broadcast_in_dim3A_1492 = arith.constant 15 : i32
        %broadcast_in_dim3A_1493 = vector.broadcast %broadcast_in_dim3A_1492 : i32 to vector<16xi32>
        %select_n3A_1494 = arith.select %gt3A_1490, %broadcast_in_dim3A_1493, %select_n3A_1483 : vector<16xi1>, vector<16xi32>
        %get3A_1495 = arith.constant 0 : i32
        %get3A_1496 = arith.constant 16 : i32
        %get3A_1497 = arith.index_cast %get3A_1495 : i32 to index
        %get3A_1498 = arith.index_cast %get3A_1496 : i32 to index
        %get3A_1499 = arith.index_cast %mul3A_1321 : i32 to index
        %get3A_1500 = tpu.vector_load %arg5[%get3A_1497, %get3A_1498, %get3A_1499] {strides = array<i32>} : memref<2x19x2048xf32, #tpu.memory_space<vmem>>, vector<16xf32>,
        %gt3A_1501 = arith.cmpf ogt, %get3A_1500, %select_n3A_1491 : vector<16xf32>
        %select_n3A_1502 = arith.select %gt3A_1501, %get3A_1500, %select_n3A_1491 : vector<16xi1>, vector<16xf32>
        %broadcast_in_dim3A_1503 = arith.constant 16 : i32
        %broadcast_in_dim3A_1504 = vector.broadcast %broadcast_in_dim3A_1503 : i32 to vector<16xi32>
        %select_n3A_1505 = arith.select %gt3A_1501, %broadcast_in_dim3A_1504, %select_n3A_1494 : vector<16xi1>, vector<16xi32>
        %get3A_1506 = arith.constant 0 : i32
        %get3A_1507 = arith.constant 17 : i32
        %get3A_1508 = arith.index_cast %get3A_1506 : i32 to index
        %get3A_1509 = arith.index_cast %get3A_1507 : i32 to index
        %get3A_1510 = arith.index_cast %mul3A_1321 : i32 to index
        %get3A_1511 = tpu.vector_load %arg5[%get3A_1508, %get3A_1509, %get3A_1510] {strides = array<i32>} : memref<2x19x2048xf32, #tpu.memory_space<vmem>>, vector<16xf32>,
        %gt3A_1512 = arith.cmpf ogt, %get3A_1511, %select_n3A_1502 : vector<16xf32>
        %select_n3A_1513 = arith.select %gt3A_1512, %get3A_1511, %select_n3A_1502 : vector<16xi1>, vector<16xf32>
        %broadcast_in_dim3A_1514 = arith.constant 17 : i32
        %broadcast_in_dim3A_1515 = vector.broadcast %broadcast_in_dim3A_1514 : i32 to vector<16xi32>
        %select_n3A_1516 = arith.select %gt3A_1512, %broadcast_in_dim3A_1515, %select_n3A_1505 : vector<16xi1>, vector<16xi32>
        %get3A_1517 = arith.constant 0 : i32
        %get3A_1518 = arith.constant 18 : i32
        %get3A_1519 = arith.index_cast %get3A_1517 : i32 to index
        %get3A_1520 = arith.index_cast %get3A_1518 : i32 to index
        %get3A_1521 = arith.index_cast %mul3A_1321 : i32 to index
        %get3A_1522 = tpu.vector_load %arg5[%get3A_1519, %get3A_1520, %get3A_1521] {strides = array<i32>} : memref<2x19x2048xf32, #tpu.memory_space<vmem>>, vector<16xf32>,
        %gt3A_1523 = arith.cmpf ogt, %get3A_1522, %select_n3A_1513 : vector<16xf32>
        %select_n3A_1524 = arith.select %gt3A_1523, %get3A_1522, %select_n3A_1513 : vector<16xi1>, vector<16xf32>
        %broadcast_in_dim3A_1525 = arith.constant 18 : i32
        %broadcast_in_dim3A_1526 = vector.broadcast %broadcast_in_dim3A_1525 : i32 to vector<16xi32>
        %select_n3A_1527 = arith.select %gt3A_1523, %broadcast_in_dim3A_1526, %select_n3A_1516 : vector<16xi1>, vector<16xi32>
        %get3A_1528 = arith.constant 0 : i32
        %get3A_1529 = arith.index_cast %get3A_1528 : i32 to index
        %get3A_1530 = arith.index_cast %mul3A_1321 : i32 to index
        %get3A_1531 = tpu.vector_load %arg6[%get3A_1529, %get3A_1530] {strides = array<i32>} : memref<2x2048xi32, #tpu.memory_space<vmem>>, vector<16xi32>,
        %mul3A_1532 = arith.constant 19 : i32
        %mul3A_1533 = vector.broadcast %mul3A_1532 : i32 to vector<16xi32>
        %mul3A_1534 = arith.muli %select_n3A_1527, %mul3A_1533 : vector<16xi32>
        %add3A_1535 = arith.addi %mul3A_1534, %get3A_1531 : vector<16xi32>
        %mul3A_1536 = arith.constant 16 : i32
        %mul3A_1537 = vector.broadcast %mul3A_1536 : i32 to vector<16xi32>
        %mul3A_1538 = arith.muli %add3A_1535, %mul3A_1537 : vector<16xi32>
        %add3A_1539 = arith.addi %mul3A_1538, %iota3A : vector<16xi32>
        tpu.vector_store_idx %arg7[%add3A_1539], %broadcast_in_dim3A_68 {add = true} : memref<6144xf32, #tpu.memory_space<vmem>>[vector<16xi32>], vector<16xf32>,
        %mul3A_1540 = arith.constant 8 : i32
        %mul3A_1541 = arith.muli %scan3A_197, %mul3A_1540 : i32
        %add3A_1542 = arith.constant 6 : i32
        %add3A_1543 = arith.addi %mul3A_1541, %add3A_1542 : i32
        %mul3A_1544 = arith.constant 16 : i32
        %mul3A_1545 = arith.muli %add3A_1543, %mul3A_1544 : i32
        %get3A_1546 = arith.constant 0 : i32
        %get3A_1547 = arith.constant 0 : i32
        %get3A_1548 = arith.index_cast %get3A_1546 : i32 to index
        %get3A_1549 = arith.index_cast %get3A_1547 : i32 to index
        %get3A_1550 = arith.index_cast %mul3A_1545 : i32 to index
        %get3A_1551 = tpu.vector_load %arg5[%get3A_1548, %get3A_1549, %get3A_1550] {strides = array<i32>} : memref<2x19x2048xf32, #tpu.memory_space<vmem>>, vector<16xf32>,
        %broadcast_in_dim3A_1552 = arith.constant 0 : i32
        %broadcast_in_dim3A_1553 = vector.broadcast %broadcast_in_dim3A_1552 : i32 to vector<16xi32>
        %get3A_1554 = arith.constant 0 : i32
        %get3A_1555 = arith.constant 1 : i32
        %get3A_1556 = arith.index_cast %get3A_1554 : i32 to index
        %get3A_1557 = arith.index_cast %get3A_1555 : i32 to index
        %get3A_1558 = arith.index_cast %mul3A_1545 : i32 to index
        %get3A_1559 = tpu.vector_load %arg5[%get3A_1556, %get3A_1557, %get3A_1558] {strides = array<i32>} : memref<2x19x2048xf32, #tpu.memory_space<vmem>>, vector<16xf32>,
        %gt3A_1560 = arith.cmpf ogt, %get3A_1559, %get3A_1551 : vector<16xf32>
        %select_n3A_1561 = arith.select %gt3A_1560, %get3A_1559, %get3A_1551 : vector<16xi1>, vector<16xf32>
        %broadcast_in_dim3A_1562 = arith.constant 1 : i32
        %broadcast_in_dim3A_1563 = vector.broadcast %broadcast_in_dim3A_1562 : i32 to vector<16xi32>
        %select_n3A_1564 = arith.select %gt3A_1560, %broadcast_in_dim3A_1563, %broadcast_in_dim3A_1553 : vector<16xi1>, vector<16xi32>
        %get3A_1565 = arith.constant 0 : i32
        %get3A_1566 = arith.constant 2 : i32
        %get3A_1567 = arith.index_cast %get3A_1565 : i32 to index
        %get3A_1568 = arith.index_cast %get3A_1566 : i32 to index
        %get3A_1569 = arith.index_cast %mul3A_1545 : i32 to index
        %get3A_1570 = tpu.vector_load %arg5[%get3A_1567, %get3A_1568, %get3A_1569] {strides = array<i32>} : memref<2x19x2048xf32, #tpu.memory_space<vmem>>, vector<16xf32>,
        %gt3A_1571 = arith.cmpf ogt, %get3A_1570, %select_n3A_1561 : vector<16xf32>
        %select_n3A_1572 = arith.select %gt3A_1571, %get3A_1570, %select_n3A_1561 : vector<16xi1>, vector<16xf32>
        %broadcast_in_dim3A_1573 = arith.constant 2 : i32
        %broadcast_in_dim3A_1574 = vector.broadcast %broadcast_in_dim3A_1573 : i32 to vector<16xi32>
        %select_n3A_1575 = arith.select %gt3A_1571, %broadcast_in_dim3A_1574, %select_n3A_1564 : vector<16xi1>, vector<16xi32>
        %get3A_1576 = arith.constant 0 : i32
        %get3A_1577 = arith.constant 3 : i32
        %get3A_1578 = arith.index_cast %get3A_1576 : i32 to index
        %get3A_1579 = arith.index_cast %get3A_1577 : i32 to index
        %get3A_1580 = arith.index_cast %mul3A_1545 : i32 to index
        %get3A_1581 = tpu.vector_load %arg5[%get3A_1578, %get3A_1579, %get3A_1580] {strides = array<i32>} : memref<2x19x2048xf32, #tpu.memory_space<vmem>>, vector<16xf32>,
        %gt3A_1582 = arith.cmpf ogt, %get3A_1581, %select_n3A_1572 : vector<16xf32>
        %select_n3A_1583 = arith.select %gt3A_1582, %get3A_1581, %select_n3A_1572 : vector<16xi1>, vector<16xf32>
        %broadcast_in_dim3A_1584 = arith.constant 3 : i32
        %broadcast_in_dim3A_1585 = vector.broadcast %broadcast_in_dim3A_1584 : i32 to vector<16xi32>
        %select_n3A_1586 = arith.select %gt3A_1582, %broadcast_in_dim3A_1585, %select_n3A_1575 : vector<16xi1>, vector<16xi32>
        %get3A_1587 = arith.constant 0 : i32
        %get3A_1588 = arith.constant 4 : i32
        %get3A_1589 = arith.index_cast %get3A_1587 : i32 to index
        %get3A_1590 = arith.index_cast %get3A_1588 : i32 to index
        %get3A_1591 = arith.index_cast %mul3A_1545 : i32 to index
        %get3A_1592 = tpu.vector_load %arg5[%get3A_1589, %get3A_1590, %get3A_1591] {strides = array<i32>} : memref<2x19x2048xf32, #tpu.memory_space<vmem>>, vector<16xf32>,
        %gt3A_1593 = arith.cmpf ogt, %get3A_1592, %select_n3A_1583 : vector<16xf32>
        %select_n3A_1594 = arith.select %gt3A_1593, %get3A_1592, %select_n3A_1583 : vector<16xi1>, vector<16xf32>
        %broadcast_in_dim3A_1595 = arith.constant 4 : i32
        %broadcast_in_dim3A_1596 = vector.broadcast %broadcast_in_dim3A_1595 : i32 to vector<16xi32>
        %select_n3A_1597 = arith.select %gt3A_1593, %broadcast_in_dim3A_1596, %select_n3A_1586 : vector<16xi1>, vector<16xi32>
        %get3A_1598 = arith.constant 0 : i32
        %get3A_1599 = arith.constant 5 : i32
        %get3A_1600 = arith.index_cast %get3A_1598 : i32 to index
        %get3A_1601 = arith.index_cast %get3A_1599 : i32 to index
        %get3A_1602 = arith.index_cast %mul3A_1545 : i32 to index
        %get3A_1603 = tpu.vector_load %arg5[%get3A_1600, %get3A_1601, %get3A_1602] {strides = array<i32>} : memref<2x19x2048xf32, #tpu.memory_space<vmem>>, vector<16xf32>,
        %gt3A_1604 = arith.cmpf ogt, %get3A_1603, %select_n3A_1594 : vector<16xf32>
        %select_n3A_1605 = arith.select %gt3A_1604, %get3A_1603, %select_n3A_1594 : vector<16xi1>, vector<16xf32>
        %broadcast_in_dim3A_1606 = arith.constant 5 : i32
        %broadcast_in_dim3A_1607 = vector.broadcast %broadcast_in_dim3A_1606 : i32 to vector<16xi32>
        %select_n3A_1608 = arith.select %gt3A_1604, %broadcast_in_dim3A_1607, %select_n3A_1597 : vector<16xi1>, vector<16xi32>
        %get3A_1609 = arith.constant 0 : i32
        %get3A_1610 = arith.constant 6 : i32
        %get3A_1611 = arith.index_cast %get3A_1609 : i32 to index
        %get3A_1612 = arith.index_cast %get3A_1610 : i32 to index
        %get3A_1613 = arith.index_cast %mul3A_1545 : i32 to index
        %get3A_1614 = tpu.vector_load %arg5[%get3A_1611, %get3A_1612, %get3A_1613] {strides = array<i32>} : memref<2x19x2048xf32, #tpu.memory_space<vmem>>, vector<16xf32>,
        %gt3A_1615 = arith.cmpf ogt, %get3A_1614, %select_n3A_1605 : vector<16xf32>
        %select_n3A_1616 = arith.select %gt3A_1615, %get3A_1614, %select_n3A_1605 : vector<16xi1>, vector<16xf32>
        %broadcast_in_dim3A_1617 = arith.constant 6 : i32
        %broadcast_in_dim3A_1618 = vector.broadcast %broadcast_in_dim3A_1617 : i32 to vector<16xi32>
        %select_n3A_1619 = arith.select %gt3A_1615, %broadcast_in_dim3A_1618, %select_n3A_1608 : vector<16xi1>, vector<16xi32>
        %get3A_1620 = arith.constant 0 : i32
        %get3A_1621 = arith.constant 7 : i32
        %get3A_1622 = arith.index_cast %get3A_1620 : i32 to index
        %get3A_1623 = arith.index_cast %get3A_1621 : i32 to index
        %get3A_1624 = arith.index_cast %mul3A_1545 : i32 to index
        %get3A_1625 = tpu.vector_load %arg5[%get3A_1622, %get3A_1623, %get3A_1624] {strides = array<i32>} : memref<2x19x2048xf32, #tpu.memory_space<vmem>>, vector<16xf32>,
        %gt3A_1626 = arith.cmpf ogt, %get3A_1625, %select_n3A_1616 : vector<16xf32>
        %select_n3A_1627 = arith.select %gt3A_1626, %get3A_1625, %select_n3A_1616 : vector<16xi1>, vector<16xf32>
        %broadcast_in_dim3A_1628 = arith.constant 7 : i32
        %broadcast_in_dim3A_1629 = vector.broadcast %broadcast_in_dim3A_1628 : i32 to vector<16xi32>
        %select_n3A_1630 = arith.select %gt3A_1626, %broadcast_in_dim3A_1629, %select_n3A_1619 : vector<16xi1>, vector<16xi32>
        %get3A_1631 = arith.constant 0 : i32
        %get3A_1632 = arith.constant 8 : i32
        %get3A_1633 = arith.index_cast %get3A_1631 : i32 to index
        %get3A_1634 = arith.index_cast %get3A_1632 : i32 to index
        %get3A_1635 = arith.index_cast %mul3A_1545 : i32 to index
        %get3A_1636 = tpu.vector_load %arg5[%get3A_1633, %get3A_1634, %get3A_1635] {strides = array<i32>} : memref<2x19x2048xf32, #tpu.memory_space<vmem>>, vector<16xf32>,
        %gt3A_1637 = arith.cmpf ogt, %get3A_1636, %select_n3A_1627 : vector<16xf32>
        %select_n3A_1638 = arith.select %gt3A_1637, %get3A_1636, %select_n3A_1627 : vector<16xi1>, vector<16xf32>
        %broadcast_in_dim3A_1639 = arith.constant 8 : i32
        %broadcast_in_dim3A_1640 = vector.broadcast %broadcast_in_dim3A_1639 : i32 to vector<16xi32>
        %select_n3A_1641 = arith.select %gt3A_1637, %broadcast_in_dim3A_1640, %select_n3A_1630 : vector<16xi1>, vector<16xi32>
        %get3A_1642 = arith.constant 0 : i32
        %get3A_1643 = arith.constant 9 : i32
        %get3A_1644 = arith.index_cast %get3A_1642 : i32 to index
        %get3A_1645 = arith.index_cast %get3A_1643 : i32 to index
        %get3A_1646 = arith.index_cast %mul3A_1545 : i32 to index
        %get3A_1647 = tpu.vector_load %arg5[%get3A_1644, %get3A_1645, %get3A_1646] {strides = array<i32>} : memref<2x19x2048xf32, #tpu.memory_space<vmem>>, vector<16xf32>,
        %gt3A_1648 = arith.cmpf ogt, %get3A_1647, %select_n3A_1638 : vector<16xf32>
        %select_n3A_1649 = arith.select %gt3A_1648, %get3A_1647, %select_n3A_1638 : vector<16xi1>, vector<16xf32>
        %broadcast_in_dim3A_1650 = arith.constant 9 : i32
        %broadcast_in_dim3A_1651 = vector.broadcast %broadcast_in_dim3A_1650 : i32 to vector<16xi32>
        %select_n3A_1652 = arith.select %gt3A_1648, %broadcast_in_dim3A_1651, %select_n3A_1641 : vector<16xi1>, vector<16xi32>
        %get3A_1653 = arith.constant 0 : i32
        %get3A_1654 = arith.constant 10 : i32
        %get3A_1655 = arith.index_cast %get3A_1653 : i32 to index
        %get3A_1656 = arith.index_cast %get3A_1654 : i32 to index
        %get3A_1657 = arith.index_cast %mul3A_1545 : i32 to index
        %get3A_1658 = tpu.vector_load %arg5[%get3A_1655, %get3A_1656, %get3A_1657] {strides = array<i32>} : memref<2x19x2048xf32, #tpu.memory_space<vmem>>, vector<16xf32>,
        %gt3A_1659 = arith.cmpf ogt, %get3A_1658, %select_n3A_1649 : vector<16xf32>
        %select_n3A_1660 = arith.select %gt3A_1659, %get3A_1658, %select_n3A_1649 : vector<16xi1>, vector<16xf32>
        %broadcast_in_dim3A_1661 = arith.constant 10 : i32
        %broadcast_in_dim3A_1662 = vector.broadcast %broadcast_in_dim3A_1661 : i32 to vector<16xi32>
        %select_n3A_1663 = arith.select %gt3A_1659, %broadcast_in_dim3A_1662, %select_n3A_1652 : vector<16xi1>, vector<16xi32>
        %get3A_1664 = arith.constant 0 : i32
        %get3A_1665 = arith.constant 11 : i32
        %get3A_1666 = arith.index_cast %get3A_1664 : i32 to index
        %get3A_1667 = arith.index_cast %get3A_1665 : i32 to index
        %get3A_1668 = arith.index_cast %mul3A_1545 : i32 to index
        %get3A_1669 = tpu.vector_load %arg5[%get3A_1666, %get3A_1667, %get3A_1668] {strides = array<i32>} : memref<2x19x2048xf32, #tpu.memory_space<vmem>>, vector<16xf32>,
        %gt3A_1670 = arith.cmpf ogt, %get3A_1669, %select_n3A_1660 : vector<16xf32>
        %select_n3A_1671 = arith.select %gt3A_1670, %get3A_1669, %select_n3A_1660 : vector<16xi1>, vector<16xf32>
        %broadcast_in_dim3A_1672 = arith.constant 11 : i32
        %broadcast_in_dim3A_1673 = vector.broadcast %broadcast_in_dim3A_1672 : i32 to vector<16xi32>
        %select_n3A_1674 = arith.select %gt3A_1670, %broadcast_in_dim3A_1673, %select_n3A_1663 : vector<16xi1>, vector<16xi32>
        %get3A_1675 = arith.constant 0 : i32
        %get3A_1676 = arith.constant 12 : i32
        %get3A_1677 = arith.index_cast %get3A_1675 : i32 to index
        %get3A_1678 = arith.index_cast %get3A_1676 : i32 to index
        %get3A_1679 = arith.index_cast %mul3A_1545 : i32 to index
        %get3A_1680 = tpu.vector_load %arg5[%get3A_1677, %get3A_1678, %get3A_1679] {strides = array<i32>} : memref<2x19x2048xf32, #tpu.memory_space<vmem>>, vector<16xf32>,
        %gt3A_1681 = arith.cmpf ogt, %get3A_1680, %select_n3A_1671 : vector<16xf32>
        %select_n3A_1682 = arith.select %gt3A_1681, %get3A_1680, %select_n3A_1671 : vector<16xi1>, vector<16xf32>
        %broadcast_in_dim3A_1683 = arith.constant 12 : i32
        %broadcast_in_dim3A_1684 = vector.broadcast %broadcast_in_dim3A_1683 : i32 to vector<16xi32>
        %select_n3A_1685 = arith.select %gt3A_1681, %broadcast_in_dim3A_1684, %select_n3A_1674 : vector<16xi1>, vector<16xi32>
        %get3A_1686 = arith.constant 0 : i32
        %get3A_1687 = arith.constant 13 : i32
        %get3A_1688 = arith.index_cast %get3A_1686 : i32 to index
        %get3A_1689 = arith.index_cast %get3A_1687 : i32 to index
        %get3A_1690 = arith.index_cast %mul3A_1545 : i32 to index
        %get3A_1691 = tpu.vector_load %arg5[%get3A_1688, %get3A_1689, %get3A_1690] {strides = array<i32>} : memref<2x19x2048xf32, #tpu.memory_space<vmem>>, vector<16xf32>,
        %gt3A_1692 = arith.cmpf ogt, %get3A_1691, %select_n3A_1682 : vector<16xf32>
        %select_n3A_1693 = arith.select %gt3A_1692, %get3A_1691, %select_n3A_1682 : vector<16xi1>, vector<16xf32>
        %broadcast_in_dim3A_1694 = arith.constant 13 : i32
        %broadcast_in_dim3A_1695 = vector.broadcast %broadcast_in_dim3A_1694 : i32 to vector<16xi32>
        %select_n3A_1696 = arith.select %gt3A_1692, %broadcast_in_dim3A_1695, %select_n3A_1685 : vector<16xi1>, vector<16xi32>
        %get3A_1697 = arith.constant 0 : i32
        %get3A_1698 = arith.constant 14 : i32
        %get3A_1699 = arith.index_cast %get3A_1697 : i32 to index
        %get3A_1700 = arith.index_cast %get3A_1698 : i32 to index
        %get3A_1701 = arith.index_cast %mul3A_1545 : i32 to index
        %get3A_1702 = tpu.vector_load %arg5[%get3A_1699, %get3A_1700, %get3A_1701] {strides = array<i32>} : memref<2x19x2048xf32, #tpu.memory_space<vmem>>, vector<16xf32>,
        %gt3A_1703 = arith.cmpf ogt, %get3A_1702, %select_n3A_1693 : vector<16xf32>
        %select_n3A_1704 = arith.select %gt3A_1703, %get3A_1702, %select_n3A_1693 : vector<16xi1>, vector<16xf32>
        %broadcast_in_dim3A_1705 = arith.constant 14 : i32
        %broadcast_in_dim3A_1706 = vector.broadcast %broadcast_in_dim3A_1705 : i32 to vector<16xi32>
        %select_n3A_1707 = arith.select %gt3A_1703, %broadcast_in_dim3A_1706, %select_n3A_1696 : vector<16xi1>, vector<16xi32>
        %get3A_1708 = arith.constant 0 : i32
        %get3A_1709 = arith.constant 15 : i32
        %get3A_1710 = arith.index_cast %get3A_1708 : i32 to index
        %get3A_1711 = arith.index_cast %get3A_1709 : i32 to index
        %get3A_1712 = arith.index_cast %mul3A_1545 : i32 to index
        %get3A_1713 = tpu.vector_load %arg5[%get3A_1710, %get3A_1711, %get3A_1712] {strides = array<i32>} : memref<2x19x2048xf32, #tpu.memory_space<vmem>>, vector<16xf32>,
        %gt3A_1714 = arith.cmpf ogt, %get3A_1713, %select_n3A_1704 : vector<16xf32>
        %select_n3A_1715 = arith.select %gt3A_1714, %get3A_1713, %select_n3A_1704 : vector<16xi1>, vector<16xf32>
        %broadcast_in_dim3A_1716 = arith.constant 15 : i32
        %broadcast_in_dim3A_1717 = vector.broadcast %broadcast_in_dim3A_1716 : i32 to vector<16xi32>
        %select_n3A_1718 = arith.select %gt3A_1714, %broadcast_in_dim3A_1717, %select_n3A_1707 : vector<16xi1>, vector<16xi32>
        %get3A_1719 = arith.constant 0 : i32
        %get3A_1720 = arith.constant 16 : i32
        %get3A_1721 = arith.index_cast %get3A_1719 : i32 to index
        %get3A_1722 = arith.index_cast %get3A_1720 : i32 to index
        %get3A_1723 = arith.index_cast %mul3A_1545 : i32 to index
        %get3A_1724 = tpu.vector_load %arg5[%get3A_1721, %get3A_1722, %get3A_1723] {strides = array<i32>} : memref<2x19x2048xf32, #tpu.memory_space<vmem>>, vector<16xf32>,
        %gt3A_1725 = arith.cmpf ogt, %get3A_1724, %select_n3A_1715 : vector<16xf32>
        %select_n3A_1726 = arith.select %gt3A_1725, %get3A_1724, %select_n3A_1715 : vector<16xi1>, vector<16xf32>
        %broadcast_in_dim3A_1727 = arith.constant 16 : i32
        %broadcast_in_dim3A_1728 = vector.broadcast %broadcast_in_dim3A_1727 : i32 to vector<16xi32>
        %select_n3A_1729 = arith.select %gt3A_1725, %broadcast_in_dim3A_1728, %select_n3A_1718 : vector<16xi1>, vector<16xi32>
        %get3A_1730 = arith.constant 0 : i32
        %get3A_1731 = arith.constant 17 : i32
        %get3A_1732 = arith.index_cast %get3A_1730 : i32 to index
        %get3A_1733 = arith.index_cast %get3A_1731 : i32 to index
        %get3A_1734 = arith.index_cast %mul3A_1545 : i32 to index
        %get3A_1735 = tpu.vector_load %arg5[%get3A_1732, %get3A_1733, %get3A_1734] {strides = array<i32>} : memref<2x19x2048xf32, #tpu.memory_space<vmem>>, vector<16xf32>,
        %gt3A_1736 = arith.cmpf ogt, %get3A_1735, %select_n3A_1726 : vector<16xf32>
        %select_n3A_1737 = arith.select %gt3A_1736, %get3A_1735, %select_n3A_1726 : vector<16xi1>, vector<16xf32>
        %broadcast_in_dim3A_1738 = arith.constant 17 : i32
        %broadcast_in_dim3A_1739 = vector.broadcast %broadcast_in_dim3A_1738 : i32 to vector<16xi32>
        %select_n3A_1740 = arith.select %gt3A_1736, %broadcast_in_dim3A_1739, %select_n3A_1729 : vector<16xi1>, vector<16xi32>
        %get3A_1741 = arith.constant 0 : i32
        %get3A_1742 = arith.constant 18 : i32
        %get3A_1743 = arith.index_cast %get3A_1741 : i32 to index
        %get3A_1744 = arith.index_cast %get3A_1742 : i32 to index
        %get3A_1745 = arith.index_cast %mul3A_1545 : i32 to index
        %get3A_1746 = tpu.vector_load %arg5[%get3A_1743, %get3A_1744, %get3A_1745] {strides = array<i32>} : memref<2x19x2048xf32, #tpu.memory_space<vmem>>, vector<16xf32>,
        %gt3A_1747 = arith.cmpf ogt, %get3A_1746, %select_n3A_1737 : vector<16xf32>
        %select_n3A_1748 = arith.select %gt3A_1747, %get3A_1746, %select_n3A_1737 : vector<16xi1>, vector<16xf32>
        %broadcast_in_dim3A_1749 = arith.constant 18 : i32
        %broadcast_in_dim3A_1750 = vector.broadcast %broadcast_in_dim3A_1749 : i32 to vector<16xi32>
        %select_n3A_1751 = arith.select %gt3A_1747, %broadcast_in_dim3A_1750, %select_n3A_1740 : vector<16xi1>, vector<16xi32>
        %get3A_1752 = arith.constant 0 : i32
        %get3A_1753 = arith.index_cast %get3A_1752 : i32 to index
        %get3A_1754 = arith.index_cast %mul3A_1545 : i32 to index
        %get3A_1755 = tpu.vector_load %arg6[%get3A_1753, %get3A_1754] {strides = array<i32>} : memref<2x2048xi32, #tpu.memory_space<vmem>>, vector<16xi32>,
        %mul3A_1756 = arith.constant 19 : i32
        %mul3A_1757 = vector.broadcast %mul3A_1756 : i32 to vector<16xi32>
        %mul3A_1758 = arith.muli %select_n3A_1751, %mul3A_1757 : vector<16xi32>
        %add3A_1759 = arith.addi %mul3A_1758, %get3A_1755 : vector<16xi32>
        %mul3A_1760 = arith.constant 16 : i32
        %mul3A_1761 = vector.broadcast %mul3A_1760 : i32 to vector<16xi32>
        %mul3A_1762 = arith.muli %add3A_1759, %mul3A_1761 : vector<16xi32>
        %add3A_1763 = arith.addi %mul3A_1762, %iota3A : vector<16xi32>
        tpu.vector_store_idx %arg7[%add3A_1763], %broadcast_in_dim3A_68 {add = true} : memref<6144xf32, #tpu.memory_space<vmem>>[vector<16xi32>], vector<16xf32>,
        %mul3A_1764 = arith.constant 8 : i32
        %mul3A_1765 = arith.muli %scan3A_197, %mul3A_1764 : i32
        %add3A_1766 = arith.constant 7 : i32
        %add3A_1767 = arith.addi %mul3A_1765, %add3A_1766 : i32
        %mul3A_1768 = arith.constant 16 : i32
        %mul3A_1769 = arith.muli %add3A_1767, %mul3A_1768 : i32
        %get3A_1770 = arith.constant 0 : i32
        %get3A_1771 = arith.constant 0 : i32
        %get3A_1772 = arith.index_cast %get3A_1770 : i32 to index
        %get3A_1773 = arith.index_cast %get3A_1771 : i32 to index
        %get3A_1774 = arith.index_cast %mul3A_1769 : i32 to index
        %get3A_1775 = tpu.vector_load %arg5[%get3A_1772, %get3A_1773, %get3A_1774] {strides = array<i32>} : memref<2x19x2048xf32, #tpu.memory_space<vmem>>, vector<16xf32>,
        %broadcast_in_dim3A_1776 = arith.constant 0 : i32
        %broadcast_in_dim3A_1777 = vector.broadcast %broadcast_in_dim3A_1776 : i32 to vector<16xi32>
        %get3A_1778 = arith.constant 0 : i32
        %get3A_1779 = arith.constant 1 : i32
        %get3A_1780 = arith.index_cast %get3A_1778 : i32 to index
        %get3A_1781 = arith.index_cast %get3A_1779 : i32 to index
        %get3A_1782 = arith.index_cast %mul3A_1769 : i32 to index
        %get3A_1783 = tpu.vector_load %arg5[%get3A_1780, %get3A_1781, %get3A_1782] {strides = array<i32>} : memref<2x19x2048xf32, #tpu.memory_space<vmem>>, vector<16xf32>,
        %gt3A_1784 = arith.cmpf ogt, %get3A_1783, %get3A_1775 : vector<16xf32>
        %select_n3A_1785 = arith.select %gt3A_1784, %get3A_1783, %get3A_1775 : vector<16xi1>, vector<16xf32>
        %broadcast_in_dim3A_1786 = arith.constant 1 : i32
        %broadcast_in_dim3A_1787 = vector.broadcast %broadcast_in_dim3A_1786 : i32 to vector<16xi32>
        %select_n3A_1788 = arith.select %gt3A_1784, %broadcast_in_dim3A_1787, %broadcast_in_dim3A_1777 : vector<16xi1>, vector<16xi32>
        %get3A_1789 = arith.constant 0 : i32
        %get3A_1790 = arith.constant 2 : i32
        %get3A_1791 = arith.index_cast %get3A_1789 : i32 to index
        %get3A_1792 = arith.index_cast %get3A_1790 : i32 to index
        %get3A_1793 = arith.index_cast %mul3A_1769 : i32 to index
        %get3A_1794 = tpu.vector_load %arg5[%get3A_1791, %get3A_1792, %get3A_1793] {strides = array<i32>} : memref<2x19x2048xf32, #tpu.memory_space<vmem>>, vector<16xf32>,
        %gt3A_1795 = arith.cmpf ogt, %get3A_1794, %select_n3A_1785 : vector<16xf32>
        %select_n3A_1796 = arith.select %gt3A_1795, %get3A_1794, %select_n3A_1785 : vector<16xi1>, vector<16xf32>
        %broadcast_in_dim3A_1797 = arith.constant 2 : i32
        %broadcast_in_dim3A_1798 = vector.broadcast %broadcast_in_dim3A_1797 : i32 to vector<16xi32>
        %select_n3A_1799 = arith.select %gt3A_1795, %broadcast_in_dim3A_1798, %select_n3A_1788 : vector<16xi1>, vector<16xi32>
        %get3A_1800 = arith.constant 0 : i32
        %get3A_1801 = arith.constant 3 : i32
        %get3A_1802 = arith.index_cast %get3A_1800 : i32 to index
        %get3A_1803 = arith.index_cast %get3A_1801 : i32 to index
        %get3A_1804 = arith.index_cast %mul3A_1769 : i32 to index
        %get3A_1805 = tpu.vector_load %arg5[%get3A_1802, %get3A_1803, %get3A_1804] {strides = array<i32>} : memref<2x19x2048xf32, #tpu.memory_space<vmem>>, vector<16xf32>,
        %gt3A_1806 = arith.cmpf ogt, %get3A_1805, %select_n3A_1796 : vector<16xf32>
        %select_n3A_1807 = arith.select %gt3A_1806, %get3A_1805, %select_n3A_1796 : vector<16xi1>, vector<16xf32>
        %broadcast_in_dim3A_1808 = arith.constant 3 : i32
        %broadcast_in_dim3A_1809 = vector.broadcast %broadcast_in_dim3A_1808 : i32 to vector<16xi32>
        %select_n3A_1810 = arith.select %gt3A_1806, %broadcast_in_dim3A_1809, %select_n3A_1799 : vector<16xi1>, vector<16xi32>
        %get3A_1811 = arith.constant 0 : i32
        %get3A_1812 = arith.constant 4 : i32
        %get3A_1813 = arith.index_cast %get3A_1811 : i32 to index
        %get3A_1814 = arith.index_cast %get3A_1812 : i32 to index
        %get3A_1815 = arith.index_cast %mul3A_1769 : i32 to index
        %get3A_1816 = tpu.vector_load %arg5[%get3A_1813, %get3A_1814, %get3A_1815] {strides = array<i32>} : memref<2x19x2048xf32, #tpu.memory_space<vmem>>, vector<16xf32>,
        %gt3A_1817 = arith.cmpf ogt, %get3A_1816, %select_n3A_1807 : vector<16xf32>
        %select_n3A_1818 = arith.select %gt3A_1817, %get3A_1816, %select_n3A_1807 : vector<16xi1>, vector<16xf32>
        %broadcast_in_dim3A_1819 = arith.constant 4 : i32
        %broadcast_in_dim3A_1820 = vector.broadcast %broadcast_in_dim3A_1819 : i32 to vector<16xi32>
        %select_n3A_1821 = arith.select %gt3A_1817, %broadcast_in_dim3A_1820, %select_n3A_1810 : vector<16xi1>, vector<16xi32>
        %get3A_1822 = arith.constant 0 : i32
        %get3A_1823 = arith.constant 5 : i32
        %get3A_1824 = arith.index_cast %get3A_1822 : i32 to index
        %get3A_1825 = arith.index_cast %get3A_1823 : i32 to index
        %get3A_1826 = arith.index_cast %mul3A_1769 : i32 to index
        %get3A_1827 = tpu.vector_load %arg5[%get3A_1824, %get3A_1825, %get3A_1826] {strides = array<i32>} : memref<2x19x2048xf32, #tpu.memory_space<vmem>>, vector<16xf32>,
        %gt3A_1828 = arith.cmpf ogt, %get3A_1827, %select_n3A_1818 : vector<16xf32>
        %select_n3A_1829 = arith.select %gt3A_1828, %get3A_1827, %select_n3A_1818 : vector<16xi1>, vector<16xf32>
        %broadcast_in_dim3A_1830 = arith.constant 5 : i32
        %broadcast_in_dim3A_1831 = vector.broadcast %broadcast_in_dim3A_1830 : i32 to vector<16xi32>
        %select_n3A_1832 = arith.select %gt3A_1828, %broadcast_in_dim3A_1831, %select_n3A_1821 : vector<16xi1>, vector<16xi32>
        %get3A_1833 = arith.constant 0 : i32
        %get3A_1834 = arith.constant 6 : i32
        %get3A_1835 = arith.index_cast %get3A_1833 : i32 to index
        %get3A_1836 = arith.index_cast %get3A_1834 : i32 to index
        %get3A_1837 = arith.index_cast %mul3A_1769 : i32 to index
        %get3A_1838 = tpu.vector_load %arg5[%get3A_1835, %get3A_1836, %get3A_1837] {strides = array<i32>} : memref<2x19x2048xf32, #tpu.memory_space<vmem>>, vector<16xf32>,
        %gt3A_1839 = arith.cmpf ogt, %get3A_1838, %select_n3A_1829 : vector<16xf32>
        %select_n3A_1840 = arith.select %gt3A_1839, %get3A_1838, %select_n3A_1829 : vector<16xi1>, vector<16xf32>
        %broadcast_in_dim3A_1841 = arith.constant 6 : i32
        %broadcast_in_dim3A_1842 = vector.broadcast %broadcast_in_dim3A_1841 : i32 to vector<16xi32>
        %select_n3A_1843 = arith.select %gt3A_1839, %broadcast_in_dim3A_1842, %select_n3A_1832 : vector<16xi1>, vector<16xi32>
        %get3A_1844 = arith.constant 0 : i32
        %get3A_1845 = arith.constant 7 : i32
        %get3A_1846 = arith.index_cast %get3A_1844 : i32 to index
        %get3A_1847 = arith.index_cast %get3A_1845 : i32 to index
        %get3A_1848 = arith.index_cast %mul3A_1769 : i32 to index
        %get3A_1849 = tpu.vector_load %arg5[%get3A_1846, %get3A_1847, %get3A_1848] {strides = array<i32>} : memref<2x19x2048xf32, #tpu.memory_space<vmem>>, vector<16xf32>,
        %gt3A_1850 = arith.cmpf ogt, %get3A_1849, %select_n3A_1840 : vector<16xf32>
        %select_n3A_1851 = arith.select %gt3A_1850, %get3A_1849, %select_n3A_1840 : vector<16xi1>, vector<16xf32>
        %broadcast_in_dim3A_1852 = arith.constant 7 : i32
        %broadcast_in_dim3A_1853 = vector.broadcast %broadcast_in_dim3A_1852 : i32 to vector<16xi32>
        %select_n3A_1854 = arith.select %gt3A_1850, %broadcast_in_dim3A_1853, %select_n3A_1843 : vector<16xi1>, vector<16xi32>
        %get3A_1855 = arith.constant 0 : i32
        %get3A_1856 = arith.constant 8 : i32
        %get3A_1857 = arith.index_cast %get3A_1855 : i32 to index
        %get3A_1858 = arith.index_cast %get3A_1856 : i32 to index
        %get3A_1859 = arith.index_cast %mul3A_1769 : i32 to index
        %get3A_1860 = tpu.vector_load %arg5[%get3A_1857, %get3A_1858, %get3A_1859] {strides = array<i32>} : memref<2x19x2048xf32, #tpu.memory_space<vmem>>, vector<16xf32>,
        %gt3A_1861 = arith.cmpf ogt, %get3A_1860, %select_n3A_1851 : vector<16xf32>
        %select_n3A_1862 = arith.select %gt3A_1861, %get3A_1860, %select_n3A_1851 : vector<16xi1>, vector<16xf32>
        %broadcast_in_dim3A_1863 = arith.constant 8 : i32
        %broadcast_in_dim3A_1864 = vector.broadcast %broadcast_in_dim3A_1863 : i32 to vector<16xi32>
        %select_n3A_1865 = arith.select %gt3A_1861, %broadcast_in_dim3A_1864, %select_n3A_1854 : vector<16xi1>, vector<16xi32>
        %get3A_1866 = arith.constant 0 : i32
        %get3A_1867 = arith.constant 9 : i32
        %get3A_1868 = arith.index_cast %get3A_1866 : i32 to index
        %get3A_1869 = arith.index_cast %get3A_1867 : i32 to index
        %get3A_1870 = arith.index_cast %mul3A_1769 : i32 to index
        %get3A_1871 = tpu.vector_load %arg5[%get3A_1868, %get3A_1869, %get3A_1870] {strides = array<i32>} : memref<2x19x2048xf32, #tpu.memory_space<vmem>>, vector<16xf32>,
        %gt3A_1872 = arith.cmpf ogt, %get3A_1871, %select_n3A_1862 : vector<16xf32>
        %select_n3A_1873 = arith.select %gt3A_1872, %get3A_1871, %select_n3A_1862 : vector<16xi1>, vector<16xf32>
        %broadcast_in_dim3A_1874 = arith.constant 9 : i32
        %broadcast_in_dim3A_1875 = vector.broadcast %broadcast_in_dim3A_1874 : i32 to vector<16xi32>
        %select_n3A_1876 = arith.select %gt3A_1872, %broadcast_in_dim3A_1875, %select_n3A_1865 : vector<16xi1>, vector<16xi32>
        %get3A_1877 = arith.constant 0 : i32
        %get3A_1878 = arith.constant 10 : i32
        %get3A_1879 = arith.index_cast %get3A_1877 : i32 to index
        %get3A_1880 = arith.index_cast %get3A_1878 : i32 to index
        %get3A_1881 = arith.index_cast %mul3A_1769 : i32 to index
        %get3A_1882 = tpu.vector_load %arg5[%get3A_1879, %get3A_1880, %get3A_1881] {strides = array<i32>} : memref<2x19x2048xf32, #tpu.memory_space<vmem>>, vector<16xf32>,
        %gt3A_1883 = arith.cmpf ogt, %get3A_1882, %select_n3A_1873 : vector<16xf32>
        %select_n3A_1884 = arith.select %gt3A_1883, %get3A_1882, %select_n3A_1873 : vector<16xi1>, vector<16xf32>
        %broadcast_in_dim3A_1885 = arith.constant 10 : i32
        %broadcast_in_dim3A_1886 = vector.broadcast %broadcast_in_dim3A_1885 : i32 to vector<16xi32>
        %select_n3A_1887 = arith.select %gt3A_1883, %broadcast_in_dim3A_1886, %select_n3A_1876 : vector<16xi1>, vector<16xi32>
        %get3A_1888 = arith.constant 0 : i32
        %get3A_1889 = arith.constant 11 : i32
        %get3A_1890 = arith.index_cast %get3A_1888 : i32 to index
        %get3A_1891 = arith.index_cast %get3A_1889 : i32 to index
        %get3A_1892 = arith.index_cast %mul3A_1769 : i32 to index
        %get3A_1893 = tpu.vector_load %arg5[%get3A_1890, %get3A_1891, %get3A_1892] {strides = array<i32>} : memref<2x19x2048xf32, #tpu.memory_space<vmem>>, vector<16xf32>,
        %gt3A_1894 = arith.cmpf ogt, %get3A_1893, %select_n3A_1884 : vector<16xf32>
        %select_n3A_1895 = arith.select %gt3A_1894, %get3A_1893, %select_n3A_1884 : vector<16xi1>, vector<16xf32>
        %broadcast_in_dim3A_1896 = arith.constant 11 : i32
        %broadcast_in_dim3A_1897 = vector.broadcast %broadcast_in_dim3A_1896 : i32 to vector<16xi32>
        %select_n3A_1898 = arith.select %gt3A_1894, %broadcast_in_dim3A_1897, %select_n3A_1887 : vector<16xi1>, vector<16xi32>
        %get3A_1899 = arith.constant 0 : i32
        %get3A_1900 = arith.constant 12 : i32
        %get3A_1901 = arith.index_cast %get3A_1899 : i32 to index
        %get3A_1902 = arith.index_cast %get3A_1900 : i32 to index
        %get3A_1903 = arith.index_cast %mul3A_1769 : i32 to index
        %get3A_1904 = tpu.vector_load %arg5[%get3A_1901, %get3A_1902, %get3A_1903] {strides = array<i32>} : memref<2x19x2048xf32, #tpu.memory_space<vmem>>, vector<16xf32>,
        %gt3A_1905 = arith.cmpf ogt, %get3A_1904, %select_n3A_1895 : vector<16xf32>
        %select_n3A_1906 = arith.select %gt3A_1905, %get3A_1904, %select_n3A_1895 : vector<16xi1>, vector<16xf32>
        %broadcast_in_dim3A_1907 = arith.constant 12 : i32
        %broadcast_in_dim3A_1908 = vector.broadcast %broadcast_in_dim3A_1907 : i32 to vector<16xi32>
        %select_n3A_1909 = arith.select %gt3A_1905, %broadcast_in_dim3A_1908, %select_n3A_1898 : vector<16xi1>, vector<16xi32>
        %get3A_1910 = arith.constant 0 : i32
        %get3A_1911 = arith.constant 13 : i32
        %get3A_1912 = arith.index_cast %get3A_1910 : i32 to index
        %get3A_1913 = arith.index_cast %get3A_1911 : i32 to index
        %get3A_1914 = arith.index_cast %mul3A_1769 : i32 to index
        %get3A_1915 = tpu.vector_load %arg5[%get3A_1912, %get3A_1913, %get3A_1914] {strides = array<i32>} : memref<2x19x2048xf32, #tpu.memory_space<vmem>>, vector<16xf32>,
        %gt3A_1916 = arith.cmpf ogt, %get3A_1915, %select_n3A_1906 : vector<16xf32>
        %select_n3A_1917 = arith.select %gt3A_1916, %get3A_1915, %select_n3A_1906 : vector<16xi1>, vector<16xf32>
        %broadcast_in_dim3A_1918 = arith.constant 13 : i32
        %broadcast_in_dim3A_1919 = vector.broadcast %broadcast_in_dim3A_1918 : i32 to vector<16xi32>
        %select_n3A_1920 = arith.select %gt3A_1916, %broadcast_in_dim3A_1919, %select_n3A_1909 : vector<16xi1>, vector<16xi32>
        %get3A_1921 = arith.constant 0 : i32
        %get3A_1922 = arith.constant 14 : i32
        %get3A_1923 = arith.index_cast %get3A_1921 : i32 to index
        %get3A_1924 = arith.index_cast %get3A_1922 : i32 to index
        %get3A_1925 = arith.index_cast %mul3A_1769 : i32 to index
        %get3A_1926 = tpu.vector_load %arg5[%get3A_1923, %get3A_1924, %get3A_1925] {strides = array<i32>} : memref<2x19x2048xf32, #tpu.memory_space<vmem>>, vector<16xf32>,
        %gt3A_1927 = arith.cmpf ogt, %get3A_1926, %select_n3A_1917 : vector<16xf32>
        %select_n3A_1928 = arith.select %gt3A_1927, %get3A_1926, %select_n3A_1917 : vector<16xi1>, vector<16xf32>
        %broadcast_in_dim3A_1929 = arith.constant 14 : i32
        %broadcast_in_dim3A_1930 = vector.broadcast %broadcast_in_dim3A_1929 : i32 to vector<16xi32>
        %select_n3A_1931 = arith.select %gt3A_1927, %broadcast_in_dim3A_1930, %select_n3A_1920 : vector<16xi1>, vector<16xi32>
        %get3A_1932 = arith.constant 0 : i32
        %get3A_1933 = arith.constant 15 : i32
        %get3A_1934 = arith.index_cast %get3A_1932 : i32 to index
        %get3A_1935 = arith.index_cast %get3A_1933 : i32 to index
        %get3A_1936 = arith.index_cast %mul3A_1769 : i32 to index
        %get3A_1937 = tpu.vector_load %arg5[%get3A_1934, %get3A_1935, %get3A_1936] {strides = array<i32>} : memref<2x19x2048xf32, #tpu.memory_space<vmem>>, vector<16xf32>,
        %gt3A_1938 = arith.cmpf ogt, %get3A_1937, %select_n3A_1928 : vector<16xf32>
        %select_n3A_1939 = arith.select %gt3A_1938, %get3A_1937, %select_n3A_1928 : vector<16xi1>, vector<16xf32>
        %broadcast_in_dim3A_1940 = arith.constant 15 : i32
        %broadcast_in_dim3A_1941 = vector.broadcast %broadcast_in_dim3A_1940 : i32 to vector<16xi32>
        %select_n3A_1942 = arith.select %gt3A_1938, %broadcast_in_dim3A_1941, %select_n3A_1931 : vector<16xi1>, vector<16xi32>
        %get3A_1943 = arith.constant 0 : i32
        %get3A_1944 = arith.constant 16 : i32
        %get3A_1945 = arith.index_cast %get3A_1943 : i32 to index
        %get3A_1946 = arith.index_cast %get3A_1944 : i32 to index
        %get3A_1947 = arith.index_cast %mul3A_1769 : i32 to index
        %get3A_1948 = tpu.vector_load %arg5[%get3A_1945, %get3A_1946, %get3A_1947] {strides = array<i32>} : memref<2x19x2048xf32, #tpu.memory_space<vmem>>, vector<16xf32>,
        %gt3A_1949 = arith.cmpf ogt, %get3A_1948, %select_n3A_1939 : vector<16xf32>
        %select_n3A_1950 = arith.select %gt3A_1949, %get3A_1948, %select_n3A_1939 : vector<16xi1>, vector<16xf32>
        %broadcast_in_dim3A_1951 = arith.constant 16 : i32
        %broadcast_in_dim3A_1952 = vector.broadcast %broadcast_in_dim3A_1951 : i32 to vector<16xi32>
        %select_n3A_1953 = arith.select %gt3A_1949, %broadcast_in_dim3A_1952, %select_n3A_1942 : vector<16xi1>, vector<16xi32>
        %get3A_1954 = arith.constant 0 : i32
        %get3A_1955 = arith.constant 17 : i32
        %get3A_1956 = arith.index_cast %get3A_1954 : i32 to index
        %get3A_1957 = arith.index_cast %get3A_1955 : i32 to index
        %get3A_1958 = arith.index_cast %mul3A_1769 : i32 to index
        %get3A_1959 = tpu.vector_load %arg5[%get3A_1956, %get3A_1957, %get3A_1958] {strides = array<i32>} : memref<2x19x2048xf32, #tpu.memory_space<vmem>>, vector<16xf32>,
        %gt3A_1960 = arith.cmpf ogt, %get3A_1959, %select_n3A_1950 : vector<16xf32>
        %select_n3A_1961 = arith.select %gt3A_1960, %get3A_1959, %select_n3A_1950 : vector<16xi1>, vector<16xf32>
        %broadcast_in_dim3A_1962 = arith.constant 17 : i32
        %broadcast_in_dim3A_1963 = vector.broadcast %broadcast_in_dim3A_1962 : i32 to vector<16xi32>
        %select_n3A_1964 = arith.select %gt3A_1960, %broadcast_in_dim3A_1963, %select_n3A_1953 : vector<16xi1>, vector<16xi32>
        %get3A_1965 = arith.constant 0 : i32
        %get3A_1966 = arith.constant 18 : i32
        %get3A_1967 = arith.index_cast %get3A_1965 : i32 to index
        %get3A_1968 = arith.index_cast %get3A_1966 : i32 to index
        %get3A_1969 = arith.index_cast %mul3A_1769 : i32 to index
        %get3A_1970 = tpu.vector_load %arg5[%get3A_1967, %get3A_1968, %get3A_1969] {strides = array<i32>} : memref<2x19x2048xf32, #tpu.memory_space<vmem>>, vector<16xf32>,
        %gt3A_1971 = arith.cmpf ogt, %get3A_1970, %select_n3A_1961 : vector<16xf32>
        %select_n3A_1972 = arith.select %gt3A_1971, %get3A_1970, %select_n3A_1961 : vector<16xi1>, vector<16xf32>
        %broadcast_in_dim3A_1973 = arith.constant 18 : i32
        %broadcast_in_dim3A_1974 = vector.broadcast %broadcast_in_dim3A_1973 : i32 to vector<16xi32>
        %select_n3A_1975 = arith.select %gt3A_1971, %broadcast_in_dim3A_1974, %select_n3A_1964 : vector<16xi1>, vector<16xi32>
        %get3A_1976 = arith.constant 0 : i32
        %get3A_1977 = arith.index_cast %get3A_1976 : i32 to index
        %get3A_1978 = arith.index_cast %mul3A_1769 : i32 to index
        %get3A_1979 = tpu.vector_load %arg6[%get3A_1977, %get3A_1978] {strides = array<i32>} : memref<2x2048xi32, #tpu.memory_space<vmem>>, vector<16xi32>,
        %mul3A_1980 = arith.constant 19 : i32
        %mul3A_1981 = vector.broadcast %mul3A_1980 : i32 to vector<16xi32>
        %mul3A_1982 = arith.muli %select_n3A_1975, %mul3A_1981 : vector<16xi32>
        %add3A_1983 = arith.addi %mul3A_1982, %get3A_1979 : vector<16xi32>
        %mul3A_1984 = arith.constant 16 : i32
        %mul3A_1985 = vector.broadcast %mul3A_1984 : i32 to vector<16xi32>
        %mul3A_1986 = arith.muli %add3A_1983, %mul3A_1985 : vector<16xi32>
        %add3A_1987 = arith.addi %mul3A_1986, %iota3A : vector<16xi32>
        tpu.vector_store_idx %arg7[%add3A_1987], %broadcast_in_dim3A_68 {add = true} : memref<6144xf32, #tpu.memory_space<vmem>>[vector<16xi32>], vector<16xf32>,
      }
      %scan3A_152 = arith.constant 16 : i32
      %add3A_153 = arith.constant 1 : i32
      %add3A_154 = arith.addi %add3A_81, %add3A_153 : i32
      %lt3A_155 = arith.constant 32 : i32
      %lt3A_156 = arith.cmpi slt, %add3A_154, %lt3A_155 : i32
      %convert_element_type3A = arith.extui %lt3A_156 : i1 to i32
      %cond3A = arith.constant 0 : i32
      %cond3A_157 = arith.cmpi ne, %convert_element_type3A, %cond3A : i32
      scf.if %cond3A_157 {
        %add3A_197 = arith.constant 1 : i32
        %add3A_198 = arith.addi %add3A_81, %add3A_197 : i32
        %mul3A_199 = arith.constant 2048 : i32
        %mul3A_200 = arith.muli %add3A_198, %mul3A_199 : i32
        %add3A_201 = arith.addi %mul3A_32, %mul3A_200 : i32
        %mul3A_202 = arith.constant 262144 : i32
        %mul3A_203 = arith.muli %select_n3A, %mul3A_202 : i32
        %add3A_204 = arith.addi %mul3A_203, %mul3A_32 : i32
        %mul3A_205 = arith.constant 2048 : i32
        %mul3A_206 = arith.muli %add3A_198, %mul3A_205 : i32
        %add3A_207 = arith.addi %add3A_204, %mul3A_206 : i32
        %dma_start3A_208 = arith.constant 0 : i32
        %dma_start3A_209 = arith.constant 0 : i32
        %dma_start3A_210 = arith.constant 0 : i32
        %dma_start3A_211 = tpu.memref_slice %arg5[%dma_start3A_208, %dma_start3A_209, %dma_start3A_210] : memref<2x19x2048xf32, #tpu.memory_space<vmem>> -> memref<1x19x2048xf32, #tpu.memory_space<vmem>>
        %dma_start3A_212 = tpu.memref_squeeze %dma_start3A_211 : memref<1x19x2048xf32, #tpu.memory_space<vmem>> -> memref<19x2048xf32, #tpu.memory_space<vmem>>
        %dma_start3A_213 = arith.constant 0 : i32
        %dma_start3A_214 = tpu.memref_slice %arg2[%select_n3A, %dma_start3A_213, %add3A_201] : memref<8x19x262144xf32, #tpu.memory_space<hbm>> -> memref<1x19x2048xf32, #tpu.memory_space<hbm>>
        %dma_start3A_215 = tpu.memref_squeeze %dma_start3A_214 : memref<1x19x2048xf32, #tpu.memory_space<hbm>> -> memref<19x2048xf32, #tpu.memory_space<hbm>>
        %dma_start3A_216 = arith.constant 0 : i32
        %dma_start3A_217 = arith.constant 0 : i32
        %dma_start3A_218 = tpu.memref_slice %arg5[%dma_start3A_208, %dma_start3A_216, %dma_start3A_217] : memref<2x19x2048xf32, #tpu.memory_space<vmem>> -> memref<1x19x2048xf32, #tpu.memory_space<vmem>>
        %dma_start3A_219 = tpu.memref_squeeze %dma_start3A_218 : memref<1x19x2048xf32, #tpu.memory_space<vmem>> -> memref<19x2048xf32, #tpu.memory_space<vmem>>
        %dma_start3A_220 = arith.constant 0 : i32
        %dma_start3A_221 = tpu.memref_slice %arg2[%select_n3A, %dma_start3A_220, %add3A_201] : memref<8x19x262144xf32, #tpu.memory_space<hbm>> -> memref<1x19x2048xf32, #tpu.memory_space<hbm>>
        %dma_start3A_222 = tpu.memref_squeeze %dma_start3A_221 : memref<1x19x2048xf32, #tpu.memory_space<hbm>> -> memref<19x2048xf32, #tpu.memory_space<hbm>>
        tpu.enqueue_dma source(%dma_start3A_222 : memref<19x2048xf32, #tpu.memory_space<hbm>>) target(%dma_start3A_219 : memref<19x2048xf32, #tpu.memory_space<vmem>>) target_semaphore(%arg8 : memref<!tpu.dma_semaphore, #tpu.memory_space<semaphore_mem>>)
        %dma_start3A_223 = arith.constant 0 : i32
        %dma_start3A_224 = arith.constant 0 : i32
        %dma_start3A_225 = tpu.memref_slice %arg6[%dma_start3A_223, %dma_start3A_224] : memref<2x2048xi32, #tpu.memory_space<vmem>> -> memref<1x2048xi32, #tpu.memory_space<vmem>>
        %dma_start3A_226 = tpu.memref_squeeze %dma_start3A_225 : memref<1x2048xi32, #tpu.memory_space<vmem>> -> memref<2048xi32, #tpu.memory_space<vmem>>
        %dma_start3A_227 = tpu.memref_slice %arg3[%add3A_207] : memref<2097152xi32, #tpu.memory_space<hbm>> -> memref<2048xi32, #tpu.memory_space<hbm>>
        %dma_start3A_228 = arith.constant 0 : i32
        %dma_start3A_229 = tpu.memref_slice %arg6[%dma_start3A_223, %dma_start3A_228] : memref<2x2048xi32, #tpu.memory_space<vmem>> -> memref<1x2048xi32, #tpu.memory_space<vmem>>
        %dma_start3A_230 = tpu.memref_squeeze %dma_start3A_229 : memref<1x2048xi32, #tpu.memory_space<vmem>> -> memref<2048xi32, #tpu.memory_space<vmem>>
        %dma_start3A_231 = tpu.memref_slice %arg3[%add3A_207] : memref<2097152xi32, #tpu.memory_space<hbm>> -> memref<2048xi32, #tpu.memory_space<hbm>>
        tpu.enqueue_dma source(%dma_start3A_231 : memref<2048xi32, #tpu.memory_space<hbm>>) target(%dma_start3A_230 : memref<2048xi32, #tpu.memory_space<vmem>>) target_semaphore(%arg8 : memref<!tpu.dma_semaphore, #tpu.memory_space<semaphore_mem>>)
      } else {
      }
      %mul3A_158 = arith.constant 2048 : i32
      %mul3A_159 = arith.muli %add3A_81, %mul3A_158 : i32
      %add3A_160 = arith.addi %mul3A_32, %mul3A_159 : i32
      %mul3A_161 = arith.constant 262144 : i32
      %mul3A_162 = arith.muli %select_n3A, %mul3A_161 : i32
      %add3A_163 = arith.addi %mul3A_162, %mul3A_32 : i32
      %mul3A_164 = arith.constant 2048 : i32
      %mul3A_165 = arith.muli %add3A_81, %mul3A_164 : i32
      %add3A_166 = arith.addi %add3A_163, %mul3A_165 : i32
      %dma_wait3A_167 = arith.constant 1 : i32
      %dma_wait3A_168 = arith.constant 0 : i32
      %dma_wait3A_169 = arith.constant 0 : i32
      %dma_wait3A_170 = tpu.memref_slice %arg5[%dma_wait3A_167, %dma_wait3A_168, %dma_wait3A_169] : memref<2x19x2048xf32, #tpu.memory_space<vmem>> -> memref<1x19x2048xf32, #tpu.memory_space<vmem>>
      %dma_wait3A_171 = tpu.memref_squeeze %dma_wait3A_170 : memref<1x19x2048xf32, #tpu.memory_space<vmem>> -> memref<19x2048xf32, #tpu.memory_space<vmem>>
      %dma_wait3A_172 = arith.constant 0 : i32
      %dma_wait3A_173 = tpu.memref_slice %arg2[%select_n3A, %dma_wait3A_172, %add3A_160] : memref<8x19x262144xf32, #tpu.memory_space<hbm>> -> memref<1x19x2048xf32, #tpu.memory_space<hbm>>
      %dma_wait3A_174 = tpu.memref_squeeze %dma_wait3A_173 : memref<1x19x2048xf32, #tpu.memory_space<hbm>> -> memref<19x2048xf32, #tpu.memory_space<hbm>>
      %dma_wait3A_175 = arith.constant 0 : i32
      %dma_wait3A_176 = arith.constant 0 : i32
      %dma_wait3A_177 = tpu.memref_slice %arg5[%dma_wait3A_167, %dma_wait3A_175, %dma_wait3A_176] : memref<2x19x2048xf32, #tpu.memory_space<vmem>> -> memref<1x19x2048xf32, #tpu.memory_space<vmem>>
      %dma_wait3A_178 = tpu.memref_squeeze %dma_wait3A_177 : memref<1x19x2048xf32, #tpu.memory_space<vmem>> -> memref<19x2048xf32, #tpu.memory_space<vmem>>
      %dma_wait3A_179 = arith.constant 0 : i32
      %dma_wait3A_180 = tpu.memref_slice %arg2[%select_n3A, %dma_wait3A_179, %add3A_160] : memref<8x19x262144xf32, #tpu.memory_space<hbm>> -> memref<1x19x2048xf32, #tpu.memory_space<hbm>>
      %dma_wait3A_181 = tpu.memref_squeeze %dma_wait3A_180 : memref<1x19x2048xf32, #tpu.memory_space<hbm>> -> memref<19x2048xf32, #tpu.memory_space<hbm>>
      tpu.wait_dma2 semaphore(%arg9 : memref<!tpu.dma_semaphore, #tpu.memory_space<semaphore_mem>>) src(%dma_wait3A_181 : memref<19x2048xf32, #tpu.memory_space<hbm>>) dst(%dma_wait3A_178 : memref<19x2048xf32, #tpu.memory_space<vmem>>)
      %dma_wait3A_182 = arith.constant 1 : i32
      %dma_wait3A_183 = arith.constant 0 : i32
      %dma_wait3A_184 = tpu.memref_slice %arg6[%dma_wait3A_182, %dma_wait3A_183] : memref<2x2048xi32, #tpu.memory_space<vmem>> -> memref<1x2048xi32, #tpu.memory_space<vmem>>
      %dma_wait3A_185 = tpu.memref_squeeze %dma_wait3A_184 : memref<1x2048xi32, #tpu.memory_space<vmem>> -> memref<2048xi32, #tpu.memory_space<vmem>>
      %dma_wait3A_186 = tpu.memref_slice %arg3[%add3A_166] : memref<2097152xi32, #tpu.memory_space<hbm>> -> memref<2048xi32, #tpu.memory_space<hbm>>
      %dma_wait3A_187 = arith.constant 0 : i32
      %dma_wait3A_188 = tpu.memref_slice %arg6[%dma_wait3A_182, %dma_wait3A_187] : memref<2x2048xi32, #tpu.memory_space<vmem>> -> memref<1x2048xi32, #tpu.memory_space<vmem>>
      %dma_wait3A_189 = tpu.memref_squeeze %dma_wait3A_188 : memref<1x2048xi32, #tpu.memory_space<vmem>> -> memref<2048xi32, #tpu.memory_space<vmem>>
      %dma_wait3A_190 = tpu.memref_slice %arg3[%add3A_166] : memref<2097152xi32, #tpu.memory_space<hbm>> -> memref<2048xi32, #tpu.memory_space<hbm>>
      tpu.wait_dma2 semaphore(%arg9 : memref<!tpu.dma_semaphore, #tpu.memory_space<semaphore_mem>>) src(%dma_wait3A_190 : memref<2048xi32, #tpu.memory_space<hbm>>) dst(%dma_wait3A_189 : memref<2048xi32, #tpu.memory_space<vmem>>)
      %scan3A_191 = arith.constant 0 : i32
      %scan3A_192 = arith.constant 0 : i32
      %scan3A_193 = arith.constant 16 : i32
      %scan3A_194 = arith.addi %scan3A_192, %scan3A_193 : i32
      %scan3A_195 = arith.constant 1 : i32
      scf.for %scan3A_197 = %scan3A_192 to %scan3A_194 step %scan3A_195  : i32 {
        %mul3A_198 = arith.constant 8 : i32
        %mul3A_199 = arith.muli %scan3A_197, %mul3A_198 : i32
        %add3A_200 = arith.constant 0 : i32
        %add3A_201 = arith.addi %mul3A_199, %add3A_200 : i32
        %mul3A_202 = arith.constant 16 : i32
        %mul3A_203 = arith.muli %add3A_201, %mul3A_202 : i32
        %get3A = arith.constant 1 : i32
        %get3A_204 = arith.constant 0 : i32
        %get3A_205 = arith.index_cast %get3A : i32 to index
        %get3A_206 = arith.index_cast %get3A_204 : i32 to index
        %get3A_207 = arith.index_cast %mul3A_203 : i32 to index
        %get3A_208 = tpu.vector_load %arg5[%get3A_205, %get3A_206, %get3A_207] {strides = array<i32>} : memref<2x19x2048xf32, #tpu.memory_space<vmem>>, vector<16xf32>,
        %broadcast_in_dim3A_209 = arith.constant 0 : i32
        %broadcast_in_dim3A_210 = vector.broadcast %broadcast_in_dim3A_209 : i32 to vector<16xi32>
        %get3A_211 = arith.constant 1 : i32
        %get3A_212 = arith.constant 1 : i32
        %get3A_213 = arith.index_cast %get3A_211 : i32 to index
        %get3A_214 = arith.index_cast %get3A_212 : i32 to index
        %get3A_215 = arith.index_cast %mul3A_203 : i32 to index
        %get3A_216 = tpu.vector_load %arg5[%get3A_213, %get3A_214, %get3A_215] {strides = array<i32>} : memref<2x19x2048xf32, #tpu.memory_space<vmem>>, vector<16xf32>,
        %gt3A = arith.cmpf ogt, %get3A_216, %get3A_208 : vector<16xf32>
        %select_n3A_217 = arith.select %gt3A, %get3A_216, %get3A_208 : vector<16xi1>, vector<16xf32>
        %broadcast_in_dim3A_218 = arith.constant 1 : i32
        %broadcast_in_dim3A_219 = vector.broadcast %broadcast_in_dim3A_218 : i32 to vector<16xi32>
        %select_n3A_220 = arith.select %gt3A, %broadcast_in_dim3A_219, %broadcast_in_dim3A_210 : vector<16xi1>, vector<16xi32>
        %get3A_221 = arith.constant 1 : i32
        %get3A_222 = arith.constant 2 : i32
        %get3A_223 = arith.index_cast %get3A_221 : i32 to index
        %get3A_224 = arith.index_cast %get3A_222 : i32 to index
        %get3A_225 = arith.index_cast %mul3A_203 : i32 to index
        %get3A_226 = tpu.vector_load %arg5[%get3A_223, %get3A_224, %get3A_225] {strides = array<i32>} : memref<2x19x2048xf32, #tpu.memory_space<vmem>>, vector<16xf32>,
        %gt3A_227 = arith.cmpf ogt, %get3A_226, %select_n3A_217 : vector<16xf32>
        %select_n3A_228 = arith.select %gt3A_227, %get3A_226, %select_n3A_217 : vector<16xi1>, vector<16xf32>
        %broadcast_in_dim3A_229 = arith.constant 2 : i32
        %broadcast_in_dim3A_230 = vector.broadcast %broadcast_in_dim3A_229 : i32 to vector<16xi32>
        %select_n3A_231 = arith.select %gt3A_227, %broadcast_in_dim3A_230, %select_n3A_220 : vector<16xi1>, vector<16xi32>
        %get3A_232 = arith.constant 1 : i32
        %get3A_233 = arith.constant 3 : i32
        %get3A_234 = arith.index_cast %get3A_232 : i32 to index
        %get3A_235 = arith.index_cast %get3A_233 : i32 to index
        %get3A_236 = arith.index_cast %mul3A_203 : i32 to index
        %get3A_237 = tpu.vector_load %arg5[%get3A_234, %get3A_235, %get3A_236] {strides = array<i32>} : memref<2x19x2048xf32, #tpu.memory_space<vmem>>, vector<16xf32>,
        %gt3A_238 = arith.cmpf ogt, %get3A_237, %select_n3A_228 : vector<16xf32>
        %select_n3A_239 = arith.select %gt3A_238, %get3A_237, %select_n3A_228 : vector<16xi1>, vector<16xf32>
        %broadcast_in_dim3A_240 = arith.constant 3 : i32
        %broadcast_in_dim3A_241 = vector.broadcast %broadcast_in_dim3A_240 : i32 to vector<16xi32>
        %select_n3A_242 = arith.select %gt3A_238, %broadcast_in_dim3A_241, %select_n3A_231 : vector<16xi1>, vector<16xi32>
        %get3A_243 = arith.constant 1 : i32
        %get3A_244 = arith.constant 4 : i32
        %get3A_245 = arith.index_cast %get3A_243 : i32 to index
        %get3A_246 = arith.index_cast %get3A_244 : i32 to index
        %get3A_247 = arith.index_cast %mul3A_203 : i32 to index
        %get3A_248 = tpu.vector_load %arg5[%get3A_245, %get3A_246, %get3A_247] {strides = array<i32>} : memref<2x19x2048xf32, #tpu.memory_space<vmem>>, vector<16xf32>,
        %gt3A_249 = arith.cmpf ogt, %get3A_248, %select_n3A_239 : vector<16xf32>
        %select_n3A_250 = arith.select %gt3A_249, %get3A_248, %select_n3A_239 : vector<16xi1>, vector<16xf32>
        %broadcast_in_dim3A_251 = arith.constant 4 : i32
        %broadcast_in_dim3A_252 = vector.broadcast %broadcast_in_dim3A_251 : i32 to vector<16xi32>
        %select_n3A_253 = arith.select %gt3A_249, %broadcast_in_dim3A_252, %select_n3A_242 : vector<16xi1>, vector<16xi32>
        %get3A_254 = arith.constant 1 : i32
        %get3A_255 = arith.constant 5 : i32
        %get3A_256 = arith.index_cast %get3A_254 : i32 to index
        %get3A_257 = arith.index_cast %get3A_255 : i32 to index
        %get3A_258 = arith.index_cast %mul3A_203 : i32 to index
        %get3A_259 = tpu.vector_load %arg5[%get3A_256, %get3A_257, %get3A_258] {strides = array<i32>} : memref<2x19x2048xf32, #tpu.memory_space<vmem>>, vector<16xf32>,
        %gt3A_260 = arith.cmpf ogt, %get3A_259, %select_n3A_250 : vector<16xf32>
        %select_n3A_261 = arith.select %gt3A_260, %get3A_259, %select_n3A_250 : vector<16xi1>, vector<16xf32>
        %broadcast_in_dim3A_262 = arith.constant 5 : i32
        %broadcast_in_dim3A_263 = vector.broadcast %broadcast_in_dim3A_262 : i32 to vector<16xi32>
        %select_n3A_264 = arith.select %gt3A_260, %broadcast_in_dim3A_263, %select_n3A_253 : vector<16xi1>, vector<16xi32>
        %get3A_265 = arith.constant 1 : i32
        %get3A_266 = arith.constant 6 : i32
        %get3A_267 = arith.index_cast %get3A_265 : i32 to index
        %get3A_268 = arith.index_cast %get3A_266 : i32 to index
        %get3A_269 = arith.index_cast %mul3A_203 : i32 to index
        %get3A_270 = tpu.vector_load %arg5[%get3A_267, %get3A_268, %get3A_269] {strides = array<i32>} : memref<2x19x2048xf32, #tpu.memory_space<vmem>>, vector<16xf32>,
        %gt3A_271 = arith.cmpf ogt, %get3A_270, %select_n3A_261 : vector<16xf32>
        %select_n3A_272 = arith.select %gt3A_271, %get3A_270, %select_n3A_261 : vector<16xi1>, vector<16xf32>
        %broadcast_in_dim3A_273 = arith.constant 6 : i32
        %broadcast_in_dim3A_274 = vector.broadcast %broadcast_in_dim3A_273 : i32 to vector<16xi32>
        %select_n3A_275 = arith.select %gt3A_271, %broadcast_in_dim3A_274, %select_n3A_264 : vector<16xi1>, vector<16xi32>
        %get3A_276 = arith.constant 1 : i32
        %get3A_277 = arith.constant 7 : i32
        %get3A_278 = arith.index_cast %get3A_276 : i32 to index
        %get3A_279 = arith.index_cast %get3A_277 : i32 to index
        %get3A_280 = arith.index_cast %mul3A_203 : i32 to index
        %get3A_281 = tpu.vector_load %arg5[%get3A_278, %get3A_279, %get3A_280] {strides = array<i32>} : memref<2x19x2048xf32, #tpu.memory_space<vmem>>, vector<16xf32>,
        %gt3A_282 = arith.cmpf ogt, %get3A_281, %select_n3A_272 : vector<16xf32>
        %select_n3A_283 = arith.select %gt3A_282, %get3A_281, %select_n3A_272 : vector<16xi1>, vector<16xf32>
        %broadcast_in_dim3A_284 = arith.constant 7 : i32
        %broadcast_in_dim3A_285 = vector.broadcast %broadcast_in_dim3A_284 : i32 to vector<16xi32>
        %select_n3A_286 = arith.select %gt3A_282, %broadcast_in_dim3A_285, %select_n3A_275 : vector<16xi1>, vector<16xi32>
        %get3A_287 = arith.constant 1 : i32
        %get3A_288 = arith.constant 8 : i32
        %get3A_289 = arith.index_cast %get3A_287 : i32 to index
        %get3A_290 = arith.index_cast %get3A_288 : i32 to index
        %get3A_291 = arith.index_cast %mul3A_203 : i32 to index
        %get3A_292 = tpu.vector_load %arg5[%get3A_289, %get3A_290, %get3A_291] {strides = array<i32>} : memref<2x19x2048xf32, #tpu.memory_space<vmem>>, vector<16xf32>,
        %gt3A_293 = arith.cmpf ogt, %get3A_292, %select_n3A_283 : vector<16xf32>
        %select_n3A_294 = arith.select %gt3A_293, %get3A_292, %select_n3A_283 : vector<16xi1>, vector<16xf32>
        %broadcast_in_dim3A_295 = arith.constant 8 : i32
        %broadcast_in_dim3A_296 = vector.broadcast %broadcast_in_dim3A_295 : i32 to vector<16xi32>
        %select_n3A_297 = arith.select %gt3A_293, %broadcast_in_dim3A_296, %select_n3A_286 : vector<16xi1>, vector<16xi32>
        %get3A_298 = arith.constant 1 : i32
        %get3A_299 = arith.constant 9 : i32
        %get3A_300 = arith.index_cast %get3A_298 : i32 to index
        %get3A_301 = arith.index_cast %get3A_299 : i32 to index
        %get3A_302 = arith.index_cast %mul3A_203 : i32 to index
        %get3A_303 = tpu.vector_load %arg5[%get3A_300, %get3A_301, %get3A_302] {strides = array<i32>} : memref<2x19x2048xf32, #tpu.memory_space<vmem>>, vector<16xf32>,
        %gt3A_304 = arith.cmpf ogt, %get3A_303, %select_n3A_294 : vector<16xf32>
        %select_n3A_305 = arith.select %gt3A_304, %get3A_303, %select_n3A_294 : vector<16xi1>, vector<16xf32>
        %broadcast_in_dim3A_306 = arith.constant 9 : i32
        %broadcast_in_dim3A_307 = vector.broadcast %broadcast_in_dim3A_306 : i32 to vector<16xi32>
        %select_n3A_308 = arith.select %gt3A_304, %broadcast_in_dim3A_307, %select_n3A_297 : vector<16xi1>, vector<16xi32>
        %get3A_309 = arith.constant 1 : i32
        %get3A_310 = arith.constant 10 : i32
        %get3A_311 = arith.index_cast %get3A_309 : i32 to index
        %get3A_312 = arith.index_cast %get3A_310 : i32 to index
        %get3A_313 = arith.index_cast %mul3A_203 : i32 to index
        %get3A_314 = tpu.vector_load %arg5[%get3A_311, %get3A_312, %get3A_313] {strides = array<i32>} : memref<2x19x2048xf32, #tpu.memory_space<vmem>>, vector<16xf32>,
        %gt3A_315 = arith.cmpf ogt, %get3A_314, %select_n3A_305 : vector<16xf32>
        %select_n3A_316 = arith.select %gt3A_315, %get3A_314, %select_n3A_305 : vector<16xi1>, vector<16xf32>
        %broadcast_in_dim3A_317 = arith.constant 10 : i32
        %broadcast_in_dim3A_318 = vector.broadcast %broadcast_in_dim3A_317 : i32 to vector<16xi32>
        %select_n3A_319 = arith.select %gt3A_315, %broadcast_in_dim3A_318, %select_n3A_308 : vector<16xi1>, vector<16xi32>
        %get3A_320 = arith.constant 1 : i32
        %get3A_321 = arith.constant 11 : i32
        %get3A_322 = arith.index_cast %get3A_320 : i32 to index
        %get3A_323 = arith.index_cast %get3A_321 : i32 to index
        %get3A_324 = arith.index_cast %mul3A_203 : i32 to index
        %get3A_325 = tpu.vector_load %arg5[%get3A_322, %get3A_323, %get3A_324] {strides = array<i32>} : memref<2x19x2048xf32, #tpu.memory_space<vmem>>, vector<16xf32>,
        %gt3A_326 = arith.cmpf ogt, %get3A_325, %select_n3A_316 : vector<16xf32>
        %select_n3A_327 = arith.select %gt3A_326, %get3A_325, %select_n3A_316 : vector<16xi1>, vector<16xf32>
        %broadcast_in_dim3A_328 = arith.constant 11 : i32
        %broadcast_in_dim3A_329 = vector.broadcast %broadcast_in_dim3A_328 : i32 to vector<16xi32>
        %select_n3A_330 = arith.select %gt3A_326, %broadcast_in_dim3A_329, %select_n3A_319 : vector<16xi1>, vector<16xi32>
        %get3A_331 = arith.constant 1 : i32
        %get3A_332 = arith.constant 12 : i32
        %get3A_333 = arith.index_cast %get3A_331 : i32 to index
        %get3A_334 = arith.index_cast %get3A_332 : i32 to index
        %get3A_335 = arith.index_cast %mul3A_203 : i32 to index
        %get3A_336 = tpu.vector_load %arg5[%get3A_333, %get3A_334, %get3A_335] {strides = array<i32>} : memref<2x19x2048xf32, #tpu.memory_space<vmem>>, vector<16xf32>,
        %gt3A_337 = arith.cmpf ogt, %get3A_336, %select_n3A_327 : vector<16xf32>
        %select_n3A_338 = arith.select %gt3A_337, %get3A_336, %select_n3A_327 : vector<16xi1>, vector<16xf32>
        %broadcast_in_dim3A_339 = arith.constant 12 : i32
        %broadcast_in_dim3A_340 = vector.broadcast %broadcast_in_dim3A_339 : i32 to vector<16xi32>
        %select_n3A_341 = arith.select %gt3A_337, %broadcast_in_dim3A_340, %select_n3A_330 : vector<16xi1>, vector<16xi32>
        %get3A_342 = arith.constant 1 : i32
        %get3A_343 = arith.constant 13 : i32
        %get3A_344 = arith.index_cast %get3A_342 : i32 to index
        %get3A_345 = arith.index_cast %get3A_343 : i32 to index
        %get3A_346 = arith.index_cast %mul3A_203 : i32 to index
        %get3A_347 = tpu.vector_load %arg5[%get3A_344, %get3A_345, %get3A_346] {strides = array<i32>} : memref<2x19x2048xf32, #tpu.memory_space<vmem>>, vector<16xf32>,
        %gt3A_348 = arith.cmpf ogt, %get3A_347, %select_n3A_338 : vector<16xf32>
        %select_n3A_349 = arith.select %gt3A_348, %get3A_347, %select_n3A_338 : vector<16xi1>, vector<16xf32>
        %broadcast_in_dim3A_350 = arith.constant 13 : i32
        %broadcast_in_dim3A_351 = vector.broadcast %broadcast_in_dim3A_350 : i32 to vector<16xi32>
        %select_n3A_352 = arith.select %gt3A_348, %broadcast_in_dim3A_351, %select_n3A_341 : vector<16xi1>, vector<16xi32>
        %get3A_353 = arith.constant 1 : i32
        %get3A_354 = arith.constant 14 : i32
        %get3A_355 = arith.index_cast %get3A_353 : i32 to index
        %get3A_356 = arith.index_cast %get3A_354 : i32 to index
        %get3A_357 = arith.index_cast %mul3A_203 : i32 to index
        %get3A_358 = tpu.vector_load %arg5[%get3A_355, %get3A_356, %get3A_357] {strides = array<i32>} : memref<2x19x2048xf32, #tpu.memory_space<vmem>>, vector<16xf32>,
        %gt3A_359 = arith.cmpf ogt, %get3A_358, %select_n3A_349 : vector<16xf32>
        %select_n3A_360 = arith.select %gt3A_359, %get3A_358, %select_n3A_349 : vector<16xi1>, vector<16xf32>
        %broadcast_in_dim3A_361 = arith.constant 14 : i32
        %broadcast_in_dim3A_362 = vector.broadcast %broadcast_in_dim3A_361 : i32 to vector<16xi32>
        %select_n3A_363 = arith.select %gt3A_359, %broadcast_in_dim3A_362, %select_n3A_352 : vector<16xi1>, vector<16xi32>
        %get3A_364 = arith.constant 1 : i32
        %get3A_365 = arith.constant 15 : i32
        %get3A_366 = arith.index_cast %get3A_364 : i32 to index
        %get3A_367 = arith.index_cast %get3A_365 : i32 to index
        %get3A_368 = arith.index_cast %mul3A_203 : i32 to index
        %get3A_369 = tpu.vector_load %arg5[%get3A_366, %get3A_367, %get3A_368] {strides = array<i32>} : memref<2x19x2048xf32, #tpu.memory_space<vmem>>, vector<16xf32>,
        %gt3A_370 = arith.cmpf ogt, %get3A_369, %select_n3A_360 : vector<16xf32>
        %select_n3A_371 = arith.select %gt3A_370, %get3A_369, %select_n3A_360 : vector<16xi1>, vector<16xf32>
        %broadcast_in_dim3A_372 = arith.constant 15 : i32
        %broadcast_in_dim3A_373 = vector.broadcast %broadcast_in_dim3A_372 : i32 to vector<16xi32>
        %select_n3A_374 = arith.select %gt3A_370, %broadcast_in_dim3A_373, %select_n3A_363 : vector<16xi1>, vector<16xi32>
        %get3A_375 = arith.constant 1 : i32
        %get3A_376 = arith.constant 16 : i32
        %get3A_377 = arith.index_cast %get3A_375 : i32 to index
        %get3A_378 = arith.index_cast %get3A_376 : i32 to index
        %get3A_379 = arith.index_cast %mul3A_203 : i32 to index
        %get3A_380 = tpu.vector_load %arg5[%get3A_377, %get3A_378, %get3A_379] {strides = array<i32>} : memref<2x19x2048xf32, #tpu.memory_space<vmem>>, vector<16xf32>,
        %gt3A_381 = arith.cmpf ogt, %get3A_380, %select_n3A_371 : vector<16xf32>
        %select_n3A_382 = arith.select %gt3A_381, %get3A_380, %select_n3A_371 : vector<16xi1>, vector<16xf32>
        %broadcast_in_dim3A_383 = arith.constant 16 : i32
        %broadcast_in_dim3A_384 = vector.broadcast %broadcast_in_dim3A_383 : i32 to vector<16xi32>
        %select_n3A_385 = arith.select %gt3A_381, %broadcast_in_dim3A_384, %select_n3A_374 : vector<16xi1>, vector<16xi32>
        %get3A_386 = arith.constant 1 : i32
        %get3A_387 = arith.constant 17 : i32
        %get3A_388 = arith.index_cast %get3A_386 : i32 to index
        %get3A_389 = arith.index_cast %get3A_387 : i32 to index
        %get3A_390 = arith.index_cast %mul3A_203 : i32 to index
        %get3A_391 = tpu.vector_load %arg5[%get3A_388, %get3A_389, %get3A_390] {strides = array<i32>} : memref<2x19x2048xf32, #tpu.memory_space<vmem>>, vector<16xf32>,
        %gt3A_392 = arith.cmpf ogt, %get3A_391, %select_n3A_382 : vector<16xf32>
        %select_n3A_393 = arith.select %gt3A_392, %get3A_391, %select_n3A_382 : vector<16xi1>, vector<16xf32>
        %broadcast_in_dim3A_394 = arith.constant 17 : i32
        %broadcast_in_dim3A_395 = vector.broadcast %broadcast_in_dim3A_394 : i32 to vector<16xi32>
        %select_n3A_396 = arith.select %gt3A_392, %broadcast_in_dim3A_395, %select_n3A_385 : vector<16xi1>, vector<16xi32>
        %get3A_397 = arith.constant 1 : i32
        %get3A_398 = arith.constant 18 : i32
        %get3A_399 = arith.index_cast %get3A_397 : i32 to index
        %get3A_400 = arith.index_cast %get3A_398 : i32 to index
        %get3A_401 = arith.index_cast %mul3A_203 : i32 to index
        %get3A_402 = tpu.vector_load %arg5[%get3A_399, %get3A_400, %get3A_401] {strides = array<i32>} : memref<2x19x2048xf32, #tpu.memory_space<vmem>>, vector<16xf32>,
        %gt3A_403 = arith.cmpf ogt, %get3A_402, %select_n3A_393 : vector<16xf32>
        %select_n3A_404 = arith.select %gt3A_403, %get3A_402, %select_n3A_393 : vector<16xi1>, vector<16xf32>
        %broadcast_in_dim3A_405 = arith.constant 18 : i32
        %broadcast_in_dim3A_406 = vector.broadcast %broadcast_in_dim3A_405 : i32 to vector<16xi32>
        %select_n3A_407 = arith.select %gt3A_403, %broadcast_in_dim3A_406, %select_n3A_396 : vector<16xi1>, vector<16xi32>
        %get3A_408 = arith.constant 1 : i32
        %get3A_409 = arith.index_cast %get3A_408 : i32 to index
        %get3A_410 = arith.index_cast %mul3A_203 : i32 to index
        %get3A_411 = tpu.vector_load %arg6[%get3A_409, %get3A_410] {strides = array<i32>} : memref<2x2048xi32, #tpu.memory_space<vmem>>, vector<16xi32>,
        %mul3A_412 = arith.constant 19 : i32
        %mul3A_413 = vector.broadcast %mul3A_412 : i32 to vector<16xi32>
        %mul3A_414 = arith.muli %select_n3A_407, %mul3A_413 : vector<16xi32>
        %add3A_415 = arith.addi %mul3A_414, %get3A_411 : vector<16xi32>
        %mul3A_416 = arith.constant 16 : i32
        %mul3A_417 = vector.broadcast %mul3A_416 : i32 to vector<16xi32>
        %mul3A_418 = arith.muli %add3A_415, %mul3A_417 : vector<16xi32>
        %add3A_419 = arith.addi %mul3A_418, %iota3A : vector<16xi32>
        tpu.vector_store_idx %arg7[%add3A_419], %broadcast_in_dim3A_68 {add = true} : memref<6144xf32, #tpu.memory_space<vmem>>[vector<16xi32>], vector<16xf32>,
        %mul3A_420 = arith.constant 8 : i32
        %mul3A_421 = arith.muli %scan3A_197, %mul3A_420 : i32
        %add3A_422 = arith.constant 1 : i32
        %add3A_423 = arith.addi %mul3A_421, %add3A_422 : i32
        %mul3A_424 = arith.constant 16 : i32
        %mul3A_425 = arith.muli %add3A_423, %mul3A_424 : i32
        %get3A_426 = arith.constant 1 : i32
        %get3A_427 = arith.constant 0 : i32
        %get3A_428 = arith.index_cast %get3A_426 : i32 to index
        %get3A_429 = arith.index_cast %get3A_427 : i32 to index
        %get3A_430 = arith.index_cast %mul3A_425 : i32 to index
        %get3A_431 = tpu.vector_load %arg5[%get3A_428, %get3A_429, %get3A_430] {strides = array<i32>} : memref<2x19x2048xf32, #tpu.memory_space<vmem>>, vector<16xf32>,
        %broadcast_in_dim3A_432 = arith.constant 0 : i32
        %broadcast_in_dim3A_433 = vector.broadcast %broadcast_in_dim3A_432 : i32 to vector<16xi32>
        %get3A_434 = arith.constant 1 : i32
        %get3A_435 = arith.constant 1 : i32
        %get3A_436 = arith.index_cast %get3A_434 : i32 to index
        %get3A_437 = arith.index_cast %get3A_435 : i32 to index
        %get3A_438 = arith.index_cast %mul3A_425 : i32 to index
        %get3A_439 = tpu.vector_load %arg5[%get3A_436, %get3A_437, %get3A_438] {strides = array<i32>} : memref<2x19x2048xf32, #tpu.memory_space<vmem>>, vector<16xf32>,
        %gt3A_440 = arith.cmpf ogt, %get3A_439, %get3A_431 : vector<16xf32>
        %select_n3A_441 = arith.select %gt3A_440, %get3A_439, %get3A_431 : vector<16xi1>, vector<16xf32>
        %broadcast_in_dim3A_442 = arith.constant 1 : i32
        %broadcast_in_dim3A_443 = vector.broadcast %broadcast_in_dim3A_442 : i32 to vector<16xi32>
        %select_n3A_444 = arith.select %gt3A_440, %broadcast_in_dim3A_443, %broadcast_in_dim3A_433 : vector<16xi1>, vector<16xi32>
        %get3A_445 = arith.constant 1 : i32
        %get3A_446 = arith.constant 2 : i32
        %get3A_447 = arith.index_cast %get3A_445 : i32 to index
        %get3A_448 = arith.index_cast %get3A_446 : i32 to index
        %get3A_449 = arith.index_cast %mul3A_425 : i32 to index
        %get3A_450 = tpu.vector_load %arg5[%get3A_447, %get3A_448, %get3A_449] {strides = array<i32>} : memref<2x19x2048xf32, #tpu.memory_space<vmem>>, vector<16xf32>,
        %gt3A_451 = arith.cmpf ogt, %get3A_450, %select_n3A_441 : vector<16xf32>
        %select_n3A_452 = arith.select %gt3A_451, %get3A_450, %select_n3A_441 : vector<16xi1>, vector<16xf32>
        %broadcast_in_dim3A_453 = arith.constant 2 : i32
        %broadcast_in_dim3A_454 = vector.broadcast %broadcast_in_dim3A_453 : i32 to vector<16xi32>
        %select_n3A_455 = arith.select %gt3A_451, %broadcast_in_dim3A_454, %select_n3A_444 : vector<16xi1>, vector<16xi32>
        %get3A_456 = arith.constant 1 : i32
        %get3A_457 = arith.constant 3 : i32
        %get3A_458 = arith.index_cast %get3A_456 : i32 to index
        %get3A_459 = arith.index_cast %get3A_457 : i32 to index
        %get3A_460 = arith.index_cast %mul3A_425 : i32 to index
        %get3A_461 = tpu.vector_load %arg5[%get3A_458, %get3A_459, %get3A_460] {strides = array<i32>} : memref<2x19x2048xf32, #tpu.memory_space<vmem>>, vector<16xf32>,
        %gt3A_462 = arith.cmpf ogt, %get3A_461, %select_n3A_452 : vector<16xf32>
        %select_n3A_463 = arith.select %gt3A_462, %get3A_461, %select_n3A_452 : vector<16xi1>, vector<16xf32>
        %broadcast_in_dim3A_464 = arith.constant 3 : i32
        %broadcast_in_dim3A_465 = vector.broadcast %broadcast_in_dim3A_464 : i32 to vector<16xi32>
        %select_n3A_466 = arith.select %gt3A_462, %broadcast_in_dim3A_465, %select_n3A_455 : vector<16xi1>, vector<16xi32>
        %get3A_467 = arith.constant 1 : i32
        %get3A_468 = arith.constant 4 : i32
        %get3A_469 = arith.index_cast %get3A_467 : i32 to index
        %get3A_470 = arith.index_cast %get3A_468 : i32 to index
        %get3A_471 = arith.index_cast %mul3A_425 : i32 to index
        %get3A_472 = tpu.vector_load %arg5[%get3A_469, %get3A_470, %get3A_471] {strides = array<i32>} : memref<2x19x2048xf32, #tpu.memory_space<vmem>>, vector<16xf32>,
        %gt3A_473 = arith.cmpf ogt, %get3A_472, %select_n3A_463 : vector<16xf32>
        %select_n3A_474 = arith.select %gt3A_473, %get3A_472, %select_n3A_463 : vector<16xi1>, vector<16xf32>
        %broadcast_in_dim3A_475 = arith.constant 4 : i32
        %broadcast_in_dim3A_476 = vector.broadcast %broadcast_in_dim3A_475 : i32 to vector<16xi32>
        %select_n3A_477 = arith.select %gt3A_473, %broadcast_in_dim3A_476, %select_n3A_466 : vector<16xi1>, vector<16xi32>
        %get3A_478 = arith.constant 1 : i32
        %get3A_479 = arith.constant 5 : i32
        %get3A_480 = arith.index_cast %get3A_478 : i32 to index
        %get3A_481 = arith.index_cast %get3A_479 : i32 to index
        %get3A_482 = arith.index_cast %mul3A_425 : i32 to index
        %get3A_483 = tpu.vector_load %arg5[%get3A_480, %get3A_481, %get3A_482] {strides = array<i32>} : memref<2x19x2048xf32, #tpu.memory_space<vmem>>, vector<16xf32>,
        %gt3A_484 = arith.cmpf ogt, %get3A_483, %select_n3A_474 : vector<16xf32>
        %select_n3A_485 = arith.select %gt3A_484, %get3A_483, %select_n3A_474 : vector<16xi1>, vector<16xf32>
        %broadcast_in_dim3A_486 = arith.constant 5 : i32
        %broadcast_in_dim3A_487 = vector.broadcast %broadcast_in_dim3A_486 : i32 to vector<16xi32>
        %select_n3A_488 = arith.select %gt3A_484, %broadcast_in_dim3A_487, %select_n3A_477 : vector<16xi1>, vector<16xi32>
        %get3A_489 = arith.constant 1 : i32
        %get3A_490 = arith.constant 6 : i32
        %get3A_491 = arith.index_cast %get3A_489 : i32 to index
        %get3A_492 = arith.index_cast %get3A_490 : i32 to index
        %get3A_493 = arith.index_cast %mul3A_425 : i32 to index
        %get3A_494 = tpu.vector_load %arg5[%get3A_491, %get3A_492, %get3A_493] {strides = array<i32>} : memref<2x19x2048xf32, #tpu.memory_space<vmem>>, vector<16xf32>,
        %gt3A_495 = arith.cmpf ogt, %get3A_494, %select_n3A_485 : vector<16xf32>
        %select_n3A_496 = arith.select %gt3A_495, %get3A_494, %select_n3A_485 : vector<16xi1>, vector<16xf32>
        %broadcast_in_dim3A_497 = arith.constant 6 : i32
        %broadcast_in_dim3A_498 = vector.broadcast %broadcast_in_dim3A_497 : i32 to vector<16xi32>
        %select_n3A_499 = arith.select %gt3A_495, %broadcast_in_dim3A_498, %select_n3A_488 : vector<16xi1>, vector<16xi32>
        %get3A_500 = arith.constant 1 : i32
        %get3A_501 = arith.constant 7 : i32
        %get3A_502 = arith.index_cast %get3A_500 : i32 to index
        %get3A_503 = arith.index_cast %get3A_501 : i32 to index
        %get3A_504 = arith.index_cast %mul3A_425 : i32 to index
        %get3A_505 = tpu.vector_load %arg5[%get3A_502, %get3A_503, %get3A_504] {strides = array<i32>} : memref<2x19x2048xf32, #tpu.memory_space<vmem>>, vector<16xf32>,
        %gt3A_506 = arith.cmpf ogt, %get3A_505, %select_n3A_496 : vector<16xf32>
        %select_n3A_507 = arith.select %gt3A_506, %get3A_505, %select_n3A_496 : vector<16xi1>, vector<16xf32>
        %broadcast_in_dim3A_508 = arith.constant 7 : i32
        %broadcast_in_dim3A_509 = vector.broadcast %broadcast_in_dim3A_508 : i32 to vector<16xi32>
        %select_n3A_510 = arith.select %gt3A_506, %broadcast_in_dim3A_509, %select_n3A_499 : vector<16xi1>, vector<16xi32>
        %get3A_511 = arith.constant 1 : i32
        %get3A_512 = arith.constant 8 : i32
        %get3A_513 = arith.index_cast %get3A_511 : i32 to index
        %get3A_514 = arith.index_cast %get3A_512 : i32 to index
        %get3A_515 = arith.index_cast %mul3A_425 : i32 to index
        %get3A_516 = tpu.vector_load %arg5[%get3A_513, %get3A_514, %get3A_515] {strides = array<i32>} : memref<2x19x2048xf32, #tpu.memory_space<vmem>>, vector<16xf32>,
        %gt3A_517 = arith.cmpf ogt, %get3A_516, %select_n3A_507 : vector<16xf32>
        %select_n3A_518 = arith.select %gt3A_517, %get3A_516, %select_n3A_507 : vector<16xi1>, vector<16xf32>
        %broadcast_in_dim3A_519 = arith.constant 8 : i32
        %broadcast_in_dim3A_520 = vector.broadcast %broadcast_in_dim3A_519 : i32 to vector<16xi32>
        %select_n3A_521 = arith.select %gt3A_517, %broadcast_in_dim3A_520, %select_n3A_510 : vector<16xi1>, vector<16xi32>
        %get3A_522 = arith.constant 1 : i32
        %get3A_523 = arith.constant 9 : i32
        %get3A_524 = arith.index_cast %get3A_522 : i32 to index
        %get3A_525 = arith.index_cast %get3A_523 : i32 to index
        %get3A_526 = arith.index_cast %mul3A_425 : i32 to index
        %get3A_527 = tpu.vector_load %arg5[%get3A_524, %get3A_525, %get3A_526] {strides = array<i32>} : memref<2x19x2048xf32, #tpu.memory_space<vmem>>, vector<16xf32>,
        %gt3A_528 = arith.cmpf ogt, %get3A_527, %select_n3A_518 : vector<16xf32>
        %select_n3A_529 = arith.select %gt3A_528, %get3A_527, %select_n3A_518 : vector<16xi1>, vector<16xf32>
        %broadcast_in_dim3A_530 = arith.constant 9 : i32
        %broadcast_in_dim3A_531 = vector.broadcast %broadcast_in_dim3A_530 : i32 to vector<16xi32>
        %select_n3A_532 = arith.select %gt3A_528, %broadcast_in_dim3A_531, %select_n3A_521 : vector<16xi1>, vector<16xi32>
        %get3A_533 = arith.constant 1 : i32
        %get3A_534 = arith.constant 10 : i32
        %get3A_535 = arith.index_cast %get3A_533 : i32 to index
        %get3A_536 = arith.index_cast %get3A_534 : i32 to index
        %get3A_537 = arith.index_cast %mul3A_425 : i32 to index
        %get3A_538 = tpu.vector_load %arg5[%get3A_535, %get3A_536, %get3A_537] {strides = array<i32>} : memref<2x19x2048xf32, #tpu.memory_space<vmem>>, vector<16xf32>,
        %gt3A_539 = arith.cmpf ogt, %get3A_538, %select_n3A_529 : vector<16xf32>
        %select_n3A_540 = arith.select %gt3A_539, %get3A_538, %select_n3A_529 : vector<16xi1>, vector<16xf32>
        %broadcast_in_dim3A_541 = arith.constant 10 : i32
        %broadcast_in_dim3A_542 = vector.broadcast %broadcast_in_dim3A_541 : i32 to vector<16xi32>
        %select_n3A_543 = arith.select %gt3A_539, %broadcast_in_dim3A_542, %select_n3A_532 : vector<16xi1>, vector<16xi32>
        %get3A_544 = arith.constant 1 : i32
        %get3A_545 = arith.constant 11 : i32
        %get3A_546 = arith.index_cast %get3A_544 : i32 to index
        %get3A_547 = arith.index_cast %get3A_545 : i32 to index
        %get3A_548 = arith.index_cast %mul3A_425 : i32 to index
        %get3A_549 = tpu.vector_load %arg5[%get3A_546, %get3A_547, %get3A_548] {strides = array<i32>} : memref<2x19x2048xf32, #tpu.memory_space<vmem>>, vector<16xf32>,
        %gt3A_550 = arith.cmpf ogt, %get3A_549, %select_n3A_540 : vector<16xf32>
        %select_n3A_551 = arith.select %gt3A_550, %get3A_549, %select_n3A_540 : vector<16xi1>, vector<16xf32>
        %broadcast_in_dim3A_552 = arith.constant 11 : i32
        %broadcast_in_dim3A_553 = vector.broadcast %broadcast_in_dim3A_552 : i32 to vector<16xi32>
        %select_n3A_554 = arith.select %gt3A_550, %broadcast_in_dim3A_553, %select_n3A_543 : vector<16xi1>, vector<16xi32>
        %get3A_555 = arith.constant 1 : i32
        %get3A_556 = arith.constant 12 : i32
        %get3A_557 = arith.index_cast %get3A_555 : i32 to index
        %get3A_558 = arith.index_cast %get3A_556 : i32 to index
        %get3A_559 = arith.index_cast %mul3A_425 : i32 to index
        %get3A_560 = tpu.vector_load %arg5[%get3A_557, %get3A_558, %get3A_559] {strides = array<i32>} : memref<2x19x2048xf32, #tpu.memory_space<vmem>>, vector<16xf32>,
        %gt3A_561 = arith.cmpf ogt, %get3A_560, %select_n3A_551 : vector<16xf32>
        %select_n3A_562 = arith.select %gt3A_561, %get3A_560, %select_n3A_551 : vector<16xi1>, vector<16xf32>
        %broadcast_in_dim3A_563 = arith.constant 12 : i32
        %broadcast_in_dim3A_564 = vector.broadcast %broadcast_in_dim3A_563 : i32 to vector<16xi32>
        %select_n3A_565 = arith.select %gt3A_561, %broadcast_in_dim3A_564, %select_n3A_554 : vector<16xi1>, vector<16xi32>
        %get3A_566 = arith.constant 1 : i32
        %get3A_567 = arith.constant 13 : i32
        %get3A_568 = arith.index_cast %get3A_566 : i32 to index
        %get3A_569 = arith.index_cast %get3A_567 : i32 to index
        %get3A_570 = arith.index_cast %mul3A_425 : i32 to index
        %get3A_571 = tpu.vector_load %arg5[%get3A_568, %get3A_569, %get3A_570] {strides = array<i32>} : memref<2x19x2048xf32, #tpu.memory_space<vmem>>, vector<16xf32>,
        %gt3A_572 = arith.cmpf ogt, %get3A_571, %select_n3A_562 : vector<16xf32>
        %select_n3A_573 = arith.select %gt3A_572, %get3A_571, %select_n3A_562 : vector<16xi1>, vector<16xf32>
        %broadcast_in_dim3A_574 = arith.constant 13 : i32
        %broadcast_in_dim3A_575 = vector.broadcast %broadcast_in_dim3A_574 : i32 to vector<16xi32>
        %select_n3A_576 = arith.select %gt3A_572, %broadcast_in_dim3A_575, %select_n3A_565 : vector<16xi1>, vector<16xi32>
        %get3A_577 = arith.constant 1 : i32
        %get3A_578 = arith.constant 14 : i32
        %get3A_579 = arith.index_cast %get3A_577 : i32 to index
        %get3A_580 = arith.index_cast %get3A_578 : i32 to index
        %get3A_581 = arith.index_cast %mul3A_425 : i32 to index
        %get3A_582 = tpu.vector_load %arg5[%get3A_579, %get3A_580, %get3A_581] {strides = array<i32>} : memref<2x19x2048xf32, #tpu.memory_space<vmem>>, vector<16xf32>,
        %gt3A_583 = arith.cmpf ogt, %get3A_582, %select_n3A_573 : vector<16xf32>
        %select_n3A_584 = arith.select %gt3A_583, %get3A_582, %select_n3A_573 : vector<16xi1>, vector<16xf32>
        %broadcast_in_dim3A_585 = arith.constant 14 : i32
        %broadcast_in_dim3A_586 = vector.broadcast %broadcast_in_dim3A_585 : i32 to vector<16xi32>
        %select_n3A_587 = arith.select %gt3A_583, %broadcast_in_dim3A_586, %select_n3A_576 : vector<16xi1>, vector<16xi32>
        %get3A_588 = arith.constant 1 : i32
        %get3A_589 = arith.constant 15 : i32
        %get3A_590 = arith.index_cast %get3A_588 : i32 to index
        %get3A_591 = arith.index_cast %get3A_589 : i32 to index
        %get3A_592 = arith.index_cast %mul3A_425 : i32 to index
        %get3A_593 = tpu.vector_load %arg5[%get3A_590, %get3A_591, %get3A_592] {strides = array<i32>} : memref<2x19x2048xf32, #tpu.memory_space<vmem>>, vector<16xf32>,
        %gt3A_594 = arith.cmpf ogt, %get3A_593, %select_n3A_584 : vector<16xf32>
        %select_n3A_595 = arith.select %gt3A_594, %get3A_593, %select_n3A_584 : vector<16xi1>, vector<16xf32>
        %broadcast_in_dim3A_596 = arith.constant 15 : i32
        %broadcast_in_dim3A_597 = vector.broadcast %broadcast_in_dim3A_596 : i32 to vector<16xi32>
        %select_n3A_598 = arith.select %gt3A_594, %broadcast_in_dim3A_597, %select_n3A_587 : vector<16xi1>, vector<16xi32>
        %get3A_599 = arith.constant 1 : i32
        %get3A_600 = arith.constant 16 : i32
        %get3A_601 = arith.index_cast %get3A_599 : i32 to index
        %get3A_602 = arith.index_cast %get3A_600 : i32 to index
        %get3A_603 = arith.index_cast %mul3A_425 : i32 to index
        %get3A_604 = tpu.vector_load %arg5[%get3A_601, %get3A_602, %get3A_603] {strides = array<i32>} : memref<2x19x2048xf32, #tpu.memory_space<vmem>>, vector<16xf32>,
        %gt3A_605 = arith.cmpf ogt, %get3A_604, %select_n3A_595 : vector<16xf32>
        %select_n3A_606 = arith.select %gt3A_605, %get3A_604, %select_n3A_595 : vector<16xi1>, vector<16xf32>
        %broadcast_in_dim3A_607 = arith.constant 16 : i32
        %broadcast_in_dim3A_608 = vector.broadcast %broadcast_in_dim3A_607 : i32 to vector<16xi32>
        %select_n3A_609 = arith.select %gt3A_605, %broadcast_in_dim3A_608, %select_n3A_598 : vector<16xi1>, vector<16xi32>
        %get3A_610 = arith.constant 1 : i32
        %get3A_611 = arith.constant 17 : i32
        %get3A_612 = arith.index_cast %get3A_610 : i32 to index
        %get3A_613 = arith.index_cast %get3A_611 : i32 to index
        %get3A_614 = arith.index_cast %mul3A_425 : i32 to index
        %get3A_615 = tpu.vector_load %arg5[%get3A_612, %get3A_613, %get3A_614] {strides = array<i32>} : memref<2x19x2048xf32, #tpu.memory_space<vmem>>, vector<16xf32>,
        %gt3A_616 = arith.cmpf ogt, %get3A_615, %select_n3A_606 : vector<16xf32>
        %select_n3A_617 = arith.select %gt3A_616, %get3A_615, %select_n3A_606 : vector<16xi1>, vector<16xf32>
        %broadcast_in_dim3A_618 = arith.constant 17 : i32
        %broadcast_in_dim3A_619 = vector.broadcast %broadcast_in_dim3A_618 : i32 to vector<16xi32>
        %select_n3A_620 = arith.select %gt3A_616, %broadcast_in_dim3A_619, %select_n3A_609 : vector<16xi1>, vector<16xi32>
        %get3A_621 = arith.constant 1 : i32
        %get3A_622 = arith.constant 18 : i32
        %get3A_623 = arith.index_cast %get3A_621 : i32 to index
        %get3A_624 = arith.index_cast %get3A_622 : i32 to index
        %get3A_625 = arith.index_cast %mul3A_425 : i32 to index
        %get3A_626 = tpu.vector_load %arg5[%get3A_623, %get3A_624, %get3A_625] {strides = array<i32>} : memref<2x19x2048xf32, #tpu.memory_space<vmem>>, vector<16xf32>,
        %gt3A_627 = arith.cmpf ogt, %get3A_626, %select_n3A_617 : vector<16xf32>
        %select_n3A_628 = arith.select %gt3A_627, %get3A_626, %select_n3A_617 : vector<16xi1>, vector<16xf32>
        %broadcast_in_dim3A_629 = arith.constant 18 : i32
        %broadcast_in_dim3A_630 = vector.broadcast %broadcast_in_dim3A_629 : i32 to vector<16xi32>
        %select_n3A_631 = arith.select %gt3A_627, %broadcast_in_dim3A_630, %select_n3A_620 : vector<16xi1>, vector<16xi32>
        %get3A_632 = arith.constant 1 : i32
        %get3A_633 = arith.index_cast %get3A_632 : i32 to index
        %get3A_634 = arith.index_cast %mul3A_425 : i32 to index
        %get3A_635 = tpu.vector_load %arg6[%get3A_633, %get3A_634] {strides = array<i32>} : memref<2x2048xi32, #tpu.memory_space<vmem>>, vector<16xi32>,
        %mul3A_636 = arith.constant 19 : i32
        %mul3A_637 = vector.broadcast %mul3A_636 : i32 to vector<16xi32>
        %mul3A_638 = arith.muli %select_n3A_631, %mul3A_637 : vector<16xi32>
        %add3A_639 = arith.addi %mul3A_638, %get3A_635 : vector<16xi32>
        %mul3A_640 = arith.constant 16 : i32
        %mul3A_641 = vector.broadcast %mul3A_640 : i32 to vector<16xi32>
        %mul3A_642 = arith.muli %add3A_639, %mul3A_641 : vector<16xi32>
        %add3A_643 = arith.addi %mul3A_642, %iota3A : vector<16xi32>
        tpu.vector_store_idx %arg7[%add3A_643], %broadcast_in_dim3A_68 {add = true} : memref<6144xf32, #tpu.memory_space<vmem>>[vector<16xi32>], vector<16xf32>,
        %mul3A_644 = arith.constant 8 : i32
        %mul3A_645 = arith.muli %scan3A_197, %mul3A_644 : i32
        %add3A_646 = arith.constant 2 : i32
        %add3A_647 = arith.addi %mul3A_645, %add3A_646 : i32
        %mul3A_648 = arith.constant 16 : i32
        %mul3A_649 = arith.muli %add3A_647, %mul3A_648 : i32
        %get3A_650 = arith.constant 1 : i32
        %get3A_651 = arith.constant 0 : i32
        %get3A_652 = arith.index_cast %get3A_650 : i32 to index
        %get3A_653 = arith.index_cast %get3A_651 : i32 to index
        %get3A_654 = arith.index_cast %mul3A_649 : i32 to index
        %get3A_655 = tpu.vector_load %arg5[%get3A_652, %get3A_653, %get3A_654] {strides = array<i32>} : memref<2x19x2048xf32, #tpu.memory_space<vmem>>, vector<16xf32>,
        %broadcast_in_dim3A_656 = arith.constant 0 : i32
        %broadcast_in_dim3A_657 = vector.broadcast %broadcast_in_dim3A_656 : i32 to vector<16xi32>
        %get3A_658 = arith.constant 1 : i32
        %get3A_659 = arith.constant 1 : i32
        %get3A_660 = arith.index_cast %get3A_658 : i32 to index
        %get3A_661 = arith.index_cast %get3A_659 : i32 to index
        %get3A_662 = arith.index_cast %mul3A_649 : i32 to index
        %get3A_663 = tpu.vector_load %arg5[%get3A_660, %get3A_661, %get3A_662] {strides = array<i32>} : memref<2x19x2048xf32, #tpu.memory_space<vmem>>, vector<16xf32>,
        %gt3A_664 = arith.cmpf ogt, %get3A_663, %get3A_655 : vector<16xf32>
        %select_n3A_665 = arith.select %gt3A_664, %get3A_663, %get3A_655 : vector<16xi1>, vector<16xf32>
        %broadcast_in_dim3A_666 = arith.constant 1 : i32
        %broadcast_in_dim3A_667 = vector.broadcast %broadcast_in_dim3A_666 : i32 to vector<16xi32>
        %select_n3A_668 = arith.select %gt3A_664, %broadcast_in_dim3A_667, %broadcast_in_dim3A_657 : vector<16xi1>, vector<16xi32>
        %get3A_669 = arith.constant 1 : i32
        %get3A_670 = arith.constant 2 : i32
        %get3A_671 = arith.index_cast %get3A_669 : i32 to index
        %get3A_672 = arith.index_cast %get3A_670 : i32 to index
        %get3A_673 = arith.index_cast %mul3A_649 : i32 to index
        %get3A_674 = tpu.vector_load %arg5[%get3A_671, %get3A_672, %get3A_673] {strides = array<i32>} : memref<2x19x2048xf32, #tpu.memory_space<vmem>>, vector<16xf32>,
        %gt3A_675 = arith.cmpf ogt, %get3A_674, %select_n3A_665 : vector<16xf32>
        %select_n3A_676 = arith.select %gt3A_675, %get3A_674, %select_n3A_665 : vector<16xi1>, vector<16xf32>
        %broadcast_in_dim3A_677 = arith.constant 2 : i32
        %broadcast_in_dim3A_678 = vector.broadcast %broadcast_in_dim3A_677 : i32 to vector<16xi32>
        %select_n3A_679 = arith.select %gt3A_675, %broadcast_in_dim3A_678, %select_n3A_668 : vector<16xi1>, vector<16xi32>
        %get3A_680 = arith.constant 1 : i32
        %get3A_681 = arith.constant 3 : i32
        %get3A_682 = arith.index_cast %get3A_680 : i32 to index
        %get3A_683 = arith.index_cast %get3A_681 : i32 to index
        %get3A_684 = arith.index_cast %mul3A_649 : i32 to index
        %get3A_685 = tpu.vector_load %arg5[%get3A_682, %get3A_683, %get3A_684] {strides = array<i32>} : memref<2x19x2048xf32, #tpu.memory_space<vmem>>, vector<16xf32>,
        %gt3A_686 = arith.cmpf ogt, %get3A_685, %select_n3A_676 : vector<16xf32>
        %select_n3A_687 = arith.select %gt3A_686, %get3A_685, %select_n3A_676 : vector<16xi1>, vector<16xf32>
        %broadcast_in_dim3A_688 = arith.constant 3 : i32
        %broadcast_in_dim3A_689 = vector.broadcast %broadcast_in_dim3A_688 : i32 to vector<16xi32>
        %select_n3A_690 = arith.select %gt3A_686, %broadcast_in_dim3A_689, %select_n3A_679 : vector<16xi1>, vector<16xi32>
        %get3A_691 = arith.constant 1 : i32
        %get3A_692 = arith.constant 4 : i32
        %get3A_693 = arith.index_cast %get3A_691 : i32 to index
        %get3A_694 = arith.index_cast %get3A_692 : i32 to index
        %get3A_695 = arith.index_cast %mul3A_649 : i32 to index
        %get3A_696 = tpu.vector_load %arg5[%get3A_693, %get3A_694, %get3A_695] {strides = array<i32>} : memref<2x19x2048xf32, #tpu.memory_space<vmem>>, vector<16xf32>,
        %gt3A_697 = arith.cmpf ogt, %get3A_696, %select_n3A_687 : vector<16xf32>
        %select_n3A_698 = arith.select %gt3A_697, %get3A_696, %select_n3A_687 : vector<16xi1>, vector<16xf32>
        %broadcast_in_dim3A_699 = arith.constant 4 : i32
        %broadcast_in_dim3A_700 = vector.broadcast %broadcast_in_dim3A_699 : i32 to vector<16xi32>
        %select_n3A_701 = arith.select %gt3A_697, %broadcast_in_dim3A_700, %select_n3A_690 : vector<16xi1>, vector<16xi32>
        %get3A_702 = arith.constant 1 : i32
        %get3A_703 = arith.constant 5 : i32
        %get3A_704 = arith.index_cast %get3A_702 : i32 to index
        %get3A_705 = arith.index_cast %get3A_703 : i32 to index
        %get3A_706 = arith.index_cast %mul3A_649 : i32 to index
        %get3A_707 = tpu.vector_load %arg5[%get3A_704, %get3A_705, %get3A_706] {strides = array<i32>} : memref<2x19x2048xf32, #tpu.memory_space<vmem>>, vector<16xf32>,
        %gt3A_708 = arith.cmpf ogt, %get3A_707, %select_n3A_698 : vector<16xf32>
        %select_n3A_709 = arith.select %gt3A_708, %get3A_707, %select_n3A_698 : vector<16xi1>, vector<16xf32>
        %broadcast_in_dim3A_710 = arith.constant 5 : i32
        %broadcast_in_dim3A_711 = vector.broadcast %broadcast_in_dim3A_710 : i32 to vector<16xi32>
        %select_n3A_712 = arith.select %gt3A_708, %broadcast_in_dim3A_711, %select_n3A_701 : vector<16xi1>, vector<16xi32>
        %get3A_713 = arith.constant 1 : i32
        %get3A_714 = arith.constant 6 : i32
        %get3A_715 = arith.index_cast %get3A_713 : i32 to index
        %get3A_716 = arith.index_cast %get3A_714 : i32 to index
        %get3A_717 = arith.index_cast %mul3A_649 : i32 to index
        %get3A_718 = tpu.vector_load %arg5[%get3A_715, %get3A_716, %get3A_717] {strides = array<i32>} : memref<2x19x2048xf32, #tpu.memory_space<vmem>>, vector<16xf32>,
        %gt3A_719 = arith.cmpf ogt, %get3A_718, %select_n3A_709 : vector<16xf32>
        %select_n3A_720 = arith.select %gt3A_719, %get3A_718, %select_n3A_709 : vector<16xi1>, vector<16xf32>
        %broadcast_in_dim3A_721 = arith.constant 6 : i32
        %broadcast_in_dim3A_722 = vector.broadcast %broadcast_in_dim3A_721 : i32 to vector<16xi32>
        %select_n3A_723 = arith.select %gt3A_719, %broadcast_in_dim3A_722, %select_n3A_712 : vector<16xi1>, vector<16xi32>
        %get3A_724 = arith.constant 1 : i32
        %get3A_725 = arith.constant 7 : i32
        %get3A_726 = arith.index_cast %get3A_724 : i32 to index
        %get3A_727 = arith.index_cast %get3A_725 : i32 to index
        %get3A_728 = arith.index_cast %mul3A_649 : i32 to index
        %get3A_729 = tpu.vector_load %arg5[%get3A_726, %get3A_727, %get3A_728] {strides = array<i32>} : memref<2x19x2048xf32, #tpu.memory_space<vmem>>, vector<16xf32>,
        %gt3A_730 = arith.cmpf ogt, %get3A_729, %select_n3A_720 : vector<16xf32>
        %select_n3A_731 = arith.select %gt3A_730, %get3A_729, %select_n3A_720 : vector<16xi1>, vector<16xf32>
        %broadcast_in_dim3A_732 = arith.constant 7 : i32
        %broadcast_in_dim3A_733 = vector.broadcast %broadcast_in_dim3A_732 : i32 to vector<16xi32>
        %select_n3A_734 = arith.select %gt3A_730, %broadcast_in_dim3A_733, %select_n3A_723 : vector<16xi1>, vector<16xi32>
        %get3A_735 = arith.constant 1 : i32
        %get3A_736 = arith.constant 8 : i32
        %get3A_737 = arith.index_cast %get3A_735 : i32 to index
        %get3A_738 = arith.index_cast %get3A_736 : i32 to index
        %get3A_739 = arith.index_cast %mul3A_649 : i32 to index
        %get3A_740 = tpu.vector_load %arg5[%get3A_737, %get3A_738, %get3A_739] {strides = array<i32>} : memref<2x19x2048xf32, #tpu.memory_space<vmem>>, vector<16xf32>,
        %gt3A_741 = arith.cmpf ogt, %get3A_740, %select_n3A_731 : vector<16xf32>
        %select_n3A_742 = arith.select %gt3A_741, %get3A_740, %select_n3A_731 : vector<16xi1>, vector<16xf32>
        %broadcast_in_dim3A_743 = arith.constant 8 : i32
        %broadcast_in_dim3A_744 = vector.broadcast %broadcast_in_dim3A_743 : i32 to vector<16xi32>
        %select_n3A_745 = arith.select %gt3A_741, %broadcast_in_dim3A_744, %select_n3A_734 : vector<16xi1>, vector<16xi32>
        %get3A_746 = arith.constant 1 : i32
        %get3A_747 = arith.constant 9 : i32
        %get3A_748 = arith.index_cast %get3A_746 : i32 to index
        %get3A_749 = arith.index_cast %get3A_747 : i32 to index
        %get3A_750 = arith.index_cast %mul3A_649 : i32 to index
        %get3A_751 = tpu.vector_load %arg5[%get3A_748, %get3A_749, %get3A_750] {strides = array<i32>} : memref<2x19x2048xf32, #tpu.memory_space<vmem>>, vector<16xf32>,
        %gt3A_752 = arith.cmpf ogt, %get3A_751, %select_n3A_742 : vector<16xf32>
        %select_n3A_753 = arith.select %gt3A_752, %get3A_751, %select_n3A_742 : vector<16xi1>, vector<16xf32>
        %broadcast_in_dim3A_754 = arith.constant 9 : i32
        %broadcast_in_dim3A_755 = vector.broadcast %broadcast_in_dim3A_754 : i32 to vector<16xi32>
        %select_n3A_756 = arith.select %gt3A_752, %broadcast_in_dim3A_755, %select_n3A_745 : vector<16xi1>, vector<16xi32>
        %get3A_757 = arith.constant 1 : i32
        %get3A_758 = arith.constant 10 : i32
        %get3A_759 = arith.index_cast %get3A_757 : i32 to index
        %get3A_760 = arith.index_cast %get3A_758 : i32 to index
        %get3A_761 = arith.index_cast %mul3A_649 : i32 to index
        %get3A_762 = tpu.vector_load %arg5[%get3A_759, %get3A_760, %get3A_761] {strides = array<i32>} : memref<2x19x2048xf32, #tpu.memory_space<vmem>>, vector<16xf32>,
        %gt3A_763 = arith.cmpf ogt, %get3A_762, %select_n3A_753 : vector<16xf32>
        %select_n3A_764 = arith.select %gt3A_763, %get3A_762, %select_n3A_753 : vector<16xi1>, vector<16xf32>
        %broadcast_in_dim3A_765 = arith.constant 10 : i32
        %broadcast_in_dim3A_766 = vector.broadcast %broadcast_in_dim3A_765 : i32 to vector<16xi32>
        %select_n3A_767 = arith.select %gt3A_763, %broadcast_in_dim3A_766, %select_n3A_756 : vector<16xi1>, vector<16xi32>
        %get3A_768 = arith.constant 1 : i32
        %get3A_769 = arith.constant 11 : i32
        %get3A_770 = arith.index_cast %get3A_768 : i32 to index
        %get3A_771 = arith.index_cast %get3A_769 : i32 to index
        %get3A_772 = arith.index_cast %mul3A_649 : i32 to index
        %get3A_773 = tpu.vector_load %arg5[%get3A_770, %get3A_771, %get3A_772] {strides = array<i32>} : memref<2x19x2048xf32, #tpu.memory_space<vmem>>, vector<16xf32>,
        %gt3A_774 = arith.cmpf ogt, %get3A_773, %select_n3A_764 : vector<16xf32>
        %select_n3A_775 = arith.select %gt3A_774, %get3A_773, %select_n3A_764 : vector<16xi1>, vector<16xf32>
        %broadcast_in_dim3A_776 = arith.constant 11 : i32
        %broadcast_in_dim3A_777 = vector.broadcast %broadcast_in_dim3A_776 : i32 to vector<16xi32>
        %select_n3A_778 = arith.select %gt3A_774, %broadcast_in_dim3A_777, %select_n3A_767 : vector<16xi1>, vector<16xi32>
        %get3A_779 = arith.constant 1 : i32
        %get3A_780 = arith.constant 12 : i32
        %get3A_781 = arith.index_cast %get3A_779 : i32 to index
        %get3A_782 = arith.index_cast %get3A_780 : i32 to index
        %get3A_783 = arith.index_cast %mul3A_649 : i32 to index
        %get3A_784 = tpu.vector_load %arg5[%get3A_781, %get3A_782, %get3A_783] {strides = array<i32>} : memref<2x19x2048xf32, #tpu.memory_space<vmem>>, vector<16xf32>,
        %gt3A_785 = arith.cmpf ogt, %get3A_784, %select_n3A_775 : vector<16xf32>
        %select_n3A_786 = arith.select %gt3A_785, %get3A_784, %select_n3A_775 : vector<16xi1>, vector<16xf32>
        %broadcast_in_dim3A_787 = arith.constant 12 : i32
        %broadcast_in_dim3A_788 = vector.broadcast %broadcast_in_dim3A_787 : i32 to vector<16xi32>
        %select_n3A_789 = arith.select %gt3A_785, %broadcast_in_dim3A_788, %select_n3A_778 : vector<16xi1>, vector<16xi32>
        %get3A_790 = arith.constant 1 : i32
        %get3A_791 = arith.constant 13 : i32
        %get3A_792 = arith.index_cast %get3A_790 : i32 to index
        %get3A_793 = arith.index_cast %get3A_791 : i32 to index
        %get3A_794 = arith.index_cast %mul3A_649 : i32 to index
        %get3A_795 = tpu.vector_load %arg5[%get3A_792, %get3A_793, %get3A_794] {strides = array<i32>} : memref<2x19x2048xf32, #tpu.memory_space<vmem>>, vector<16xf32>,
        %gt3A_796 = arith.cmpf ogt, %get3A_795, %select_n3A_786 : vector<16xf32>
        %select_n3A_797 = arith.select %gt3A_796, %get3A_795, %select_n3A_786 : vector<16xi1>, vector<16xf32>
        %broadcast_in_dim3A_798 = arith.constant 13 : i32
        %broadcast_in_dim3A_799 = vector.broadcast %broadcast_in_dim3A_798 : i32 to vector<16xi32>
        %select_n3A_800 = arith.select %gt3A_796, %broadcast_in_dim3A_799, %select_n3A_789 : vector<16xi1>, vector<16xi32>
        %get3A_801 = arith.constant 1 : i32
        %get3A_802 = arith.constant 14 : i32
        %get3A_803 = arith.index_cast %get3A_801 : i32 to index
        %get3A_804 = arith.index_cast %get3A_802 : i32 to index
        %get3A_805 = arith.index_cast %mul3A_649 : i32 to index
        %get3A_806 = tpu.vector_load %arg5[%get3A_803, %get3A_804, %get3A_805] {strides = array<i32>} : memref<2x19x2048xf32, #tpu.memory_space<vmem>>, vector<16xf32>,
        %gt3A_807 = arith.cmpf ogt, %get3A_806, %select_n3A_797 : vector<16xf32>
        %select_n3A_808 = arith.select %gt3A_807, %get3A_806, %select_n3A_797 : vector<16xi1>, vector<16xf32>
        %broadcast_in_dim3A_809 = arith.constant 14 : i32
        %broadcast_in_dim3A_810 = vector.broadcast %broadcast_in_dim3A_809 : i32 to vector<16xi32>
        %select_n3A_811 = arith.select %gt3A_807, %broadcast_in_dim3A_810, %select_n3A_800 : vector<16xi1>, vector<16xi32>
        %get3A_812 = arith.constant 1 : i32
        %get3A_813 = arith.constant 15 : i32
        %get3A_814 = arith.index_cast %get3A_812 : i32 to index
        %get3A_815 = arith.index_cast %get3A_813 : i32 to index
        %get3A_816 = arith.index_cast %mul3A_649 : i32 to index
        %get3A_817 = tpu.vector_load %arg5[%get3A_814, %get3A_815, %get3A_816] {strides = array<i32>} : memref<2x19x2048xf32, #tpu.memory_space<vmem>>, vector<16xf32>,
        %gt3A_818 = arith.cmpf ogt, %get3A_817, %select_n3A_808 : vector<16xf32>
        %select_n3A_819 = arith.select %gt3A_818, %get3A_817, %select_n3A_808 : vector<16xi1>, vector<16xf32>
        %broadcast_in_dim3A_820 = arith.constant 15 : i32
        %broadcast_in_dim3A_821 = vector.broadcast %broadcast_in_dim3A_820 : i32 to vector<16xi32>
        %select_n3A_822 = arith.select %gt3A_818, %broadcast_in_dim3A_821, %select_n3A_811 : vector<16xi1>, vector<16xi32>
        %get3A_823 = arith.constant 1 : i32
        %get3A_824 = arith.constant 16 : i32
        %get3A_825 = arith.index_cast %get3A_823 : i32 to index
        %get3A_826 = arith.index_cast %get3A_824 : i32 to index
        %get3A_827 = arith.index_cast %mul3A_649 : i32 to index
        %get3A_828 = tpu.vector_load %arg5[%get3A_825, %get3A_826, %get3A_827] {strides = array<i32>} : memref<2x19x2048xf32, #tpu.memory_space<vmem>>, vector<16xf32>,
        %gt3A_829 = arith.cmpf ogt, %get3A_828, %select_n3A_819 : vector<16xf32>
        %select_n3A_830 = arith.select %gt3A_829, %get3A_828, %select_n3A_819 : vector<16xi1>, vector<16xf32>
        %broadcast_in_dim3A_831 = arith.constant 16 : i32
        %broadcast_in_dim3A_832 = vector.broadcast %broadcast_in_dim3A_831 : i32 to vector<16xi32>
        %select_n3A_833 = arith.select %gt3A_829, %broadcast_in_dim3A_832, %select_n3A_822 : vector<16xi1>, vector<16xi32>
        %get3A_834 = arith.constant 1 : i32
        %get3A_835 = arith.constant 17 : i32
        %get3A_836 = arith.index_cast %get3A_834 : i32 to index
        %get3A_837 = arith.index_cast %get3A_835 : i32 to index
        %get3A_838 = arith.index_cast %mul3A_649 : i32 to index
        %get3A_839 = tpu.vector_load %arg5[%get3A_836, %get3A_837, %get3A_838] {strides = array<i32>} : memref<2x19x2048xf32, #tpu.memory_space<vmem>>, vector<16xf32>,
        %gt3A_840 = arith.cmpf ogt, %get3A_839, %select_n3A_830 : vector<16xf32>
        %select_n3A_841 = arith.select %gt3A_840, %get3A_839, %select_n3A_830 : vector<16xi1>, vector<16xf32>
        %broadcast_in_dim3A_842 = arith.constant 17 : i32
        %broadcast_in_dim3A_843 = vector.broadcast %broadcast_in_dim3A_842 : i32 to vector<16xi32>
        %select_n3A_844 = arith.select %gt3A_840, %broadcast_in_dim3A_843, %select_n3A_833 : vector<16xi1>, vector<16xi32>
        %get3A_845 = arith.constant 1 : i32
        %get3A_846 = arith.constant 18 : i32
        %get3A_847 = arith.index_cast %get3A_845 : i32 to index
        %get3A_848 = arith.index_cast %get3A_846 : i32 to index
        %get3A_849 = arith.index_cast %mul3A_649 : i32 to index
        %get3A_850 = tpu.vector_load %arg5[%get3A_847, %get3A_848, %get3A_849] {strides = array<i32>} : memref<2x19x2048xf32, #tpu.memory_space<vmem>>, vector<16xf32>,
        %gt3A_851 = arith.cmpf ogt, %get3A_850, %select_n3A_841 : vector<16xf32>
        %select_n3A_852 = arith.select %gt3A_851, %get3A_850, %select_n3A_841 : vector<16xi1>, vector<16xf32>
        %broadcast_in_dim3A_853 = arith.constant 18 : i32
        %broadcast_in_dim3A_854 = vector.broadcast %broadcast_in_dim3A_853 : i32 to vector<16xi32>
        %select_n3A_855 = arith.select %gt3A_851, %broadcast_in_dim3A_854, %select_n3A_844 : vector<16xi1>, vector<16xi32>
        %get3A_856 = arith.constant 1 : i32
        %get3A_857 = arith.index_cast %get3A_856 : i32 to index
        %get3A_858 = arith.index_cast %mul3A_649 : i32 to index
        %get3A_859 = tpu.vector_load %arg6[%get3A_857, %get3A_858] {strides = array<i32>} : memref<2x2048xi32, #tpu.memory_space<vmem>>, vector<16xi32>,
        %mul3A_860 = arith.constant 19 : i32
        %mul3A_861 = vector.broadcast %mul3A_860 : i32 to vector<16xi32>
        %mul3A_862 = arith.muli %select_n3A_855, %mul3A_861 : vector<16xi32>
        %add3A_863 = arith.addi %mul3A_862, %get3A_859 : vector<16xi32>
        %mul3A_864 = arith.constant 16 : i32
        %mul3A_865 = vector.broadcast %mul3A_864 : i32 to vector<16xi32>
        %mul3A_866 = arith.muli %add3A_863, %mul3A_865 : vector<16xi32>
        %add3A_867 = arith.addi %mul3A_866, %iota3A : vector<16xi32>
        tpu.vector_store_idx %arg7[%add3A_867], %broadcast_in_dim3A_68 {add = true} : memref<6144xf32, #tpu.memory_space<vmem>>[vector<16xi32>], vector<16xf32>,
        %mul3A_868 = arith.constant 8 : i32
        %mul3A_869 = arith.muli %scan3A_197, %mul3A_868 : i32
        %add3A_870 = arith.constant 3 : i32
        %add3A_871 = arith.addi %mul3A_869, %add3A_870 : i32
        %mul3A_872 = arith.constant 16 : i32
        %mul3A_873 = arith.muli %add3A_871, %mul3A_872 : i32
        %get3A_874 = arith.constant 1 : i32
        %get3A_875 = arith.constant 0 : i32
        %get3A_876 = arith.index_cast %get3A_874 : i32 to index
        %get3A_877 = arith.index_cast %get3A_875 : i32 to index
        %get3A_878 = arith.index_cast %mul3A_873 : i32 to index
        %get3A_879 = tpu.vector_load %arg5[%get3A_876, %get3A_877, %get3A_878] {strides = array<i32>} : memref<2x19x2048xf32, #tpu.memory_space<vmem>>, vector<16xf32>,
        %broadcast_in_dim3A_880 = arith.constant 0 : i32
        %broadcast_in_dim3A_881 = vector.broadcast %broadcast_in_dim3A_880 : i32 to vector<16xi32>
        %get3A_882 = arith.constant 1 : i32
        %get3A_883 = arith.constant 1 : i32
        %get3A_884 = arith.index_cast %get3A_882 : i32 to index
        %get3A_885 = arith.index_cast %get3A_883 : i32 to index
        %get3A_886 = arith.index_cast %mul3A_873 : i32 to index
        %get3A_887 = tpu.vector_load %arg5[%get3A_884, %get3A_885, %get3A_886] {strides = array<i32>} : memref<2x19x2048xf32, #tpu.memory_space<vmem>>, vector<16xf32>,
        %gt3A_888 = arith.cmpf ogt, %get3A_887, %get3A_879 : vector<16xf32>
        %select_n3A_889 = arith.select %gt3A_888, %get3A_887, %get3A_879 : vector<16xi1>, vector<16xf32>
        %broadcast_in_dim3A_890 = arith.constant 1 : i32
        %broadcast_in_dim3A_891 = vector.broadcast %broadcast_in_dim3A_890 : i32 to vector<16xi32>
        %select_n3A_892 = arith.select %gt3A_888, %broadcast_in_dim3A_891, %broadcast_in_dim3A_881 : vector<16xi1>, vector<16xi32>
        %get3A_893 = arith.constant 1 : i32
        %get3A_894 = arith.constant 2 : i32
        %get3A_895 = arith.index_cast %get3A_893 : i32 to index
        %get3A_896 = arith.index_cast %get3A_894 : i32 to index
        %get3A_897 = arith.index_cast %mul3A_873 : i32 to index
        %get3A_898 = tpu.vector_load %arg5[%get3A_895, %get3A_896, %get3A_897] {strides = array<i32>} : memref<2x19x2048xf32, #tpu.memory_space<vmem>>, vector<16xf32>,
        %gt3A_899 = arith.cmpf ogt, %get3A_898, %select_n3A_889 : vector<16xf32>
        %select_n3A_900 = arith.select %gt3A_899, %get3A_898, %select_n3A_889 : vector<16xi1>, vector<16xf32>
        %broadcast_in_dim3A_901 = arith.constant 2 : i32
        %broadcast_in_dim3A_902 = vector.broadcast %broadcast_in_dim3A_901 : i32 to vector<16xi32>
        %select_n3A_903 = arith.select %gt3A_899, %broadcast_in_dim3A_902, %select_n3A_892 : vector<16xi1>, vector<16xi32>
        %get3A_904 = arith.constant 1 : i32
        %get3A_905 = arith.constant 3 : i32
        %get3A_906 = arith.index_cast %get3A_904 : i32 to index
        %get3A_907 = arith.index_cast %get3A_905 : i32 to index
        %get3A_908 = arith.index_cast %mul3A_873 : i32 to index
        %get3A_909 = tpu.vector_load %arg5[%get3A_906, %get3A_907, %get3A_908] {strides = array<i32>} : memref<2x19x2048xf32, #tpu.memory_space<vmem>>, vector<16xf32>,
        %gt3A_910 = arith.cmpf ogt, %get3A_909, %select_n3A_900 : vector<16xf32>
        %select_n3A_911 = arith.select %gt3A_910, %get3A_909, %select_n3A_900 : vector<16xi1>, vector<16xf32>
        %broadcast_in_dim3A_912 = arith.constant 3 : i32
        %broadcast_in_dim3A_913 = vector.broadcast %broadcast_in_dim3A_912 : i32 to vector<16xi32>
        %select_n3A_914 = arith.select %gt3A_910, %broadcast_in_dim3A_913, %select_n3A_903 : vector<16xi1>, vector<16xi32>
        %get3A_915 = arith.constant 1 : i32
        %get3A_916 = arith.constant 4 : i32
        %get3A_917 = arith.index_cast %get3A_915 : i32 to index
        %get3A_918 = arith.index_cast %get3A_916 : i32 to index
        %get3A_919 = arith.index_cast %mul3A_873 : i32 to index
        %get3A_920 = tpu.vector_load %arg5[%get3A_917, %get3A_918, %get3A_919] {strides = array<i32>} : memref<2x19x2048xf32, #tpu.memory_space<vmem>>, vector<16xf32>,
        %gt3A_921 = arith.cmpf ogt, %get3A_920, %select_n3A_911 : vector<16xf32>
        %select_n3A_922 = arith.select %gt3A_921, %get3A_920, %select_n3A_911 : vector<16xi1>, vector<16xf32>
        %broadcast_in_dim3A_923 = arith.constant 4 : i32
        %broadcast_in_dim3A_924 = vector.broadcast %broadcast_in_dim3A_923 : i32 to vector<16xi32>
        %select_n3A_925 = arith.select %gt3A_921, %broadcast_in_dim3A_924, %select_n3A_914 : vector<16xi1>, vector<16xi32>
        %get3A_926 = arith.constant 1 : i32
        %get3A_927 = arith.constant 5 : i32
        %get3A_928 = arith.index_cast %get3A_926 : i32 to index
        %get3A_929 = arith.index_cast %get3A_927 : i32 to index
        %get3A_930 = arith.index_cast %mul3A_873 : i32 to index
        %get3A_931 = tpu.vector_load %arg5[%get3A_928, %get3A_929, %get3A_930] {strides = array<i32>} : memref<2x19x2048xf32, #tpu.memory_space<vmem>>, vector<16xf32>,
        %gt3A_932 = arith.cmpf ogt, %get3A_931, %select_n3A_922 : vector<16xf32>
        %select_n3A_933 = arith.select %gt3A_932, %get3A_931, %select_n3A_922 : vector<16xi1>, vector<16xf32>
        %broadcast_in_dim3A_934 = arith.constant 5 : i32
        %broadcast_in_dim3A_935 = vector.broadcast %broadcast_in_dim3A_934 : i32 to vector<16xi32>
        %select_n3A_936 = arith.select %gt3A_932, %broadcast_in_dim3A_935, %select_n3A_925 : vector<16xi1>, vector<16xi32>
        %get3A_937 = arith.constant 1 : i32
        %get3A_938 = arith.constant 6 : i32
        %get3A_939 = arith.index_cast %get3A_937 : i32 to index
        %get3A_940 = arith.index_cast %get3A_938 : i32 to index
        %get3A_941 = arith.index_cast %mul3A_873 : i32 to index
        %get3A_942 = tpu.vector_load %arg5[%get3A_939, %get3A_940, %get3A_941] {strides = array<i32>} : memref<2x19x2048xf32, #tpu.memory_space<vmem>>, vector<16xf32>,
        %gt3A_943 = arith.cmpf ogt, %get3A_942, %select_n3A_933 : vector<16xf32>
        %select_n3A_944 = arith.select %gt3A_943, %get3A_942, %select_n3A_933 : vector<16xi1>, vector<16xf32>
        %broadcast_in_dim3A_945 = arith.constant 6 : i32
        %broadcast_in_dim3A_946 = vector.broadcast %broadcast_in_dim3A_945 : i32 to vector<16xi32>
        %select_n3A_947 = arith.select %gt3A_943, %broadcast_in_dim3A_946, %select_n3A_936 : vector<16xi1>, vector<16xi32>
        %get3A_948 = arith.constant 1 : i32
        %get3A_949 = arith.constant 7 : i32
        %get3A_950 = arith.index_cast %get3A_948 : i32 to index
        %get3A_951 = arith.index_cast %get3A_949 : i32 to index
        %get3A_952 = arith.index_cast %mul3A_873 : i32 to index
        %get3A_953 = tpu.vector_load %arg5[%get3A_950, %get3A_951, %get3A_952] {strides = array<i32>} : memref<2x19x2048xf32, #tpu.memory_space<vmem>>, vector<16xf32>,
        %gt3A_954 = arith.cmpf ogt, %get3A_953, %select_n3A_944 : vector<16xf32>
        %select_n3A_955 = arith.select %gt3A_954, %get3A_953, %select_n3A_944 : vector<16xi1>, vector<16xf32>
        %broadcast_in_dim3A_956 = arith.constant 7 : i32
        %broadcast_in_dim3A_957 = vector.broadcast %broadcast_in_dim3A_956 : i32 to vector<16xi32>
        %select_n3A_958 = arith.select %gt3A_954, %broadcast_in_dim3A_957, %select_n3A_947 : vector<16xi1>, vector<16xi32>
        %get3A_959 = arith.constant 1 : i32
        %get3A_960 = arith.constant 8 : i32
        %get3A_961 = arith.index_cast %get3A_959 : i32 to index
        %get3A_962 = arith.index_cast %get3A_960 : i32 to index
        %get3A_963 = arith.index_cast %mul3A_873 : i32 to index
        %get3A_964 = tpu.vector_load %arg5[%get3A_961, %get3A_962, %get3A_963] {strides = array<i32>} : memref<2x19x2048xf32, #tpu.memory_space<vmem>>, vector<16xf32>,
        %gt3A_965 = arith.cmpf ogt, %get3A_964, %select_n3A_955 : vector<16xf32>
        %select_n3A_966 = arith.select %gt3A_965, %get3A_964, %select_n3A_955 : vector<16xi1>, vector<16xf32>
        %broadcast_in_dim3A_967 = arith.constant 8 : i32
        %broadcast_in_dim3A_968 = vector.broadcast %broadcast_in_dim3A_967 : i32 to vector<16xi32>
        %select_n3A_969 = arith.select %gt3A_965, %broadcast_in_dim3A_968, %select_n3A_958 : vector<16xi1>, vector<16xi32>
        %get3A_970 = arith.constant 1 : i32
        %get3A_971 = arith.constant 9 : i32
        %get3A_972 = arith.index_cast %get3A_970 : i32 to index
        %get3A_973 = arith.index_cast %get3A_971 : i32 to index
        %get3A_974 = arith.index_cast %mul3A_873 : i32 to index
        %get3A_975 = tpu.vector_load %arg5[%get3A_972, %get3A_973, %get3A_974] {strides = array<i32>} : memref<2x19x2048xf32, #tpu.memory_space<vmem>>, vector<16xf32>,
        %gt3A_976 = arith.cmpf ogt, %get3A_975, %select_n3A_966 : vector<16xf32>
        %select_n3A_977 = arith.select %gt3A_976, %get3A_975, %select_n3A_966 : vector<16xi1>, vector<16xf32>
        %broadcast_in_dim3A_978 = arith.constant 9 : i32
        %broadcast_in_dim3A_979 = vector.broadcast %broadcast_in_dim3A_978 : i32 to vector<16xi32>
        %select_n3A_980 = arith.select %gt3A_976, %broadcast_in_dim3A_979, %select_n3A_969 : vector<16xi1>, vector<16xi32>
        %get3A_981 = arith.constant 1 : i32
        %get3A_982 = arith.constant 10 : i32
        %get3A_983 = arith.index_cast %get3A_981 : i32 to index
        %get3A_984 = arith.index_cast %get3A_982 : i32 to index
        %get3A_985 = arith.index_cast %mul3A_873 : i32 to index
        %get3A_986 = tpu.vector_load %arg5[%get3A_983, %get3A_984, %get3A_985] {strides = array<i32>} : memref<2x19x2048xf32, #tpu.memory_space<vmem>>, vector<16xf32>,
        %gt3A_987 = arith.cmpf ogt, %get3A_986, %select_n3A_977 : vector<16xf32>
        %select_n3A_988 = arith.select %gt3A_987, %get3A_986, %select_n3A_977 : vector<16xi1>, vector<16xf32>
        %broadcast_in_dim3A_989 = arith.constant 10 : i32
        %broadcast_in_dim3A_990 = vector.broadcast %broadcast_in_dim3A_989 : i32 to vector<16xi32>
        %select_n3A_991 = arith.select %gt3A_987, %broadcast_in_dim3A_990, %select_n3A_980 : vector<16xi1>, vector<16xi32>
        %get3A_992 = arith.constant 1 : i32
        %get3A_993 = arith.constant 11 : i32
        %get3A_994 = arith.index_cast %get3A_992 : i32 to index
        %get3A_995 = arith.index_cast %get3A_993 : i32 to index
        %get3A_996 = arith.index_cast %mul3A_873 : i32 to index
        %get3A_997 = tpu.vector_load %arg5[%get3A_994, %get3A_995, %get3A_996] {strides = array<i32>} : memref<2x19x2048xf32, #tpu.memory_space<vmem>>, vector<16xf32>,
        %gt3A_998 = arith.cmpf ogt, %get3A_997, %select_n3A_988 : vector<16xf32>
        %select_n3A_999 = arith.select %gt3A_998, %get3A_997, %select_n3A_988 : vector<16xi1>, vector<16xf32>
        %broadcast_in_dim3A_1000 = arith.constant 11 : i32
        %broadcast_in_dim3A_1001 = vector.broadcast %broadcast_in_dim3A_1000 : i32 to vector<16xi32>
        %select_n3A_1002 = arith.select %gt3A_998, %broadcast_in_dim3A_1001, %select_n3A_991 : vector<16xi1>, vector<16xi32>
        %get3A_1003 = arith.constant 1 : i32
        %get3A_1004 = arith.constant 12 : i32
        %get3A_1005 = arith.index_cast %get3A_1003 : i32 to index
        %get3A_1006 = arith.index_cast %get3A_1004 : i32 to index
        %get3A_1007 = arith.index_cast %mul3A_873 : i32 to index
        %get3A_1008 = tpu.vector_load %arg5[%get3A_1005, %get3A_1006, %get3A_1007] {strides = array<i32>} : memref<2x19x2048xf32, #tpu.memory_space<vmem>>, vector<16xf32>,
        %gt3A_1009 = arith.cmpf ogt, %get3A_1008, %select_n3A_999 : vector<16xf32>
        %select_n3A_1010 = arith.select %gt3A_1009, %get3A_1008, %select_n3A_999 : vector<16xi1>, vector<16xf32>
        %broadcast_in_dim3A_1011 = arith.constant 12 : i32
        %broadcast_in_dim3A_1012 = vector.broadcast %broadcast_in_dim3A_1011 : i32 to vector<16xi32>
        %select_n3A_1013 = arith.select %gt3A_1009, %broadcast_in_dim3A_1012, %select_n3A_1002 : vector<16xi1>, vector<16xi32>
        %get3A_1014 = arith.constant 1 : i32
        %get3A_1015 = arith.constant 13 : i32
        %get3A_1016 = arith.index_cast %get3A_1014 : i32 to index
        %get3A_1017 = arith.index_cast %get3A_1015 : i32 to index
        %get3A_1018 = arith.index_cast %mul3A_873 : i32 to index
        %get3A_1019 = tpu.vector_load %arg5[%get3A_1016, %get3A_1017, %get3A_1018] {strides = array<i32>} : memref<2x19x2048xf32, #tpu.memory_space<vmem>>, vector<16xf32>,
        %gt3A_1020 = arith.cmpf ogt, %get3A_1019, %select_n3A_1010 : vector<16xf32>
        %select_n3A_1021 = arith.select %gt3A_1020, %get3A_1019, %select_n3A_1010 : vector<16xi1>, vector<16xf32>
        %broadcast_in_dim3A_1022 = arith.constant 13 : i32
        %broadcast_in_dim3A_1023 = vector.broadcast %broadcast_in_dim3A_1022 : i32 to vector<16xi32>
        %select_n3A_1024 = arith.select %gt3A_1020, %broadcast_in_dim3A_1023, %select_n3A_1013 : vector<16xi1>, vector<16xi32>
        %get3A_1025 = arith.constant 1 : i32
        %get3A_1026 = arith.constant 14 : i32
        %get3A_1027 = arith.index_cast %get3A_1025 : i32 to index
        %get3A_1028 = arith.index_cast %get3A_1026 : i32 to index
        %get3A_1029 = arith.index_cast %mul3A_873 : i32 to index
        %get3A_1030 = tpu.vector_load %arg5[%get3A_1027, %get3A_1028, %get3A_1029] {strides = array<i32>} : memref<2x19x2048xf32, #tpu.memory_space<vmem>>, vector<16xf32>,
        %gt3A_1031 = arith.cmpf ogt, %get3A_1030, %select_n3A_1021 : vector<16xf32>
        %select_n3A_1032 = arith.select %gt3A_1031, %get3A_1030, %select_n3A_1021 : vector<16xi1>, vector<16xf32>
        %broadcast_in_dim3A_1033 = arith.constant 14 : i32
        %broadcast_in_dim3A_1034 = vector.broadcast %broadcast_in_dim3A_1033 : i32 to vector<16xi32>
        %select_n3A_1035 = arith.select %gt3A_1031, %broadcast_in_dim3A_1034, %select_n3A_1024 : vector<16xi1>, vector<16xi32>
        %get3A_1036 = arith.constant 1 : i32
        %get3A_1037 = arith.constant 15 : i32
        %get3A_1038 = arith.index_cast %get3A_1036 : i32 to index
        %get3A_1039 = arith.index_cast %get3A_1037 : i32 to index
        %get3A_1040 = arith.index_cast %mul3A_873 : i32 to index
        %get3A_1041 = tpu.vector_load %arg5[%get3A_1038, %get3A_1039, %get3A_1040] {strides = array<i32>} : memref<2x19x2048xf32, #tpu.memory_space<vmem>>, vector<16xf32>,
        %gt3A_1042 = arith.cmpf ogt, %get3A_1041, %select_n3A_1032 : vector<16xf32>
        %select_n3A_1043 = arith.select %gt3A_1042, %get3A_1041, %select_n3A_1032 : vector<16xi1>, vector<16xf32>
        %broadcast_in_dim3A_1044 = arith.constant 15 : i32
        %broadcast_in_dim3A_1045 = vector.broadcast %broadcast_in_dim3A_1044 : i32 to vector<16xi32>
        %select_n3A_1046 = arith.select %gt3A_1042, %broadcast_in_dim3A_1045, %select_n3A_1035 : vector<16xi1>, vector<16xi32>
        %get3A_1047 = arith.constant 1 : i32
        %get3A_1048 = arith.constant 16 : i32
        %get3A_1049 = arith.index_cast %get3A_1047 : i32 to index
        %get3A_1050 = arith.index_cast %get3A_1048 : i32 to index
        %get3A_1051 = arith.index_cast %mul3A_873 : i32 to index
        %get3A_1052 = tpu.vector_load %arg5[%get3A_1049, %get3A_1050, %get3A_1051] {strides = array<i32>} : memref<2x19x2048xf32, #tpu.memory_space<vmem>>, vector<16xf32>,
        %gt3A_1053 = arith.cmpf ogt, %get3A_1052, %select_n3A_1043 : vector<16xf32>
        %select_n3A_1054 = arith.select %gt3A_1053, %get3A_1052, %select_n3A_1043 : vector<16xi1>, vector<16xf32>
        %broadcast_in_dim3A_1055 = arith.constant 16 : i32
        %broadcast_in_dim3A_1056 = vector.broadcast %broadcast_in_dim3A_1055 : i32 to vector<16xi32>
        %select_n3A_1057 = arith.select %gt3A_1053, %broadcast_in_dim3A_1056, %select_n3A_1046 : vector<16xi1>, vector<16xi32>
        %get3A_1058 = arith.constant 1 : i32
        %get3A_1059 = arith.constant 17 : i32
        %get3A_1060 = arith.index_cast %get3A_1058 : i32 to index
        %get3A_1061 = arith.index_cast %get3A_1059 : i32 to index
        %get3A_1062 = arith.index_cast %mul3A_873 : i32 to index
        %get3A_1063 = tpu.vector_load %arg5[%get3A_1060, %get3A_1061, %get3A_1062] {strides = array<i32>} : memref<2x19x2048xf32, #tpu.memory_space<vmem>>, vector<16xf32>,
        %gt3A_1064 = arith.cmpf ogt, %get3A_1063, %select_n3A_1054 : vector<16xf32>
        %select_n3A_1065 = arith.select %gt3A_1064, %get3A_1063, %select_n3A_1054 : vector<16xi1>, vector<16xf32>
        %broadcast_in_dim3A_1066 = arith.constant 17 : i32
        %broadcast_in_dim3A_1067 = vector.broadcast %broadcast_in_dim3A_1066 : i32 to vector<16xi32>
        %select_n3A_1068 = arith.select %gt3A_1064, %broadcast_in_dim3A_1067, %select_n3A_1057 : vector<16xi1>, vector<16xi32>
        %get3A_1069 = arith.constant 1 : i32
        %get3A_1070 = arith.constant 18 : i32
        %get3A_1071 = arith.index_cast %get3A_1069 : i32 to index
        %get3A_1072 = arith.index_cast %get3A_1070 : i32 to index
        %get3A_1073 = arith.index_cast %mul3A_873 : i32 to index
        %get3A_1074 = tpu.vector_load %arg5[%get3A_1071, %get3A_1072, %get3A_1073] {strides = array<i32>} : memref<2x19x2048xf32, #tpu.memory_space<vmem>>, vector<16xf32>,
        %gt3A_1075 = arith.cmpf ogt, %get3A_1074, %select_n3A_1065 : vector<16xf32>
        %select_n3A_1076 = arith.select %gt3A_1075, %get3A_1074, %select_n3A_1065 : vector<16xi1>, vector<16xf32>
        %broadcast_in_dim3A_1077 = arith.constant 18 : i32
        %broadcast_in_dim3A_1078 = vector.broadcast %broadcast_in_dim3A_1077 : i32 to vector<16xi32>
        %select_n3A_1079 = arith.select %gt3A_1075, %broadcast_in_dim3A_1078, %select_n3A_1068 : vector<16xi1>, vector<16xi32>
        %get3A_1080 = arith.constant 1 : i32
        %get3A_1081 = arith.index_cast %get3A_1080 : i32 to index
        %get3A_1082 = arith.index_cast %mul3A_873 : i32 to index
        %get3A_1083 = tpu.vector_load %arg6[%get3A_1081, %get3A_1082] {strides = array<i32>} : memref<2x2048xi32, #tpu.memory_space<vmem>>, vector<16xi32>,
        %mul3A_1084 = arith.constant 19 : i32
        %mul3A_1085 = vector.broadcast %mul3A_1084 : i32 to vector<16xi32>
        %mul3A_1086 = arith.muli %select_n3A_1079, %mul3A_1085 : vector<16xi32>
        %add3A_1087 = arith.addi %mul3A_1086, %get3A_1083 : vector<16xi32>
        %mul3A_1088 = arith.constant 16 : i32
        %mul3A_1089 = vector.broadcast %mul3A_1088 : i32 to vector<16xi32>
        %mul3A_1090 = arith.muli %add3A_1087, %mul3A_1089 : vector<16xi32>
        %add3A_1091 = arith.addi %mul3A_1090, %iota3A : vector<16xi32>
        tpu.vector_store_idx %arg7[%add3A_1091], %broadcast_in_dim3A_68 {add = true} : memref<6144xf32, #tpu.memory_space<vmem>>[vector<16xi32>], vector<16xf32>,
        %mul3A_1092 = arith.constant 8 : i32
        %mul3A_1093 = arith.muli %scan3A_197, %mul3A_1092 : i32
        %add3A_1094 = arith.constant 4 : i32
        %add3A_1095 = arith.addi %mul3A_1093, %add3A_1094 : i32
        %mul3A_1096 = arith.constant 16 : i32
        %mul3A_1097 = arith.muli %add3A_1095, %mul3A_1096 : i32
        %get3A_1098 = arith.constant 1 : i32
        %get3A_1099 = arith.constant 0 : i32
        %get3A_1100 = arith.index_cast %get3A_1098 : i32 to index
        %get3A_1101 = arith.index_cast %get3A_1099 : i32 to index
        %get3A_1102 = arith.index_cast %mul3A_1097 : i32 to index
        %get3A_1103 = tpu.vector_load %arg5[%get3A_1100, %get3A_1101, %get3A_1102] {strides = array<i32>} : memref<2x19x2048xf32, #tpu.memory_space<vmem>>, vector<16xf32>,
        %broadcast_in_dim3A_1104 = arith.constant 0 : i32
        %broadcast_in_dim3A_1105 = vector.broadcast %broadcast_in_dim3A_1104 : i32 to vector<16xi32>
        %get3A_1106 = arith.constant 1 : i32
        %get3A_1107 = arith.constant 1 : i32
        %get3A_1108 = arith.index_cast %get3A_1106 : i32 to index
        %get3A_1109 = arith.index_cast %get3A_1107 : i32 to index
        %get3A_1110 = arith.index_cast %mul3A_1097 : i32 to index
        %get3A_1111 = tpu.vector_load %arg5[%get3A_1108, %get3A_1109, %get3A_1110] {strides = array<i32>} : memref<2x19x2048xf32, #tpu.memory_space<vmem>>, vector<16xf32>,
        %gt3A_1112 = arith.cmpf ogt, %get3A_1111, %get3A_1103 : vector<16xf32>
        %select_n3A_1113 = arith.select %gt3A_1112, %get3A_1111, %get3A_1103 : vector<16xi1>, vector<16xf32>
        %broadcast_in_dim3A_1114 = arith.constant 1 : i32
        %broadcast_in_dim3A_1115 = vector.broadcast %broadcast_in_dim3A_1114 : i32 to vector<16xi32>
        %select_n3A_1116 = arith.select %gt3A_1112, %broadcast_in_dim3A_1115, %broadcast_in_dim3A_1105 : vector<16xi1>, vector<16xi32>
        %get3A_1117 = arith.constant 1 : i32
        %get3A_1118 = arith.constant 2 : i32
        %get3A_1119 = arith.index_cast %get3A_1117 : i32 to index
        %get3A_1120 = arith.index_cast %get3A_1118 : i32 to index
        %get3A_1121 = arith.index_cast %mul3A_1097 : i32 to index
        %get3A_1122 = tpu.vector_load %arg5[%get3A_1119, %get3A_1120, %get3A_1121] {strides = array<i32>} : memref<2x19x2048xf32, #tpu.memory_space<vmem>>, vector<16xf32>,
        %gt3A_1123 = arith.cmpf ogt, %get3A_1122, %select_n3A_1113 : vector<16xf32>
        %select_n3A_1124 = arith.select %gt3A_1123, %get3A_1122, %select_n3A_1113 : vector<16xi1>, vector<16xf32>
        %broadcast_in_dim3A_1125 = arith.constant 2 : i32
        %broadcast_in_dim3A_1126 = vector.broadcast %broadcast_in_dim3A_1125 : i32 to vector<16xi32>
        %select_n3A_1127 = arith.select %gt3A_1123, %broadcast_in_dim3A_1126, %select_n3A_1116 : vector<16xi1>, vector<16xi32>
        %get3A_1128 = arith.constant 1 : i32
        %get3A_1129 = arith.constant 3 : i32
        %get3A_1130 = arith.index_cast %get3A_1128 : i32 to index
        %get3A_1131 = arith.index_cast %get3A_1129 : i32 to index
        %get3A_1132 = arith.index_cast %mul3A_1097 : i32 to index
        %get3A_1133 = tpu.vector_load %arg5[%get3A_1130, %get3A_1131, %get3A_1132] {strides = array<i32>} : memref<2x19x2048xf32, #tpu.memory_space<vmem>>, vector<16xf32>,
        %gt3A_1134 = arith.cmpf ogt, %get3A_1133, %select_n3A_1124 : vector<16xf32>
        %select_n3A_1135 = arith.select %gt3A_1134, %get3A_1133, %select_n3A_1124 : vector<16xi1>, vector<16xf32>
        %broadcast_in_dim3A_1136 = arith.constant 3 : i32
        %broadcast_in_dim3A_1137 = vector.broadcast %broadcast_in_dim3A_1136 : i32 to vector<16xi32>
        %select_n3A_1138 = arith.select %gt3A_1134, %broadcast_in_dim3A_1137, %select_n3A_1127 : vector<16xi1>, vector<16xi32>
        %get3A_1139 = arith.constant 1 : i32
        %get3A_1140 = arith.constant 4 : i32
        %get3A_1141 = arith.index_cast %get3A_1139 : i32 to index
        %get3A_1142 = arith.index_cast %get3A_1140 : i32 to index
        %get3A_1143 = arith.index_cast %mul3A_1097 : i32 to index
        %get3A_1144 = tpu.vector_load %arg5[%get3A_1141, %get3A_1142, %get3A_1143] {strides = array<i32>} : memref<2x19x2048xf32, #tpu.memory_space<vmem>>, vector<16xf32>,
        %gt3A_1145 = arith.cmpf ogt, %get3A_1144, %select_n3A_1135 : vector<16xf32>
        %select_n3A_1146 = arith.select %gt3A_1145, %get3A_1144, %select_n3A_1135 : vector<16xi1>, vector<16xf32>
        %broadcast_in_dim3A_1147 = arith.constant 4 : i32
        %broadcast_in_dim3A_1148 = vector.broadcast %broadcast_in_dim3A_1147 : i32 to vector<16xi32>
        %select_n3A_1149 = arith.select %gt3A_1145, %broadcast_in_dim3A_1148, %select_n3A_1138 : vector<16xi1>, vector<16xi32>
        %get3A_1150 = arith.constant 1 : i32
        %get3A_1151 = arith.constant 5 : i32
        %get3A_1152 = arith.index_cast %get3A_1150 : i32 to index
        %get3A_1153 = arith.index_cast %get3A_1151 : i32 to index
        %get3A_1154 = arith.index_cast %mul3A_1097 : i32 to index
        %get3A_1155 = tpu.vector_load %arg5[%get3A_1152, %get3A_1153, %get3A_1154] {strides = array<i32>} : memref<2x19x2048xf32, #tpu.memory_space<vmem>>, vector<16xf32>,
        %gt3A_1156 = arith.cmpf ogt, %get3A_1155, %select_n3A_1146 : vector<16xf32>
        %select_n3A_1157 = arith.select %gt3A_1156, %get3A_1155, %select_n3A_1146 : vector<16xi1>, vector<16xf32>
        %broadcast_in_dim3A_1158 = arith.constant 5 : i32
        %broadcast_in_dim3A_1159 = vector.broadcast %broadcast_in_dim3A_1158 : i32 to vector<16xi32>
        %select_n3A_1160 = arith.select %gt3A_1156, %broadcast_in_dim3A_1159, %select_n3A_1149 : vector<16xi1>, vector<16xi32>
        %get3A_1161 = arith.constant 1 : i32
        %get3A_1162 = arith.constant 6 : i32
        %get3A_1163 = arith.index_cast %get3A_1161 : i32 to index
        %get3A_1164 = arith.index_cast %get3A_1162 : i32 to index
        %get3A_1165 = arith.index_cast %mul3A_1097 : i32 to index
        %get3A_1166 = tpu.vector_load %arg5[%get3A_1163, %get3A_1164, %get3A_1165] {strides = array<i32>} : memref<2x19x2048xf32, #tpu.memory_space<vmem>>, vector<16xf32>,
        %gt3A_1167 = arith.cmpf ogt, %get3A_1166, %select_n3A_1157 : vector<16xf32>
        %select_n3A_1168 = arith.select %gt3A_1167, %get3A_1166, %select_n3A_1157 : vector<16xi1>, vector<16xf32>
        %broadcast_in_dim3A_1169 = arith.constant 6 : i32
        %broadcast_in_dim3A_1170 = vector.broadcast %broadcast_in_dim3A_1169 : i32 to vector<16xi32>
        %select_n3A_1171 = arith.select %gt3A_1167, %broadcast_in_dim3A_1170, %select_n3A_1160 : vector<16xi1>, vector<16xi32>
        %get3A_1172 = arith.constant 1 : i32
        %get3A_1173 = arith.constant 7 : i32
        %get3A_1174 = arith.index_cast %get3A_1172 : i32 to index
        %get3A_1175 = arith.index_cast %get3A_1173 : i32 to index
        %get3A_1176 = arith.index_cast %mul3A_1097 : i32 to index
        %get3A_1177 = tpu.vector_load %arg5[%get3A_1174, %get3A_1175, %get3A_1176] {strides = array<i32>} : memref<2x19x2048xf32, #tpu.memory_space<vmem>>, vector<16xf32>,
        %gt3A_1178 = arith.cmpf ogt, %get3A_1177, %select_n3A_1168 : vector<16xf32>
        %select_n3A_1179 = arith.select %gt3A_1178, %get3A_1177, %select_n3A_1168 : vector<16xi1>, vector<16xf32>
        %broadcast_in_dim3A_1180 = arith.constant 7 : i32
        %broadcast_in_dim3A_1181 = vector.broadcast %broadcast_in_dim3A_1180 : i32 to vector<16xi32>
        %select_n3A_1182 = arith.select %gt3A_1178, %broadcast_in_dim3A_1181, %select_n3A_1171 : vector<16xi1>, vector<16xi32>
        %get3A_1183 = arith.constant 1 : i32
        %get3A_1184 = arith.constant 8 : i32
        %get3A_1185 = arith.index_cast %get3A_1183 : i32 to index
        %get3A_1186 = arith.index_cast %get3A_1184 : i32 to index
        %get3A_1187 = arith.index_cast %mul3A_1097 : i32 to index
        %get3A_1188 = tpu.vector_load %arg5[%get3A_1185, %get3A_1186, %get3A_1187] {strides = array<i32>} : memref<2x19x2048xf32, #tpu.memory_space<vmem>>, vector<16xf32>,
        %gt3A_1189 = arith.cmpf ogt, %get3A_1188, %select_n3A_1179 : vector<16xf32>
        %select_n3A_1190 = arith.select %gt3A_1189, %get3A_1188, %select_n3A_1179 : vector<16xi1>, vector<16xf32>
        %broadcast_in_dim3A_1191 = arith.constant 8 : i32
        %broadcast_in_dim3A_1192 = vector.broadcast %broadcast_in_dim3A_1191 : i32 to vector<16xi32>
        %select_n3A_1193 = arith.select %gt3A_1189, %broadcast_in_dim3A_1192, %select_n3A_1182 : vector<16xi1>, vector<16xi32>
        %get3A_1194 = arith.constant 1 : i32
        %get3A_1195 = arith.constant 9 : i32
        %get3A_1196 = arith.index_cast %get3A_1194 : i32 to index
        %get3A_1197 = arith.index_cast %get3A_1195 : i32 to index
        %get3A_1198 = arith.index_cast %mul3A_1097 : i32 to index
        %get3A_1199 = tpu.vector_load %arg5[%get3A_1196, %get3A_1197, %get3A_1198] {strides = array<i32>} : memref<2x19x2048xf32, #tpu.memory_space<vmem>>, vector<16xf32>,
        %gt3A_1200 = arith.cmpf ogt, %get3A_1199, %select_n3A_1190 : vector<16xf32>
        %select_n3A_1201 = arith.select %gt3A_1200, %get3A_1199, %select_n3A_1190 : vector<16xi1>, vector<16xf32>
        %broadcast_in_dim3A_1202 = arith.constant 9 : i32
        %broadcast_in_dim3A_1203 = vector.broadcast %broadcast_in_dim3A_1202 : i32 to vector<16xi32>
        %select_n3A_1204 = arith.select %gt3A_1200, %broadcast_in_dim3A_1203, %select_n3A_1193 : vector<16xi1>, vector<16xi32>
        %get3A_1205 = arith.constant 1 : i32
        %get3A_1206 = arith.constant 10 : i32
        %get3A_1207 = arith.index_cast %get3A_1205 : i32 to index
        %get3A_1208 = arith.index_cast %get3A_1206 : i32 to index
        %get3A_1209 = arith.index_cast %mul3A_1097 : i32 to index
        %get3A_1210 = tpu.vector_load %arg5[%get3A_1207, %get3A_1208, %get3A_1209] {strides = array<i32>} : memref<2x19x2048xf32, #tpu.memory_space<vmem>>, vector<16xf32>,
        %gt3A_1211 = arith.cmpf ogt, %get3A_1210, %select_n3A_1201 : vector<16xf32>
        %select_n3A_1212 = arith.select %gt3A_1211, %get3A_1210, %select_n3A_1201 : vector<16xi1>, vector<16xf32>
        %broadcast_in_dim3A_1213 = arith.constant 10 : i32
        %broadcast_in_dim3A_1214 = vector.broadcast %broadcast_in_dim3A_1213 : i32 to vector<16xi32>
        %select_n3A_1215 = arith.select %gt3A_1211, %broadcast_in_dim3A_1214, %select_n3A_1204 : vector<16xi1>, vector<16xi32>
        %get3A_1216 = arith.constant 1 : i32
        %get3A_1217 = arith.constant 11 : i32
        %get3A_1218 = arith.index_cast %get3A_1216 : i32 to index
        %get3A_1219 = arith.index_cast %get3A_1217 : i32 to index
        %get3A_1220 = arith.index_cast %mul3A_1097 : i32 to index
        %get3A_1221 = tpu.vector_load %arg5[%get3A_1218, %get3A_1219, %get3A_1220] {strides = array<i32>} : memref<2x19x2048xf32, #tpu.memory_space<vmem>>, vector<16xf32>,
        %gt3A_1222 = arith.cmpf ogt, %get3A_1221, %select_n3A_1212 : vector<16xf32>
        %select_n3A_1223 = arith.select %gt3A_1222, %get3A_1221, %select_n3A_1212 : vector<16xi1>, vector<16xf32>
        %broadcast_in_dim3A_1224 = arith.constant 11 : i32
        %broadcast_in_dim3A_1225 = vector.broadcast %broadcast_in_dim3A_1224 : i32 to vector<16xi32>
        %select_n3A_1226 = arith.select %gt3A_1222, %broadcast_in_dim3A_1225, %select_n3A_1215 : vector<16xi1>, vector<16xi32>
        %get3A_1227 = arith.constant 1 : i32
        %get3A_1228 = arith.constant 12 : i32
        %get3A_1229 = arith.index_cast %get3A_1227 : i32 to index
        %get3A_1230 = arith.index_cast %get3A_1228 : i32 to index
        %get3A_1231 = arith.index_cast %mul3A_1097 : i32 to index
        %get3A_1232 = tpu.vector_load %arg5[%get3A_1229, %get3A_1230, %get3A_1231] {strides = array<i32>} : memref<2x19x2048xf32, #tpu.memory_space<vmem>>, vector<16xf32>,
        %gt3A_1233 = arith.cmpf ogt, %get3A_1232, %select_n3A_1223 : vector<16xf32>
        %select_n3A_1234 = arith.select %gt3A_1233, %get3A_1232, %select_n3A_1223 : vector<16xi1>, vector<16xf32>
        %broadcast_in_dim3A_1235 = arith.constant 12 : i32
        %broadcast_in_dim3A_1236 = vector.broadcast %broadcast_in_dim3A_1235 : i32 to vector<16xi32>
        %select_n3A_1237 = arith.select %gt3A_1233, %broadcast_in_dim3A_1236, %select_n3A_1226 : vector<16xi1>, vector<16xi32>
        %get3A_1238 = arith.constant 1 : i32
        %get3A_1239 = arith.constant 13 : i32
        %get3A_1240 = arith.index_cast %get3A_1238 : i32 to index
        %get3A_1241 = arith.index_cast %get3A_1239 : i32 to index
        %get3A_1242 = arith.index_cast %mul3A_1097 : i32 to index
        %get3A_1243 = tpu.vector_load %arg5[%get3A_1240, %get3A_1241, %get3A_1242] {strides = array<i32>} : memref<2x19x2048xf32, #tpu.memory_space<vmem>>, vector<16xf32>,
        %gt3A_1244 = arith.cmpf ogt, %get3A_1243, %select_n3A_1234 : vector<16xf32>
        %select_n3A_1245 = arith.select %gt3A_1244, %get3A_1243, %select_n3A_1234 : vector<16xi1>, vector<16xf32>
        %broadcast_in_dim3A_1246 = arith.constant 13 : i32
        %broadcast_in_dim3A_1247 = vector.broadcast %broadcast_in_dim3A_1246 : i32 to vector<16xi32>
        %select_n3A_1248 = arith.select %gt3A_1244, %broadcast_in_dim3A_1247, %select_n3A_1237 : vector<16xi1>, vector<16xi32>
        %get3A_1249 = arith.constant 1 : i32
        %get3A_1250 = arith.constant 14 : i32
        %get3A_1251 = arith.index_cast %get3A_1249 : i32 to index
        %get3A_1252 = arith.index_cast %get3A_1250 : i32 to index
        %get3A_1253 = arith.index_cast %mul3A_1097 : i32 to index
        %get3A_1254 = tpu.vector_load %arg5[%get3A_1251, %get3A_1252, %get3A_1253] {strides = array<i32>} : memref<2x19x2048xf32, #tpu.memory_space<vmem>>, vector<16xf32>,
        %gt3A_1255 = arith.cmpf ogt, %get3A_1254, %select_n3A_1245 : vector<16xf32>
        %select_n3A_1256 = arith.select %gt3A_1255, %get3A_1254, %select_n3A_1245 : vector<16xi1>, vector<16xf32>
        %broadcast_in_dim3A_1257 = arith.constant 14 : i32
        %broadcast_in_dim3A_1258 = vector.broadcast %broadcast_in_dim3A_1257 : i32 to vector<16xi32>
        %select_n3A_1259 = arith.select %gt3A_1255, %broadcast_in_dim3A_1258, %select_n3A_1248 : vector<16xi1>, vector<16xi32>
        %get3A_1260 = arith.constant 1 : i32
        %get3A_1261 = arith.constant 15 : i32
        %get3A_1262 = arith.index_cast %get3A_1260 : i32 to index
        %get3A_1263 = arith.index_cast %get3A_1261 : i32 to index
        %get3A_1264 = arith.index_cast %mul3A_1097 : i32 to index
        %get3A_1265 = tpu.vector_load %arg5[%get3A_1262, %get3A_1263, %get3A_1264] {strides = array<i32>} : memref<2x19x2048xf32, #tpu.memory_space<vmem>>, vector<16xf32>,
        %gt3A_1266 = arith.cmpf ogt, %get3A_1265, %select_n3A_1256 : vector<16xf32>
        %select_n3A_1267 = arith.select %gt3A_1266, %get3A_1265, %select_n3A_1256 : vector<16xi1>, vector<16xf32>
        %broadcast_in_dim3A_1268 = arith.constant 15 : i32
        %broadcast_in_dim3A_1269 = vector.broadcast %broadcast_in_dim3A_1268 : i32 to vector<16xi32>
        %select_n3A_1270 = arith.select %gt3A_1266, %broadcast_in_dim3A_1269, %select_n3A_1259 : vector<16xi1>, vector<16xi32>
        %get3A_1271 = arith.constant 1 : i32
        %get3A_1272 = arith.constant 16 : i32
        %get3A_1273 = arith.index_cast %get3A_1271 : i32 to index
        %get3A_1274 = arith.index_cast %get3A_1272 : i32 to index
        %get3A_1275 = arith.index_cast %mul3A_1097 : i32 to index
        %get3A_1276 = tpu.vector_load %arg5[%get3A_1273, %get3A_1274, %get3A_1275] {strides = array<i32>} : memref<2x19x2048xf32, #tpu.memory_space<vmem>>, vector<16xf32>,
        %gt3A_1277 = arith.cmpf ogt, %get3A_1276, %select_n3A_1267 : vector<16xf32>
        %select_n3A_1278 = arith.select %gt3A_1277, %get3A_1276, %select_n3A_1267 : vector<16xi1>, vector<16xf32>
        %broadcast_in_dim3A_1279 = arith.constant 16 : i32
        %broadcast_in_dim3A_1280 = vector.broadcast %broadcast_in_dim3A_1279 : i32 to vector<16xi32>
        %select_n3A_1281 = arith.select %gt3A_1277, %broadcast_in_dim3A_1280, %select_n3A_1270 : vector<16xi1>, vector<16xi32>
        %get3A_1282 = arith.constant 1 : i32
        %get3A_1283 = arith.constant 17 : i32
        %get3A_1284 = arith.index_cast %get3A_1282 : i32 to index
        %get3A_1285 = arith.index_cast %get3A_1283 : i32 to index
        %get3A_1286 = arith.index_cast %mul3A_1097 : i32 to index
        %get3A_1287 = tpu.vector_load %arg5[%get3A_1284, %get3A_1285, %get3A_1286] {strides = array<i32>} : memref<2x19x2048xf32, #tpu.memory_space<vmem>>, vector<16xf32>,
        %gt3A_1288 = arith.cmpf ogt, %get3A_1287, %select_n3A_1278 : vector<16xf32>
        %select_n3A_1289 = arith.select %gt3A_1288, %get3A_1287, %select_n3A_1278 : vector<16xi1>, vector<16xf32>
        %broadcast_in_dim3A_1290 = arith.constant 17 : i32
        %broadcast_in_dim3A_1291 = vector.broadcast %broadcast_in_dim3A_1290 : i32 to vector<16xi32>
        %select_n3A_1292 = arith.select %gt3A_1288, %broadcast_in_dim3A_1291, %select_n3A_1281 : vector<16xi1>, vector<16xi32>
        %get3A_1293 = arith.constant 1 : i32
        %get3A_1294 = arith.constant 18 : i32
        %get3A_1295 = arith.index_cast %get3A_1293 : i32 to index
        %get3A_1296 = arith.index_cast %get3A_1294 : i32 to index
        %get3A_1297 = arith.index_cast %mul3A_1097 : i32 to index
        %get3A_1298 = tpu.vector_load %arg5[%get3A_1295, %get3A_1296, %get3A_1297] {strides = array<i32>} : memref<2x19x2048xf32, #tpu.memory_space<vmem>>, vector<16xf32>,
        %gt3A_1299 = arith.cmpf ogt, %get3A_1298, %select_n3A_1289 : vector<16xf32>
        %select_n3A_1300 = arith.select %gt3A_1299, %get3A_1298, %select_n3A_1289 : vector<16xi1>, vector<16xf32>
        %broadcast_in_dim3A_1301 = arith.constant 18 : i32
        %broadcast_in_dim3A_1302 = vector.broadcast %broadcast_in_dim3A_1301 : i32 to vector<16xi32>
        %select_n3A_1303 = arith.select %gt3A_1299, %broadcast_in_dim3A_1302, %select_n3A_1292 : vector<16xi1>, vector<16xi32>
        %get3A_1304 = arith.constant 1 : i32
        %get3A_1305 = arith.index_cast %get3A_1304 : i32 to index
        %get3A_1306 = arith.index_cast %mul3A_1097 : i32 to index
        %get3A_1307 = tpu.vector_load %arg6[%get3A_1305, %get3A_1306] {strides = array<i32>} : memref<2x2048xi32, #tpu.memory_space<vmem>>, vector<16xi32>,
        %mul3A_1308 = arith.constant 19 : i32
        %mul3A_1309 = vector.broadcast %mul3A_1308 : i32 to vector<16xi32>
        %mul3A_1310 = arith.muli %select_n3A_1303, %mul3A_1309 : vector<16xi32>
        %add3A_1311 = arith.addi %mul3A_1310, %get3A_1307 : vector<16xi32>
        %mul3A_1312 = arith.constant 16 : i32
        %mul3A_1313 = vector.broadcast %mul3A_1312 : i32 to vector<16xi32>
        %mul3A_1314 = arith.muli %add3A_1311, %mul3A_1313 : vector<16xi32>
        %add3A_1315 = arith.addi %mul3A_1314, %iota3A : vector<16xi32>
        tpu.vector_store_idx %arg7[%add3A_1315], %broadcast_in_dim3A_68 {add = true} : memref<6144xf32, #tpu.memory_space<vmem>>[vector<16xi32>], vector<16xf32>,
        %mul3A_1316 = arith.constant 8 : i32
        %mul3A_1317 = arith.muli %scan3A_197, %mul3A_1316 : i32
        %add3A_1318 = arith.constant 5 : i32
        %add3A_1319 = arith.addi %mul3A_1317, %add3A_1318 : i32
        %mul3A_1320 = arith.constant 16 : i32
        %mul3A_1321 = arith.muli %add3A_1319, %mul3A_1320 : i32
        %get3A_1322 = arith.constant 1 : i32
        %get3A_1323 = arith.constant 0 : i32
        %get3A_1324 = arith.index_cast %get3A_1322 : i32 to index
        %get3A_1325 = arith.index_cast %get3A_1323 : i32 to index
        %get3A_1326 = arith.index_cast %mul3A_1321 : i32 to index
        %get3A_1327 = tpu.vector_load %arg5[%get3A_1324, %get3A_1325, %get3A_1326] {strides = array<i32>} : memref<2x19x2048xf32, #tpu.memory_space<vmem>>, vector<16xf32>,
        %broadcast_in_dim3A_1328 = arith.constant 0 : i32
        %broadcast_in_dim3A_1329 = vector.broadcast %broadcast_in_dim3A_1328 : i32 to vector<16xi32>
        %get3A_1330 = arith.constant 1 : i32
        %get3A_1331 = arith.constant 1 : i32
        %get3A_1332 = arith.index_cast %get3A_1330 : i32 to index
        %get3A_1333 = arith.index_cast %get3A_1331 : i32 to index
        %get3A_1334 = arith.index_cast %mul3A_1321 : i32 to index
        %get3A_1335 = tpu.vector_load %arg5[%get3A_1332, %get3A_1333, %get3A_1334] {strides = array<i32>} : memref<2x19x2048xf32, #tpu.memory_space<vmem>>, vector<16xf32>,
        %gt3A_1336 = arith.cmpf ogt, %get3A_1335, %get3A_1327 : vector<16xf32>
        %select_n3A_1337 = arith.select %gt3A_1336, %get3A_1335, %get3A_1327 : vector<16xi1>, vector<16xf32>
        %broadcast_in_dim3A_1338 = arith.constant 1 : i32
        %broadcast_in_dim3A_1339 = vector.broadcast %broadcast_in_dim3A_1338 : i32 to vector<16xi32>
        %select_n3A_1340 = arith.select %gt3A_1336, %broadcast_in_dim3A_1339, %broadcast_in_dim3A_1329 : vector<16xi1>, vector<16xi32>
        %get3A_1341 = arith.constant 1 : i32
        %get3A_1342 = arith.constant 2 : i32
        %get3A_1343 = arith.index_cast %get3A_1341 : i32 to index
        %get3A_1344 = arith.index_cast %get3A_1342 : i32 to index
        %get3A_1345 = arith.index_cast %mul3A_1321 : i32 to index
        %get3A_1346 = tpu.vector_load %arg5[%get3A_1343, %get3A_1344, %get3A_1345] {strides = array<i32>} : memref<2x19x2048xf32, #tpu.memory_space<vmem>>, vector<16xf32>,
        %gt3A_1347 = arith.cmpf ogt, %get3A_1346, %select_n3A_1337 : vector<16xf32>
        %select_n3A_1348 = arith.select %gt3A_1347, %get3A_1346, %select_n3A_1337 : vector<16xi1>, vector<16xf32>
        %broadcast_in_dim3A_1349 = arith.constant 2 : i32
        %broadcast_in_dim3A_1350 = vector.broadcast %broadcast_in_dim3A_1349 : i32 to vector<16xi32>
        %select_n3A_1351 = arith.select %gt3A_1347, %broadcast_in_dim3A_1350, %select_n3A_1340 : vector<16xi1>, vector<16xi32>
        %get3A_1352 = arith.constant 1 : i32
        %get3A_1353 = arith.constant 3 : i32
        %get3A_1354 = arith.index_cast %get3A_1352 : i32 to index
        %get3A_1355 = arith.index_cast %get3A_1353 : i32 to index
        %get3A_1356 = arith.index_cast %mul3A_1321 : i32 to index
        %get3A_1357 = tpu.vector_load %arg5[%get3A_1354, %get3A_1355, %get3A_1356] {strides = array<i32>} : memref<2x19x2048xf32, #tpu.memory_space<vmem>>, vector<16xf32>,
        %gt3A_1358 = arith.cmpf ogt, %get3A_1357, %select_n3A_1348 : vector<16xf32>
        %select_n3A_1359 = arith.select %gt3A_1358, %get3A_1357, %select_n3A_1348 : vector<16xi1>, vector<16xf32>
        %broadcast_in_dim3A_1360 = arith.constant 3 : i32
        %broadcast_in_dim3A_1361 = vector.broadcast %broadcast_in_dim3A_1360 : i32 to vector<16xi32>
        %select_n3A_1362 = arith.select %gt3A_1358, %broadcast_in_dim3A_1361, %select_n3A_1351 : vector<16xi1>, vector<16xi32>
        %get3A_1363 = arith.constant 1 : i32
        %get3A_1364 = arith.constant 4 : i32
        %get3A_1365 = arith.index_cast %get3A_1363 : i32 to index
        %get3A_1366 = arith.index_cast %get3A_1364 : i32 to index
        %get3A_1367 = arith.index_cast %mul3A_1321 : i32 to index
        %get3A_1368 = tpu.vector_load %arg5[%get3A_1365, %get3A_1366, %get3A_1367] {strides = array<i32>} : memref<2x19x2048xf32, #tpu.memory_space<vmem>>, vector<16xf32>,
        %gt3A_1369 = arith.cmpf ogt, %get3A_1368, %select_n3A_1359 : vector<16xf32>
        %select_n3A_1370 = arith.select %gt3A_1369, %get3A_1368, %select_n3A_1359 : vector<16xi1>, vector<16xf32>
        %broadcast_in_dim3A_1371 = arith.constant 4 : i32
        %broadcast_in_dim3A_1372 = vector.broadcast %broadcast_in_dim3A_1371 : i32 to vector<16xi32>
        %select_n3A_1373 = arith.select %gt3A_1369, %broadcast_in_dim3A_1372, %select_n3A_1362 : vector<16xi1>, vector<16xi32>
        %get3A_1374 = arith.constant 1 : i32
        %get3A_1375 = arith.constant 5 : i32
        %get3A_1376 = arith.index_cast %get3A_1374 : i32 to index
        %get3A_1377 = arith.index_cast %get3A_1375 : i32 to index
        %get3A_1378 = arith.index_cast %mul3A_1321 : i32 to index
        %get3A_1379 = tpu.vector_load %arg5[%get3A_1376, %get3A_1377, %get3A_1378] {strides = array<i32>} : memref<2x19x2048xf32, #tpu.memory_space<vmem>>, vector<16xf32>,
        %gt3A_1380 = arith.cmpf ogt, %get3A_1379, %select_n3A_1370 : vector<16xf32>
        %select_n3A_1381 = arith.select %gt3A_1380, %get3A_1379, %select_n3A_1370 : vector<16xi1>, vector<16xf32>
        %broadcast_in_dim3A_1382 = arith.constant 5 : i32
        %broadcast_in_dim3A_1383 = vector.broadcast %broadcast_in_dim3A_1382 : i32 to vector<16xi32>
        %select_n3A_1384 = arith.select %gt3A_1380, %broadcast_in_dim3A_1383, %select_n3A_1373 : vector<16xi1>, vector<16xi32>
        %get3A_1385 = arith.constant 1 : i32
        %get3A_1386 = arith.constant 6 : i32
        %get3A_1387 = arith.index_cast %get3A_1385 : i32 to index
        %get3A_1388 = arith.index_cast %get3A_1386 : i32 to index
        %get3A_1389 = arith.index_cast %mul3A_1321 : i32 to index
        %get3A_1390 = tpu.vector_load %arg5[%get3A_1387, %get3A_1388, %get3A_1389] {strides = array<i32>} : memref<2x19x2048xf32, #tpu.memory_space<vmem>>, vector<16xf32>,
        %gt3A_1391 = arith.cmpf ogt, %get3A_1390, %select_n3A_1381 : vector<16xf32>
        %select_n3A_1392 = arith.select %gt3A_1391, %get3A_1390, %select_n3A_1381 : vector<16xi1>, vector<16xf32>
        %broadcast_in_dim3A_1393 = arith.constant 6 : i32
        %broadcast_in_dim3A_1394 = vector.broadcast %broadcast_in_dim3A_1393 : i32 to vector<16xi32>
        %select_n3A_1395 = arith.select %gt3A_1391, %broadcast_in_dim3A_1394, %select_n3A_1384 : vector<16xi1>, vector<16xi32>
        %get3A_1396 = arith.constant 1 : i32
        %get3A_1397 = arith.constant 7 : i32
        %get3A_1398 = arith.index_cast %get3A_1396 : i32 to index
        %get3A_1399 = arith.index_cast %get3A_1397 : i32 to index
        %get3A_1400 = arith.index_cast %mul3A_1321 : i32 to index
        %get3A_1401 = tpu.vector_load %arg5[%get3A_1398, %get3A_1399, %get3A_1400] {strides = array<i32>} : memref<2x19x2048xf32, #tpu.memory_space<vmem>>, vector<16xf32>,
        %gt3A_1402 = arith.cmpf ogt, %get3A_1401, %select_n3A_1392 : vector<16xf32>
        %select_n3A_1403 = arith.select %gt3A_1402, %get3A_1401, %select_n3A_1392 : vector<16xi1>, vector<16xf32>
        %broadcast_in_dim3A_1404 = arith.constant 7 : i32
        %broadcast_in_dim3A_1405 = vector.broadcast %broadcast_in_dim3A_1404 : i32 to vector<16xi32>
        %select_n3A_1406 = arith.select %gt3A_1402, %broadcast_in_dim3A_1405, %select_n3A_1395 : vector<16xi1>, vector<16xi32>
        %get3A_1407 = arith.constant 1 : i32
        %get3A_1408 = arith.constant 8 : i32
        %get3A_1409 = arith.index_cast %get3A_1407 : i32 to index
        %get3A_1410 = arith.index_cast %get3A_1408 : i32 to index
        %get3A_1411 = arith.index_cast %mul3A_1321 : i32 to index
        %get3A_1412 = tpu.vector_load %arg5[%get3A_1409, %get3A_1410, %get3A_1411] {strides = array<i32>} : memref<2x19x2048xf32, #tpu.memory_space<vmem>>, vector<16xf32>,
        %gt3A_1413 = arith.cmpf ogt, %get3A_1412, %select_n3A_1403 : vector<16xf32>
        %select_n3A_1414 = arith.select %gt3A_1413, %get3A_1412, %select_n3A_1403 : vector<16xi1>, vector<16xf32>
        %broadcast_in_dim3A_1415 = arith.constant 8 : i32
        %broadcast_in_dim3A_1416 = vector.broadcast %broadcast_in_dim3A_1415 : i32 to vector<16xi32>
        %select_n3A_1417 = arith.select %gt3A_1413, %broadcast_in_dim3A_1416, %select_n3A_1406 : vector<16xi1>, vector<16xi32>
        %get3A_1418 = arith.constant 1 : i32
        %get3A_1419 = arith.constant 9 : i32
        %get3A_1420 = arith.index_cast %get3A_1418 : i32 to index
        %get3A_1421 = arith.index_cast %get3A_1419 : i32 to index
        %get3A_1422 = arith.index_cast %mul3A_1321 : i32 to index
        %get3A_1423 = tpu.vector_load %arg5[%get3A_1420, %get3A_1421, %get3A_1422] {strides = array<i32>} : memref<2x19x2048xf32, #tpu.memory_space<vmem>>, vector<16xf32>,
        %gt3A_1424 = arith.cmpf ogt, %get3A_1423, %select_n3A_1414 : vector<16xf32>
        %select_n3A_1425 = arith.select %gt3A_1424, %get3A_1423, %select_n3A_1414 : vector<16xi1>, vector<16xf32>
        %broadcast_in_dim3A_1426 = arith.constant 9 : i32
        %broadcast_in_dim3A_1427 = vector.broadcast %broadcast_in_dim3A_1426 : i32 to vector<16xi32>
        %select_n3A_1428 = arith.select %gt3A_1424, %broadcast_in_dim3A_1427, %select_n3A_1417 : vector<16xi1>, vector<16xi32>
        %get3A_1429 = arith.constant 1 : i32
        %get3A_1430 = arith.constant 10 : i32
        %get3A_1431 = arith.index_cast %get3A_1429 : i32 to index
        %get3A_1432 = arith.index_cast %get3A_1430 : i32 to index
        %get3A_1433 = arith.index_cast %mul3A_1321 : i32 to index
        %get3A_1434 = tpu.vector_load %arg5[%get3A_1431, %get3A_1432, %get3A_1433] {strides = array<i32>} : memref<2x19x2048xf32, #tpu.memory_space<vmem>>, vector<16xf32>,
        %gt3A_1435 = arith.cmpf ogt, %get3A_1434, %select_n3A_1425 : vector<16xf32>
        %select_n3A_1436 = arith.select %gt3A_1435, %get3A_1434, %select_n3A_1425 : vector<16xi1>, vector<16xf32>
        %broadcast_in_dim3A_1437 = arith.constant 10 : i32
        %broadcast_in_dim3A_1438 = vector.broadcast %broadcast_in_dim3A_1437 : i32 to vector<16xi32>
        %select_n3A_1439 = arith.select %gt3A_1435, %broadcast_in_dim3A_1438, %select_n3A_1428 : vector<16xi1>, vector<16xi32>
        %get3A_1440 = arith.constant 1 : i32
        %get3A_1441 = arith.constant 11 : i32
        %get3A_1442 = arith.index_cast %get3A_1440 : i32 to index
        %get3A_1443 = arith.index_cast %get3A_1441 : i32 to index
        %get3A_1444 = arith.index_cast %mul3A_1321 : i32 to index
        %get3A_1445 = tpu.vector_load %arg5[%get3A_1442, %get3A_1443, %get3A_1444] {strides = array<i32>} : memref<2x19x2048xf32, #tpu.memory_space<vmem>>, vector<16xf32>,
        %gt3A_1446 = arith.cmpf ogt, %get3A_1445, %select_n3A_1436 : vector<16xf32>
        %select_n3A_1447 = arith.select %gt3A_1446, %get3A_1445, %select_n3A_1436 : vector<16xi1>, vector<16xf32>
        %broadcast_in_dim3A_1448 = arith.constant 11 : i32
        %broadcast_in_dim3A_1449 = vector.broadcast %broadcast_in_dim3A_1448 : i32 to vector<16xi32>
        %select_n3A_1450 = arith.select %gt3A_1446, %broadcast_in_dim3A_1449, %select_n3A_1439 : vector<16xi1>, vector<16xi32>
        %get3A_1451 = arith.constant 1 : i32
        %get3A_1452 = arith.constant 12 : i32
        %get3A_1453 = arith.index_cast %get3A_1451 : i32 to index
        %get3A_1454 = arith.index_cast %get3A_1452 : i32 to index
        %get3A_1455 = arith.index_cast %mul3A_1321 : i32 to index
        %get3A_1456 = tpu.vector_load %arg5[%get3A_1453, %get3A_1454, %get3A_1455] {strides = array<i32>} : memref<2x19x2048xf32, #tpu.memory_space<vmem>>, vector<16xf32>,
        %gt3A_1457 = arith.cmpf ogt, %get3A_1456, %select_n3A_1447 : vector<16xf32>
        %select_n3A_1458 = arith.select %gt3A_1457, %get3A_1456, %select_n3A_1447 : vector<16xi1>, vector<16xf32>
        %broadcast_in_dim3A_1459 = arith.constant 12 : i32
        %broadcast_in_dim3A_1460 = vector.broadcast %broadcast_in_dim3A_1459 : i32 to vector<16xi32>
        %select_n3A_1461 = arith.select %gt3A_1457, %broadcast_in_dim3A_1460, %select_n3A_1450 : vector<16xi1>, vector<16xi32>
        %get3A_1462 = arith.constant 1 : i32
        %get3A_1463 = arith.constant 13 : i32
        %get3A_1464 = arith.index_cast %get3A_1462 : i32 to index
        %get3A_1465 = arith.index_cast %get3A_1463 : i32 to index
        %get3A_1466 = arith.index_cast %mul3A_1321 : i32 to index
        %get3A_1467 = tpu.vector_load %arg5[%get3A_1464, %get3A_1465, %get3A_1466] {strides = array<i32>} : memref<2x19x2048xf32, #tpu.memory_space<vmem>>, vector<16xf32>,
        %gt3A_1468 = arith.cmpf ogt, %get3A_1467, %select_n3A_1458 : vector<16xf32>
        %select_n3A_1469 = arith.select %gt3A_1468, %get3A_1467, %select_n3A_1458 : vector<16xi1>, vector<16xf32>
        %broadcast_in_dim3A_1470 = arith.constant 13 : i32
        %broadcast_in_dim3A_1471 = vector.broadcast %broadcast_in_dim3A_1470 : i32 to vector<16xi32>
        %select_n3A_1472 = arith.select %gt3A_1468, %broadcast_in_dim3A_1471, %select_n3A_1461 : vector<16xi1>, vector<16xi32>
        %get3A_1473 = arith.constant 1 : i32
        %get3A_1474 = arith.constant 14 : i32
        %get3A_1475 = arith.index_cast %get3A_1473 : i32 to index
        %get3A_1476 = arith.index_cast %get3A_1474 : i32 to index
        %get3A_1477 = arith.index_cast %mul3A_1321 : i32 to index
        %get3A_1478 = tpu.vector_load %arg5[%get3A_1475, %get3A_1476, %get3A_1477] {strides = array<i32>} : memref<2x19x2048xf32, #tpu.memory_space<vmem>>, vector<16xf32>,
        %gt3A_1479 = arith.cmpf ogt, %get3A_1478, %select_n3A_1469 : vector<16xf32>
        %select_n3A_1480 = arith.select %gt3A_1479, %get3A_1478, %select_n3A_1469 : vector<16xi1>, vector<16xf32>
        %broadcast_in_dim3A_1481 = arith.constant 14 : i32
        %broadcast_in_dim3A_1482 = vector.broadcast %broadcast_in_dim3A_1481 : i32 to vector<16xi32>
        %select_n3A_1483 = arith.select %gt3A_1479, %broadcast_in_dim3A_1482, %select_n3A_1472 : vector<16xi1>, vector<16xi32>
        %get3A_1484 = arith.constant 1 : i32
        %get3A_1485 = arith.constant 15 : i32
        %get3A_1486 = arith.index_cast %get3A_1484 : i32 to index
        %get3A_1487 = arith.index_cast %get3A_1485 : i32 to index
        %get3A_1488 = arith.index_cast %mul3A_1321 : i32 to index
        %get3A_1489 = tpu.vector_load %arg5[%get3A_1486, %get3A_1487, %get3A_1488] {strides = array<i32>} : memref<2x19x2048xf32, #tpu.memory_space<vmem>>, vector<16xf32>,
        %gt3A_1490 = arith.cmpf ogt, %get3A_1489, %select_n3A_1480 : vector<16xf32>
        %select_n3A_1491 = arith.select %gt3A_1490, %get3A_1489, %select_n3A_1480 : vector<16xi1>, vector<16xf32>
        %broadcast_in_dim3A_1492 = arith.constant 15 : i32
        %broadcast_in_dim3A_1493 = vector.broadcast %broadcast_in_dim3A_1492 : i32 to vector<16xi32>
        %select_n3A_1494 = arith.select %gt3A_1490, %broadcast_in_dim3A_1493, %select_n3A_1483 : vector<16xi1>, vector<16xi32>
        %get3A_1495 = arith.constant 1 : i32
        %get3A_1496 = arith.constant 16 : i32
        %get3A_1497 = arith.index_cast %get3A_1495 : i32 to index
        %get3A_1498 = arith.index_cast %get3A_1496 : i32 to index
        %get3A_1499 = arith.index_cast %mul3A_1321 : i32 to index
        %get3A_1500 = tpu.vector_load %arg5[%get3A_1497, %get3A_1498, %get3A_1499] {strides = array<i32>} : memref<2x19x2048xf32, #tpu.memory_space<vmem>>, vector<16xf32>,
        %gt3A_1501 = arith.cmpf ogt, %get3A_1500, %select_n3A_1491 : vector<16xf32>
        %select_n3A_1502 = arith.select %gt3A_1501, %get3A_1500, %select_n3A_1491 : vector<16xi1>, vector<16xf32>
        %broadcast_in_dim3A_1503 = arith.constant 16 : i32
        %broadcast_in_dim3A_1504 = vector.broadcast %broadcast_in_dim3A_1503 : i32 to vector<16xi32>
        %select_n3A_1505 = arith.select %gt3A_1501, %broadcast_in_dim3A_1504, %select_n3A_1494 : vector<16xi1>, vector<16xi32>
        %get3A_1506 = arith.constant 1 : i32
        %get3A_1507 = arith.constant 17 : i32
        %get3A_1508 = arith.index_cast %get3A_1506 : i32 to index
        %get3A_1509 = arith.index_cast %get3A_1507 : i32 to index
        %get3A_1510 = arith.index_cast %mul3A_1321 : i32 to index
        %get3A_1511 = tpu.vector_load %arg5[%get3A_1508, %get3A_1509, %get3A_1510] {strides = array<i32>} : memref<2x19x2048xf32, #tpu.memory_space<vmem>>, vector<16xf32>,
        %gt3A_1512 = arith.cmpf ogt, %get3A_1511, %select_n3A_1502 : vector<16xf32>
        %select_n3A_1513 = arith.select %gt3A_1512, %get3A_1511, %select_n3A_1502 : vector<16xi1>, vector<16xf32>
        %broadcast_in_dim3A_1514 = arith.constant 17 : i32
        %broadcast_in_dim3A_1515 = vector.broadcast %broadcast_in_dim3A_1514 : i32 to vector<16xi32>
        %select_n3A_1516 = arith.select %gt3A_1512, %broadcast_in_dim3A_1515, %select_n3A_1505 : vector<16xi1>, vector<16xi32>
        %get3A_1517 = arith.constant 1 : i32
        %get3A_1518 = arith.constant 18 : i32
        %get3A_1519 = arith.index_cast %get3A_1517 : i32 to index
        %get3A_1520 = arith.index_cast %get3A_1518 : i32 to index
        %get3A_1521 = arith.index_cast %mul3A_1321 : i32 to index
        %get3A_1522 = tpu.vector_load %arg5[%get3A_1519, %get3A_1520, %get3A_1521] {strides = array<i32>} : memref<2x19x2048xf32, #tpu.memory_space<vmem>>, vector<16xf32>,
        %gt3A_1523 = arith.cmpf ogt, %get3A_1522, %select_n3A_1513 : vector<16xf32>
        %select_n3A_1524 = arith.select %gt3A_1523, %get3A_1522, %select_n3A_1513 : vector<16xi1>, vector<16xf32>
        %broadcast_in_dim3A_1525 = arith.constant 18 : i32
        %broadcast_in_dim3A_1526 = vector.broadcast %broadcast_in_dim3A_1525 : i32 to vector<16xi32>
        %select_n3A_1527 = arith.select %gt3A_1523, %broadcast_in_dim3A_1526, %select_n3A_1516 : vector<16xi1>, vector<16xi32>
        %get3A_1528 = arith.constant 1 : i32
        %get3A_1529 = arith.index_cast %get3A_1528 : i32 to index
        %get3A_1530 = arith.index_cast %mul3A_1321 : i32 to index
        %get3A_1531 = tpu.vector_load %arg6[%get3A_1529, %get3A_1530] {strides = array<i32>} : memref<2x2048xi32, #tpu.memory_space<vmem>>, vector<16xi32>,
        %mul3A_1532 = arith.constant 19 : i32
        %mul3A_1533 = vector.broadcast %mul3A_1532 : i32 to vector<16xi32>
        %mul3A_1534 = arith.muli %select_n3A_1527, %mul3A_1533 : vector<16xi32>
        %add3A_1535 = arith.addi %mul3A_1534, %get3A_1531 : vector<16xi32>
        %mul3A_1536 = arith.constant 16 : i32
        %mul3A_1537 = vector.broadcast %mul3A_1536 : i32 to vector<16xi32>
        %mul3A_1538 = arith.muli %add3A_1535, %mul3A_1537 : vector<16xi32>
        %add3A_1539 = arith.addi %mul3A_1538, %iota3A : vector<16xi32>
        tpu.vector_store_idx %arg7[%add3A_1539], %broadcast_in_dim3A_68 {add = true} : memref<6144xf32, #tpu.memory_space<vmem>>[vector<16xi32>], vector<16xf32>,
        %mul3A_1540 = arith.constant 8 : i32
        %mul3A_1541 = arith.muli %scan3A_197, %mul3A_1540 : i32
        %add3A_1542 = arith.constant 6 : i32
        %add3A_1543 = arith.addi %mul3A_1541, %add3A_1542 : i32
        %mul3A_1544 = arith.constant 16 : i32
        %mul3A_1545 = arith.muli %add3A_1543, %mul3A_1544 : i32
        %get3A_1546 = arith.constant 1 : i32
        %get3A_1547 = arith.constant 0 : i32
        %get3A_1548 = arith.index_cast %get3A_1546 : i32 to index
        %get3A_1549 = arith.index_cast %get3A_1547 : i32 to index
        %get3A_1550 = arith.index_cast %mul3A_1545 : i32 to index
        %get3A_1551 = tpu.vector_load %arg5[%get3A_1548, %get3A_1549, %get3A_1550] {strides = array<i32>} : memref<2x19x2048xf32, #tpu.memory_space<vmem>>, vector<16xf32>,
        %broadcast_in_dim3A_1552 = arith.constant 0 : i32
        %broadcast_in_dim3A_1553 = vector.broadcast %broadcast_in_dim3A_1552 : i32 to vector<16xi32>
        %get3A_1554 = arith.constant 1 : i32
        %get3A_1555 = arith.constant 1 : i32
        %get3A_1556 = arith.index_cast %get3A_1554 : i32 to index
        %get3A_1557 = arith.index_cast %get3A_1555 : i32 to index
        %get3A_1558 = arith.index_cast %mul3A_1545 : i32 to index
        %get3A_1559 = tpu.vector_load %arg5[%get3A_1556, %get3A_1557, %get3A_1558] {strides = array<i32>} : memref<2x19x2048xf32, #tpu.memory_space<vmem>>, vector<16xf32>,
        %gt3A_1560 = arith.cmpf ogt, %get3A_1559, %get3A_1551 : vector<16xf32>
        %select_n3A_1561 = arith.select %gt3A_1560, %get3A_1559, %get3A_1551 : vector<16xi1>, vector<16xf32>
        %broadcast_in_dim3A_1562 = arith.constant 1 : i32
        %broadcast_in_dim3A_1563 = vector.broadcast %broadcast_in_dim3A_1562 : i32 to vector<16xi32>
        %select_n3A_1564 = arith.select %gt3A_1560, %broadcast_in_dim3A_1563, %broadcast_in_dim3A_1553 : vector<16xi1>, vector<16xi32>
        %get3A_1565 = arith.constant 1 : i32
        %get3A_1566 = arith.constant 2 : i32
        %get3A_1567 = arith.index_cast %get3A_1565 : i32 to index
        %get3A_1568 = arith.index_cast %get3A_1566 : i32 to index
        %get3A_1569 = arith.index_cast %mul3A_1545 : i32 to index
        %get3A_1570 = tpu.vector_load %arg5[%get3A_1567, %get3A_1568, %get3A_1569] {strides = array<i32>} : memref<2x19x2048xf32, #tpu.memory_space<vmem>>, vector<16xf32>,
        %gt3A_1571 = arith.cmpf ogt, %get3A_1570, %select_n3A_1561 : vector<16xf32>
        %select_n3A_1572 = arith.select %gt3A_1571, %get3A_1570, %select_n3A_1561 : vector<16xi1>, vector<16xf32>
        %broadcast_in_dim3A_1573 = arith.constant 2 : i32
        %broadcast_in_dim3A_1574 = vector.broadcast %broadcast_in_dim3A_1573 : i32 to vector<16xi32>
        %select_n3A_1575 = arith.select %gt3A_1571, %broadcast_in_dim3A_1574, %select_n3A_1564 : vector<16xi1>, vector<16xi32>
        %get3A_1576 = arith.constant 1 : i32
        %get3A_1577 = arith.constant 3 : i32
        %get3A_1578 = arith.index_cast %get3A_1576 : i32 to index
        %get3A_1579 = arith.index_cast %get3A_1577 : i32 to index
        %get3A_1580 = arith.index_cast %mul3A_1545 : i32 to index
        %get3A_1581 = tpu.vector_load %arg5[%get3A_1578, %get3A_1579, %get3A_1580] {strides = array<i32>} : memref<2x19x2048xf32, #tpu.memory_space<vmem>>, vector<16xf32>,
        %gt3A_1582 = arith.cmpf ogt, %get3A_1581, %select_n3A_1572 : vector<16xf32>
        %select_n3A_1583 = arith.select %gt3A_1582, %get3A_1581, %select_n3A_1572 : vector<16xi1>, vector<16xf32>
        %broadcast_in_dim3A_1584 = arith.constant 3 : i32
        %broadcast_in_dim3A_1585 = vector.broadcast %broadcast_in_dim3A_1584 : i32 to vector<16xi32>
        %select_n3A_1586 = arith.select %gt3A_1582, %broadcast_in_dim3A_1585, %select_n3A_1575 : vector<16xi1>, vector<16xi32>
        %get3A_1587 = arith.constant 1 : i32
        %get3A_1588 = arith.constant 4 : i32
        %get3A_1589 = arith.index_cast %get3A_1587 : i32 to index
        %get3A_1590 = arith.index_cast %get3A_1588 : i32 to index
        %get3A_1591 = arith.index_cast %mul3A_1545 : i32 to index
        %get3A_1592 = tpu.vector_load %arg5[%get3A_1589, %get3A_1590, %get3A_1591] {strides = array<i32>} : memref<2x19x2048xf32, #tpu.memory_space<vmem>>, vector<16xf32>,
        %gt3A_1593 = arith.cmpf ogt, %get3A_1592, %select_n3A_1583 : vector<16xf32>
        %select_n3A_1594 = arith.select %gt3A_1593, %get3A_1592, %select_n3A_1583 : vector<16xi1>, vector<16xf32>
        %broadcast_in_dim3A_1595 = arith.constant 4 : i32
        %broadcast_in_dim3A_1596 = vector.broadcast %broadcast_in_dim3A_1595 : i32 to vector<16xi32>
        %select_n3A_1597 = arith.select %gt3A_1593, %broadcast_in_dim3A_1596, %select_n3A_1586 : vector<16xi1>, vector<16xi32>
        %get3A_1598 = arith.constant 1 : i32
        %get3A_1599 = arith.constant 5 : i32
        %get3A_1600 = arith.index_cast %get3A_1598 : i32 to index
        %get3A_1601 = arith.index_cast %get3A_1599 : i32 to index
        %get3A_1602 = arith.index_cast %mul3A_1545 : i32 to index
        %get3A_1603 = tpu.vector_load %arg5[%get3A_1600, %get3A_1601, %get3A_1602] {strides = array<i32>} : memref<2x19x2048xf32, #tpu.memory_space<vmem>>, vector<16xf32>,
        %gt3A_1604 = arith.cmpf ogt, %get3A_1603, %select_n3A_1594 : vector<16xf32>
        %select_n3A_1605 = arith.select %gt3A_1604, %get3A_1603, %select_n3A_1594 : vector<16xi1>, vector<16xf32>
        %broadcast_in_dim3A_1606 = arith.constant 5 : i32
        %broadcast_in_dim3A_1607 = vector.broadcast %broadcast_in_dim3A_1606 : i32 to vector<16xi32>
        %select_n3A_1608 = arith.select %gt3A_1604, %broadcast_in_dim3A_1607, %select_n3A_1597 : vector<16xi1>, vector<16xi32>
        %get3A_1609 = arith.constant 1 : i32
        %get3A_1610 = arith.constant 6 : i32
        %get3A_1611 = arith.index_cast %get3A_1609 : i32 to index
        %get3A_1612 = arith.index_cast %get3A_1610 : i32 to index
        %get3A_1613 = arith.index_cast %mul3A_1545 : i32 to index
        %get3A_1614 = tpu.vector_load %arg5[%get3A_1611, %get3A_1612, %get3A_1613] {strides = array<i32>} : memref<2x19x2048xf32, #tpu.memory_space<vmem>>, vector<16xf32>,
        %gt3A_1615 = arith.cmpf ogt, %get3A_1614, %select_n3A_1605 : vector<16xf32>
        %select_n3A_1616 = arith.select %gt3A_1615, %get3A_1614, %select_n3A_1605 : vector<16xi1>, vector<16xf32>
        %broadcast_in_dim3A_1617 = arith.constant 6 : i32
        %broadcast_in_dim3A_1618 = vector.broadcast %broadcast_in_dim3A_1617 : i32 to vector<16xi32>
        %select_n3A_1619 = arith.select %gt3A_1615, %broadcast_in_dim3A_1618, %select_n3A_1608 : vector<16xi1>, vector<16xi32>
        %get3A_1620 = arith.constant 1 : i32
        %get3A_1621 = arith.constant 7 : i32
        %get3A_1622 = arith.index_cast %get3A_1620 : i32 to index
        %get3A_1623 = arith.index_cast %get3A_1621 : i32 to index
        %get3A_1624 = arith.index_cast %mul3A_1545 : i32 to index
        %get3A_1625 = tpu.vector_load %arg5[%get3A_1622, %get3A_1623, %get3A_1624] {strides = array<i32>} : memref<2x19x2048xf32, #tpu.memory_space<vmem>>, vector<16xf32>,
        %gt3A_1626 = arith.cmpf ogt, %get3A_1625, %select_n3A_1616 : vector<16xf32>
        %select_n3A_1627 = arith.select %gt3A_1626, %get3A_1625, %select_n3A_1616 : vector<16xi1>, vector<16xf32>
        %broadcast_in_dim3A_1628 = arith.constant 7 : i32
        %broadcast_in_dim3A_1629 = vector.broadcast %broadcast_in_dim3A_1628 : i32 to vector<16xi32>
        %select_n3A_1630 = arith.select %gt3A_1626, %broadcast_in_dim3A_1629, %select_n3A_1619 : vector<16xi1>, vector<16xi32>
        %get3A_1631 = arith.constant 1 : i32
        %get3A_1632 = arith.constant 8 : i32
        %get3A_1633 = arith.index_cast %get3A_1631 : i32 to index
        %get3A_1634 = arith.index_cast %get3A_1632 : i32 to index
        %get3A_1635 = arith.index_cast %mul3A_1545 : i32 to index
        %get3A_1636 = tpu.vector_load %arg5[%get3A_1633, %get3A_1634, %get3A_1635] {strides = array<i32>} : memref<2x19x2048xf32, #tpu.memory_space<vmem>>, vector<16xf32>,
        %gt3A_1637 = arith.cmpf ogt, %get3A_1636, %select_n3A_1627 : vector<16xf32>
        %select_n3A_1638 = arith.select %gt3A_1637, %get3A_1636, %select_n3A_1627 : vector<16xi1>, vector<16xf32>
        %broadcast_in_dim3A_1639 = arith.constant 8 : i32
        %broadcast_in_dim3A_1640 = vector.broadcast %broadcast_in_dim3A_1639 : i32 to vector<16xi32>
        %select_n3A_1641 = arith.select %gt3A_1637, %broadcast_in_dim3A_1640, %select_n3A_1630 : vector<16xi1>, vector<16xi32>
        %get3A_1642 = arith.constant 1 : i32
        %get3A_1643 = arith.constant 9 : i32
        %get3A_1644 = arith.index_cast %get3A_1642 : i32 to index
        %get3A_1645 = arith.index_cast %get3A_1643 : i32 to index
        %get3A_1646 = arith.index_cast %mul3A_1545 : i32 to index
        %get3A_1647 = tpu.vector_load %arg5[%get3A_1644, %get3A_1645, %get3A_1646] {strides = array<i32>} : memref<2x19x2048xf32, #tpu.memory_space<vmem>>, vector<16xf32>,
        %gt3A_1648 = arith.cmpf ogt, %get3A_1647, %select_n3A_1638 : vector<16xf32>
        %select_n3A_1649 = arith.select %gt3A_1648, %get3A_1647, %select_n3A_1638 : vector<16xi1>, vector<16xf32>
        %broadcast_in_dim3A_1650 = arith.constant 9 : i32
        %broadcast_in_dim3A_1651 = vector.broadcast %broadcast_in_dim3A_1650 : i32 to vector<16xi32>
        %select_n3A_1652 = arith.select %gt3A_1648, %broadcast_in_dim3A_1651, %select_n3A_1641 : vector<16xi1>, vector<16xi32>
        %get3A_1653 = arith.constant 1 : i32
        %get3A_1654 = arith.constant 10 : i32
        %get3A_1655 = arith.index_cast %get3A_1653 : i32 to index
        %get3A_1656 = arith.index_cast %get3A_1654 : i32 to index
        %get3A_1657 = arith.index_cast %mul3A_1545 : i32 to index
        %get3A_1658 = tpu.vector_load %arg5[%get3A_1655, %get3A_1656, %get3A_1657] {strides = array<i32>} : memref<2x19x2048xf32, #tpu.memory_space<vmem>>, vector<16xf32>,
        %gt3A_1659 = arith.cmpf ogt, %get3A_1658, %select_n3A_1649 : vector<16xf32>
        %select_n3A_1660 = arith.select %gt3A_1659, %get3A_1658, %select_n3A_1649 : vector<16xi1>, vector<16xf32>
        %broadcast_in_dim3A_1661 = arith.constant 10 : i32
        %broadcast_in_dim3A_1662 = vector.broadcast %broadcast_in_dim3A_1661 : i32 to vector<16xi32>
        %select_n3A_1663 = arith.select %gt3A_1659, %broadcast_in_dim3A_1662, %select_n3A_1652 : vector<16xi1>, vector<16xi32>
        %get3A_1664 = arith.constant 1 : i32
        %get3A_1665 = arith.constant 11 : i32
        %get3A_1666 = arith.index_cast %get3A_1664 : i32 to index
        %get3A_1667 = arith.index_cast %get3A_1665 : i32 to index
        %get3A_1668 = arith.index_cast %mul3A_1545 : i32 to index
        %get3A_1669 = tpu.vector_load %arg5[%get3A_1666, %get3A_1667, %get3A_1668] {strides = array<i32>} : memref<2x19x2048xf32, #tpu.memory_space<vmem>>, vector<16xf32>,
        %gt3A_1670 = arith.cmpf ogt, %get3A_1669, %select_n3A_1660 : vector<16xf32>
        %select_n3A_1671 = arith.select %gt3A_1670, %get3A_1669, %select_n3A_1660 : vector<16xi1>, vector<16xf32>
        %broadcast_in_dim3A_1672 = arith.constant 11 : i32
        %broadcast_in_dim3A_1673 = vector.broadcast %broadcast_in_dim3A_1672 : i32 to vector<16xi32>
        %select_n3A_1674 = arith.select %gt3A_1670, %broadcast_in_dim3A_1673, %select_n3A_1663 : vector<16xi1>, vector<16xi32>
        %get3A_1675 = arith.constant 1 : i32
        %get3A_1676 = arith.constant 12 : i32
        %get3A_1677 = arith.index_cast %get3A_1675 : i32 to index
        %get3A_1678 = arith.index_cast %get3A_1676 : i32 to index
        %get3A_1679 = arith.index_cast %mul3A_1545 : i32 to index
        %get3A_1680 = tpu.vector_load %arg5[%get3A_1677, %get3A_1678, %get3A_1679] {strides = array<i32>} : memref<2x19x2048xf32, #tpu.memory_space<vmem>>, vector<16xf32>,
        %gt3A_1681 = arith.cmpf ogt, %get3A_1680, %select_n3A_1671 : vector<16xf32>
        %select_n3A_1682 = arith.select %gt3A_1681, %get3A_1680, %select_n3A_1671 : vector<16xi1>, vector<16xf32>
        %broadcast_in_dim3A_1683 = arith.constant 12 : i32
        %broadcast_in_dim3A_1684 = vector.broadcast %broadcast_in_dim3A_1683 : i32 to vector<16xi32>
        %select_n3A_1685 = arith.select %gt3A_1681, %broadcast_in_dim3A_1684, %select_n3A_1674 : vector<16xi1>, vector<16xi32>
        %get3A_1686 = arith.constant 1 : i32
        %get3A_1687 = arith.constant 13 : i32
        %get3A_1688 = arith.index_cast %get3A_1686 : i32 to index
        %get3A_1689 = arith.index_cast %get3A_1687 : i32 to index
        %get3A_1690 = arith.index_cast %mul3A_1545 : i32 to index
        %get3A_1691 = tpu.vector_load %arg5[%get3A_1688, %get3A_1689, %get3A_1690] {strides = array<i32>} : memref<2x19x2048xf32, #tpu.memory_space<vmem>>, vector<16xf32>,
        %gt3A_1692 = arith.cmpf ogt, %get3A_1691, %select_n3A_1682 : vector<16xf32>
        %select_n3A_1693 = arith.select %gt3A_1692, %get3A_1691, %select_n3A_1682 : vector<16xi1>, vector<16xf32>
        %broadcast_in_dim3A_1694 = arith.constant 13 : i32
        %broadcast_in_dim3A_1695 = vector.broadcast %broadcast_in_dim3A_1694 : i32 to vector<16xi32>
        %select_n3A_1696 = arith.select %gt3A_1692, %broadcast_in_dim3A_1695, %select_n3A_1685 : vector<16xi1>, vector<16xi32>
        %get3A_1697 = arith.constant 1 : i32
        %get3A_1698 = arith.constant 14 : i32
        %get3A_1699 = arith.index_cast %get3A_1697 : i32 to index
        %get3A_1700 = arith.index_cast %get3A_1698 : i32 to index
        %get3A_1701 = arith.index_cast %mul3A_1545 : i32 to index
        %get3A_1702 = tpu.vector_load %arg5[%get3A_1699, %get3A_1700, %get3A_1701] {strides = array<i32>} : memref<2x19x2048xf32, #tpu.memory_space<vmem>>, vector<16xf32>,
        %gt3A_1703 = arith.cmpf ogt, %get3A_1702, %select_n3A_1693 : vector<16xf32>
        %select_n3A_1704 = arith.select %gt3A_1703, %get3A_1702, %select_n3A_1693 : vector<16xi1>, vector<16xf32>
        %broadcast_in_dim3A_1705 = arith.constant 14 : i32
        %broadcast_in_dim3A_1706 = vector.broadcast %broadcast_in_dim3A_1705 : i32 to vector<16xi32>
        %select_n3A_1707 = arith.select %gt3A_1703, %broadcast_in_dim3A_1706, %select_n3A_1696 : vector<16xi1>, vector<16xi32>
        %get3A_1708 = arith.constant 1 : i32
        %get3A_1709 = arith.constant 15 : i32
        %get3A_1710 = arith.index_cast %get3A_1708 : i32 to index
        %get3A_1711 = arith.index_cast %get3A_1709 : i32 to index
        %get3A_1712 = arith.index_cast %mul3A_1545 : i32 to index
        %get3A_1713 = tpu.vector_load %arg5[%get3A_1710, %get3A_1711, %get3A_1712] {strides = array<i32>} : memref<2x19x2048xf32, #tpu.memory_space<vmem>>, vector<16xf32>,
        %gt3A_1714 = arith.cmpf ogt, %get3A_1713, %select_n3A_1704 : vector<16xf32>
        %select_n3A_1715 = arith.select %gt3A_1714, %get3A_1713, %select_n3A_1704 : vector<16xi1>, vector<16xf32>
        %broadcast_in_dim3A_1716 = arith.constant 15 : i32
        %broadcast_in_dim3A_1717 = vector.broadcast %broadcast_in_dim3A_1716 : i32 to vector<16xi32>
        %select_n3A_1718 = arith.select %gt3A_1714, %broadcast_in_dim3A_1717, %select_n3A_1707 : vector<16xi1>, vector<16xi32>
        %get3A_1719 = arith.constant 1 : i32
        %get3A_1720 = arith.constant 16 : i32
        %get3A_1721 = arith.index_cast %get3A_1719 : i32 to index
        %get3A_1722 = arith.index_cast %get3A_1720 : i32 to index
        %get3A_1723 = arith.index_cast %mul3A_1545 : i32 to index
        %get3A_1724 = tpu.vector_load %arg5[%get3A_1721, %get3A_1722, %get3A_1723] {strides = array<i32>} : memref<2x19x2048xf32, #tpu.memory_space<vmem>>, vector<16xf32>,
        %gt3A_1725 = arith.cmpf ogt, %get3A_1724, %select_n3A_1715 : vector<16xf32>
        %select_n3A_1726 = arith.select %gt3A_1725, %get3A_1724, %select_n3A_1715 : vector<16xi1>, vector<16xf32>
        %broadcast_in_dim3A_1727 = arith.constant 16 : i32
        %broadcast_in_dim3A_1728 = vector.broadcast %broadcast_in_dim3A_1727 : i32 to vector<16xi32>
        %select_n3A_1729 = arith.select %gt3A_1725, %broadcast_in_dim3A_1728, %select_n3A_1718 : vector<16xi1>, vector<16xi32>
        %get3A_1730 = arith.constant 1 : i32
        %get3A_1731 = arith.constant 17 : i32
        %get3A_1732 = arith.index_cast %get3A_1730 : i32 to index
        %get3A_1733 = arith.index_cast %get3A_1731 : i32 to index
        %get3A_1734 = arith.index_cast %mul3A_1545 : i32 to index
        %get3A_1735 = tpu.vector_load %arg5[%get3A_1732, %get3A_1733, %get3A_1734] {strides = array<i32>} : memref<2x19x2048xf32, #tpu.memory_space<vmem>>, vector<16xf32>,
        %gt3A_1736 = arith.cmpf ogt, %get3A_1735, %select_n3A_1726 : vector<16xf32>
        %select_n3A_1737 = arith.select %gt3A_1736, %get3A_1735, %select_n3A_1726 : vector<16xi1>, vector<16xf32>
        %broadcast_in_dim3A_1738 = arith.constant 17 : i32
        %broadcast_in_dim3A_1739 = vector.broadcast %broadcast_in_dim3A_1738 : i32 to vector<16xi32>
        %select_n3A_1740 = arith.select %gt3A_1736, %broadcast_in_dim3A_1739, %select_n3A_1729 : vector<16xi1>, vector<16xi32>
        %get3A_1741 = arith.constant 1 : i32
        %get3A_1742 = arith.constant 18 : i32
        %get3A_1743 = arith.index_cast %get3A_1741 : i32 to index
        %get3A_1744 = arith.index_cast %get3A_1742 : i32 to index
        %get3A_1745 = arith.index_cast %mul3A_1545 : i32 to index
        %get3A_1746 = tpu.vector_load %arg5[%get3A_1743, %get3A_1744, %get3A_1745] {strides = array<i32>} : memref<2x19x2048xf32, #tpu.memory_space<vmem>>, vector<16xf32>,
        %gt3A_1747 = arith.cmpf ogt, %get3A_1746, %select_n3A_1737 : vector<16xf32>
        %select_n3A_1748 = arith.select %gt3A_1747, %get3A_1746, %select_n3A_1737 : vector<16xi1>, vector<16xf32>
        %broadcast_in_dim3A_1749 = arith.constant 18 : i32
        %broadcast_in_dim3A_1750 = vector.broadcast %broadcast_in_dim3A_1749 : i32 to vector<16xi32>
        %select_n3A_1751 = arith.select %gt3A_1747, %broadcast_in_dim3A_1750, %select_n3A_1740 : vector<16xi1>, vector<16xi32>
        %get3A_1752 = arith.constant 1 : i32
        %get3A_1753 = arith.index_cast %get3A_1752 : i32 to index
        %get3A_1754 = arith.index_cast %mul3A_1545 : i32 to index
        %get3A_1755 = tpu.vector_load %arg6[%get3A_1753, %get3A_1754] {strides = array<i32>} : memref<2x2048xi32, #tpu.memory_space<vmem>>, vector<16xi32>,
        %mul3A_1756 = arith.constant 19 : i32
        %mul3A_1757 = vector.broadcast %mul3A_1756 : i32 to vector<16xi32>
        %mul3A_1758 = arith.muli %select_n3A_1751, %mul3A_1757 : vector<16xi32>
        %add3A_1759 = arith.addi %mul3A_1758, %get3A_1755 : vector<16xi32>
        %mul3A_1760 = arith.constant 16 : i32
        %mul3A_1761 = vector.broadcast %mul3A_1760 : i32 to vector<16xi32>
        %mul3A_1762 = arith.muli %add3A_1759, %mul3A_1761 : vector<16xi32>
        %add3A_1763 = arith.addi %mul3A_1762, %iota3A : vector<16xi32>
        tpu.vector_store_idx %arg7[%add3A_1763], %broadcast_in_dim3A_68 {add = true} : memref<6144xf32, #tpu.memory_space<vmem>>[vector<16xi32>], vector<16xf32>,
        %mul3A_1764 = arith.constant 8 : i32
        %mul3A_1765 = arith.muli %scan3A_197, %mul3A_1764 : i32
        %add3A_1766 = arith.constant 7 : i32
        %add3A_1767 = arith.addi %mul3A_1765, %add3A_1766 : i32
        %mul3A_1768 = arith.constant 16 : i32
        %mul3A_1769 = arith.muli %add3A_1767, %mul3A_1768 : i32
        %get3A_1770 = arith.constant 1 : i32
        %get3A_1771 = arith.constant 0 : i32
        %get3A_1772 = arith.index_cast %get3A_1770 : i32 to index
        %get3A_1773 = arith.index_cast %get3A_1771 : i32 to index
        %get3A_1774 = arith.index_cast %mul3A_1769 : i32 to index
        %get3A_1775 = tpu.vector_load %arg5[%get3A_1772, %get3A_1773, %get3A_1774] {strides = array<i32>} : memref<2x19x2048xf32, #tpu.memory_space<vmem>>, vector<16xf32>,
        %broadcast_in_dim3A_1776 = arith.constant 0 : i32
        %broadcast_in_dim3A_1777 = vector.broadcast %broadcast_in_dim3A_1776 : i32 to vector<16xi32>
        %get3A_1778 = arith.constant 1 : i32
        %get3A_1779 = arith.constant 1 : i32
        %get3A_1780 = arith.index_cast %get3A_1778 : i32 to index
        %get3A_1781 = arith.index_cast %get3A_1779 : i32 to index
        %get3A_1782 = arith.index_cast %mul3A_1769 : i32 to index
        %get3A_1783 = tpu.vector_load %arg5[%get3A_1780, %get3A_1781, %get3A_1782] {strides = array<i32>} : memref<2x19x2048xf32, #tpu.memory_space<vmem>>, vector<16xf32>,
        %gt3A_1784 = arith.cmpf ogt, %get3A_1783, %get3A_1775 : vector<16xf32>
        %select_n3A_1785 = arith.select %gt3A_1784, %get3A_1783, %get3A_1775 : vector<16xi1>, vector<16xf32>
        %broadcast_in_dim3A_1786 = arith.constant 1 : i32
        %broadcast_in_dim3A_1787 = vector.broadcast %broadcast_in_dim3A_1786 : i32 to vector<16xi32>
        %select_n3A_1788 = arith.select %gt3A_1784, %broadcast_in_dim3A_1787, %broadcast_in_dim3A_1777 : vector<16xi1>, vector<16xi32>
        %get3A_1789 = arith.constant 1 : i32
        %get3A_1790 = arith.constant 2 : i32
        %get3A_1791 = arith.index_cast %get3A_1789 : i32 to index
        %get3A_1792 = arith.index_cast %get3A_1790 : i32 to index
        %get3A_1793 = arith.index_cast %mul3A_1769 : i32 to index
        %get3A_1794 = tpu.vector_load %arg5[%get3A_1791, %get3A_1792, %get3A_1793] {strides = array<i32>} : memref<2x19x2048xf32, #tpu.memory_space<vmem>>, vector<16xf32>,
        %gt3A_1795 = arith.cmpf ogt, %get3A_1794, %select_n3A_1785 : vector<16xf32>
        %select_n3A_1796 = arith.select %gt3A_1795, %get3A_1794, %select_n3A_1785 : vector<16xi1>, vector<16xf32>
        %broadcast_in_dim3A_1797 = arith.constant 2 : i32
        %broadcast_in_dim3A_1798 = vector.broadcast %broadcast_in_dim3A_1797 : i32 to vector<16xi32>
        %select_n3A_1799 = arith.select %gt3A_1795, %broadcast_in_dim3A_1798, %select_n3A_1788 : vector<16xi1>, vector<16xi32>
        %get3A_1800 = arith.constant 1 : i32
        %get3A_1801 = arith.constant 3 : i32
        %get3A_1802 = arith.index_cast %get3A_1800 : i32 to index
        %get3A_1803 = arith.index_cast %get3A_1801 : i32 to index
        %get3A_1804 = arith.index_cast %mul3A_1769 : i32 to index
        %get3A_1805 = tpu.vector_load %arg5[%get3A_1802, %get3A_1803, %get3A_1804] {strides = array<i32>} : memref<2x19x2048xf32, #tpu.memory_space<vmem>>, vector<16xf32>,
        %gt3A_1806 = arith.cmpf ogt, %get3A_1805, %select_n3A_1796 : vector<16xf32>
        %select_n3A_1807 = arith.select %gt3A_1806, %get3A_1805, %select_n3A_1796 : vector<16xi1>, vector<16xf32>
        %broadcast_in_dim3A_1808 = arith.constant 3 : i32
        %broadcast_in_dim3A_1809 = vector.broadcast %broadcast_in_dim3A_1808 : i32 to vector<16xi32>
        %select_n3A_1810 = arith.select %gt3A_1806, %broadcast_in_dim3A_1809, %select_n3A_1799 : vector<16xi1>, vector<16xi32>
        %get3A_1811 = arith.constant 1 : i32
        %get3A_1812 = arith.constant 4 : i32
        %get3A_1813 = arith.index_cast %get3A_1811 : i32 to index
        %get3A_1814 = arith.index_cast %get3A_1812 : i32 to index
        %get3A_1815 = arith.index_cast %mul3A_1769 : i32 to index
        %get3A_1816 = tpu.vector_load %arg5[%get3A_1813, %get3A_1814, %get3A_1815] {strides = array<i32>} : memref<2x19x2048xf32, #tpu.memory_space<vmem>>, vector<16xf32>,
        %gt3A_1817 = arith.cmpf ogt, %get3A_1816, %select_n3A_1807 : vector<16xf32>
        %select_n3A_1818 = arith.select %gt3A_1817, %get3A_1816, %select_n3A_1807 : vector<16xi1>, vector<16xf32>
        %broadcast_in_dim3A_1819 = arith.constant 4 : i32
        %broadcast_in_dim3A_1820 = vector.broadcast %broadcast_in_dim3A_1819 : i32 to vector<16xi32>
        %select_n3A_1821 = arith.select %gt3A_1817, %broadcast_in_dim3A_1820, %select_n3A_1810 : vector<16xi1>, vector<16xi32>
        %get3A_1822 = arith.constant 1 : i32
        %get3A_1823 = arith.constant 5 : i32
        %get3A_1824 = arith.index_cast %get3A_1822 : i32 to index
        %get3A_1825 = arith.index_cast %get3A_1823 : i32 to index
        %get3A_1826 = arith.index_cast %mul3A_1769 : i32 to index
        %get3A_1827 = tpu.vector_load %arg5[%get3A_1824, %get3A_1825, %get3A_1826] {strides = array<i32>} : memref<2x19x2048xf32, #tpu.memory_space<vmem>>, vector<16xf32>,
        %gt3A_1828 = arith.cmpf ogt, %get3A_1827, %select_n3A_1818 : vector<16xf32>
        %select_n3A_1829 = arith.select %gt3A_1828, %get3A_1827, %select_n3A_1818 : vector<16xi1>, vector<16xf32>
        %broadcast_in_dim3A_1830 = arith.constant 5 : i32
        %broadcast_in_dim3A_1831 = vector.broadcast %broadcast_in_dim3A_1830 : i32 to vector<16xi32>
        %select_n3A_1832 = arith.select %gt3A_1828, %broadcast_in_dim3A_1831, %select_n3A_1821 : vector<16xi1>, vector<16xi32>
        %get3A_1833 = arith.constant 1 : i32
        %get3A_1834 = arith.constant 6 : i32
        %get3A_1835 = arith.index_cast %get3A_1833 : i32 to index
        %get3A_1836 = arith.index_cast %get3A_1834 : i32 to index
        %get3A_1837 = arith.index_cast %mul3A_1769 : i32 to index
        %get3A_1838 = tpu.vector_load %arg5[%get3A_1835, %get3A_1836, %get3A_1837] {strides = array<i32>} : memref<2x19x2048xf32, #tpu.memory_space<vmem>>, vector<16xf32>,
        %gt3A_1839 = arith.cmpf ogt, %get3A_1838, %select_n3A_1829 : vector<16xf32>
        %select_n3A_1840 = arith.select %gt3A_1839, %get3A_1838, %select_n3A_1829 : vector<16xi1>, vector<16xf32>
        %broadcast_in_dim3A_1841 = arith.constant 6 : i32
        %broadcast_in_dim3A_1842 = vector.broadcast %broadcast_in_dim3A_1841 : i32 to vector<16xi32>
        %select_n3A_1843 = arith.select %gt3A_1839, %broadcast_in_dim3A_1842, %select_n3A_1832 : vector<16xi1>, vector<16xi32>
        %get3A_1844 = arith.constant 1 : i32
        %get3A_1845 = arith.constant 7 : i32
        %get3A_1846 = arith.index_cast %get3A_1844 : i32 to index
        %get3A_1847 = arith.index_cast %get3A_1845 : i32 to index
        %get3A_1848 = arith.index_cast %mul3A_1769 : i32 to index
        %get3A_1849 = tpu.vector_load %arg5[%get3A_1846, %get3A_1847, %get3A_1848] {strides = array<i32>} : memref<2x19x2048xf32, #tpu.memory_space<vmem>>, vector<16xf32>,
        %gt3A_1850 = arith.cmpf ogt, %get3A_1849, %select_n3A_1840 : vector<16xf32>
        %select_n3A_1851 = arith.select %gt3A_1850, %get3A_1849, %select_n3A_1840 : vector<16xi1>, vector<16xf32>
        %broadcast_in_dim3A_1852 = arith.constant 7 : i32
        %broadcast_in_dim3A_1853 = vector.broadcast %broadcast_in_dim3A_1852 : i32 to vector<16xi32>
        %select_n3A_1854 = arith.select %gt3A_1850, %broadcast_in_dim3A_1853, %select_n3A_1843 : vector<16xi1>, vector<16xi32>
        %get3A_1855 = arith.constant 1 : i32
        %get3A_1856 = arith.constant 8 : i32
        %get3A_1857 = arith.index_cast %get3A_1855 : i32 to index
        %get3A_1858 = arith.index_cast %get3A_1856 : i32 to index
        %get3A_1859 = arith.index_cast %mul3A_1769 : i32 to index
        %get3A_1860 = tpu.vector_load %arg5[%get3A_1857, %get3A_1858, %get3A_1859] {strides = array<i32>} : memref<2x19x2048xf32, #tpu.memory_space<vmem>>, vector<16xf32>,
        %gt3A_1861 = arith.cmpf ogt, %get3A_1860, %select_n3A_1851 : vector<16xf32>
        %select_n3A_1862 = arith.select %gt3A_1861, %get3A_1860, %select_n3A_1851 : vector<16xi1>, vector<16xf32>
        %broadcast_in_dim3A_1863 = arith.constant 8 : i32
        %broadcast_in_dim3A_1864 = vector.broadcast %broadcast_in_dim3A_1863 : i32 to vector<16xi32>
        %select_n3A_1865 = arith.select %gt3A_1861, %broadcast_in_dim3A_1864, %select_n3A_1854 : vector<16xi1>, vector<16xi32>
        %get3A_1866 = arith.constant 1 : i32
        %get3A_1867 = arith.constant 9 : i32
        %get3A_1868 = arith.index_cast %get3A_1866 : i32 to index
        %get3A_1869 = arith.index_cast %get3A_1867 : i32 to index
        %get3A_1870 = arith.index_cast %mul3A_1769 : i32 to index
        %get3A_1871 = tpu.vector_load %arg5[%get3A_1868, %get3A_1869, %get3A_1870] {strides = array<i32>} : memref<2x19x2048xf32, #tpu.memory_space<vmem>>, vector<16xf32>,
        %gt3A_1872 = arith.cmpf ogt, %get3A_1871, %select_n3A_1862 : vector<16xf32>
        %select_n3A_1873 = arith.select %gt3A_1872, %get3A_1871, %select_n3A_1862 : vector<16xi1>, vector<16xf32>
        %broadcast_in_dim3A_1874 = arith.constant 9 : i32
        %broadcast_in_dim3A_1875 = vector.broadcast %broadcast_in_dim3A_1874 : i32 to vector<16xi32>
        %select_n3A_1876 = arith.select %gt3A_1872, %broadcast_in_dim3A_1875, %select_n3A_1865 : vector<16xi1>, vector<16xi32>
        %get3A_1877 = arith.constant 1 : i32
        %get3A_1878 = arith.constant 10 : i32
        %get3A_1879 = arith.index_cast %get3A_1877 : i32 to index
        %get3A_1880 = arith.index_cast %get3A_1878 : i32 to index
        %get3A_1881 = arith.index_cast %mul3A_1769 : i32 to index
        %get3A_1882 = tpu.vector_load %arg5[%get3A_1879, %get3A_1880, %get3A_1881] {strides = array<i32>} : memref<2x19x2048xf32, #tpu.memory_space<vmem>>, vector<16xf32>,
        %gt3A_1883 = arith.cmpf ogt, %get3A_1882, %select_n3A_1873 : vector<16xf32>
        %select_n3A_1884 = arith.select %gt3A_1883, %get3A_1882, %select_n3A_1873 : vector<16xi1>, vector<16xf32>
        %broadcast_in_dim3A_1885 = arith.constant 10 : i32
        %broadcast_in_dim3A_1886 = vector.broadcast %broadcast_in_dim3A_1885 : i32 to vector<16xi32>
        %select_n3A_1887 = arith.select %gt3A_1883, %broadcast_in_dim3A_1886, %select_n3A_1876 : vector<16xi1>, vector<16xi32>
        %get3A_1888 = arith.constant 1 : i32
        %get3A_1889 = arith.constant 11 : i32
        %get3A_1890 = arith.index_cast %get3A_1888 : i32 to index
        %get3A_1891 = arith.index_cast %get3A_1889 : i32 to index
        %get3A_1892 = arith.index_cast %mul3A_1769 : i32 to index
        %get3A_1893 = tpu.vector_load %arg5[%get3A_1890, %get3A_1891, %get3A_1892] {strides = array<i32>} : memref<2x19x2048xf32, #tpu.memory_space<vmem>>, vector<16xf32>,
        %gt3A_1894 = arith.cmpf ogt, %get3A_1893, %select_n3A_1884 : vector<16xf32>
        %select_n3A_1895 = arith.select %gt3A_1894, %get3A_1893, %select_n3A_1884 : vector<16xi1>, vector<16xf32>
        %broadcast_in_dim3A_1896 = arith.constant 11 : i32
        %broadcast_in_dim3A_1897 = vector.broadcast %broadcast_in_dim3A_1896 : i32 to vector<16xi32>
        %select_n3A_1898 = arith.select %gt3A_1894, %broadcast_in_dim3A_1897, %select_n3A_1887 : vector<16xi1>, vector<16xi32>
        %get3A_1899 = arith.constant 1 : i32
        %get3A_1900 = arith.constant 12 : i32
        %get3A_1901 = arith.index_cast %get3A_1899 : i32 to index
        %get3A_1902 = arith.index_cast %get3A_1900 : i32 to index
        %get3A_1903 = arith.index_cast %mul3A_1769 : i32 to index
        %get3A_1904 = tpu.vector_load %arg5[%get3A_1901, %get3A_1902, %get3A_1903] {strides = array<i32>} : memref<2x19x2048xf32, #tpu.memory_space<vmem>>, vector<16xf32>,
        %gt3A_1905 = arith.cmpf ogt, %get3A_1904, %select_n3A_1895 : vector<16xf32>
        %select_n3A_1906 = arith.select %gt3A_1905, %get3A_1904, %select_n3A_1895 : vector<16xi1>, vector<16xf32>
        %broadcast_in_dim3A_1907 = arith.constant 12 : i32
        %broadcast_in_dim3A_1908 = vector.broadcast %broadcast_in_dim3A_1907 : i32 to vector<16xi32>
        %select_n3A_1909 = arith.select %gt3A_1905, %broadcast_in_dim3A_1908, %select_n3A_1898 : vector<16xi1>, vector<16xi32>
        %get3A_1910 = arith.constant 1 : i32
        %get3A_1911 = arith.constant 13 : i32
        %get3A_1912 = arith.index_cast %get3A_1910 : i32 to index
        %get3A_1913 = arith.index_cast %get3A_1911 : i32 to index
        %get3A_1914 = arith.index_cast %mul3A_1769 : i32 to index
        %get3A_1915 = tpu.vector_load %arg5[%get3A_1912, %get3A_1913, %get3A_1914] {strides = array<i32>} : memref<2x19x2048xf32, #tpu.memory_space<vmem>>, vector<16xf32>,
        %gt3A_1916 = arith.cmpf ogt, %get3A_1915, %select_n3A_1906 : vector<16xf32>
        %select_n3A_1917 = arith.select %gt3A_1916, %get3A_1915, %select_n3A_1906 : vector<16xi1>, vector<16xf32>
        %broadcast_in_dim3A_1918 = arith.constant 13 : i32
        %broadcast_in_dim3A_1919 = vector.broadcast %broadcast_in_dim3A_1918 : i32 to vector<16xi32>
        %select_n3A_1920 = arith.select %gt3A_1916, %broadcast_in_dim3A_1919, %select_n3A_1909 : vector<16xi1>, vector<16xi32>
        %get3A_1921 = arith.constant 1 : i32
        %get3A_1922 = arith.constant 14 : i32
        %get3A_1923 = arith.index_cast %get3A_1921 : i32 to index
        %get3A_1924 = arith.index_cast %get3A_1922 : i32 to index
        %get3A_1925 = arith.index_cast %mul3A_1769 : i32 to index
        %get3A_1926 = tpu.vector_load %arg5[%get3A_1923, %get3A_1924, %get3A_1925] {strides = array<i32>} : memref<2x19x2048xf32, #tpu.memory_space<vmem>>, vector<16xf32>,
        %gt3A_1927 = arith.cmpf ogt, %get3A_1926, %select_n3A_1917 : vector<16xf32>
        %select_n3A_1928 = arith.select %gt3A_1927, %get3A_1926, %select_n3A_1917 : vector<16xi1>, vector<16xf32>
        %broadcast_in_dim3A_1929 = arith.constant 14 : i32
        %broadcast_in_dim3A_1930 = vector.broadcast %broadcast_in_dim3A_1929 : i32 to vector<16xi32>
        %select_n3A_1931 = arith.select %gt3A_1927, %broadcast_in_dim3A_1930, %select_n3A_1920 : vector<16xi1>, vector<16xi32>
        %get3A_1932 = arith.constant 1 : i32
        %get3A_1933 = arith.constant 15 : i32
        %get3A_1934 = arith.index_cast %get3A_1932 : i32 to index
        %get3A_1935 = arith.index_cast %get3A_1933 : i32 to index
        %get3A_1936 = arith.index_cast %mul3A_1769 : i32 to index
        %get3A_1937 = tpu.vector_load %arg5[%get3A_1934, %get3A_1935, %get3A_1936] {strides = array<i32>} : memref<2x19x2048xf32, #tpu.memory_space<vmem>>, vector<16xf32>,
        %gt3A_1938 = arith.cmpf ogt, %get3A_1937, %select_n3A_1928 : vector<16xf32>
        %select_n3A_1939 = arith.select %gt3A_1938, %get3A_1937, %select_n3A_1928 : vector<16xi1>, vector<16xf32>
        %broadcast_in_dim3A_1940 = arith.constant 15 : i32
        %broadcast_in_dim3A_1941 = vector.broadcast %broadcast_in_dim3A_1940 : i32 to vector<16xi32>
        %select_n3A_1942 = arith.select %gt3A_1938, %broadcast_in_dim3A_1941, %select_n3A_1931 : vector<16xi1>, vector<16xi32>
        %get3A_1943 = arith.constant 1 : i32
        %get3A_1944 = arith.constant 16 : i32
        %get3A_1945 = arith.index_cast %get3A_1943 : i32 to index
        %get3A_1946 = arith.index_cast %get3A_1944 : i32 to index
        %get3A_1947 = arith.index_cast %mul3A_1769 : i32 to index
        %get3A_1948 = tpu.vector_load %arg5[%get3A_1945, %get3A_1946, %get3A_1947] {strides = array<i32>} : memref<2x19x2048xf32, #tpu.memory_space<vmem>>, vector<16xf32>,
        %gt3A_1949 = arith.cmpf ogt, %get3A_1948, %select_n3A_1939 : vector<16xf32>
        %select_n3A_1950 = arith.select %gt3A_1949, %get3A_1948, %select_n3A_1939 : vector<16xi1>, vector<16xf32>
        %broadcast_in_dim3A_1951 = arith.constant 16 : i32
        %broadcast_in_dim3A_1952 = vector.broadcast %broadcast_in_dim3A_1951 : i32 to vector<16xi32>
        %select_n3A_1953 = arith.select %gt3A_1949, %broadcast_in_dim3A_1952, %select_n3A_1942 : vector<16xi1>, vector<16xi32>
        %get3A_1954 = arith.constant 1 : i32
        %get3A_1955 = arith.constant 17 : i32
        %get3A_1956 = arith.index_cast %get3A_1954 : i32 to index
        %get3A_1957 = arith.index_cast %get3A_1955 : i32 to index
        %get3A_1958 = arith.index_cast %mul3A_1769 : i32 to index
        %get3A_1959 = tpu.vector_load %arg5[%get3A_1956, %get3A_1957, %get3A_1958] {strides = array<i32>} : memref<2x19x2048xf32, #tpu.memory_space<vmem>>, vector<16xf32>,
        %gt3A_1960 = arith.cmpf ogt, %get3A_1959, %select_n3A_1950 : vector<16xf32>
        %select_n3A_1961 = arith.select %gt3A_1960, %get3A_1959, %select_n3A_1950 : vector<16xi1>, vector<16xf32>
        %broadcast_in_dim3A_1962 = arith.constant 17 : i32
        %broadcast_in_dim3A_1963 = vector.broadcast %broadcast_in_dim3A_1962 : i32 to vector<16xi32>
        %select_n3A_1964 = arith.select %gt3A_1960, %broadcast_in_dim3A_1963, %select_n3A_1953 : vector<16xi1>, vector<16xi32>
        %get3A_1965 = arith.constant 1 : i32
        %get3A_1966 = arith.constant 18 : i32
        %get3A_1967 = arith.index_cast %get3A_1965 : i32 to index
        %get3A_1968 = arith.index_cast %get3A_1966 : i32 to index
        %get3A_1969 = arith.index_cast %mul3A_1769 : i32 to index
        %get3A_1970 = tpu.vector_load %arg5[%get3A_1967, %get3A_1968, %get3A_1969] {strides = array<i32>} : memref<2x19x2048xf32, #tpu.memory_space<vmem>>, vector<16xf32>,
        %gt3A_1971 = arith.cmpf ogt, %get3A_1970, %select_n3A_1961 : vector<16xf32>
        %select_n3A_1972 = arith.select %gt3A_1971, %get3A_1970, %select_n3A_1961 : vector<16xi1>, vector<16xf32>
        %broadcast_in_dim3A_1973 = arith.constant 18 : i32
        %broadcast_in_dim3A_1974 = vector.broadcast %broadcast_in_dim3A_1973 : i32 to vector<16xi32>
        %select_n3A_1975 = arith.select %gt3A_1971, %broadcast_in_dim3A_1974, %select_n3A_1964 : vector<16xi1>, vector<16xi32>
        %get3A_1976 = arith.constant 1 : i32
        %get3A_1977 = arith.index_cast %get3A_1976 : i32 to index
        %get3A_1978 = arith.index_cast %mul3A_1769 : i32 to index
        %get3A_1979 = tpu.vector_load %arg6[%get3A_1977, %get3A_1978] {strides = array<i32>} : memref<2x2048xi32, #tpu.memory_space<vmem>>, vector<16xi32>,
        %mul3A_1980 = arith.constant 19 : i32
        %mul3A_1981 = vector.broadcast %mul3A_1980 : i32 to vector<16xi32>
        %mul3A_1982 = arith.muli %select_n3A_1975, %mul3A_1981 : vector<16xi32>
        %add3A_1983 = arith.addi %mul3A_1982, %get3A_1979 : vector<16xi32>
        %mul3A_1984 = arith.constant 16 : i32
        %mul3A_1985 = vector.broadcast %mul3A_1984 : i32 to vector<16xi32>
        %mul3A_1986 = arith.muli %add3A_1983, %mul3A_1985 : vector<16xi32>
        %add3A_1987 = arith.addi %mul3A_1986, %iota3A : vector<16xi32>
        tpu.vector_store_idx %arg7[%add3A_1987], %broadcast_in_dim3A_68 {add = true} : memref<6144xf32, #tpu.memory_space<vmem>>[vector<16xi32>], vector<16xf32>,
      }
      %scan3A_196 = arith.constant 16 : i32
    }
    %scan3A_74 = arith.constant 16 : i32
    %mul3A_75 = arith.constant 6144 : i32
    %mul3A_76 = arith.muli %add3A, %mul3A_75 : i32
    "tpu.region"() ({
      %run_scoped3A = tpu.sem_alloc : memref<!tpu.dma_semaphore, #tpu.memory_space<semaphore_mem>>
      %dma_start3A_77 = tpu.memref_slice %arg4[%mul3A_76] : memref<196608xf32, #tpu.memory_space<hbm>> -> memref<6144xf32, #tpu.memory_space<hbm>>
      %dma_start3A_78 = tpu.memref_slice %arg4[%mul3A_76] : memref<196608xf32, #tpu.memory_space<hbm>> -> memref<6144xf32, #tpu.memory_space<hbm>>
      tpu.enqueue_dma source(%arg7 : memref<6144xf32, #tpu.memory_space<vmem>>) target(%dma_start3A_78 : memref<6144xf32, #tpu.memory_space<hbm>>) target_semaphore(%run_scoped3A : memref<!tpu.dma_semaphore, #tpu.memory_space<semaphore_mem>>)
      %dma_wait3A = tpu.memref_slice %arg4[%mul3A_76] : memref<196608xf32, #tpu.memory_space<hbm>> -> memref<6144xf32, #tpu.memory_space<hbm>>
      %dma_wait3A_79 = tpu.memref_slice %arg4[%mul3A_76] : memref<196608xf32, #tpu.memory_space<hbm>> -> memref<6144xf32, #tpu.memory_space<hbm>>
      tpu.wait_dma2 semaphore(%run_scoped3A : memref<!tpu.dma_semaphore, #tpu.memory_space<semaphore_mem>>) src(%arg7 : memref<6144xf32, #tpu.memory_space<vmem>>) dst(%dma_wait3A_79 : memref<6144xf32, #tpu.memory_space<hbm>>)
      tpu.yield
    }) : () -> ()
    return
  }
}

</mosaic_0001>

<sc_bundles>
// kernel: _run.4.cloned.1.call-start
scs
__scs_entry_jumppad:
0x0: {  	(pc) =	sbr.rel $0x88, $3  }
0x1: {  	(tag) =	ssettag $0x0;
	lr =	simm.s32 $0x1  }
0x2: {  	[smem:$0x3F9F] =	sst lr;
	_ =	strace $0xD0000000  }
0x3: {  	_ = 	snop  }
0x4: {  	_ = 	snop  }
0x5: {  	_ = 	snop  }
0x6: {  	_ = 	snop  }
0x7: {  	_ = 	snop  }
__scs_overlays_trampoline_lowered:
0x8: {  	[smem:$0x3FAE] =	sst s0  }
0x9: {  	[smem:$0x3FAF] =	sst s1  }
0xa: {  	[smem:$0x3FB0] =	sst s2  }
0xb: {  	[smem:$0x3FB1] =	sst s3  }
0xc: {  	[smem:$0x3FB2] =	sst s4  }
0xd: {  	[smem:$0x3FB3] =	sst s5  }
0xe: {  	[smem:$0x3FB4] =	sst s6  }
0xf: {  	[smem:$0x3FB5] =	sst s7  }
0x10: {  	[smem:$0x3FB6] =	sst s8  }
0x11: {  	[smem:$0x3FB7] =	sst s9;
	s0 =	simm.s32 @!p0 $0x0  }
0x12: {  	s1 =	sld [smem:$0x3F9D];
	s0 =	simm.s32 @p0 $0x1  }
0x13: {  	[smem:$0x3FB8] =	sst s0;
	s0 =	simm.s32 @!p1 $0x0  }
0x14: {  	s2 =	sld [smem:$0x3F9C];
	s0 =	simm.s32 @p1 $0x1  }
0x15: {  	[smem:$0x3FB9] =	sst s0;
	s0 =	simm.s32 @!p2 $0x0  }
0x16: {  	s3 =	sld [smem:$0x3FDB];
	s0 =	simm.s32 @p2 $0x1  }
0x17: {  	s4 =	simm.s32 $0x1BF5;
	[smem:$0x3FBB] =	sst s0  }
0x18: {  	s0 =	sld [smem:$0x3F9E];
	_ =	swait.ge [sflag:s4], $0x0  }
0x19: {  	s7 =	sld [smem:$0x3F9F]  }
0x1a: {  	s8 =	sadd.s32 $0xFFFFE003, lr  }
0x1b: {  	s9 =	sadd.s32 $0xFFFFFEF7, lr;
	s5 =	simm.s32 $0xFFFFFFFF;
	p2 =	slt.u32 s8, $0xFFFFF086  }
0x1c: {  	p1 =	slt.u32 s9, $0xF7A;
	s5 =	simm.s32 @!p2 $0x0  }
0x1d: {  	s5 =	simm.s32 @p1 $0x1;
	p0 =	seq.s32 s7, s2  }
0x1e: {  	s7 =	smul.u32 @!p0 $0xF7A, s2;
	p2 =	seq.s32 @!p0 s5, $0x0  }
0x1f: {  	s9 =	smul.u32 $0xF7A, s1;
	s8 =	simm.s32 @!p0 $0x1BF5;
	p2 =	por !p2, p0  }
0x20: {  	[sflag:s8] =	ssyncset.s32 @!p0 $0xFFFFF086;
	s6 =	sadd.s32 @!p0 s3, s7;
	s7 =	simm.s32 @!p0 $0x108  }
0x21: {  	s3 =	sadd.s32 s3, s9;
	s6 =	sadd.s32 @!p0 $0x88, s6;
	s7 =	simm.s32 @p2 $0x1082  }
0x22: {  	[simem:s7], [sflag:s8] =	dma.local @!p0 [hbm:s6], $0xF7A  }
0x23: {  	s9 =	sor.u32 $0xD0000000, s2;
	s6 =	simm.s32 $0x108;
	_ =	swait.ge @!p0 [sflag:s8], $0x0  }
0x24: {  	s3 =	sadd.s32 $0x88, s3;
	s6 =	simm.s32 @!p1 $0x1082;
	[sflag:s4] =	ssyncset.s32 $0xFFFFF086  }
0x25: {  	[simem:s6], [sflag:s4] =	dma.local [hbm:s3], $0xF7A  }
0x26: {  	[smem:$0x3F9F] =	sst s1;
	(tag) =	ssettag s2;
	_ =	strace s9  }
0x27: {  	s1 =	sld [smem:$0x3FAF]  }
0x28: {  	s2 =	sld [smem:$0x3FB0]  }
0x29: {  	s4 =	sld [smem:$0x3FB2]  }
0x2a: {  	p0 =	seq.s32 s5, $0x0;
	s5 =	sld [smem:$0x3FB3]  }
0x2b: {  	s6 =	sld [smem:$0x3FB4]  }
0x2c: {  	s7 =	sld [smem:$0x3FB5]  }
0x2d: {  	s3 =	simm.s32 $0x108;
	s8 =	sld [smem:$0x3FB6]  }
0x2e: {  	s3 =	simm.s32 @!p0 $0x1082;
	s9 =	sld [smem:$0x3FB7]  }
0x2f: {  	lr =	sadd.s32 s0, s3;
	s0 =	sld [smem:$0x3FAE]  }
0x30: {  	s3 =	sld [smem:$0x3FB1]  }
0x31: {  	[smem:$0x3FBA] =	sst s10  }
0x32: {  	s10 =	sld [smem:$0x3FB8];
	_ =	sdelay $0x3  }
0x33: {  	p0 =	seq.s32 s10, $0x1;
	s10 =	sld [smem:$0x3FBA];
	_ =	sdelay $0x3  }
0x34: {  	[smem:$0x3FBA] =	sst s10  }
0x35: {  	s10 =	sld [smem:$0x3FB9];
	_ =	sdelay $0x3  }
0x36: {  	p1 =	seq.s32 s10, $0x1;
	s10 =	sld [smem:$0x3FBA];
	_ =	sdelay $0x3  }
0x37: {  	[smem:$0x3FBA] =	sst s10  }
0x38: {  	s10 =	sld [smem:$0x3FBB]  }
0x39: {  	_ = 	snop;
	(pc) =	sbr.ind lr, $3  }
0x3a: {  	_ = 	snop  }
0x3b: {  	_ = 	snop  }
0x3c: {  	p2 =	seq.s32 s10, $0x1;
	s10 =	sld [smem:$0x3FBA]  }
0x3d: {  	_ =	shalt  }
0x3e: {  	_ =	shalt  }
0x3f: {  	_ =	shalt  }
0x40: {  	_ =	shalt  }
0x41: {  	_ =	shalt  }
0x42: {  	_ =	shalt  }
0x43: {  	_ =	shalt  }
0x44: {  	_ =	shalt  }
0x45: {  	_ =	shalt  }
0x46: {  	_ =	shalt  }
0x47: {  	_ =	shalt  }
0x48: {  	_ =	shalt  }
0x49: {  	_ =	shalt  }
0x4a: {  	_ =	shalt  }
0x4b: {  	_ =	shalt  }
0x4c: {  	_ =	shalt  }
0x4d: {  	_ =	shalt  }
0x4e: {  	_ =	shalt  }
0x4f: {  	_ =	shalt  }
0x50: {  	_ =	shalt  }
0x51: {  	_ =	shalt  }
0x52: {  	_ =	shalt  }
0x53: {  	_ =	shalt  }
0x54: {  	_ =	shalt  }
0x55: {  	_ =	shalt  }
0x56: {  	_ =	shalt  }
0x57: {  	_ =	shalt  }
0x58: {  	_ =	shalt  }
0x59: {  	_ =	shalt  }
0x5a: {  	_ =	shalt  }
0x5b: {  	_ =	shalt  }
0x5c: {  	_ =	shalt  }
0x5d: {  	_ =	shalt  }
0x5e: {  	_ =	shalt  }
0x5f: {  	_ =	shalt  }
0x60: {  	_ =	shalt  }
0x61: {  	_ =	shalt  }
0x62: {  	_ =	shalt  }
0x63: {  	_ =	shalt  }
0x64: {  	_ =	shalt  }
0x65: {  	_ =	shalt  }
0x66: {  	_ =	shalt  }
0x67: {  	_ =	shalt  }
0x68: {  	_ =	shalt  }
0x69: {  	_ =	shalt  }
0x6a: {  	_ =	shalt  }
0x6b: {  	_ =	shalt  }
0x6c: {  	_ =	shalt  }
0x6d: {  	_ =	shalt  }
0x6e: {  	_ =	shalt  }
0x6f: {  	_ =	shalt  }
0x70: {  	_ =	shalt  }
0x71: {  	_ =	shalt  }
0x72: {  	_ =	shalt  }
0x73: {  	_ =	shalt  }
0x74: {  	_ =	shalt  }
0x75: {  	_ =	shalt  }
0x76: {  	_ =	shalt  }
0x77: {  	_ =	shalt  }
0x78: {  	_ =	shalt  }
0x79: {  	_ =	shalt  }
0x7a: {  	_ =	shalt  }
0x7b: {  	_ =	shalt  }
0x7c: {  	_ =	shalt  }
0x7d: {  	_ =	shalt  }
0x7e: {  	_ =	shalt  }
0x7f: {  	_ =	shalt  }
0x80: {  	_ =	shalt  }
0x81: {  	_ =	shalt  }
0x82: {  	_ =	shalt  }
0x83: {  	_ =	shalt  }
0x84: {  	_ =	shalt  }
0x85: {  	_ =	shalt  }
0x86: {  	_ =	shalt  }
0x87: {  	_ =	shalt  }
.Lfunc_end0:
.L_simem_size_0:
called_computation.1_lowered:
.L_overlay_start_0:
0x88: {  	s2 =	sld [smem:$0x3FD9]  }
0x89: {  	s3 =	sld [smem:$0x3FFE];
	_ =	sdelay $0x1  }
0x8a: {  	s1 =	srdreg.scid  }
0x8b: {  	s0 =	sand.u32 $0x1, s1  }
0x8c: {  	s16 =	sshll.u32 s0, $0xA;
	s2 =	sadd.s32 s3, s2  }
0x8d: {  	s2 =	sadd.s32 s2, s16  }
0x8e: {  	[smem:$0x3FC6] =	sst s2  }
0x8f: {  	_ = 	snop  }
0x90: {  	(tm) =	ssettm $0x1  }
0x91: {  	s17 =	sld [smem:$0x3FFB];
	_ =	sdelay $0x3  }
0x92: {  	_ =	strace s17  }
0x93: {  	s2 =	sld [smem:$0x3FFC];
	_ =	sdelay $0x3  }
0x94: {  	_ =	strace s2  }
0x95: {  	s2 =	sld [smem:$0x3FFD];
	_ =	sdelay $0x3  }
0x96: {  	_ =	strace s2  }
0x97: {  	_ =	strace $0x8FFFFFFF  }
0x98: {  	s18 =	sld [smem:$0x3FDB];
	_ =	sdelay $0x1  }
0x99: {  	s19 =	simm.s32 $_scs_section_size  }
0x9a: {  	s4 =	simm.s32 $_size__tile_overlayer_lowered;
	s5 =	simm.s32 $_tile_overlayer_lowered  }
0x9b: {  	s22 =	simm.s32 $0x1BFF;
	s21 =	sshll.u32 s5, $0x1;
	s2 =	sadd.s32 s19, s18  }
0x9c: {  	s6 =	simm.s32 $0x0;
	s20 =	sshll.u32 s4, $0x1;
	s4 =	sadd.s32 s21, s2  }
0x9d: {  	[timem:s6], [sflag:s22] =	dma.local [hbm:s4], s20  }
0x9e: {  	_ =	swait.ge [sflag:s22], s20  }
0x9f: {  	s3 =	ssub.s32 $0x0, s20;
	[sflag:s22] =	ssyncset.done $0x0  }
0xa0: {  	[sflag:s22] =	ssyncadd.s32 s3;
	_ =	sdelay $0x1  }
0xa1: {  	s23 =	simm.s32 $0x1B8B  }
0xa2: {  	_ =	swait.ge [sflag:s23], $0x1  }
0xa3: {  	[sflag:s23] =	ssyncset.done $0x0  }
0xa4: {  	s25 =	simm.s32 $0x1B8E;
	s24 =	sld [smem:$0x3FFE];
	[sflag:s23] =	ssyncadd.s32 $0xFFFFFFFF  }
0xa5: {  	s26 =	simm.s32 $execute0_lowered;
	[smem:$0x3FD2] =	sst s25  }
0xa6: {  	s4 =	sshll.u32 s26, $0x1;
	_ =	strace $0x80000049;
	[dreg:$0x1] =	wrdreg $0xFFFFFFFF  }
0xa7: {  	s28 =	simm.s32 $_size_execute0_lowered;
	s2 =	sadd.s32 s2, s4;
	[dreg:$0x0] =	wrdreg $0x0  }
0xa8: {  	s4 =	sshll.u32 s28, $0x1;
	[dreg:$0x2] =	wrdreg s2  }
0xa9: {  	[dreg:$0x3] =	wrdreg s4  }
0xaa: {  	[dreg:$0x4] =	wrdreg $0xC0  }
0xab: {  	_ =	task [dreg:s6], $0x5FFFF  }
0xac: {  	[dreg:$0x1] =	wrdreg $0xFFFFFFFF  }
0xad: {  	[dreg:$0x0] =	wrdreg $0x60  }
0xae: {  	[dreg:$0x2] =	wrdreg s24  }
0xaf: {  	[dreg:$0x3] =	wrdreg $0x9  }
0xb0: {  	_ =	task.clear_ibuf [dreg:s6], $0x4FFFF;
	_ =	strace $0x90000049  }
0xb1: {  	s29 =	simm.s32 $0x9;
	_ =	strace $0x8000004B  }
0xb2: {  	_ =	swait.ge [sflag:s29], $0x1  }
0xb3: {  	[sflag:s29] =	ssyncadd.s32 $0xFFFFFFFF  }
0xb4: {  	_ =	strace $0x9000004B  }
0xb5: {  	_ =	sfence  }
0xb6: {  	s30 =	sld [smem:$0x0];
	_ =	sdelay $0x2  }
0xb7: {  	s31 =	sshll.u32 s1, $0xD;
	s1 =	sshrl.u32 s1, $0x2  }
0xb8: {  	s3 =	sand.u32 $0x4000, s31;
	s1 =	sadd.s32 s1, s30  }
0xb9: {  	s0 =	sor.u32 s3, s0;
	s1 =	sshll.u32 s1, $0x11  }
0xba: {  	s0 =	sor.u32 s1, s0  }
0xbb: {  	s0 =	sadd.s32 $0x8F2B, s0  }
0xbc: {  	[sflag:s0] =	ssyncadd.remote.s32 $0x1  }
0xbd: {  	_ =	sfence.sel $0xFFFF  }
0xbe: {  	[dreg:$0x0] =	wrdreg $0xFFFFFFFF;
	(pc) =	sbr.abs _section_cstart, $3  }
0xbf: {  	[dreg:$0x1] =	wrdreg $0xFFFFFFFF  }
0xc0: {  	_ =	task.clear_ibuf [dreg:s6], $0x2FFFF;
	_ =	strace $0x9FFFFFFF  }
0xc1: {  	(tm) =	ssettm $0x7FFFFFFF  }
tec
execute0_lowered:
.L_overlay_start_1:
0x0: {  	(tag) =	ssettag $0x1  }
0x1: {  	s5 =	rddreg [dreg:$0x0]  }
0x2: {  	s0 =	rddreg [dreg:$0x1];
	s2 =	simm.s32 $0x0;
	s3 =	srdreg.scid  }
0x3: {  	s1 =	stileid.u32;
	s13 =	simm.s32 $0x13000;
	s14 =	simm.s32 $0x9800  }
0x4: {  	s15 =	simm.s32 $0x13800;
	s16 =	simm.s32 $0x1;
	s17 =	simm.s32 $0x14000  }
0x5: {  	s18 =	simm.s32 $0x2;
	s19 =	simm.s32 $0x3;
	s20 =	simm.s32 $0x0  }
0x6: {  	[smem:$0x7FF] =	sst s2;
	s6 =	sand.u32 $0x1, s3;
	s25 =	sshll.u32 s1, $0x1  }
0x7: {  	s3 =	sadd.s32 $0xE00, s5;
	s9 =	sshrl.u32 s1, $0x1;
	s4 =	sadd.s32 $0x4C0E00, s5  }
0x8: {  	_ =	strace $0x8000004A;
	s7 =	sor.u32 s6, s25;
	s10 =	smul.u32 $0x4C0000, s9  }
0x9: {  	s28 =	ssub.s32 $0x2, s6;
	s8 =	smul.u32 $0x300, s7;
	s7 =	sshll.u32 s7, $0x10  }
0xa: {  	s26 =	sshll.u32 s9, $0x12;
	s29 =	sshrl.u32 s28, $0x1;
	s7 =	sand.u32 $0x30000, s7  }
0xb: {  	s12 =	ssub.s32 s28, s29;
	s11 =	sadd.s32 s8, s5;
	s5 =	sor.u32 s26, s7  }
0xc: {  	s6 =	sor.u32 s10, s7;
	s10 =	smax.u32 s12, $0x1;
	s12 =	simm.s32 $0x40000  }
0xd: {  	v0 =	vimm.f32 $0.0e+00;
	s30 =	sshrl.u32 s6, $0x3;
	s31 =	sshrl.u32 s5, $0x3;
	s9 =	sadd.s32 $0x500E00, s11  }
0xe: {  	v1 =	vimm.s32 $0x0;
	v2 =	vlaneseq.u32;
	v3 =	vimm.f32 $1.000000000e+00;
	s11 =	simm.s32 $0x800;
	s7 =	sadd.s32 s3, s30;
	s8 =	sadd.s32 s4, s31  }
.LBB2_1:
0xf: {  	s21 =	simm.s32 $0x40;
	s22 =	simm.s32 $0x0  }
.LBB2_2:
0x10: {  	p0 =	sne.s32 s21, $0x5FC0;
	[tilespmem:s22+$0x14000] =	vst v0;
	s22 =	smov.u32 s21;
	s21 =	sadd.s32 $0x40, s21  }
.Ltmp0:
0x11: {  	(pc) =	sbr.rel @p0 .LBB2_2-.Ltmp0, $2  }
0x12: {  	_ =	sdelay $0x2  }
0x13: {  	s22 =	sshra.s32 s22, $0x2  }
0x14: {  	[tilespmem:s22+$0x14000] =	vst v0;
	s21 =	simm.s32 $0x0  }
0x15: {  	[tilespmem:s21], [sflag:$0x1] =	stream.strided.gather [hbm4b:s7+s11], $0x9800, s12, s11, $0x38;
	[tilespmem:$0x15800] =	vst v63  }
0x16: {  	s22 =	simm.s32 $0x0  }
0x17: {  	[tilespmem:s13], [sflag:$0x1] =	stream.linear.gather [hbm4b:s8+s21], $0x800, $0x38;
	[tilespmem:$0x15800] =	vst v63  }
.LBB2_4:
0x18: {  	s23 =	sshll.u32 s22, $0xC  }
0x19: {  	s24 =	sor.u32 $0x800, s23  }
0x1a: {  	s25 =	sor.u32 s24, s6  }
0x1b: {  	s24 =	sor.u32 s5, s24;
	s25 =	sshrl.u32 s25, $0x3  }
0x1c: {  	s24 =	sshrl.u32 s24, $0x3;
	s25 =	sadd.s32 s3, s25  }
0x1d: {  	[tilespmem:s14], [sflag:$0x2] =	stream.strided.gather [hbm4b:s25+s11], $0x9800, s12, s11, $0x38;
	[tilespmem:$0x15800] =	vst v63  }
0x1e: {  	s24 =	sadd.s32 s4, s24  }
0x1f: {  	[tilespmem:s15], [sflag:$0x2] =	stream.linear.gather [hbm4b:s24+s21], $0x800, $0x38;
	[tilespmem:$0x15800] =	vst v63  }
0x20: {  	_ =	swait.ge [sflag:s16], $0x9800  }
0x21: {  	[sflag:s16] =	ssyncset.done $0x0  }
0x22: {  	[sflag:s16] =	ssyncadd.s32 $0xFFFF6800  }
0x23: {  	_ =	swait.ge [sflag:s16], $0x800  }
0x24: {  	[sflag:s16] =	ssyncset.done $0x0  }
0x25: {  	s24 =	simm.s32 $0x0;
	[sflag:s16] =	ssyncadd.s32 $0xFFFFF800  }
.LBB2_5:
0x26: {  	s25 =	sshra.s32 s24, $0x2  }
0x27: {  	v4 =	vld [tilespmem:s25+$0x0]  }
0x28: {  	v5 =	vld [tilespmem:s25+$0x800];
	_ =	sdelay $0x1  }
0x29: {  	v6 =	vld [tilespmem:s25+$0x1000];
	_ =	sdelay $0x1  }
0x2a: {  	v7 =	vld [tilespmem:s25+$0x1800]  }
0x2b: {  	vm0 =	vgt.f32 v5, v4  }
0x2c: {  	v4 =	vsel vm0, v5, v4;
	v5 =	vld [tilespmem:s25+$0x2000]  }
0x2d: {  	vm1 =	vgt.f32 v6, v4  }
0x2e: {  	v10 =	vld [tilespmem:s25+$0x2800];
	v4 =	vsel vm1, v6, v4  }
0x2f: {  	vm2 =	vgt.f32 v7, v4  }
0x30: {  	v11 =	vld [tilespmem:s25+$0x3000];
	v4 =	vsel vm2, v7, v4  }
0x31: {  	vm3 =	vgt.f32 v5, v4  }
0x32: {  	v4 =	vsel vm3, v5, v4;
	v5 =	vld [tilespmem:s25+$0x3800]  }
0x33: {  	vm4 =	vgt.f32 v10, v4  }
0x34: {  	v12 =	vld [tilespmem:s25+$0x4000];
	v4 =	vsel vm4, v10, v4  }
0x35: {  	vm5 =	vgt.f32 v11, v4  }
0x36: {  	v13 =	vld [tilespmem:s25+$0x4800];
	v4 =	vsel vm5, v11, v4  }
0x37: {  	vm6 =	vgt.f32 v5, v4  }
0x38: {  	v4 =	vsel vm6, v5, v4;
	v5 =	vld [tilespmem:s25+$0x5000]  }
0x39: {  	vm7 =	vgt.f32 v12, v4  }
0x3a: {  	v14 =	vld [tilespmem:s25+$0x5800];
	v4 =	vsel vm7, v12, v4  }
0x3b: {  	vm8 =	vgt.f32 v13, v4  }
0x3c: {  	v15 =	vld [tilespmem:s25+$0x6000];
	v4 =	vsel vm8, v13, v4  }
0x3d: {  	v8 =	vsel vm0, $0x13, v1;
	vm11 =	vgt.f32 v5, v4  }
0x3e: {  	v8 =	vsel vm1, $0x26, v8;
	v4 =	vsel vm11, v5, v4;
	v5 =	vld [tilespmem:s25+$0x6800]  }
0x3f: {  	v8 =	vsel vm2, $0x39, v8;
	vm12 =	vgt.f32 v14, v4  }
0x40: {  	v16 =	vld [tilespmem:s25+$0x7000];
	v8 =	vsel vm3, $0x4C, v8;
	v4 =	vsel vm12, v14, v4  }
0x41: {  	v8 =	vsel vm4, $0x5F, v8;
	vm13 =	vgt.f32 v15, v4  }
0x42: {  	v17 =	vld [tilespmem:s25+$0x7800];
	v8 =	vsel vm5, $0x72, v8;
	v4 =	vsel vm13, v15, v4  }
0x43: {  	v8 =	vsel vm6, $0x85, v8;
	vm14 =	vgt.f32 v5, v4  }
0x44: {  	v8 =	vsel vm7, $0x98, v8;
	v4 =	vsel vm14, v5, v4;
	v5 =	vld [tilespmem:s25+$0x8000]  }
0x45: {  	v8 =	vsel vm8, $0xAB, v8;
	vm15 =	vgt.f32 v16, v4  }
0x46: {  	v18 =	vld [tilespmem:s25+$0x8800];
	v8 =	vsel vm11, $0xBE, v8;
	v4 =	vsel vm15, v16, v4  }
0x47: {  	v8 =	vsel vm12, $0xD1, v8;
	vm8 =	vgt.f32 v17, v4  }
0x48: {  	v19 =	vld [tilespmem:s25+$0x9000];
	v8 =	vsel vm13, $0xE4, v8;
	v4 =	vsel vm8, v17, v4  }
0x49: {  	v8 =	vsel vm14, $0xF7, v8;
	vm9 =	vgt.f32 v5, v4  }
0x4a: {  	v8 =	vsel vm15, $0x10A, v8;
	v4 =	vsel vm9, v5, v4;
	v5 =	vld [tilespmem:s25+$0x13000]  }
0x4b: {  	v8 =	vsel vm8, $0x11D, v8;
	vm10 =	vgt.f32 v18, v4  }
0x4c: {  	v20 =	vsel vm9, $0x130, v8;
	v4 =	vsel vm10, v18, v4  }
0x4d: {  	vm11 =	vgt.f32 v19, v4;
	v4 =	vsel vm10, $0x143, v20  }
0x4e: {  	v4 =	vsel vm11, $0x156, v4  }
0x4f: {  	v4 =	vadd.s32 v5, v4  }
0x50: {  	v4 =	vshll.u32 v4, $0x4  }
0x51: {  	v4 =	vor.u32 v2, v4;
	_ =	sdelay $0x4  }
0x52: {  	[tilespmem:v4+s17+$0x0] =	vst.idx.add.f32.msk $0xffff, v3  }
0x53: {  	v4 =	vld [tilespmem:s25+$0x10]  }
0x54: {  	v5 =	vld [tilespmem:s25+$0x810];
	_ =	sdelay $0x1  }
0x55: {  	v21 =	vld [tilespmem:s25+$0x1010];
	_ =	sdelay $0x1  }
0x56: {  	v22 =	vld [tilespmem:s25+$0x1810]  }
0x57: {  	vm0 =	vgt.f32 v5, v4  }
0x58: {  	v4 =	vsel vm0, v5, v4;
	v5 =	vld [tilespmem:s25+$0x2010]  }
0x59: {  	vm12 =	vgt.f32 v21, v4  }
0x5a: {  	v23 =	vld [tilespmem:s25+$0x2810];
	v4 =	vsel vm12, v21, v4  }
0x5b: {  	vm2 =	vgt.f32 v22, v4  }
0x5c: {  	v24 =	vld [tilespmem:s25+$0x3010];
	v4 =	vsel vm2, v22, v4  }
0x5d: {  	vm13 =	vgt.f32 v5, v4  }
0x5e: {  	v4 =	vsel vm13, v5, v4;
	v5 =	vld [tilespmem:s25+$0x3810]  }
0x5f: {  	vm4 =	vgt.f32 v23, v4  }
0x60: {  	v25 =	vld [tilespmem:s25+$0x4010];
	v4 =	vsel vm4, v23, v4  }
0x61: {  	vm14 =	vgt.f32 v24, v4  }
0x62: {  	v26 =	vld [tilespmem:s25+$0x4810];
	v4 =	vsel vm14, v24, v4  }
0x63: {  	vm6 =	vgt.f32 v5, v4  }
0x64: {  	v4 =	vsel vm6, v5, v4;
	v5 =	vld [tilespmem:s25+$0x5010]  }
0x65: {  	vm15 =	vgt.f32 v25, v4  }
0x66: {  	v27 =	vld [tilespmem:s25+$0x5810];
	v4 =	vsel vm15, v25, v4  }
0x67: {  	vm8 =	vgt.f32 v26, v4  }
0x68: {  	v28 =	vld [tilespmem:s25+$0x6010];
	v4 =	vsel vm8, v26, v4  }
0x69: {  	v29 =	vsel vm0, $0x13, v1;
	vm11 =	vgt.f32 v5, v4  }
0x6a: {  	v8 =	vsel vm12, $0x26, v29;
	v4 =	vsel vm11, v5, v4;
	v5 =	vld [tilespmem:s25+$0x6810]  }
0x6b: {  	v8 =	vsel vm2, $0x39, v8;
	vm12 =	vgt.f32 v27, v4  }
0x6c: {  	v30 =	vld [tilespmem:s25+$0x7010];
	v8 =	vsel vm13, $0x4C, v8;
	v4 =	vsel vm12, v27, v4  }
0x6d: {  	v8 =	vsel vm4, $0x5F, v8;
	vm13 =	vgt.f32 v28, v4  }
0x6e: {  	v31 =	vld [tilespmem:s25+$0x7810];
	v8 =	vsel vm14, $0x72, v8;
	v4 =	vsel vm13, v28, v4  }
0x6f: {  	v8 =	vsel vm6, $0x85, v8;
	vm14 =	vgt.f32 v5, v4  }
0x70: {  	v8 =	vsel vm15, $0x98, v8;
	v4 =	vsel vm14, v5, v4;
	v5 =	vld [tilespmem:s25+$0x8010]  }
0x71: {  	v8 =	vsel vm8, $0xAB, v8;
	vm15 =	vgt.f32 v30, v4  }
0x72: {  	v32 =	vld [tilespmem:s25+$0x8810];
	v8 =	vsel vm11, $0xBE, v8;
	v4 =	vsel vm15, v30, v4  }
0x73: {  	v8 =	vsel vm12, $0xD1, v8;
	vm8 =	vgt.f32 v31, v4  }
0x74: {  	v33 =	vld [tilespmem:s25+$0x9010];
	v8 =	vsel vm13, $0xE4, v8;
	v4 =	vsel vm8, v31, v4  }
0x75: {  	v8 =	vsel vm14, $0xF7, v8;
	vm9 =	vgt.f32 v5, v4  }
0x76: {  	v8 =	vsel vm15, $0x10A, v8;
	v4 =	vsel vm9, v5, v4;
	v5 =	vld [tilespmem:s25+$0x13010]  }
0x77: {  	v8 =	vsel vm8, $0x11D, v8;
	vm10 =	vgt.f32 v32, v4  }
0x78: {  	v34 =	vsel vm9, $0x130, v8;
	v4 =	vsel vm10, v32, v4  }
0x79: {  	vm11 =	vgt.f32 v33, v4;
	v4 =	vsel vm10, $0x143, v34  }
0x7a: {  	v4 =	vsel vm11, $0x156, v4  }
0x7b: {  	v4 =	vadd.s32 v5, v4  }
0x7c: {  	v4 =	vshll.u32 v4, $0x4  }
0x7d: {  	v4 =	vor.u32 v2, v4;
	_ =	sdelay $0x4  }
0x7e: {  	[tilespmem:v4+s17+$0x0] =	vst.idx.add.f32.msk $0xffff, v3  }
0x7f: {  	v4 =	vld [tilespmem:s25+$0x20]  }
0x80: {  	v5 =	vld [tilespmem:s25+$0x820];
	_ =	sdelay $0x1  }
0x81: {  	v35 =	vld [tilespmem:s25+$0x1020];
	_ =	sdelay $0x1  }
0x82: {  	v36 =	vld [tilespmem:s25+$0x1820]  }
0x83: {  	vm0 =	vgt.f32 v5, v4  }
0x84: {  	v4 =	vsel vm0, v5, v4;
	v5 =	vld [tilespmem:s25+$0x2020]  }
0x85: {  	vm12 =	vgt.f32 v35, v4  }
0x86: {  	v37 =	vld [tilespmem:s25+$0x2820];
	v4 =	vsel vm12, v35, v4  }
0x87: {  	vm2 =	vgt.f32 v36, v4  }
0x88: {  	v38 =	vld [tilespmem:s25+$0x3020];
	v4 =	vsel vm2, v36, v4  }
0x89: {  	vm13 =	vgt.f32 v5, v4  }
0x8a: {  	v4 =	vsel vm13, v5, v4;
	v5 =	vld [tilespmem:s25+$0x3820]  }
0x8b: {  	vm4 =	vgt.f32 v37, v4  }
0x8c: {  	v39 =	vld [tilespmem:s25+$0x4020];
	v4 =	vsel vm4, v37, v4  }
0x8d: {  	vm14 =	vgt.f32 v38, v4  }
0x8e: {  	v40 =	vld [tilespmem:s25+$0x4820];
	v4 =	vsel vm14, v38, v4  }
0x8f: {  	vm6 =	vgt.f32 v5, v4  }
0x90: {  	v4 =	vsel vm6, v5, v4;
	v5 =	vld [tilespmem:s25+$0x5020]  }
0x91: {  	vm15 =	vgt.f32 v39, v4  }
0x92: {  	v41 =	vld [tilespmem:s25+$0x5820];
	v4 =	vsel vm15, v39, v4  }
0x93: {  	vm8 =	vgt.f32 v40, v4  }
0x94: {  	v42 =	vld [tilespmem:s25+$0x6020];
	v4 =	vsel vm8, v40, v4  }
0x95: {  	v43 =	vsel vm0, $0x13, v1;
	vm11 =	vgt.f32 v5, v4  }
0x96: {  	v8 =	vsel vm12, $0x26, v43;
	v4 =	vsel vm11, v5, v4;
	v5 =	vld [tilespmem:s25+$0x6820]  }
0x97: {  	v8 =	vsel vm2, $0x39, v8;
	vm12 =	vgt.f32 v41, v4  }
0x98: {  	v44 =	vld [tilespmem:s25+$0x7020];
	v8 =	vsel vm13, $0x4C, v8;
	v4 =	vsel vm12, v41, v4  }
0x99: {  	v8 =	vsel vm4, $0x5F, v8;
	vm13 =	vgt.f32 v42, v4  }
0x9a: {  	v45 =	vld [tilespmem:s25+$0x7820];
	v8 =	vsel vm14, $0x72, v8;
	v4 =	vsel vm13, v42, v4  }
0x9b: {  	v8 =	vsel vm6, $0x85, v8;
	vm14 =	vgt.f32 v5, v4  }
0x9c: {  	v8 =	vsel vm15, $0x98, v8;
	v4 =	vsel vm14, v5, v4;
	v5 =	vld [tilespmem:s25+$0x8020]  }
0x9d: {  	v8 =	vsel vm8, $0xAB, v8;
	vm15 =	vgt.f32 v44, v4  }
0x9e: {  	v46 =	vld [tilespmem:s25+$0x8820];
	v8 =	vsel vm11, $0xBE, v8;
	v4 =	vsel vm15, v44, v4  }
0x9f: {  	v8 =	vsel vm12, $0xD1, v8;
	vm8 =	vgt.f32 v45, v4  }
0xa0: {  	v47 =	vld [tilespmem:s25+$0x9020];
	v8 =	vsel vm13, $0xE4, v8;
	v4 =	vsel vm8, v45, v4  }
0xa1: {  	v8 =	vsel vm14, $0xF7, v8;
	vm9 =	vgt.f32 v5, v4  }
0xa2: {  	v8 =	vsel vm15, $0x10A, v8;
	v4 =	vsel vm9, v5, v4;
	v5 =	vld [tilespmem:s25+$0x13020]  }
0xa3: {  	v8 =	vsel vm8, $0x11D, v8;
	vm10 =	vgt.f32 v46, v4  }
0xa4: {  	v48 =	vsel vm9, $0x130, v8;
	v4 =	vsel vm10, v46, v4  }
0xa5: {  	vm11 =	vgt.f32 v47, v4;
	v4 =	vsel vm10, $0x143, v48  }
0xa6: {  	v4 =	vsel vm11, $0x156, v4  }
0xa7: {  	v4 =	vadd.s32 v5, v4  }
0xa8: {  	v4 =	vshll.u32 v4, $0x4  }
0xa9: {  	v4 =	vor.u32 v2, v4;
	_ =	sdelay $0x4  }
0xaa: {  	[tilespmem:v4+s17+$0x0] =	vst.idx.add.f32.msk $0xffff, v3  }
0xab: {  	v4 =	vld [tilespmem:s25+$0x30]  }
0xac: {  	v5 =	vld [tilespmem:s25+$0x830];
	_ =	sdelay $0x1  }
0xad: {  	v49 =	vld [tilespmem:s25+$0x1030];
	_ =	sdelay $0x1  }
0xae: {  	v50 =	vld [tilespmem:s25+$0x1830]  }
0xaf: {  	vm0 =	vgt.f32 v5, v4  }
0xb0: {  	v4 =	vsel vm0, v5, v4;
	v5 =	vld [tilespmem:s25+$0x2030]  }
0xb1: {  	vm12 =	vgt.f32 v49, v4  }
0xb2: {  	v51 =	vld [tilespmem:s25+$0x2830];
	v4 =	vsel vm12, v49, v4  }
0xb3: {  	vm2 =	vgt.f32 v50, v4  }
0xb4: {  	v52 =	vld [tilespmem:s25+$0x3030];
	v4 =	vsel vm2, v50, v4  }
0xb5: {  	vm13 =	vgt.f32 v5, v4  }
0xb6: {  	v4 =	vsel vm13, v5, v4;
	v5 =	vld [tilespmem:s25+$0x3830]  }
0xb7: {  	vm4 =	vgt.f32 v51, v4  }
0xb8: {  	v53 =	vld [tilespmem:s25+$0x4030];
	v4 =	vsel vm4, v51, v4  }
0xb9: {  	vm14 =	vgt.f32 v52, v4  }
0xba: {  	v54 =	vld [tilespmem:s25+$0x4830];
	v4 =	vsel vm14, v52, v4  }
0xbb: {  	vm6 =	vgt.f32 v5, v4  }
0xbc: {  	v4 =	vsel vm6, v5, v4;
	v5 =	vld [tilespmem:s25+$0x5030]  }
0xbd: {  	vm15 =	vgt.f32 v53, v4  }
0xbe: {  	v55 =	vld [tilespmem:s25+$0x5830];
	v4 =	vsel vm15, v53, v4  }
0xbf: {  	vm8 =	vgt.f32 v54, v4  }
0xc0: {  	v56 =	vld [tilespmem:s25+$0x6030];
	v4 =	vsel vm8, v54, v4  }
0xc1: {  	v57 =	vsel vm0, $0x13, v1;
	vm11 =	vgt.f32 v5, v4  }
0xc2: {  	v8 =	vsel vm12, $0x26, v57;
	v4 =	vsel vm11, v5, v4;
	v5 =	vld [tilespmem:s25+$0x6830]  }
0xc3: {  	v8 =	vsel vm2, $0x39, v8;
	vm12 =	vgt.f32 v55, v4  }
0xc4: {  	v58 =	vld [tilespmem:s25+$0x7030];
	v8 =	vsel vm13, $0x4C, v8;
	v4 =	vsel vm12, v55, v4  }
0xc5: {  	v8 =	vsel vm4, $0x5F, v8;
	vm13 =	vgt.f32 v56, v4  }
0xc6: {  	v59 =	vld [tilespmem:s25+$0x7830];
	v8 =	vsel vm14, $0x72, v8;
	v4 =	vsel vm13, v56, v4  }
0xc7: {  	v8 =	vsel vm6, $0x85, v8;
	vm14 =	vgt.f32 v5, v4  }
0xc8: {  	v8 =	vsel vm15, $0x98, v8;
	v4 =	vsel vm14, v5, v4;
	v5 =	vld [tilespmem:s25+$0x8030]  }
0xc9: {  	v8 =	vsel vm8, $0xAB, v8;
	vm15 =	vgt.f32 v58, v4  }
0xca: {  	v60 =	vld [tilespmem:s25+$0x8830];
	v8 =	vsel vm11, $0xBE, v8;
	v4 =	vsel vm15, v58, v4  }
0xcb: {  	v8 =	vsel vm12, $0xD1, v8;
	vm8 =	vgt.f32 v59, v4  }
0xcc: {  	v61 =	vld [tilespmem:s25+$0x9030];
	v8 =	vsel vm13, $0xE4, v8;
	v4 =	vsel vm8, v59, v4  }
0xcd: {  	v8 =	vsel vm14, $0xF7, v8;
	vm9 =	vgt.f32 v5, v4  }
0xce: {  	v8 =	vsel vm15, $0x10A, v8;
	v4 =	vsel vm9, v5, v4;
	v5 =	vld [tilespmem:s25+$0x13030]  }
0xcf: {  	v8 =	vsel vm8, $0x11D, v8;
	vm10 =	vgt.f32 v60, v4  }
0xd0: {  	v62 =	vsel vm9, $0x130, v8;
	v4 =	vsel vm10, v60, v4  }
0xd1: {  	vm11 =	vgt.f32 v61, v4;
	v4 =	vsel vm10, $0x143, v62  }
0xd2: {  	v4 =	vsel vm11, $0x156, v4  }
0xd3: {  	v4 =	vadd.s32 v5, v4  }
0xd4: {  	v4 =	vshll.u32 v4, $0x4  }
0xd5: {  	v4 =	vor.u32 v2, v4;
	_ =	sdelay $0x4  }
0xd6: {  	[tilespmem:v4+s17+$0x0] =	vst.idx.add.f32.msk $0xffff, v3  }
0xd7: {  	v4 =	vld [tilespmem:s25+$0x40]  }
0xd8: {  	v5 =	vld [tilespmem:s25+$0x840];
	_ =	sdelay $0x1  }
0xd9: {  	v63 =	vld [tilespmem:s25+$0x1040];
	_ =	sdelay $0x1  }
0xda: {  	v9 =	vld [tilespmem:s25+$0x1840]  }
0xdb: {  	vm0 =	vgt.f32 v5, v4  }
0xdc: {  	v4 =	vsel vm0, v5, v4;
	v5 =	vld [tilespmem:s25+$0x2040]  }
0xdd: {  	vm12 =	vgt.f32 v63, v4  }
0xde: {  	v10 =	vld [tilespmem:s25+$0x2840];
	v4 =	vsel vm12, v63, v4  }
0xdf: {  	vm2 =	vgt.f32 v9, v4  }
0xe0: {  	v11 =	vld [tilespmem:s25+$0x3040];
	v4 =	vsel vm2, v9, v4  }
0xe1: {  	vm13 =	vgt.f32 v5, v4  }
0xe2: {  	v4 =	vsel vm13, v5, v4;
	v5 =	vld [tilespmem:s25+$0x3840]  }
0xe3: {  	vm4 =	vgt.f32 v10, v4  }
0xe4: {  	v12 =	vld [tilespmem:s25+$0x4040];
	v4 =	vsel vm4, v10, v4  }
0xe5: {  	vm14 =	vgt.f32 v11, v4  }
0xe6: {  	v13 =	vld [tilespmem:s25+$0x4840];
	v4 =	vsel vm14, v11, v4  }
0xe7: {  	vm6 =	vgt.f32 v5, v4  }
0xe8: {  	v4 =	vsel vm6, v5, v4;
	v5 =	vld [tilespmem:s25+$0x5040]  }
0xe9: {  	vm15 =	vgt.f32 v12, v4  }
0xea: {  	v14 =	vld [tilespmem:s25+$0x5840];
	v4 =	vsel vm15, v12, v4  }
0xeb: {  	vm8 =	vgt.f32 v13, v4  }
0xec: {  	v15 =	vld [tilespmem:s25+$0x6040];
	v4 =	vsel vm8, v13, v4  }
0xed: {  	v16 =	vsel vm0, $0x13, v1;
	vm11 =	vgt.f32 v5, v4  }
0xee: {  	v8 =	vsel vm12, $0x26, v16;
	v4 =	vsel vm11, v5, v4;
	v5 =	vld [tilespmem:s25+$0x6840]  }
0xef: {  	v8 =	vsel vm2, $0x39, v8;
	vm12 =	vgt.f32 v14, v4  }
0xf0: {  	v17 =	vld [tilespmem:s25+$0x7040];
	v8 =	vsel vm13, $0x4C, v8;
	v4 =	vsel vm12, v14, v4  }
0xf1: {  	v8 =	vsel vm4, $0x5F, v8;
	vm13 =	vgt.f32 v15, v4  }
0xf2: {  	v18 =	vld [tilespmem:s25+$0x7840];
	v8 =	vsel vm14, $0x72, v8;
	v4 =	vsel vm13, v15, v4  }
0xf3: {  	v8 =	vsel vm6, $0x85, v8;
	vm14 =	vgt.f32 v5, v4  }
0xf4: {  	v8 =	vsel vm15, $0x98, v8;
	v4 =	vsel vm14, v5, v4;
	v5 =	vld [tilespmem:s25+$0x8040]  }
0xf5: {  	v8 =	vsel vm8, $0xAB, v8;
	vm15 =	vgt.f32 v17, v4  }
0xf6: {  	v19 =	vld [tilespmem:s25+$0x8840];
	v8 =	vsel vm11, $0xBE, v8;
	v4 =	vsel vm15, v17, v4  }
0xf7: {  	v8 =	vsel vm12, $0xD1, v8;
	vm8 =	vgt.f32 v18, v4  }
0xf8: {  	v20 =	vld [tilespmem:s25+$0x9040];
	v8 =	vsel vm13, $0xE4, v8;
	v4 =	vsel vm8, v18, v4  }
0xf9: {  	v8 =	vsel vm14, $0xF7, v8;
	vm9 =	vgt.f32 v5, v4  }
0xfa: {  	v8 =	vsel vm15, $0x10A, v8;
	v4 =	vsel vm9, v5, v4;
	v5 =	vld [tilespmem:s25+$0x13040]  }
0xfb: {  	v8 =	vsel vm8, $0x11D, v8;
	vm10 =	vgt.f32 v19, v4  }
0xfc: {  	v21 =	vsel vm9, $0x130, v8;
	v4 =	vsel vm10, v19, v4  }
0xfd: {  	vm11 =	vgt.f32 v20, v4;
	v4 =	vsel vm10, $0x143, v21  }
0xfe: {  	v4 =	vsel vm11, $0x156, v4  }
0xff: {  	v4 =	vadd.s32 v5, v4  }
0x100: {  	v4 =	vshll.u32 v4, $0x4  }
0x101: {  	v4 =	vor.u32 v2, v4;
	_ =	sdelay $0x4  }
0x102: {  	[tilespmem:v4+s17+$0x0] =	vst.idx.add.f32.msk $0xffff, v3  }
0x103: {  	v4 =	vld [tilespmem:s25+$0x50]  }
0x104: {  	v5 =	vld [tilespmem:s25+$0x850];
	_ =	sdelay $0x1  }
0x105: {  	v22 =	vld [tilespmem:s25+$0x1050];
	_ =	sdelay $0x1  }
0x106: {  	v23 =	vld [tilespmem:s25+$0x1850]  }
0x107: {  	vm0 =	vgt.f32 v5, v4  }
0x108: {  	v4 =	vsel vm0, v5, v4;
	v5 =	vld [tilespmem:s25+$0x2050]  }
0x109: {  	vm12 =	vgt.f32 v22, v4  }
0x10a: {  	v24 =	vld [tilespmem:s25+$0x2850];
	v4 =	vsel vm12, v22, v4  }
0x10b: {  	vm2 =	vgt.f32 v23, v4  }
0x10c: {  	v25 =	vld [tilespmem:s25+$0x3050];
	v4 =	vsel vm2, v23, v4  }
0x10d: {  	vm13 =	vgt.f32 v5, v4  }
0x10e: {  	v4 =	vsel vm13, v5, v4;
	v5 =	vld [tilespmem:s25+$0x3850]  }
0x10f: {  	vm4 =	vgt.f32 v24, v4  }
0x110: {  	v26 =	vld [tilespmem:s25+$0x4050];
	v4 =	vsel vm4, v24, v4  }
0x111: {  	vm14 =	vgt.f32 v25, v4  }
0x112: {  	v27 =	vld [tilespmem:s25+$0x4850];
	v4 =	vsel vm14, v25, v4  }
0x113: {  	vm6 =	vgt.f32 v5, v4  }
0x114: {  	v4 =	vsel vm6, v5, v4;
	v5 =	vld [tilespmem:s25+$0x5050]  }
0x115: {  	vm15 =	vgt.f32 v26, v4  }
0x116: {  	v28 =	vld [tilespmem:s25+$0x5850];
	v4 =	vsel vm15, v26, v4  }
0x117: {  	vm8 =	vgt.f32 v27, v4  }
0x118: {  	v29 =	vld [tilespmem:s25+$0x6050];
	v4 =	vsel vm8, v27, v4  }
0x119: {  	v30 =	vsel vm0, $0x13, v1;
	vm11 =	vgt.f32 v5, v4  }
0x11a: {  	v8 =	vsel vm12, $0x26, v30;
	v4 =	vsel vm11, v5, v4;
	v5 =	vld [tilespmem:s25+$0x6850]  }
0x11b: {  	v8 =	vsel vm2, $0x39, v8;
	vm12 =	vgt.f32 v28, v4  }
0x11c: {  	v31 =	vld [tilespmem:s25+$0x7050];
	v8 =	vsel vm13, $0x4C, v8;
	v4 =	vsel vm12, v28, v4  }
0x11d: {  	v8 =	vsel vm4, $0x5F, v8;
	vm13 =	vgt.f32 v29, v4  }
0x11e: {  	v32 =	vld [tilespmem:s25+$0x7850];
	v8 =	vsel vm14, $0x72, v8;
	v4 =	vsel vm13, v29, v4  }
0x11f: {  	v8 =	vsel vm6, $0x85, v8;
	vm14 =	vgt.f32 v5, v4  }
0x120: {  	v8 =	vsel vm15, $0x98, v8;
	v4 =	vsel vm14, v5, v4;
	v5 =	vld [tilespmem:s25+$0x8050]  }
0x121: {  	v8 =	vsel vm8, $0xAB, v8;
	vm15 =	vgt.f32 v31, v4  }
0x122: {  	v33 =	vld [tilespmem:s25+$0x8850];
	v8 =	vsel vm11, $0xBE, v8;
	v4 =	vsel vm15, v31, v4  }
0x123: {  	v8 =	vsel vm12, $0xD1, v8;
	vm8 =	vgt.f32 v32, v4  }
0x124: {  	v34 =	vld [tilespmem:s25+$0x9050];
	v8 =	vsel vm13, $0xE4, v8;
	v4 =	vsel vm8, v32, v4  }
0x125: {  	v8 =	vsel vm14, $0xF7, v8;
	vm9 =	vgt.f32 v5, v4  }
0x126: {  	v8 =	vsel vm15, $0x10A, v8;
	v4 =	vsel vm9, v5, v4;
	v5 =	vld [tilespmem:s25+$0x13050]  }
0x127: {  	v8 =	vsel vm8, $0x11D, v8;
	vm10 =	vgt.f32 v33, v4  }
0x128: {  	v35 =	vsel vm9, $0x130, v8;
	v4 =	vsel vm10, v33, v4  }
0x129: {  	vm11 =	vgt.f32 v34, v4;
	v4 =	vsel vm10, $0x143, v35  }
0x12a: {  	v4 =	vsel vm11, $0x156, v4  }
0x12b: {  	v4 =	vadd.s32 v5, v4  }
0x12c: {  	v4 =	vshll.u32 v4, $0x4  }
0x12d: {  	v4 =	vor.u32 v2, v4;
	_ =	sdelay $0x4  }
0x12e: {  	[tilespmem:v4+s17+$0x0] =	vst.idx.add.f32.msk $0xffff, v3  }
0x12f: {  	v4 =	vld [tilespmem:s25+$0x60]  }
0x130: {  	v5 =	vld [tilespmem:s25+$0x860];
	_ =	sdelay $0x1  }
0x131: {  	v36 =	vld [tilespmem:s25+$0x1060];
	_ =	sdelay $0x1  }
0x132: {  	v37 =	vld [tilespmem:s25+$0x1860]  }
0x133: {  	vm12 =	vgt.f32 v5, v4  }
0x134: {  	v4 =	vsel vm12, v5, v4;
	v5 =	vld [tilespmem:s25+$0x2060]  }
0x135: {  	vm13 =	vgt.f32 v36, v4  }
0x136: {  	v38 =	vld [tilespmem:s25+$0x2860];
	v4 =	vsel vm13, v36, v4  }
0x137: {  	vm2 =	vgt.f32 v37, v4  }
0x138: {  	v39 =	vld [tilespmem:s25+$0x3060];
	v4 =	vsel vm2, v37, v4  }
0x139: {  	vm14 =	vgt.f32 v5, v4  }
0x13a: {  	v4 =	vsel vm14, v5, v4;
	v5 =	vld [tilespmem:s25+$0x3860]  }
0x13b: {  	vm4 =	vgt.f32 v38, v4  }
0x13c: {  	v40 =	vld [tilespmem:s25+$0x4060];
	v4 =	vsel vm4, v38, v4  }
0x13d: {  	vm15 =	vgt.f32 v39, v4  }
0x13e: {  	v41 =	vld [tilespmem:s25+$0x4860];
	v4 =	vsel vm15, v39, v4  }
0x13f: {  	vm6 =	vgt.f32 v5, v4  }
0x140: {  	v4 =	vsel vm6, v5, v4;
	v5 =	vld [tilespmem:s25+$0x5060]  }
0x141: {  	vm7 =	vgt.f32 v40, v4  }
0x142: {  	v42 =	vld [tilespmem:s25+$0x5860];
	v4 =	vsel vm7, v40, v4  }
0x143: {  	vm8 =	vgt.f32 v41, v4  }
0x144: {  	v43 =	vld [tilespmem:s25+$0x6060];
	v4 =	vsel vm8, v41, v4  }
0x145: {  	v44 =	vsel vm12, $0x13, v1;
	vm12 =	vgt.f32 v5, v4  }
0x146: {  	v8 =	vsel vm13, $0x26, v44;
	v4 =	vsel vm12, v5, v4;
	v5 =	vld [tilespmem:s25+$0x6860]  }
0x147: {  	v8 =	vsel vm2, $0x39, v8;
	vm13 =	vgt.f32 v42, v4  }
0x148: {  	v45 =	vld [tilespmem:s25+$0x7060];
	v8 =	vsel vm14, $0x4C, v8;
	v4 =	vsel vm13, v42, v4  }
0x149: {  	v8 =	vsel vm4, $0x5F, v8;
	vm14 =	vgt.f32 v43, v4  }
0x14a: {  	v46 =	vld [tilespmem:s25+$0x7860];
	v8 =	vsel vm15, $0x72, v8;
	v4 =	vsel vm14, v43, v4  }
0x14b: {  	v8 =	vsel vm6, $0x85, v8;
	vm15 =	vgt.f32 v5, v4  }
0x14c: {  	v8 =	vsel vm7, $0x98, v8;
	v4 =	vsel vm15, v5, v4;
	v5 =	vld [tilespmem:s25+$0x8060]  }
0x14d: {  	v8 =	vsel vm8, $0xAB, v8;
	vm9 =	vgt.f32 v45, v4  }
0x14e: {  	v47 =	vld [tilespmem:s25+$0x8860];
	v8 =	vsel vm12, $0xBE, v8;
	v4 =	vsel vm9, v45, v4  }
0x14f: {  	v8 =	vsel vm13, $0xD1, v8;
	vm10 =	vgt.f32 v46, v4  }
0x150: {  	v48 =	vld [tilespmem:s25+$0x9060];
	v8 =	vsel vm14, $0xE4, v8;
	v4 =	vsel vm10, v46, v4  }
0x151: {  	v8 =	vsel vm15, $0xF7, v8;
	vm11 =	vgt.f32 v5, v4  }
0x152: {  	v8 =	vsel vm9, $0x10A, v8;
	v4 =	vsel vm11, v5, v4;
	v5 =	vld [tilespmem:s25+$0x13060]  }
0x153: {  	v8 =	vsel vm10, $0x11D, v8;
	vm12 =	vgt.f32 v47, v4  }
0x154: {  	v49 =	vsel vm11, $0x130, v8;
	v4 =	vsel vm12, v47, v4  }
0x155: {  	vm13 =	vgt.f32 v48, v4;
	v4 =	vsel vm12, $0x143, v49  }
0x156: {  	v4 =	vsel vm13, $0x156, v4  }
0x157: {  	v4 =	vadd.s32 v5, v4  }
0x158: {  	v4 =	vshll.u32 v4, $0x4  }
0x159: {  	v4 =	vor.u32 v2, v4;
	_ =	sdelay $0x4  }
0x15a: {  	[tilespmem:v4+s17+$0x0] =	vst.idx.add.f32.msk $0xffff, v3  }
0x15b: {  	v4 =	vld [tilespmem:s25+$0x70]  }
0x15c: {  	v5 =	vld [tilespmem:s25+$0x870];
	_ =	sdelay $0x1  }
0x15d: {  	v50 =	vld [tilespmem:s25+$0x1070];
	_ =	sdelay $0x1  }
0x15e: {  	v51 =	vld [tilespmem:s25+$0x1870]  }
0x15f: {  	vm14 =	vgt.f32 v5, v4  }
0x160: {  	v4 =	vsel vm14, v5, v4;
	v5 =	vld [tilespmem:s25+$0x2070]  }
0x161: {  	vm1 =	vgt.f32 v50, v4  }
0x162: {  	v52 =	vld [tilespmem:s25+$0x2870];
	v4 =	vsel vm1, v50, v4  }
0x163: {  	vm15 =	vgt.f32 v51, v4  }
0x164: {  	v53 =	vld [tilespmem:s25+$0x3070];
	v4 =	vsel vm15, v51, v4  }
0x165: {  	vm3 =	vgt.f32 v5, v4  }
0x166: {  	v4 =	vsel vm3, v5, v4;
	v5 =	vld [tilespmem:s25+$0x3870]  }
0x167: {  	vm4 =	vgt.f32 v52, v4  }
0x168: {  	v54 =	vld [tilespmem:s25+$0x4070];
	v4 =	vsel vm4, v52, v4  }
0x169: {  	vm5 =	vgt.f32 v53, v4  }
0x16a: {  	v55 =	vld [tilespmem:s25+$0x4870];
	v4 =	vsel vm5, v53, v4  }
0x16b: {  	vm6 =	vgt.f32 v5, v4  }
0x16c: {  	v4 =	vsel vm6, v5, v4;
	v5 =	vld [tilespmem:s25+$0x5070]  }
0x16d: {  	vm12 =	vgt.f32 v54, v4  }
0x16e: {  	v56 =	vld [tilespmem:s25+$0x5870];
	v4 =	vsel vm12, v54, v4  }
0x16f: {  	vm13 =	vgt.f32 v55, v4  }
0x170: {  	v57 =	vld [tilespmem:s25+$0x6070];
	v4 =	vsel vm13, v55, v4  }
0x171: {  	v58 =	vsel vm14, $0x13, v1;
	vm14 =	vgt.f32 v5, v4  }
0x172: {  	v8 =	vsel vm1, $0x26, v58;
	v4 =	vsel vm14, v5, v4;
	v5 =	vld [tilespmem:s25+$0x6870]  }
0x173: {  	v8 =	vsel vm15, $0x39, v8;
	vm15 =	vgt.f32 v56, v4  }
0x174: {  	v59 =	vld [tilespmem:s25+$0x7070];
	v8 =	vsel vm3, $0x4C, v8;
	v4 =	vsel vm15, v56, v4  }
0x175: {  	v8 =	vsel vm4, $0x5F, v8;
	vm9 =	vgt.f32 v57, v4  }
0x176: {  	v60 =	vld [tilespmem:s25+$0x7870];
	v8 =	vsel vm5, $0x72, v8;
	v4 =	vsel vm9, v57, v4  }
0x177: {  	v8 =	vsel vm6, $0x85, v8;
	vm10 =	vgt.f32 v5, v4  }
0x178: {  	v8 =	vsel vm12, $0x98, v8;
	v4 =	vsel vm10, v5, v4;
	v5 =	vld [tilespmem:s25+$0x8070]  }
0x179: {  	v8 =	vsel vm13, $0xAB, v8;
	vm11 =	vgt.f32 v59, v4  }
0x17a: {  	v61 =	vld [tilespmem:s25+$0x8870];
	v8 =	vsel vm14, $0xBE, v8;
	v4 =	vsel vm11, v59, v4  }
0x17b: {  	v8 =	vsel vm15, $0xD1, v8;
	vm12 =	vgt.f32 v60, v4  }
0x17c: {  	v62 =	vld [tilespmem:s25+$0x9070];
	v8 =	vsel vm9, $0xE4, v8;
	v4 =	vsel vm12, v60, v4  }
0x17d: {  	v8 =	vsel vm10, $0xF7, v8;
	vm13 =	vgt.f32 v5, v4  }
0x17e: {  	v8 =	vsel vm11, $0x10A, v8;
	v4 =	vsel vm13, v5, v4;
	v5 =	vld [tilespmem:s25+$0x13070]  }
0x17f: {  	v8 =	vsel vm12, $0x11D, v8;
	vm14 =	vgt.f32 v61, v4  }
0x180: {  	v8 =	vsel vm13, $0x130, v8;
	v4 =	vsel vm14, v61, v4  }
0x181: {  	v63 =	vsel vm14, $0x143, v8;
	vm15 =	vgt.f32 v62, v4  }
0x182: {  	v4 =	vsel vm15, $0x156, v63  }
0x183: {  	v4 =	vadd.s32 v5, v4  }
0x184: {  	v4 =	vshll.u32 v4, $0x4  }
0x185: {  	p0 =	sne.s32 s24, $0x1E00;
	v4 =	vor.u32 v2, v4  }
.Ltmp1:
0x186: {  	_ = 	snop;
	(pc) =	sbr.rel @p0 .LBB2_5-.Ltmp1, $2  }
0x187: {  	_ =	sdelay $0x2  }
0x188: {  	s24 =	sadd.s32 $0x200, s24;
	[tilespmem:v4+s17+$0x0] =	vst.idx.add.f32.msk $0xffff, v3  }
0x189: {  	p0 =	seq.s32 s22, $0xF  }
0x18a: {  	s23 =	sadd.s32 @!p0 $0x1000, s23  }
0x18b: {  	s25 =	simm.s32 @!p0 $0x800;
	s24 =	sadd.s32 @!p0 s23, s6  }
0x18c: {  	s26 =	simm.s32 @!p0 $0x40000;
	s23 =	sadd.s32 @!p0 s5, s23;
	s24 =	sshrl.u32 @!p0 s24, $0x3  }
0x18d: {  	s28 =	simm.s32 @!p0 $0x0;
	s23 =	sshrl.u32 @!p0 s23, $0x3;
	s24 =	sadd.s32 @!p0 s3, s24  }
0x18e: {  	[tilespmem:s28], [sflag:$0x1] =	stream.strided.gather @!p0 [hbm4b:s24+s25], $0x9800, s26, s25, $0x38;
	[tilespmem:$0x15800] =	vst v63  }
0x18f: {  	s23 =	sadd.s32 @!p0 s4, s23;
	s24 =	simm.s32 @!p0 $0x13000  }
0x190: {  	[tilespmem:s24], [sflag:$0x1] =	stream.linear.gather @!p0 [hbm4b:s23+s28], $0x800, $0x38;
	[tilespmem:$0x15800] =	vst v63  }
0x191: {  	_ =	swait.ge [sflag:s18], $0x9800  }
0x192: {  	[sflag:s18] =	ssyncset.done $0x0  }
0x193: {  	[sflag:s18] =	ssyncadd.s32 $0xFFFF6800  }
0x194: {  	_ =	swait.ge [sflag:s18], $0x800  }
0x195: {  	[sflag:s18] =	ssyncset.done $0x0  }
0x196: {  	s23 =	simm.s32 $0x0;
	[sflag:s18] =	ssyncadd.s32 $0xFFFFF800  }
.LBB2_7:
0x197: {  	s24 =	sshra.s32 s23, $0x2  }
0x198: {  	v4 =	vld [tilespmem:s24+$0x9800]  }
0x199: {  	v5 =	vld [tilespmem:s24+$0xA000];
	_ =	sdelay $0x1  }
0x19a: {  	v6 =	vld [tilespmem:s24+$0xA800];
	_ =	sdelay $0x1  }
0x19b: {  	v7 =	vld [tilespmem:s24+$0xB000]  }
0x19c: {  	vm0 =	vgt.f32 v5, v4  }
0x19d: {  	v4 =	vsel vm0, v5, v4;
	v5 =	vld [tilespmem:s24+$0xB800]  }
0x19e: {  	vm1 =	vgt.f32 v6, v4  }
0x19f: {  	v10 =	vld [tilespmem:s24+$0xC000];
	v4 =	vsel vm1, v6, v4  }
0x1a0: {  	vm2 =	vgt.f32 v7, v4  }
0x1a1: {  	v11 =	vld [tilespmem:s24+$0xC800];
	v4 =	vsel vm2, v7, v4  }
0x1a2: {  	vm3 =	vgt.f32 v5, v4  }
0x1a3: {  	v4 =	vsel vm3, v5, v4;
	v5 =	vld [tilespmem:s24+$0xD000]  }
0x1a4: {  	vm4 =	vgt.f32 v10, v4  }
0x1a5: {  	v12 =	vld [tilespmem:s24+$0xD800];
	v4 =	vsel vm4, v10, v4  }
0x1a6: {  	vm5 =	vgt.f32 v11, v4  }
0x1a7: {  	v13 =	vld [tilespmem:s24+$0xE000];
	v4 =	vsel vm5, v11, v4  }
0x1a8: {  	vm6 =	vgt.f32 v5, v4  }
0x1a9: {  	v4 =	vsel vm6, v5, v4;
	v5 =	vld [tilespmem:s24+$0xE800]  }
0x1aa: {  	vm7 =	vgt.f32 v12, v4  }
0x1ab: {  	v14 =	vld [tilespmem:s24+$0xF000];
	v4 =	vsel vm7, v12, v4  }
0x1ac: {  	vm8 =	vgt.f32 v13, v4  }
0x1ad: {  	v15 =	vld [tilespmem:s24+$0xF800];
	v4 =	vsel vm8, v13, v4  }
0x1ae: {  	v8 =	vsel vm0, $0x13, v1;
	vm11 =	vgt.f32 v5, v4  }
0x1af: {  	v8 =	vsel vm1, $0x26, v8;
	v4 =	vsel vm11, v5, v4;
	v5 =	vld [tilespmem:s24+$0x10000]  }
0x1b0: {  	v8 =	vsel vm2, $0x39, v8;
	vm12 =	vgt.f32 v14, v4  }
0x1b1: {  	v16 =	vld [tilespmem:s24+$0x10800];
	v8 =	vsel vm3, $0x4C, v8;
	v4 =	vsel vm12, v14, v4  }
0x1b2: {  	v8 =	vsel vm4, $0x5F, v8;
	vm13 =	vgt.f32 v15, v4  }
0x1b3: {  	v17 =	vld [tilespmem:s24+$0x11000];
	v8 =	vsel vm5, $0x72, v8;
	v4 =	vsel vm13, v15, v4  }
0x1b4: {  	v8 =	vsel vm6, $0x85, v8;
	vm14 =	vgt.f32 v5, v4  }
0x1b5: {  	v8 =	vsel vm7, $0x98, v8;
	v4 =	vsel vm14, v5, v4;
	v5 =	vld [tilespmem:s24+$0x11800]  }
0x1b6: {  	v8 =	vsel vm8, $0xAB, v8;
	vm15 =	vgt.f32 v16, v4  }
0x1b7: {  	v18 =	vld [tilespmem:s24+$0x12000];
	v8 =	vsel vm11, $0xBE, v8;
	v4 =	vsel vm15, v16, v4  }
0x1b8: {  	v8 =	vsel vm12, $0xD1, v8;
	vm8 =	vgt.f32 v17, v4  }
0x1b9: {  	v19 =	vld [tilespmem:s24+$0x12800];
	v8 =	vsel vm13, $0xE4, v8;
	v4 =	vsel vm8, v17, v4  }
0x1ba: {  	v8 =	vsel vm14, $0xF7, v8;
	vm9 =	vgt.f32 v5, v4  }
0x1bb: {  	v8 =	vsel vm15, $0x10A, v8;
	v4 =	vsel vm9, v5, v4;
	v5 =	vld [tilespmem:s24+$0x13800]  }
0x1bc: {  	v8 =	vsel vm8, $0x11D, v8;
	vm10 =	vgt.f32 v18, v4  }
0x1bd: {  	v20 =	vsel vm9, $0x130, v8;
	v4 =	vsel vm10, v18, v4  }
0x1be: {  	vm11 =	vgt.f32 v19, v4;
	v4 =	vsel vm10, $0x143, v20  }
0x1bf: {  	v4 =	vsel vm11, $0x156, v4  }
0x1c0: {  	v4 =	vadd.s32 v5, v4  }
0x1c1: {  	v4 =	vshll.u32 v4, $0x4  }
0x1c2: {  	v4 =	vor.u32 v2, v4;
	_ =	sdelay $0x4  }
0x1c3: {  	[tilespmem:v4+s17+$0x0] =	vst.idx.add.f32.msk $0xffff, v3  }
0x1c4: {  	v4 =	vld [tilespmem:s24+$0x9810]  }
0x1c5: {  	v5 =	vld [tilespmem:s24+$0xA010];
	_ =	sdelay $0x1  }
0x1c6: {  	v21 =	vld [tilespmem:s24+$0xA810];
	_ =	sdelay $0x1  }
0x1c7: {  	v22 =	vld [tilespmem:s24+$0xB010]  }
0x1c8: {  	vm0 =	vgt.f32 v5, v4  }
0x1c9: {  	v4 =	vsel vm0, v5, v4;
	v5 =	vld [tilespmem:s24+$0xB810]  }
0x1ca: {  	vm12 =	vgt.f32 v21, v4  }
0x1cb: {  	v23 =	vld [tilespmem:s24+$0xC010];
	v4 =	vsel vm12, v21, v4  }
0x1cc: {  	vm2 =	vgt.f32 v22, v4  }
0x1cd: {  	v24 =	vld [tilespmem:s24+$0xC810];
	v4 =	vsel vm2, v22, v4  }
0x1ce: {  	vm13 =	vgt.f32 v5, v4  }
0x1cf: {  	v4 =	vsel vm13, v5, v4;
	v5 =	vld [tilespmem:s24+$0xD010]  }
0x1d0: {  	vm4 =	vgt.f32 v23, v4  }
0x1d1: {  	v25 =	vld [tilespmem:s24+$0xD810];
	v4 =	vsel vm4, v23, v4  }
0x1d2: {  	vm14 =	vgt.f32 v24, v4  }
0x1d3: {  	v26 =	vld [tilespmem:s24+$0xE010];
	v4 =	vsel vm14, v24, v4  }
0x1d4: {  	vm6 =	vgt.f32 v5, v4  }
0x1d5: {  	v4 =	vsel vm6, v5, v4;
	v5 =	vld [tilespmem:s24+$0xE810]  }
0x1d6: {  	vm15 =	vgt.f32 v25, v4  }
0x1d7: {  	v27 =	vld [tilespmem:s24+$0xF010];
	v4 =	vsel vm15, v25, v4  }
0x1d8: {  	vm8 =	vgt.f32 v26, v4  }
0x1d9: {  	v28 =	vld [tilespmem:s24+$0xF810];
	v4 =	vsel vm8, v26, v4  }
0x1da: {  	v29 =	vsel vm0, $0x13, v1;
	vm11 =	vgt.f32 v5, v4  }
0x1db: {  	v8 =	vsel vm12, $0x26, v29;
	v4 =	vsel vm11, v5, v4;
	v5 =	vld [tilespmem:s24+$0x10010]  }
0x1dc: {  	v8 =	vsel vm2, $0x39, v8;
	vm12 =	vgt.f32 v27, v4  }
0x1dd: {  	v30 =	vld [tilespmem:s24+$0x10810];
	v8 =	vsel vm13, $0x4C, v8;
	v4 =	vsel vm12, v27, v4  }
0x1de: {  	v8 =	vsel vm4, $0x5F, v8;
	vm13 =	vgt.f32 v28, v4  }
0x1df: {  	v31 =	vld [tilespmem:s24+$0x11010];
	v8 =	vsel vm14, $0x72, v8;
	v4 =	vsel vm13, v28, v4  }
0x1e0: {  	v8 =	vsel vm6, $0x85, v8;
	vm14 =	vgt.f32 v5, v4  }
0x1e1: {  	v8 =	vsel vm15, $0x98, v8;
	v4 =	vsel vm14, v5, v4;
	v5 =	vld [tilespmem:s24+$0x11810]  }
0x1e2: {  	v8 =	vsel vm8, $0xAB, v8;
	vm15 =	vgt.f32 v30, v4  }
0x1e3: {  	v32 =	vld [tilespmem:s24+$0x12010];
	v8 =	vsel vm11, $0xBE, v8;
	v4 =	vsel vm15, v30, v4  }
0x1e4: {  	v8 =	vsel vm12, $0xD1, v8;
	vm8 =	vgt.f32 v31, v4  }
0x1e5: {  	v33 =	vld [tilespmem:s24+$0x12810];
	v8 =	vsel vm13, $0xE4, v8;
	v4 =	vsel vm8, v31, v4  }
0x1e6: {  	v8 =	vsel vm14, $0xF7, v8;
	vm9 =	vgt.f32 v5, v4  }
0x1e7: {  	v8 =	vsel vm15, $0x10A, v8;
	v4 =	vsel vm9, v5, v4;
	v5 =	vld [tilespmem:s24+$0x13810]  }
0x1e8: {  	v8 =	vsel vm8, $0x11D, v8;
	vm10 =	vgt.f32 v32, v4  }
0x1e9: {  	v34 =	vsel vm9, $0x130, v8;
	v4 =	vsel vm10, v32, v4  }
0x1ea: {  	vm11 =	vgt.f32 v33, v4;
	v4 =	vsel vm10, $0x143, v34  }
0x1eb: {  	v4 =	vsel vm11, $0x156, v4  }
0x1ec: {  	v4 =	vadd.s32 v5, v4  }
0x1ed: {  	v4 =	vshll.u32 v4, $0x4  }
0x1ee: {  	v4 =	vor.u32 v2, v4;
	_ =	sdelay $0x4  }
0x1ef: {  	[tilespmem:v4+s17+$0x0] =	vst.idx.add.f32.msk $0xffff, v3  }
0x1f0: {  	v4 =	vld [tilespmem:s24+$0x9820]  }
0x1f1: {  	v5 =	vld [tilespmem:s24+$0xA020];
	_ =	sdelay $0x1  }
0x1f2: {  	v35 =	vld [tilespmem:s24+$0xA820];
	_ =	sdelay $0x1  }
0x1f3: {  	v36 =	vld [tilespmem:s24+$0xB020]  }
0x1f4: {  	vm0 =	vgt.f32 v5, v4  }
0x1f5: {  	v4 =	vsel vm0, v5, v4;
	v5 =	vld [tilespmem:s24+$0xB820]  }
0x1f6: {  	vm12 =	vgt.f32 v35, v4  }
0x1f7: {  	v37 =	vld [tilespmem:s24+$0xC020];
	v4 =	vsel vm12, v35, v4  }
0x1f8: {  	vm2 =	vgt.f32 v36, v4  }
0x1f9: {  	v38 =	vld [tilespmem:s24+$0xC820];
	v4 =	vsel vm2, v36, v4  }
0x1fa: {  	vm13 =	vgt.f32 v5, v4  }
0x1fb: {  	v4 =	vsel vm13, v5, v4;
	v5 =	vld [tilespmem:s24+$0xD020]  }
0x1fc: {  	vm4 =	vgt.f32 v37, v4  }
0x1fd: {  	v39 =	vld [tilespmem:s24+$0xD820];
	v4 =	vsel vm4, v37, v4  }
0x1fe: {  	vm14 =	vgt.f32 v38, v4  }
0x1ff: {  	v40 =	vld [tilespmem:s24+$0xE020];
	v4 =	vsel vm14, v38, v4  }
0x200: {  	vm6 =	vgt.f32 v5, v4  }
0x201: {  	v4 =	vsel vm6, v5, v4;
	v5 =	vld [tilespmem:s24+$0xE820]  }
0x202: {  	vm15 =	vgt.f32 v39, v4  }
0x203: {  	v41 =	vld [tilespmem:s24+$0xF020];
	v4 =	vsel vm15, v39, v4  }
0x204: {  	vm8 =	vgt.f32 v40, v4  }
0x205: {  	v42 =	vld [tilespmem:s24+$0xF820];
	v4 =	vsel vm8, v40, v4  }
0x206: {  	v43 =	vsel vm0, $0x13, v1;
	vm11 =	vgt.f32 v5, v4  }
0x207: {  	v8 =	vsel vm12, $0x26, v43;
	v4 =	vsel vm11, v5, v4;
	v5 =	vld [tilespmem:s24+$0x10020]  }
0x208: {  	v8 =	vsel vm2, $0x39, v8;
	vm12 =	vgt.f32 v41, v4  }
0x209: {  	v44 =	vld [tilespmem:s24+$0x10820];
	v8 =	vsel vm13, $0x4C, v8;
	v4 =	vsel vm12, v41, v4  }
0x20a: {  	v8 =	vsel vm4, $0x5F, v8;
	vm13 =	vgt.f32 v42, v4  }
0x20b: {  	v45 =	vld [tilespmem:s24+$0x11020];
	v8 =	vsel vm14, $0x72, v8;
	v4 =	vsel vm13, v42, v4  }
0x20c: {  	v8 =	vsel vm6, $0x85, v8;
	vm14 =	vgt.f32 v5, v4  }
0x20d: {  	v8 =	vsel vm15, $0x98, v8;
	v4 =	vsel vm14, v5, v4;
	v5 =	vld [tilespmem:s24+$0x11820]  }
0x20e: {  	v8 =	vsel vm8, $0xAB, v8;
	vm15 =	vgt.f32 v44, v4  }
0x20f: {  	v46 =	vld [tilespmem:s24+$0x12020];
	v8 =	vsel vm11, $0xBE, v8;
	v4 =	vsel vm15, v44, v4  }
0x210: {  	v8 =	vsel vm12, $0xD1, v8;
	vm8 =	vgt.f32 v45, v4  }
0x211: {  	v47 =	vld [tilespmem:s24+$0x12820];
	v8 =	vsel vm13, $0xE4, v8;
	v4 =	vsel vm8, v45, v4  }
0x212: {  	v8 =	vsel vm14, $0xF7, v8;
	vm9 =	vgt.f32 v5, v4  }
0x213: {  	v8 =	vsel vm15, $0x10A, v8;
	v4 =	vsel vm9, v5, v4;
	v5 =	vld [tilespmem:s24+$0x13820]  }
0x214: {  	v8 =	vsel vm8, $0x11D, v8;
	vm10 =	vgt.f32 v46, v4  }
0x215: {  	v48 =	vsel vm9, $0x130, v8;
	v4 =	vsel vm10, v46, v4  }
0x216: {  	vm11 =	vgt.f32 v47, v4;
	v4 =	vsel vm10, $0x143, v48  }
0x217: {  	v4 =	vsel vm11, $0x156, v4  }
0x218: {  	v4 =	vadd.s32 v5, v4  }
0x219: {  	v4 =	vshll.u32 v4, $0x4  }
0x21a: {  	v4 =	vor.u32 v2, v4;
	_ =	sdelay $0x4  }
0x21b: {  	[tilespmem:v4+s17+$0x0] =	vst.idx.add.f32.msk $0xffff, v3  }
0x21c: {  	v4 =	vld [tilespmem:s24+$0x9830]  }
0x21d: {  	v5 =	vld [tilespmem:s24+$0xA030];
	_ =	sdelay $0x1  }
0x21e: {  	v49 =	vld [tilespmem:s24+$0xA830];
	_ =	sdelay $0x1  }
0x21f: {  	v50 =	vld [tilespmem:s24+$0xB030]  }
0x220: {  	vm0 =	vgt.f32 v5, v4  }
0x221: {  	v4 =	vsel vm0, v5, v4;
	v5 =	vld [tilespmem:s24+$0xB830]  }
0x222: {  	vm12 =	vgt.f32 v49, v4  }
0x223: {  	v51 =	vld [tilespmem:s24+$0xC030];
	v4 =	vsel vm12, v49, v4  }
0x224: {  	vm2 =	vgt.f32 v50, v4  }
0x225: {  	v52 =	vld [tilespmem:s24+$0xC830];
	v4 =	vsel vm2, v50, v4  }
0x226: {  	vm13 =	vgt.f32 v5, v4  }
0x227: {  	v4 =	vsel vm13, v5, v4;
	v5 =	vld [tilespmem:s24+$0xD030]  }
0x228: {  	vm4 =	vgt.f32 v51, v4  }
0x229: {  	v53 =	vld [tilespmem:s24+$0xD830];
	v4 =	vsel vm4, v51, v4  }
0x22a: {  	vm14 =	vgt.f32 v52, v4  }
0x22b: {  	v54 =	vld [tilespmem:s24+$0xE030];
	v4 =	vsel vm14, v52, v4  }
0x22c: {  	vm6 =	vgt.f32 v5, v4  }
0x22d: {  	v4 =	vsel vm6, v5, v4;
	v5 =	vld [tilespmem:s24+$0xE830]  }
0x22e: {  	vm15 =	vgt.f32 v53, v4  }
0x22f: {  	v55 =	vld [tilespmem:s24+$0xF030];
	v4 =	vsel vm15, v53, v4  }
0x230: {  	vm8 =	vgt.f32 v54, v4  }
0x231: {  	v56 =	vld [tilespmem:s24+$0xF830];
	v4 =	vsel vm8, v54, v4  }
0x232: {  	v57 =	vsel vm0, $0x13, v1;
	vm11 =	vgt.f32 v5, v4  }
0x233: {  	v8 =	vsel vm12, $0x26, v57;
	v4 =	vsel vm11, v5, v4;
	v5 =	vld [tilespmem:s24+$0x10030]  }
0x234: {  	v8 =	vsel vm2, $0x39, v8;
	vm12 =	vgt.f32 v55, v4  }
0x235: {  	v58 =	vld [tilespmem:s24+$0x10830];
	v8 =	vsel vm13, $0x4C, v8;
	v4 =	vsel vm12, v55, v4  }
0x236: {  	v8 =	vsel vm4, $0x5F, v8;
	vm13 =	vgt.f32 v56, v4  }
0x237: {  	v59 =	vld [tilespmem:s24+$0x11030];
	v8 =	vsel vm14, $0x72, v8;
	v4 =	vsel vm13, v56, v4  }
0x238: {  	v8 =	vsel vm6, $0x85, v8;
	vm14 =	vgt.f32 v5, v4  }
0x239: {  	v8 =	vsel vm15, $0x98, v8;
	v4 =	vsel vm14, v5, v4;
	v5 =	vld [tilespmem:s24+$0x11830]  }
0x23a: {  	v8 =	vsel vm8, $0xAB, v8;
	vm15 =	vgt.f32 v58, v4  }
0x23b: {  	v60 =	vld [tilespmem:s24+$0x12030];
	v8 =	vsel vm11, $0xBE, v8;
	v4 =	vsel vm15, v58, v4  }
0x23c: {  	v8 =	vsel vm12, $0xD1, v8;
	vm8 =	vgt.f32 v59, v4  }
0x23d: {  	v61 =	vld [tilespmem:s24+$0x12830];
	v8 =	vsel vm13, $0xE4, v8;
	v4 =	vsel vm8, v59, v4  }
0x23e: {  	v8 =	vsel vm14, $0xF7, v8;
	vm9 =	vgt.f32 v5, v4  }
0x23f: {  	v8 =	vsel vm15, $0x10A, v8;
	v4 =	vsel vm9, v5, v4;
	v5 =	vld [tilespmem:s24+$0x13830]  }
0x240: {  	v8 =	vsel vm8, $0x11D, v8;
	vm10 =	vgt.f32 v60, v4  }
0x241: {  	v62 =	vsel vm9, $0x130, v8;
	v4 =	vsel vm10, v60, v4  }
0x242: {  	vm11 =	vgt.f32 v61, v4;
	v4 =	vsel vm10, $0x143, v62  }
0x243: {  	v4 =	vsel vm11, $0x156, v4  }
0x244: {  	v4 =	vadd.s32 v5, v4  }
0x245: {  	v4 =	vshll.u32 v4, $0x4  }
0x246: {  	v4 =	vor.u32 v2, v4;
	_ =	sdelay $0x4  }
0x247: {  	[tilespmem:v4+s17+$0x0] =	vst.idx.add.f32.msk $0xffff, v3  }
0x248: {  	v4 =	vld [tilespmem:s24+$0x9840]  }
0x249: {  	v5 =	vld [tilespmem:s24+$0xA040];
	_ =	sdelay $0x1  }
0x24a: {  	v63 =	vld [tilespmem:s24+$0xA840];
	_ =	sdelay $0x1  }
0x24b: {  	v9 =	vld [tilespmem:s24+$0xB040]  }
0x24c: {  	vm0 =	vgt.f32 v5, v4  }
0x24d: {  	v4 =	vsel vm0, v5, v4;
	v5 =	vld [tilespmem:s24+$0xB840]  }
0x24e: {  	vm12 =	vgt.f32 v63, v4  }
0x24f: {  	v10 =	vld [tilespmem:s24+$0xC040];
	v4 =	vsel vm12, v63, v4  }
0x250: {  	vm2 =	vgt.f32 v9, v4  }
0x251: {  	v11 =	vld [tilespmem:s24+$0xC840];
	v4 =	vsel vm2, v9, v4  }
0x252: {  	vm13 =	vgt.f32 v5, v4  }
0x253: {  	v4 =	vsel vm13, v5, v4;
	v5 =	vld [tilespmem:s24+$0xD040]  }
0x254: {  	vm4 =	vgt.f32 v10, v4  }
0x255: {  	v12 =	vld [tilespmem:s24+$0xD840];
	v4 =	vsel vm4, v10, v4  }
0x256: {  	vm14 =	vgt.f32 v11, v4  }
0x257: {  	v13 =	vld [tilespmem:s24+$0xE040];
	v4 =	vsel vm14, v11, v4  }
0x258: {  	vm6 =	vgt.f32 v5, v4  }
0x259: {  	v4 =	vsel vm6, v5, v4;
	v5 =	vld [tilespmem:s24+$0xE840]  }
0x25a: {  	vm15 =	vgt.f32 v12, v4  }
0x25b: {  	v14 =	vld [tilespmem:s24+$0xF040];
	v4 =	vsel vm15, v12, v4  }
0x25c: {  	vm8 =	vgt.f32 v13, v4  }
0x25d: {  	v15 =	vld [tilespmem:s24+$0xF840];
	v4 =	vsel vm8, v13, v4  }
0x25e: {  	v16 =	vsel vm0, $0x13, v1;
	vm11 =	vgt.f32 v5, v4  }
0x25f: {  	v8 =	vsel vm12, $0x26, v16;
	v4 =	vsel vm11, v5, v4;
	v5 =	vld [tilespmem:s24+$0x10040]  }
0x260: {  	v8 =	vsel vm2, $0x39, v8;
	vm12 =	vgt.f32 v14, v4  }
0x261: {  	v17 =	vld [tilespmem:s24+$0x10840];
	v8 =	vsel vm13, $0x4C, v8;
	v4 =	vsel vm12, v14, v4  }
0x262: {  	v8 =	vsel vm4, $0x5F, v8;
	vm13 =	vgt.f32 v15, v4  }
0x263: {  	v18 =	vld [tilespmem:s24+$0x11040];
	v8 =	vsel vm14, $0x72, v8;
	v4 =	vsel vm13, v15, v4  }
0x264: {  	v8 =	vsel vm6, $0x85, v8;
	vm14 =	vgt.f32 v5, v4  }
0x265: {  	v8 =	vsel vm15, $0x98, v8;
	v4 =	vsel vm14, v5, v4;
	v5 =	vld [tilespmem:s24+$0x11840]  }
0x266: {  	v8 =	vsel vm8, $0xAB, v8;
	vm15 =	vgt.f32 v17, v4  }
0x267: {  	v19 =	vld [tilespmem:s24+$0x12040];
	v8 =	vsel vm11, $0xBE, v8;
	v4 =	vsel vm15, v17, v4  }
0x268: {  	v8 =	vsel vm12, $0xD1, v8;
	vm8 =	vgt.f32 v18, v4  }
0x269: {  	v20 =	vld [tilespmem:s24+$0x12840];
	v8 =	vsel vm13, $0xE4, v8;
	v4 =	vsel vm8, v18, v4  }
0x26a: {  	v8 =	vsel vm14, $0xF7, v8;
	vm9 =	vgt.f32 v5, v4  }
0x26b: {  	v8 =	vsel vm15, $0x10A, v8;
	v4 =	vsel vm9, v5, v4;
	v5 =	vld [tilespmem:s24+$0x13840]  }
0x26c: {  	v8 =	vsel vm8, $0x11D, v8;
	vm10 =	vgt.f32 v19, v4  }
0x26d: {  	v21 =	vsel vm9, $0x130, v8;
	v4 =	vsel vm10, v19, v4  }
0x26e: {  	vm11 =	vgt.f32 v20, v4;
	v4 =	vsel vm10, $0x143, v21  }
0x26f: {  	v4 =	vsel vm11, $0x156, v4  }
0x270: {  	v4 =	vadd.s32 v5, v4  }
0x271: {  	v4 =	vshll.u32 v4, $0x4  }
0x272: {  	v4 =	vor.u32 v2, v4;
	_ =	sdelay $0x4  }
0x273: {  	[tilespmem:v4+s17+$0x0] =	vst.idx.add.f32.msk $0xffff, v3  }
0x274: {  	v4 =	vld [tilespmem:s24+$0x9850]  }
0x275: {  	v5 =	vld [tilespmem:s24+$0xA050];
	_ =	sdelay $0x1  }
0x276: {  	v22 =	vld [tilespmem:s24+$0xA850];
	_ =	sdelay $0x1  }
0x277: {  	v23 =	vld [tilespmem:s24+$0xB050]  }
0x278: {  	vm0 =	vgt.f32 v5, v4  }
0x279: {  	v4 =	vsel vm0, v5, v4;
	v5 =	vld [tilespmem:s24+$0xB850]  }
0x27a: {  	vm12 =	vgt.f32 v22, v4  }
0x27b: {  	v24 =	vld [tilespmem:s24+$0xC050];
	v4 =	vsel vm12, v22, v4  }
0x27c: {  	vm2 =	vgt.f32 v23, v4  }
0x27d: {  	v25 =	vld [tilespmem:s24+$0xC850];
	v4 =	vsel vm2, v23, v4  }
0x27e: {  	vm13 =	vgt.f32 v5, v4  }
0x27f: {  	v4 =	vsel vm13, v5, v4;
	v5 =	vld [tilespmem:s24+$0xD050]  }
0x280: {  	vm4 =	vgt.f32 v24, v4  }
0x281: {  	v26 =	vld [tilespmem:s24+$0xD850];
	v4 =	vsel vm4, v24, v4  }
0x282: {  	vm14 =	vgt.f32 v25, v4  }
0x283: {  	v27 =	vld [tilespmem:s24+$0xE050];
	v4 =	vsel vm14, v25, v4  }
0x284: {  	vm6 =	vgt.f32 v5, v4  }
0x285: {  	v4 =	vsel vm6, v5, v4;
	v5 =	vld [tilespmem:s24+$0xE850]  }
0x286: {  	vm15 =	vgt.f32 v26, v4  }
0x287: {  	v28 =	vld [tilespmem:s24+$0xF050];
	v4 =	vsel vm15, v26, v4  }
0x288: {  	vm8 =	vgt.f32 v27, v4  }
0x289: {  	v29 =	vld [tilespmem:s24+$0xF850];
	v4 =	vsel vm8, v27, v4  }
0x28a: {  	v30 =	vsel vm0, $0x13, v1;
	vm11 =	vgt.f32 v5, v4  }
0x28b: {  	v8 =	vsel vm12, $0x26, v30;
	v4 =	vsel vm11, v5, v4;
	v5 =	vld [tilespmem:s24+$0x10050]  }
0x28c: {  	v8 =	vsel vm2, $0x39, v8;
	vm12 =	vgt.f32 v28, v4  }
0x28d: {  	v31 =	vld [tilespmem:s24+$0x10850];
	v8 =	vsel vm13, $0x4C, v8;
	v4 =	vsel vm12, v28, v4  }
0x28e: {  	v8 =	vsel vm4, $0x5F, v8;
	vm13 =	vgt.f32 v29, v4  }
0x28f: {  	v32 =	vld [tilespmem:s24+$0x11050];
	v8 =	vsel vm14, $0x72, v8;
	v4 =	vsel vm13, v29, v4  }
0x290: {  	v8 =	vsel vm6, $0x85, v8;
	vm14 =	vgt.f32 v5, v4  }
0x291: {  	v8 =	vsel vm15, $0x98, v8;
	v4 =	vsel vm14, v5, v4;
	v5 =	vld [tilespmem:s24+$0x11850]  }
0x292: {  	v8 =	vsel vm8, $0xAB, v8;
	vm15 =	vgt.f32 v31, v4  }
0x293: {  	v33 =	vld [tilespmem:s24+$0x12050];
	v8 =	vsel vm11, $0xBE, v8;
	v4 =	vsel vm15, v31, v4  }
0x294: {  	v8 =	vsel vm12, $0xD1, v8;
	vm8 =	vgt.f32 v32, v4  }
0x295: {  	v34 =	vld [tilespmem:s24+$0x12850];
	v8 =	vsel vm13, $0xE4, v8;
	v4 =	vsel vm8, v32, v4  }
0x296: {  	v8 =	vsel vm14, $0xF7, v8;
	vm9 =	vgt.f32 v5, v4  }
0x297: {  	v8 =	vsel vm15, $0x10A, v8;
	v4 =	vsel vm9, v5, v4;
	v5 =	vld [tilespmem:s24+$0x13850]  }
0x298: {  	v8 =	vsel vm8, $0x11D, v8;
	vm10 =	vgt.f32 v33, v4  }
0x299: {  	v35 =	vsel vm9, $0x130, v8;
	v4 =	vsel vm10, v33, v4  }
0x29a: {  	vm11 =	vgt.f32 v34, v4;
	v4 =	vsel vm10, $0x143, v35  }
0x29b: {  	v4 =	vsel vm11, $0x156, v4  }
0x29c: {  	v4 =	vadd.s32 v5, v4  }
0x29d: {  	v4 =	vshll.u32 v4, $0x4  }
0x29e: {  	v4 =	vor.u32 v2, v4;
	_ =	sdelay $0x4  }
0x29f: {  	[tilespmem:v4+s17+$0x0] =	vst.idx.add.f32.msk $0xffff, v3  }
0x2a0: {  	v4 =	vld [tilespmem:s24+$0x9860]  }
0x2a1: {  	v5 =	vld [tilespmem:s24+$0xA060];
	_ =	sdelay $0x1  }
0x2a2: {  	v36 =	vld [tilespmem:s24+$0xA860];
	_ =	sdelay $0x1  }
0x2a3: {  	v37 =	vld [tilespmem:s24+$0xB060]  }
0x2a4: {  	vm12 =	vgt.f32 v5, v4  }
0x2a5: {  	v4 =	vsel vm12, v5, v4;
	v5 =	vld [tilespmem:s24+$0xB860]  }
0x2a6: {  	vm13 =	vgt.f32 v36, v4  }
0x2a7: {  	v38 =	vld [tilespmem:s24+$0xC060];
	v4 =	vsel vm13, v36, v4  }
0x2a8: {  	vm2 =	vgt.f32 v37, v4  }
0x2a9: {  	v39 =	vld [tilespmem:s24+$0xC860];
	v4 =	vsel vm2, v37, v4  }
0x2aa: {  	vm14 =	vgt.f32 v5, v4  }
0x2ab: {  	v4 =	vsel vm14, v5, v4;
	v5 =	vld [tilespmem:s24+$0xD060]  }
0x2ac: {  	vm4 =	vgt.f32 v38, v4  }
0x2ad: {  	v40 =	vld [tilespmem:s24+$0xD860];
	v4 =	vsel vm4, v38, v4  }
0x2ae: {  	vm15 =	vgt.f32 v39, v4  }
0x2af: {  	v41 =	vld [tilespmem:s24+$0xE060];
	v4 =	vsel vm15, v39, v4  }
0x2b0: {  	vm6 =	vgt.f32 v5, v4  }
0x2b1: {  	v4 =	vsel vm6, v5, v4;
	v5 =	vld [tilespmem:s24+$0xE860]  }
0x2b2: {  	vm7 =	vgt.f32 v40, v4  }
0x2b3: {  	v42 =	vld [tilespmem:s24+$0xF060];
	v4 =	vsel vm7, v40, v4  }
0x2b4: {  	vm8 =	vgt.f32 v41, v4  }
0x2b5: {  	v43 =	vld [tilespmem:s24+$0xF860];
	v4 =	vsel vm8, v41, v4  }
0x2b6: {  	v44 =	vsel vm12, $0x13, v1;
	vm12 =	vgt.f32 v5, v4  }
0x2b7: {  	v8 =	vsel vm13, $0x26, v44;
	v4 =	vsel vm12, v5, v4;
	v5 =	vld [tilespmem:s24+$0x10060]  }
0x2b8: {  	v8 =	vsel vm2, $0x39, v8;
	vm13 =	vgt.f32 v42, v4  }
0x2b9: {  	v45 =	vld [tilespmem:s24+$0x10860];
	v8 =	vsel vm14, $0x4C, v8;
	v4 =	vsel vm13, v42, v4  }
0x2ba: {  	v8 =	vsel vm4, $0x5F, v8;
	vm14 =	vgt.f32 v43, v4  }
0x2bb: {  	v46 =	vld [tilespmem:s24+$0x11060];
	v8 =	vsel vm15, $0x72, v8;
	v4 =	vsel vm14, v43, v4  }
0x2bc: {  	v8 =	vsel vm6, $0x85, v8;
	vm15 =	vgt.f32 v5, v4  }
0x2bd: {  	v8 =	vsel vm7, $0x98, v8;
	v4 =	vsel vm15, v5, v4;
	v5 =	vld [tilespmem:s24+$0x11860]  }
0x2be: {  	v8 =	vsel vm8, $0xAB, v8;
	vm9 =	vgt.f32 v45, v4  }
0x2bf: {  	v47 =	vld [tilespmem:s24+$0x12060];
	v8 =	vsel vm12, $0xBE, v8;
	v4 =	vsel vm9, v45, v4  }
0x2c0: {  	v8 =	vsel vm13, $0xD1, v8;
	vm10 =	vgt.f32 v46, v4  }
0x2c1: {  	v48 =	vld [tilespmem:s24+$0x12860];
	v8 =	vsel vm14, $0xE4, v8;
	v4 =	vsel vm10, v46, v4  }
0x2c2: {  	v8 =	vsel vm15, $0xF7, v8;
	vm11 =	vgt.f32 v5, v4  }
0x2c3: {  	v8 =	vsel vm9, $0x10A, v8;
	v4 =	vsel vm11, v5, v4;
	v5 =	vld [tilespmem:s24+$0x13860]  }
0x2c4: {  	v8 =	vsel vm10, $0x11D, v8;
	vm12 =	vgt.f32 v47, v4  }
0x2c5: {  	v49 =	vsel vm11, $0x130, v8;
	v4 =	vsel vm12, v47, v4  }
0x2c6: {  	vm13 =	vgt.f32 v48, v4;
	v4 =	vsel vm12, $0x143, v49  }
0x2c7: {  	v4 =	vsel vm13, $0x156, v4  }
0x2c8: {  	v4 =	vadd.s32 v5, v4  }
0x2c9: {  	v4 =	vshll.u32 v4, $0x4  }
0x2ca: {  	v4 =	vor.u32 v2, v4;
	_ =	sdelay $0x4  }
0x2cb: {  	[tilespmem:v4+s17+$0x0] =	vst.idx.add.f32.msk $0xffff, v3  }
0x2cc: {  	v4 =	vld [tilespmem:s24+$0x9870]  }
0x2cd: {  	v5 =	vld [tilespmem:s24+$0xA070];
	_ =	sdelay $0x1  }
0x2ce: {  	v50 =	vld [tilespmem:s24+$0xA870];
	_ =	sdelay $0x1  }
0x2cf: {  	v51 =	vld [tilespmem:s24+$0xB070]  }
0x2d0: {  	vm14 =	vgt.f32 v5, v4  }
0x2d1: {  	v4 =	vsel vm14, v5, v4;
	v5 =	vld [tilespmem:s24+$0xB870]  }
0x2d2: {  	vm1 =	vgt.f32 v50, v4  }
0x2d3: {  	v52 =	vld [tilespmem:s24+$0xC070];
	v4 =	vsel vm1, v50, v4  }
0x2d4: {  	vm15 =	vgt.f32 v51, v4  }
0x2d5: {  	v53 =	vld [tilespmem:s24+$0xC870];
	v4 =	vsel vm15, v51, v4  }
0x2d6: {  	vm3 =	vgt.f32 v5, v4  }
0x2d7: {  	v4 =	vsel vm3, v5, v4;
	v5 =	vld [tilespmem:s24+$0xD070]  }
0x2d8: {  	vm4 =	vgt.f32 v52, v4  }
0x2d9: {  	v54 =	vld [tilespmem:s24+$0xD870];
	v4 =	vsel vm4, v52, v4  }
0x2da: {  	vm5 =	vgt.f32 v53, v4  }
0x2db: {  	v55 =	vld [tilespmem:s24+$0xE070];
	v4 =	vsel vm5, v53, v4  }
0x2dc: {  	vm6 =	vgt.f32 v5, v4  }
0x2dd: {  	v4 =	vsel vm6, v5, v4;
	v5 =	vld [tilespmem:s24+$0xE870]  }
0x2de: {  	vm12 =	vgt.f32 v54, v4  }
0x2df: {  	v56 =	vld [tilespmem:s24+$0xF070];
	v4 =	vsel vm12, v54, v4  }
0x2e0: {  	vm13 =	vgt.f32 v55, v4  }
0x2e1: {  	v57 =	vld [tilespmem:s24+$0xF870];
	v4 =	vsel vm13, v55, v4  }
0x2e2: {  	v58 =	vsel vm14, $0x13, v1;
	vm14 =	vgt.f32 v5, v4  }
0x2e3: {  	v8 =	vsel vm1, $0x26, v58;
	v4 =	vsel vm14, v5, v4;
	v5 =	vld [tilespmem:s24+$0x10070]  }
0x2e4: {  	v8 =	vsel vm15, $0x39, v8;
	vm15 =	vgt.f32 v56, v4  }
0x2e5: {  	v59 =	vld [tilespmem:s24+$0x10870];
	v8 =	vsel vm3, $0x4C, v8;
	v4 =	vsel vm15, v56, v4  }
0x2e6: {  	v8 =	vsel vm4, $0x5F, v8;
	vm9 =	vgt.f32 v57, v4  }
0x2e7: {  	v60 =	vld [tilespmem:s24+$0x11070];
	v8 =	vsel vm5, $0x72, v8;
	v4 =	vsel vm9, v57, v4  }
0x2e8: {  	v8 =	vsel vm6, $0x85, v8;
	vm10 =	vgt.f32 v5, v4  }
0x2e9: {  	v8 =	vsel vm12, $0x98, v8;
	v4 =	vsel vm10, v5, v4;
	v5 =	vld [tilespmem:s24+$0x11870]  }
0x2ea: {  	v8 =	vsel vm13, $0xAB, v8;
	vm11 =	vgt.f32 v59, v4  }
0x2eb: {  	v61 =	vld [tilespmem:s24+$0x12070];
	v8 =	vsel vm14, $0xBE, v8;
	v4 =	vsel vm11, v59, v4  }
0x2ec: {  	v8 =	vsel vm15, $0xD1, v8;
	vm12 =	vgt.f32 v60, v4  }
0x2ed: {  	v62 =	vld [tilespmem:s24+$0x12870];
	v8 =	vsel vm9, $0xE4, v8;
	v4 =	vsel vm12, v60, v4  }
0x2ee: {  	v8 =	vsel vm10, $0xF7, v8;
	vm13 =	vgt.f32 v5, v4  }
0x2ef: {  	v8 =	vsel vm11, $0x10A, v8;
	v4 =	vsel vm13, v5, v4;
	v5 =	vld [tilespmem:s24+$0x13870]  }
0x2f0: {  	v8 =	vsel vm12, $0x11D, v8;
	vm14 =	vgt.f32 v61, v4  }
0x2f1: {  	v8 =	vsel vm13, $0x130, v8;
	v4 =	vsel vm14, v61, v4  }
0x2f2: {  	v63 =	vsel vm14, $0x143, v8;
	vm15 =	vgt.f32 v62, v4  }
0x2f3: {  	v4 =	vsel vm15, $0x156, v63  }
0x2f4: {  	v4 =	vadd.s32 v5, v4  }
0x2f5: {  	v4 =	vshll.u32 v4, $0x4  }
0x2f6: {  	p0 =	sne.s32 s23, $0x1E00;
	v4 =	vor.u32 v2, v4  }
.Ltmp2:
0x2f7: {  	_ = 	snop;
	(pc) =	sbr.rel @p0 .LBB2_7-.Ltmp2, $2  }
0x2f8: {  	_ =	sdelay $0x2  }
0x2f9: {  	s23 =	sadd.s32 $0x200, s23;
	[tilespmem:v4+s17+$0x0] =	vst.idx.add.f32.msk $0xffff, v3  }
0x2fa: {  	s22 =	sadd.s32 $0x1, s22  }
0x2fb: {  	p0 =	sne.s32 s22, $0x10  }
.Ltmp3:
0x2fc: {  	_ = 	snop;
	(pc) =	sbr.rel @p0 .LBB2_4-.Ltmp3, $1  }
0x2fd: {  	_ =	sdelay $0x3  }
0x2fe: {  	s20 =	sadd.s32 $0x1, s20  }
0x2ff: {  	p0 =	sne.s32 s20, s10  }
.Ltmp4:
0x300: {  	_ = 	snop;
	(pc) =	sbr.rel @p0 .LBB2_1-.Ltmp4, $4  }
0x301: {  	[hbm4b:s9+s2] =	stream.linear.scatter [tilespmem:s17], [sflag:$0x3], $0x1800, $0x38;
	[tilespmem:$0x15800] =	vst v63  }
0x302: {  	_ =	swait.ge [sflag:s19], $0x1800  }
0x303: {  	[sflag:s19] =	ssyncset.done $0x0  }
0x304: {  	[sflag:s19] =	ssyncadd.s32 $0xFFFFE800  }
0x305: {  	_ =	sfence.sel $0x180000  }
0x306: {  	[bflag:$0x0] =	sbarrier.arrive $0xFFFF  }
0x307: {  	p0 =	sne.s32 s1, $0x0;
	_ =	strace $0x9000004A  }
0x308: {  	s0 =	sadd.s32 @!p0 $0x100000, s0;
	[bflag:$0x2] =	sbarrier.arrive $0xFFFF  }
0x309: {  	[sflag:s0] =	ssyncadd.tile.s32 @!p0 $0x1;
	_ =	shalt  }
.Lfunc_end2:
_tile_overlayer_lowered:
.L_overlay_start_2:
0x30a: {  	(tag) =	ssettag $0x2  }
0x30b: {  	s0 =	rddreg [dreg:$0x0];
	s2 =	stileid.u32  }
0x30c: {  	s1 =	rddreg [dreg:$0x1];
	p0 =	sne.s32 s2, $0x0  }
0x30d: {  	s3 =	rddreg [dreg:$0x2];
	[bflag:$0x3] =	sbarrier.arrive $0xFFFF;
	s2 =	simm.s32 @!p0 $0x1C03  }
0x30e: {  	[timem:s3], [sflag:s2] =	dma.local @!p0 [hbm:s0], s1  }
0x30f: {  	s0 =	simm.s32 @!p0 $0x3  }
0x310: {  	_ =	swait.ge @!p0 [sflag:s0], s1  }
0x311: {  	s1 =	ssub.s32 @!p0 $0x0, s1;
	[sflag:s0] =	ssyncset.done @!p0 $0x0  }
0x312: {  	[sflag:s0] =	ssyncadd.s32 @!p0 s1  }
0x313: {  	[bflag:$0x3] =	sbarrier.arrive $0xFFFF  }
0x314: {  	_ =	shalt  }

// kernel: _run.7.cloned.1.call-start
scs
__scs_entry_jumppad:
0x0: {  	(pc) =	sbr.rel $0x88, $3  }
0x1: {  	(tag) =	ssettag $0x0;
	lr =	simm.s32 $0x1  }
0x2: {  	[smem:$0x3F9F] =	sst lr;
	_ =	strace $0xD0000000  }
0x3: {  	_ = 	snop  }
0x4: {  	_ = 	snop  }
0x5: {  	_ = 	snop  }
0x6: {  	_ = 	snop  }
0x7: {  	_ = 	snop  }
__scs_overlays_trampoline_lowered:
0x8: {  	[smem:$0x3FAE] =	sst s0  }
0x9: {  	[smem:$0x3FAF] =	sst s1  }
0xa: {  	[smem:$0x3FB0] =	sst s2  }
0xb: {  	[smem:$0x3FB1] =	sst s3  }
0xc: {  	[smem:$0x3FB2] =	sst s4  }
0xd: {  	[smem:$0x3FB3] =	sst s5  }
0xe: {  	[smem:$0x3FB4] =	sst s6  }
0xf: {  	[smem:$0x3FB5] =	sst s7  }
0x10: {  	[smem:$0x3FB6] =	sst s8  }
0x11: {  	[smem:$0x3FB7] =	sst s9;
	s0 =	simm.s32 @!p0 $0x0  }
0x12: {  	s1 =	sld [smem:$0x3F9D];
	s0 =	simm.s32 @p0 $0x1  }
0x13: {  	[smem:$0x3FB8] =	sst s0;
	s0 =	simm.s32 @!p1 $0x0  }
0x14: {  	s2 =	sld [smem:$0x3F9C];
	s0 =	simm.s32 @p1 $0x1  }
0x15: {  	[smem:$0x3FB9] =	sst s0;
	s0 =	simm.s32 @!p2 $0x0  }
0x16: {  	s3 =	sld [smem:$0x3FDB];
	s0 =	simm.s32 @p2 $0x1  }
0x17: {  	s4 =	simm.s32 $0x1BF5;
	[smem:$0x3FBB] =	sst s0  }
0x18: {  	s0 =	sld [smem:$0x3F9E];
	_ =	swait.ge [sflag:s4], $0x0  }
0x19: {  	s7 =	sld [smem:$0x3F9F]  }
0x1a: {  	s8 =	sadd.s32 $0xFFFFE003, lr  }
0x1b: {  	s9 =	sadd.s32 $0xFFFFFEF7, lr;
	s5 =	simm.s32 $0xFFFFFFFF;
	p2 =	slt.u32 s8, $0xFFFFF086  }
0x1c: {  	p1 =	slt.u32 s9, $0xF7A;
	s5 =	simm.s32 @!p2 $0x0  }
0x1d: {  	s5 =	simm.s32 @p1 $0x1;
	p0 =	seq.s32 s7, s2  }
0x1e: {  	s7 =	smul.u32 @!p0 $0xF7A, s2;
	p2 =	seq.s32 @!p0 s5, $0x0  }
0x1f: {  	s9 =	smul.u32 $0xF7A, s1;
	s8 =	simm.s32 @!p0 $0x1BF5;
	p2 =	por !p2, p0  }
0x20: {  	[sflag:s8] =	ssyncset.s32 @!p0 $0xFFFFF086;
	s6 =	sadd.s32 @!p0 s3, s7;
	s7 =	simm.s32 @!p0 $0x108  }
0x21: {  	s3 =	sadd.s32 s3, s9;
	s6 =	sadd.s32 @!p0 $0x88, s6;
	s7 =	simm.s32 @p2 $0x1082  }
0x22: {  	[simem:s7], [sflag:s8] =	dma.local @!p0 [hbm:s6], $0xF7A  }
0x23: {  	s9 =	sor.u32 $0xD0000000, s2;
	s6 =	simm.s32 $0x108;
	_ =	swait.ge @!p0 [sflag:s8], $0x0  }
0x24: {  	s3 =	sadd.s32 $0x88, s3;
	s6 =	simm.s32 @!p1 $0x1082;
	[sflag:s4] =	ssyncset.s32 $0xFFFFF086  }
0x25: {  	[simem:s6], [sflag:s4] =	dma.local [hbm:s3], $0xF7A  }
0x26: {  	[smem:$0x3F9F] =	sst s1;
	(tag) =	ssettag s2;
	_ =	strace s9  }
0x27: {  	s1 =	sld [smem:$0x3FAF]  }
0x28: {  	s2 =	sld [smem:$0x3FB0]  }
0x29: {  	s4 =	sld [smem:$0x3FB2]  }
0x2a: {  	p0 =	seq.s32 s5, $0x0;
	s5 =	sld [smem:$0x3FB3]  }
0x2b: {  	s6 =	sld [smem:$0x3FB4]  }
0x2c: {  	s7 =	sld [smem:$0x3FB5]  }
0x2d: {  	s3 =	simm.s32 $0x108;
	s8 =	sld [smem:$0x3FB6]  }
0x2e: {  	s3 =	simm.s32 @!p0 $0x1082;
	s9 =	sld [smem:$0x3FB7]  }
0x2f: {  	lr =	sadd.s32 s0, s3;
	s0 =	sld [smem:$0x3FAE]  }
0x30: {  	s3 =	sld [smem:$0x3FB1]  }
0x31: {  	[smem:$0x3FBA] =	sst s10  }
0x32: {  	s10 =	sld [smem:$0x3FB8];
	_ =	sdelay $0x3  }
0x33: {  	p0 =	seq.s32 s10, $0x1;
	s10 =	sld [smem:$0x3FBA];
	_ =	sdelay $0x3  }
0x34: {  	[smem:$0x3FBA] =	sst s10  }
0x35: {  	s10 =	sld [smem:$0x3FB9];
	_ =	sdelay $0x3  }
0x36: {  	p1 =	seq.s32 s10, $0x1;
	s10 =	sld [smem:$0x3FBA];
	_ =	sdelay $0x3  }
0x37: {  	[smem:$0x3FBA] =	sst s10  }
0x38: {  	s10 =	sld [smem:$0x3FBB]  }
0x39: {  	_ = 	snop;
	(pc) =	sbr.ind lr, $3  }
0x3a: {  	_ = 	snop  }
0x3b: {  	_ = 	snop  }
0x3c: {  	p2 =	seq.s32 s10, $0x1;
	s10 =	sld [smem:$0x3FBA]  }
0x3d: {  	_ =	shalt  }
0x3e: {  	_ =	shalt  }
0x3f: {  	_ =	shalt  }
0x40: {  	_ =	shalt  }
0x41: {  	_ =	shalt  }
0x42: {  	_ =	shalt  }
0x43: {  	_ =	shalt  }
0x44: {  	_ =	shalt  }
0x45: {  	_ =	shalt  }
0x46: {  	_ =	shalt  }
0x47: {  	_ =	shalt  }
0x48: {  	_ =	shalt  }
0x49: {  	_ =	shalt  }
0x4a: {  	_ =	shalt  }
0x4b: {  	_ =	shalt  }
0x4c: {  	_ =	shalt  }
0x4d: {  	_ =	shalt  }
0x4e: {  	_ =	shalt  }
0x4f: {  	_ =	shalt  }
0x50: {  	_ =	shalt  }
0x51: {  	_ =	shalt  }
0x52: {  	_ =	shalt  }
0x53: {  	_ =	shalt  }
0x54: {  	_ =	shalt  }
0x55: {  	_ =	shalt  }
0x56: {  	_ =	shalt  }
0x57: {  	_ =	shalt  }
0x58: {  	_ =	shalt  }
0x59: {  	_ =	shalt  }
0x5a: {  	_ =	shalt  }
0x5b: {  	_ =	shalt  }
0x5c: {  	_ =	shalt  }
0x5d: {  	_ =	shalt  }
0x5e: {  	_ =	shalt  }
0x5f: {  	_ =	shalt  }
0x60: {  	_ =	shalt  }
0x61: {  	_ =	shalt  }
0x62: {  	_ =	shalt  }
0x63: {  	_ =	shalt  }
0x64: {  	_ =	shalt  }
0x65: {  	_ =	shalt  }
0x66: {  	_ =	shalt  }
0x67: {  	_ =	shalt  }
0x68: {  	_ =	shalt  }
0x69: {  	_ =	shalt  }
0x6a: {  	_ =	shalt  }
0x6b: {  	_ =	shalt  }
0x6c: {  	_ =	shalt  }
0x6d: {  	_ =	shalt  }
0x6e: {  	_ =	shalt  }
0x6f: {  	_ =	shalt  }
0x70: {  	_ =	shalt  }
0x71: {  	_ =	shalt  }
0x72: {  	_ =	shalt  }
0x73: {  	_ =	shalt  }
0x74: {  	_ =	shalt  }
0x75: {  	_ =	shalt  }
0x76: {  	_ =	shalt  }
0x77: {  	_ =	shalt  }
0x78: {  	_ =	shalt  }
0x79: {  	_ =	shalt  }
0x7a: {  	_ =	shalt  }
0x7b: {  	_ =	shalt  }
0x7c: {  	_ =	shalt  }
0x7d: {  	_ =	shalt  }
0x7e: {  	_ =	shalt  }
0x7f: {  	_ =	shalt  }
0x80: {  	_ =	shalt  }
0x81: {  	_ =	shalt  }
0x82: {  	_ =	shalt  }
0x83: {  	_ =	shalt  }
0x84: {  	_ =	shalt  }
0x85: {  	_ =	shalt  }
0x86: {  	_ =	shalt  }
0x87: {  	_ =	shalt  }
.Lfunc_end0:
.L_simem_size_0:
called_computation.2_lowered:
.L_overlay_start_0:
0x88: {  	s2 =	sld [smem:$0x3FD9]  }
0x89: {  	s3 =	sld [smem:$0x3FFE];
	_ =	sdelay $0x1  }
0x8a: {  	s1 =	srdreg.scid  }
0x8b: {  	s0 =	sand.u32 $0x1, s1  }
0x8c: {  	s17 =	sshll.u32 s0, $0xA;
	s2 =	sadd.s32 s3, s2  }
0x8d: {  	s2 =	sadd.s32 s2, s17  }
0x8e: {  	[smem:$0x3FC6] =	sst s2  }
0x8f: {  	_ = 	snop  }
0x90: {  	s2 =	sld [smem:$0x3FD0];
	(tm) =	ssettm $0x1  }
0x91: {  	s18 =	sld [smem:$0x3FFB];
	_ =	sdelay $0x3  }
0x92: {  	_ =	strace s18  }
0x93: {  	s3 =	sld [smem:$0x3FFC];
	_ =	sdelay $0x3  }
0x94: {  	_ =	strace s3  }
0x95: {  	s3 =	sld [smem:$0x3FFD];
	_ =	sdelay $0x3  }
0x96: {  	_ =	strace s3  }
0x97: {  	_ =	strace $0x8FFFFFFF  }
0x98: {  	s19 =	sld [smem:$0x3FDB];
	_ =	sdelay $0x1  }
0x99: {  	s4 =	simm.s32 $_scs_section_size  }
0x9a: {  	s5 =	simm.s32 $_size__tile_overlayer_lowered;
	s6 =	simm.s32 $_tile_overlayer_lowered  }
0x9b: {  	s22 =	simm.s32 $0x1BFF;
	s21 =	sshll.u32 s6, $0x1;
	s3 =	sadd.s32 s4, s19  }
0x9c: {  	s7 =	simm.s32 $0x0;
	s20 =	sshll.u32 s5, $0x1;
	s5 =	sadd.s32 s21, s3  }
0x9d: {  	[timem:s7], [sflag:s22] =	dma.local [hbm:s5], s20  }
0x9e: {  	_ =	swait.ge [sflag:s22], s20  }
0x9f: {  	s4 =	ssub.s32 $0x0, s20;
	[sflag:s22] =	ssyncset.done $0x0  }
0xa0: {  	[sflag:s22] =	ssyncadd.s32 s4;
	_ =	sdelay $0x1  }
0xa1: {  	s23 =	simm.s32 $0x1B8B  }
0xa2: {  	_ =	swait.ge [sflag:s23], $0x1  }
0xa3: {  	[sflag:s23] =	ssyncset.done $0x0  }
0xa4: {  	s25 =	simm.s32 $0x1B8E;
	s24 =	sld [smem:$0x3FFE];
	[sflag:s23] =	ssyncadd.s32 $0xFFFFFFFF  }
0xa5: {  	s26 =	simm.s32 $execute0_lowered;
	[smem:$0x3FD2] =	sst s25  }
0xa6: {  	s5 =	sshll.u32 s26, $0x1;
	_ =	strace $0x8000004C;
	[dreg:$0x1] =	wrdreg $0xFFFFFFFF  }
0xa7: {  	s28 =	simm.s32 $_size_execute0_lowered;
	s3 =	sadd.s32 s3, s5;
	[dreg:$0x0] =	wrdreg $0x0  }
0xa8: {  	s5 =	sshll.u32 s28, $0x1;
	[dreg:$0x2] =	wrdreg s3  }
0xa9: {  	[dreg:$0x3] =	wrdreg s5  }
0xaa: {  	[dreg:$0x4] =	wrdreg $0xC0  }
0xab: {  	_ =	task [dreg:s7], $0x5FFFF  }
0xac: {  	[dreg:$0x1] =	wrdreg $0xFFFFFFFF  }
0xad: {  	[dreg:$0x0] =	wrdreg $0x60  }
0xae: {  	[dreg:$0x2] =	wrdreg s24  }
0xaf: {  	[dreg:$0x3] =	wrdreg s2  }
0xb0: {  	[dreg:$0x4] =	wrdreg $0x9  }
0xb1: {  	_ =	task.clear_ibuf [dreg:s7], $0x5FFFF;
	_ =	strace $0x9000004C  }
0xb2: {  	s29 =	simm.s32 $0x9;
	_ =	strace $0x8000004E  }
0xb3: {  	_ =	swait.ge [sflag:s29], $0x1  }
0xb4: {  	[sflag:s29] =	ssyncadd.s32 $0xFFFFFFFF  }
0xb5: {  	_ =	strace $0x9000004E  }
0xb6: {  	_ =	sfence  }
0xb7: {  	s30 =	sld [smem:$0x0];
	_ =	sdelay $0x2  }
0xb8: {  	s31 =	sshll.u32 s1, $0xD;
	s1 =	sshrl.u32 s1, $0x2  }
0xb9: {  	s3 =	sand.u32 $0x4000, s31;
	s1 =	sadd.s32 s1, s30  }
0xba: {  	s0 =	sor.u32 s3, s0;
	s1 =	sshll.u32 s1, $0x11  }
0xbb: {  	s0 =	sor.u32 s1, s0  }
0xbc: {  	s0 =	sadd.s32 $0x8F2B, s0  }
0xbd: {  	[sflag:s0] =	ssyncadd.remote.s32 $0x1  }
0xbe: {  	_ =	sfence.sel $0xFFFF  }
0xbf: {  	[dreg:$0x0] =	wrdreg $0xFFFFFFFF;
	(pc) =	sbr.abs _section_cstart, $3  }
0xc0: {  	[dreg:$0x1] =	wrdreg $0xFFFFFFFF  }
0xc1: {  	_ =	task.clear_ibuf [dreg:s7], $0x2FFFF;
	_ =	strace $0x9FFFFFFF  }
0xc2: {  	(tm) =	ssettm $0x7FFFFFFF  }
0xc3: {  	_ =	shalt  }
tec
execute0_lowered:
.L_overlay_start_1:
0x0: {  	(tag) =	ssettag $0x1  }
0x1: {  	s5 =	rddreg [dreg:$0x0]  }
0x2: {  	s1 =	rddreg [dreg:$0x1];
	s2 =	simm.s32 $0x0  }
0x3: {  	[smem:$0x7FF] =	sst s2  }
0x4: {  	s0 =	rddreg [dreg:$0x2];
	v0 =	vimm.f32 $1.900000000e+01;
	_ =	strace $0x8000004D  }
0x5: {  	(erf) = vrcp.f32 v0;
	v0 =	vimm.f32 $2.000000000e+00  }
0x6: {  	(erf) = vrcp.f32 v0  }
0x7: {  	s3 =	srdreg.scid  }
0x8: {  	s4 =	sand.u32 $0x1, s3;
	s3 =	stileid.u32  }
0x9: {  	s6 =	sshll.u32 s3, $0x1;
	s7 =	ssub.s32 $0x0, s4  }
0xa: {  	p0 =	sne.s32 s6, s7  }
.Ltmp0:
0xb: {  	_ = 	snop;
	(pc) =	sbr.rel @p0 .LBB2_9-.Ltmp0, $3  }
0xc: {  	_ =	sdelay $0x1  }
0xd: {  	v0 =	vpop (erf)  }
0xe: {  	v1 =	vpop (erf)  }
0xf: {  	s6 =	ssub.s32 $0x2, s4;
	s4 =	sadd.s32 $0x500E00, s5  }
0x10: {  	s5 =	sadd.s32 $0x501100, s5;
	s8 =	simm.s32 $0x1800;
	s7 =	sshrl.u32 s6, $0x1  }
0x11: {  	v2 =	vlaneseq.u32;
	s9 =	simm.s32 $0x1;
	s10 =	simm.s32 $0x4800;
	s6 =	ssub.s32 s6, s7  }
0x12: {  	s11 =	simm.s32 $0x0;
	v3 =	vor.u32 $0x10, v2;
	s7 =	simm.s32 $0x2;
	s6 =	smax.u32 s6, $0x1  }
.LBB2_2:
0x13: {  	s12 =	simm.s32 $0x0  }
0x14: {  	[tilespmem:s12], [sflag:$0x2] =	stream.linear.gather [hbm4b:s4+s12], $0x1800, $0x38;
	[tilespmem:$0x4880] =	vst v63  }
0x15: {  	_ =	swait.ge [sflag:s7], $0x1800  }
0x16: {  	[sflag:s7] =	ssyncset.done $0x0  }
0x17: {  	[sflag:s7] =	ssyncadd.s32 $0xFFFFE800  }
0x18: {  	[tilespmem:s8], [sflag:$0x1] =	stream.linear.gather [hbm4b:s5+s12], $0x1800, $0x38;
	[tilespmem:$0x4880] =	vst v63  }
.LBB2_3:
0x19: {  	p0 =	seq.s32 s12, $0xF  }
0x1a: {  	s13 =	smul.u32 @!p0 $0x3000, s12;
	_ =	sdelay $0x1  }
0x1b: {  	s13 =	sshrl.u32 @!p0 s13, $0x3  }
0x1c: {  	s13 =	sadd.s32 @!p0 s4, s13  }
0x1d: {  	s14 =	simm.s32 @!p0 $0x0;
	s15 =	simm.s32 @!p0 $0x3000;
	s13 =	sadd.s32 @!p0 $0x600, s13  }
0x1e: {  	[tilespmem:s15], [sflag:$0x1] =	stream.linear.gather @!p0 [hbm4b:s13+s14], $0x1800, $0x38;
	[tilespmem:$0x4880] =	vst v63  }
0x1f: {  	_ =	swait.ge [sflag:s9], $0x1800  }
0x20: {  	[sflag:s9] =	ssyncset.done $0x0  }
0x21: {  	s13 =	simm.s32 $0x0;
	[sflag:s9] =	ssyncadd.s32 $0xFFFFE800  }
0x22: {  	v11 =	vld [tilespmem:s13+$0x1800]  }
0x23: {  	v15 =	vld [tilespmem:s13+$0x1810]  }
0x24: {  	v9 =	vld [tilespmem:s13+$0x1820]  }
0x25: {  	v8 =	vld [tilespmem:s13+$0x1830]  }
0x26: {  	v7 =	vld [tilespmem:s13+$0x1840]  }
0x27: {  	v6 =	vld [tilespmem:s13+$0x1850]  }
0x28: {  	v5 =	vld [tilespmem:s13+$0x1860]  }
0x29: {  	v4 =	vld [tilespmem:s13+$0x1870]  }
0x2a: {  	v16 =	vld [tilespmem:s13+$0x0]  }
0x2b: {  	v17 =	vld [tilespmem:s13+$0x10]  }
0x2c: {  	v14 =	vld [tilespmem:s13+$0x20]  }
0x2d: {  	v13 =	vld [tilespmem:s13+$0x30]  }
0x2e: {  	v12 =	vld [tilespmem:s13+$0x40]  }
0x2f: {  	v10 =	vld [tilespmem:s13+$0x50];
	v16 =	vadd.f32 v11, v16  }
0x30: {  	s14 =	simm.s32 $0x200;
	v15 =	vadd.f32 v15, v17;
	v11 =	vld [tilespmem:s13+$0x60]  }
.LBB2_4:
0x31: {  	s15 =	sshra.s32 s14, $0x2;
	p1 =	sne.s32 s14, $0x5E00;
	[tilespmem:s13+$0x0] =	vst v16;
	v9 =	vadd.f32 v9, v14;
	v14 =	vld [tilespmem:s13+$0x70]  }
0x32: {  	v16 =	vld [tilespmem:s15+$0x1800];
	[tilespmem:s13+$0x10] =	vst v15;
	v8 =	vadd.f32 v8, v13  }
0x33: {  	v15 =	vld [tilespmem:s15+$0x1810];
	[tilespmem:s13+$0x20] =	vst v9;
	v7 =	vadd.f32 v7, v12  }
0x34: {  	v9 =	vld [tilespmem:s15+$0x1820];
	[tilespmem:s13+$0x30] =	vst v8;
	v6 =	vadd.f32 v6, v10  }
0x35: {  	v8 =	vld [tilespmem:s15+$0x1830];
	[tilespmem:s13+$0x40] =	vst v7;
	v5 =	vadd.f32 v5, v11  }
0x36: {  	v7 =	vld [tilespmem:s15+$0x1840];
	[tilespmem:s13+$0x50] =	vst v6;
	v4 =	vadd.f32 v4, v14  }
0x37: {  	v6 =	vld [tilespmem:s15+$0x1850];
	[tilespmem:s13+$0x60] =	vst v5  }
0x38: {  	v5 =	vld [tilespmem:s15+$0x1860];
	[tilespmem:s13+$0x70] =	vst v4;
	s13 =	smov.u32 s15  }
0x39: {  	v4 =	vld [tilespmem:s13+$0x1870]  }
0x3a: {  	v10 =	vld [tilespmem:s13+$0x0]  }
0x3b: {  	v11 =	vld [tilespmem:s13+$0x10]  }
.Ltmp1:
0x3c: {  	v14 =	vld [tilespmem:s13+$0x20];
	(pc) =	sbr.rel @p1 .LBB2_4-.Ltmp1, $4  }
0x3d: {  	v13 =	vld [tilespmem:s13+$0x30]  }
0x3e: {  	v12 =	vld [tilespmem:s13+$0x40]  }
0x3f: {  	v16 =	vadd.f32 v16, v10;
	v10 =	vld [tilespmem:s13+$0x50]  }
0x40: {  	s14 =	sadd.s32 $0x200, s14;
	v15 =	vadd.f32 v15, v11;
	v11 =	vld [tilespmem:s13+$0x60]  }
0x41: {  	[tilespmem:s13+$0x0] =	vst v16;
	v9 =	vadd.f32 v9, v14;
	v63 =	vld [tilespmem:s13+$0x70]  }
0x42: {  	[tilespmem:s13+$0x10] =	vst v15;
	v8 =	vadd.f32 v8, v13  }
0x43: {  	[tilespmem:s13+$0x20] =	vst v9;
	v7 =	vadd.f32 v7, v12  }
.Ltmp2:
0x44: {  	[tilespmem:s13+$0x30] =	vst v8;
	v6 =	vadd.f32 v6, v10;
	(pc) =	sbr.rel @p0 .LBB2_6-.Ltmp2, $4  }
0x45: {  	[tilespmem:s13+$0x40] =	vst v7;
	v5 =	vadd.f32 v5, v11  }
0x46: {  	[tilespmem:s13+$0x50] =	vst v6;
	v4 =	vadd.f32 v4, v63  }
0x47: {  	[tilespmem:s13+$0x60] =	vst v5  }
0x48: {  	[tilespmem:s13+$0x70] =	vst v4  }
0x49: {  	s13 =	smul.u32 $0x3000, s12;
	_ =	sdelay $0x1  }
0x4a: {  	s13 =	sshrl.u32 s13, $0x3  }
0x4b: {  	s13 =	sadd.s32 s4, s13  }
0x4c: {  	s14 =	simm.s32 $0x0;
	s13 =	sadd.s32 $0x900, s13  }
0x4d: {  	[tilespmem:s8], [sflag:$0x1] =	stream.linear.gather [hbm4b:s13+s14], $0x1800, $0x38;
	[tilespmem:$0x4880] =	vst v63  }
0x4e: {  	_ =	swait.ge [sflag:s9], $0x1800  }
0x4f: {  	[sflag:s9] =	ssyncset.done $0x0  }
0x50: {  	s13 =	simm.s32 $0x0;
	[sflag:s9] =	ssyncadd.s32 $0xFFFFE800  }
0x51: {  	v11 =	vld [tilespmem:s13+$0x3000]  }
0x52: {  	v15 =	vld [tilespmem:s13+$0x3010]  }
0x53: {  	v9 =	vld [tilespmem:s13+$0x3020]  }
0x54: {  	v8 =	vld [tilespmem:s13+$0x3030]  }
0x55: {  	v7 =	vld [tilespmem:s13+$0x3040]  }
0x56: {  	v6 =	vld [tilespmem:s13+$0x3050]  }
0x57: {  	v5 =	vld [tilespmem:s13+$0x3060]  }
0x58: {  	v4 =	vld [tilespmem:s13+$0x3070]  }
0x59: {  	v16 =	vld [tilespmem:s13+$0x0]  }
0x5a: {  	v17 =	vld [tilespmem:s13+$0x10]  }
0x5b: {  	v14 =	vld [tilespmem:s13+$0x20]  }
0x5c: {  	v13 =	vld [tilespmem:s13+$0x30]  }
0x5d: {  	v12 =	vld [tilespmem:s13+$0x40]  }
0x5e: {  	v10 =	vld [tilespmem:s13+$0x50];
	v16 =	vadd.f32 v11, v16  }
0x5f: {  	s14 =	simm.s32 $0x200;
	v15 =	vadd.f32 v15, v17;
	v11 =	vld [tilespmem:s13+$0x60]  }
.LBB2_11:
0x60: {  	s15 =	sshra.s32 s14, $0x2;
	p0 =	sne.s32 s14, $0x5E00;
	[tilespmem:s13+$0x0] =	vst v16;
	v9 =	vadd.f32 v9, v14;
	v14 =	vld [tilespmem:s13+$0x70]  }
0x61: {  	v16 =	vld [tilespmem:s15+$0x3000];
	[tilespmem:s13+$0x10] =	vst v15;
	v8 =	vadd.f32 v8, v13  }
0x62: {  	v15 =	vld [tilespmem:s15+$0x3010];
	[tilespmem:s13+$0x20] =	vst v9;
	v7 =	vadd.f32 v7, v12  }
0x63: {  	v9 =	vld [tilespmem:s15+$0x3020];
	[tilespmem:s13+$0x30] =	vst v8;
	v6 =	vadd.f32 v6, v10  }
0x64: {  	v8 =	vld [tilespmem:s15+$0x3030];
	[tilespmem:s13+$0x40] =	vst v7;
	v5 =	vadd.f32 v5, v11  }
0x65: {  	v7 =	vld [tilespmem:s15+$0x3040];
	[tilespmem:s13+$0x50] =	vst v6;
	v4 =	vadd.f32 v4, v14  }
0x66: {  	v6 =	vld [tilespmem:s15+$0x3050];
	[tilespmem:s13+$0x60] =	vst v5  }
0x67: {  	v5 =	vld [tilespmem:s15+$0x3060];
	[tilespmem:s13+$0x70] =	vst v4;
	s13 =	smov.u32 s15  }
0x68: {  	v4 =	vld [tilespmem:s13+$0x3070]  }
0x69: {  	v10 =	vld [tilespmem:s13+$0x0]  }
0x6a: {  	v11 =	vld [tilespmem:s13+$0x10]  }
.Ltmp3:
0x6b: {  	v14 =	vld [tilespmem:s13+$0x20];
	(pc) =	sbr.rel @p0 .LBB2_11-.Ltmp3, $4  }
0x6c: {  	v13 =	vld [tilespmem:s13+$0x30]  }
0x6d: {  	v12 =	vld [tilespmem:s13+$0x40]  }
0x6e: {  	v16 =	vadd.f32 v16, v10;
	v10 =	vld [tilespmem:s13+$0x50]  }
0x6f: {  	s14 =	sadd.s32 $0x200, s14;
	v15 =	vadd.f32 v15, v11;
	v11 =	vld [tilespmem:s13+$0x60]  }
0x70: {  	[tilespmem:s13+$0x0] =	vst v16;
	v9 =	vadd.f32 v9, v14;
	v63 =	vld [tilespmem:s13+$0x70]  }
0x71: {  	[tilespmem:s13+$0x10] =	vst v15;
	v8 =	vadd.f32 v8, v13  }
0x72: {  	[tilespmem:s13+$0x20] =	vst v9;
	v7 =	vadd.f32 v7, v12  }
.Ltmp4:
0x73: {  	[tilespmem:s13+$0x30] =	vst v8;
	v6 =	vadd.f32 v6, v10;
	(pc) =	sbr.rel .LBB2_3-.Ltmp4, $4  }
0x74: {  	[tilespmem:s13+$0x40] =	vst v7;
	v5 =	vadd.f32 v5, v11  }
0x75: {  	[tilespmem:s13+$0x50] =	vst v6;
	v4 =	vadd.f32 v4, v63  }
0x76: {  	[tilespmem:s13+$0x60] =	vst v5  }
0x77: {  	s12 =	sadd.s32 $0x1, s12;
	[tilespmem:s13+$0x70] =	vst v4  }
.LBB2_6:
0x78: {  	s12 =	simm.s32 $0x0  }
0x79: {  	v5 =	vld [tilespmem:s12+$0x0];
	_ =	sdelay $0x4  }
0x7a: {  	(xrf2) =	vadd.scan.msk.f32 $0xffff, v5;
	_ =	sdelay $0x2  }
0x7b: {  	s14 =	simm.s32 $0x1;
	s13 =	smulhi.u32 $0xAF286BCB, s12  }
0x7c: {  	s29 =	simm.s32 $0x10;
	s16 =	smulhi.u32 $0xAF286BCB, s14  }
0x7d: {  	v7 =	vld [tilespmem:s29+$0x0];
	s15 =	ssub.s32 $0x0, s13  }
0x7e: {  	s25 =	ssub.s32 $0x1, s16;
	s15 =	sshrl.u32 s15, $0x1  }
0x7f: {  	s26 =	smul.u32 $0xD795, s12;
	s13 =	sadd.s32 s13, s15;
	s15 =	sshrl.u32 s25, $0x1  }
0x80: {  	s18 =	simm.s32 $0x20;
	s13 =	sshrl.u32 s13, $0x4;
	s15 =	sadd.s32 s16, s15  }
0x81: {  	v9 =	vld [tilespmem:s18+$0x0];
	s16 =	sshrl.u32 s26, $0x14;
	s13 =	smul.u32 $0xFFFFFFED, s13;
	s15 =	sshrl.u32 s15, $0x4  }
0x82: {  	s12 =	simm.s32 $0x2;
	v10 =	vmov s16;
	s28 =	smul.u32 $0xFFFFFFED, s15;
	v8, _, _ =	vpop (xrf2);
	(xrf2) =	vadd.scan.msk.f32 $0xffff, v7  }
0x83: {  	v4 =	vimm.f32 $0.0e+00;
	s30 =	smulhi.u32 $0xAF286BCB, s12;
	vm1 =	veq.s32 v10, v3;
	s17 =	sadd.s32 $0x0, s13  }
0x84: {  	vm4 =	veq.s32 v10, v2;
	v6 =	vmov s17;
	s13 =	sadd.s32 $0x1, s28;
	v8 =	vbroadcast v8, $0xF  }
0x85: {  	s31 =	ssub.s32 $0x2, s30;
	vm3 =	veq.s32 v10, s17;
	vm0 =	veq.s32 v6, v2;
	v5 =	vmov s13  }
0x86: {  	s16 =	sshrl.u32 s31, $0x1;
	vm2 =	veq.s32 v6, v3;
	(xrf2) =	vadd.scan.msk.f32 $0xffff, v9;
	v9 =	vimm.f32 $0.0e+00;
	v10 =	vnsel vm1, $0x0, v8  }
0x87: {  	s15 =	sadd.s32 s30, s16;
	v6 =	vnsel vm3, $0x0, v8;
	v11 =	vnsel vm4, $0x0, v8;
	v14 =	vnsel vm2, $0x0, v8  }
0x88: {  	s16 =	smul.u32 $0xD795, s14;
	s15 =	sshrl.u32 s15, $0x4;
	v12 =	vnsel vm4, $0x0, v6;
	v13 =	vnsel vm1, $0x0, v6;
	v6 =	vadd.f32 v11, v4  }
0x89: {  	s14 =	simm.s32 $0x3;
	s17 =	smul.u32 $0xFFFFFFED, s15;
	s15 =	simm.s32 $0x30;
	v7 =	vadd.f32 v10, v4;
	v11 =	vimm.f32 $0.0e+00;
	v10 =	vimm.f32 $0.0e+00  }
.LBB2_7:
0x8a: {  	s18 =	smulhi.u32 $0xAF286BCB, s14  }
0x8b: {  	v15 =	vld [tilespmem:s15+$0x0];
	p0 =	sne.s32 s14, $0x168;
	v8 =	vnsel vm0, $0x0, v8;
	v4 =	vadd.f32 v14, v4;
	v11 =	vadd.f32 v13, v11;
	s19 =	smov.u32 s14;
	s14 =	sadd.s32 $0x1, s14  }
0x8c: {  	s16 =	sshrl.u32 s16, $0x14;
	vm0 =	veq.s32 v5, v2;
	v10 =	vadd.f32 v12, v10;
	s17 =	sadd.s32 s17, s12;
	v13, _, _ =	vpop (xrf2);
	v9 =	vadd.f32 v8, v9  }
.Ltmp5:
0x8d: {  	s20 =	ssub.s32 s19, s18;
	v12 =	vmov s17;
	v8 =	vbroadcast v13, $0xF;
	v13 =	vmov s16;
	(pc) =	sbr.rel @p0 .LBB2_7-.Ltmp5, $4  }
0x8e: {  	vm2 =	veq.s32 v5, v3;
	s16 =	sshrl.u32 s20, $0x1;
	vm1 =	veq.s32 v13, v3;
	vm3 =	veq.s32 v13, s13;
	v5 =	vmovc v12;
	s13 =	smov.u32 s17  }
0x8f: {  	vm4 =	veq.s32 v13, v2;
	s16 =	sadd.s32 s18, s16;
	v14 =	vnsel vm1, $0x0, v8;
	v13 =	vnsel vm3, $0x0, v8  }
0x90: {  	s17 =	sshrl.u32 s16, $0x4;
	(xrf2) =	vadd.scan.msk.f32 $0xffff, v15;
	s16 =	smul.u32 $0xD795, s12;
	v15 =	vnsel vm4, $0x0, v8;
	v12 =	vnsel vm4, $0x0, v13;
	v13 =	vnsel vm1, $0x0, v13;
	s12 =	smov.u32 s19  }
0x91: {  	s15 =	sadd.s32 $0x10, s15;
	v7 =	vadd.f32 v14, v7;
	v14 =	vnsel vm2, $0x0, v8;
	s17 =	smul.u32 $0xFFFFFFED, s17;
	v6 =	vadd.f32 v15, v6  }
0x92: {  	v8 =	vnsel vm0, $0x0, v8  }
0x93: {  	v4 =	vadd.f32 v14, v4;
	v11 =	vadd.f32 v13, v11;
	vm10 =	veq.s32 v5, v2  }
0x94: {  	s14 =	sshrl.u32 s16, $0x14;
	v43, _, _ =	vpop (xrf2);
	v44 =	vadd.f32 v12, v10;
	vm2 =	veq.s32 v5, v3;
	s15 =	sadd.s32 s17, s12;
	v8 =	vadd.f32 v8, v9  }
0x95: {  	v45 =	vmov s14;
	v13 =	vbroadcast v43, $0xF;
	v46 =	vmov s15  }
0x96: {  	s31 =	smul.u32 $0xD795, s12;
	vm1 =	veq.s32 v45, v3;
	vm3 =	veq.s32 v45, s13;
	vm4 =	veq.s32 v45, v2  }
0x97: {  	v5 =	vnsel vm1, $0x0, v13;
	v47 =	vnsel vm3, $0x0, v13;
	v48 =	vnsel vm4, $0x0, v13  }
0x98: {  	s12 =	sshrl.u32 s31, $0x14;
	v49 =	vnsel vm2, $0x0, v13;
	v13 =	vnsel vm10, $0x0, v13;
	vm11 =	veq.s32 v46, v2  }
0x99: {  	v52 =	vmov s12;
	vm13 =	veq.s32 v46, v3;
	v15 =	vnsel vm4, $0x0, v47  }
0x9a: {  	v10 =	vnsel vm1, $0x0, v47;
	v6 =	vadd.f32 v48, v6;
	v5 =	vadd.f32 v5, v7;
	v51, _, _ =	vpop (xrf2)  }
0x9b: {  	v4 =	vadd.f32 v49, v4;
	v50 =	vadd.f32 v10, v11;
	v10 =	vbroadcast v51, $0xF  }
0x9c: {  	v8 =	vadd.f32 v13, v8;
	vm12 =	veq.s32 v52, v3;
	vm14 =	veq.s32 v52, s15  }
0x9d: {  	vm15 =	veq.s32 v52, v2;
	v9 =	vadd.f32 v15, v44;
	v53 =	vnsel vm12, $0x0, v10  }
0x9e: {  	v54 =	vnsel vm14, $0x0, v10;
	v55 =	vnsel vm15, $0x0, v10;
	v56 =	vnsel vm11, $0x0, v10  }
0x9f: {  	v10 =	vnsel vm13, $0x0, v10;
	v6 =	vadd.f32 v55, v6;
	v8 =	vadd.f32 v56, v8  }
0xa0: {  	v57 =	vnsel vm15, $0x0, v54;
	v5 =	vadd.f32 v53, v5;
	v4 =	vadd.f32 v10, v4  }
0xa1: {  	v58 =	vnsel vm12, $0x0, v54;
	v9 =	vadd.f32 v57, v9;
	v6 =	vadd.f32 v8, v6  }
0xa2: {  	v7 =	vadd.f32 v58, v50;
	v4 =	vadd.f32 v4, v5  }
0xa3: {  	v5 =	vadd.f32 $1.000000050e-03, v6;
	v6 =	vsub.f32 v6, v9  }
0xa4: {  	v59 =	vadd.f32 $1.000000050e-03, v4;
	v4 =	vsub.f32 v4, v7  }
0xa5: {  	(erf) = vrcp.f32 v5;
	v5 =	vadd.f32 $1.000000050e-03, v6  }
0xa6: {  	v4 =	vadd.f32 $1.000000050e-03, v4;
	(erf) = vrcp.f32 v59  }
0xa7: {  	(erf) = vrcp.f32 v5  }
0xa8: {  	(erf) = vrcp.f32 v4;
	_ =	sdelay $0x4  }
0xa9: {  	v4 =	vadd.f32 v9, v9  }
0xaa: {  	v60 =	vadd.f32 v7, v7;
	v5 =	vpop (erf)  }
0xab: {  	v8 =	vpop (erf);
	v4 =	vmul.f32 v5, v4  }
0xac: {  	v5 =	vpop (erf);
	v6 =	vmul.f32 v8, v60  }
0xad: {  	v5 =	vmul.f32 v5, v9;
	v61 =	vpop (erf);
	(xrf2) =	vadd.scan.msk.f32 $0xffff, v4  }
0xae: {  	v4 =	vmul.f32 v61, v7;
	(xrf2) =	vadd.scan.msk.f32 $0xffff, v6  }
0xaf: {  	(xrf2) =	vadd.scan.msk.f32 $0xffff, v5  }
0xb0: {  	(xrf2) =	vadd.scan.msk.f32 $0xffff, v4;
	_ =	sdelay $0x6  }
0xb1: {  	v4, _, _ =	vpop (xrf2)  }
0xb2: {  	v5, _, _ =	vpop (xrf2)  }
0xb3: {  	v62, _, _ =	vpop (xrf2)  }
0xb4: {  	v63, _, _ =	vpop (xrf2)  }
0xb5: {  	v4 =	vadd.f32 v5, v4;
	v5 =	vadd.f32 v63, v62;
	_ =	sdelay $0x1  }
0xb6: {  	v4 =	vbroadcast v4, $0xF;
	v5 =	vbroadcast v5, $0xF;
	_ =	sdelay $0x1  }
0xb7: {  	v4 =	vmul.f32 v4, v0;
	v5 =	vmul.f32 v5, v0;
	_ =	sdelay $0x1  }
0xb8: {  	v4 =	vadd.f32 v5, v4;
	_ =	sdelay $0x1  }
0xb9: {  	v4 =	vmul.f32 v4, v1;
	_ =	sdelay $0x1  }
0xba: {  	s11 =	sadd.s32 $0x1, s11;
	v4 =	vsub.f32 $1.000000000e+00, v4  }
0xbb: {  	p0 =	sne.s32 s11, s6  }
.Ltmp6:
0xbc: {  	[tilespmem:$0x4800] =	vst v4;
	(pc) =	sbr.rel @p0 .LBB2_2-.Ltmp6, $4  }
0xbd: {  	[hbm4b:s1+s2] =	stream.linear.scatter [tilespmem:s10], [sflag:$0x2], $0x80, $0x38;
	[tilespmem:$0x4880] =	vst v63  }
0xbe: {  	_ =	swait.ge [sflag:s7], $0x80  }
0xbf: {  	[sflag:s7] =	ssyncset.done $0x0  }
0xc0: {  	[sflag:s7] =	ssyncadd.s32 $0xFFFFFF80  }
.LBB2_9:
0xc1: {  	_ =	sfence.sel $0x180000  }
0xc2: {  	[bflag:$0x0] =	sbarrier.arrive $0xFFFF  }
0xc3: {  	p0 =	sne.s32 s3, $0x0;
	_ =	strace $0x9000004D  }
0xc4: {  	s0 =	sadd.s32 @!p0 $0x100000, s0;
	[bflag:$0x2] =	sbarrier.arrive $0xFFFF  }
0xc5: {  	[sflag:s0] =	ssyncadd.tile.s32 @!p0 $0x1;
	_ =	shalt  }
.Lfunc_end2:
_tile_overlayer_lowered:
.L_overlay_start_2:
0xc6: {  	(tag) =	ssettag $0x2  }
0xc7: {  	s0 =	rddreg [dreg:$0x0];
	s2 =	stileid.u32  }
0xc8: {  	s1 =	rddreg [dreg:$0x1];
	p0 =	sne.s32 s2, $0x0  }
0xc9: {  	s3 =	rddreg [dreg:$0x2];
	[bflag:$0x3] =	sbarrier.arrive $0xFFFF;
	s2 =	simm.s32 @!p0 $0x1C02  }
0xca: {  	[timem:s3], [sflag:s2] =	dma.local @!p0 [hbm:s0], s1  }
0xcb: {  	s0 =	simm.s32 @!p0 $0x2  }
0xcc: {  	_ =	swait.ge @!p0 [sflag:s0], s1  }
0xcd: {  	s1 =	ssub.s32 @!p0 $0x0, s1;
	[sflag:s0] =	ssyncset.done @!p0 $0x0  }
0xce: {  	[sflag:s0] =	ssyncadd.s32 @!p0 s1  }
0xcf: {  	[bflag:$0x3] =	sbarrier.arrive $0xFFFF  }
0xd0: {  	_ =	shalt  }

// kernel: sparse-core-data-format-call.cloned.1.call-start
scs
called_computation_lowered:
.L_overlay_start_0:
0x0: {  	s2 =	sld [smem:$0x3FD9]  }
0x1: {  	s3 =	sld [smem:$0x3FFE];
	_ =	sdelay $0x1  }
0x2: {  	s1 =	srdreg.scid  }
0x3: {  	s0 =	sand.u32 $0x1, s1  }
0x4: {  	s18 =	sshll.u32 s0, $0xA;
	s2 =	sadd.s32 s3, s2  }
0x5: {  	s2 =	sadd.s32 s2, s18  }
0x6: {  	[smem:$0x3FC6] =	sst s2  }
0x7: {  	_ = 	snop  }
0x8: {  	s2 =	sld [smem:$0x3FC9];
	(tm) =	ssettm $0x1  }
0x9: {  	s19 =	sld [smem:$0x3FFB];
	_ =	sdelay $0x3  }
0xa: {  	_ =	strace s19  }
0xb: {  	s3 =	sld [smem:$0x3FFC];
	_ =	sdelay $0x3  }
0xc: {  	_ =	strace s3  }
0xd: {  	s3 =	sld [smem:$0x3FFD];
	_ =	sdelay $0x3  }
0xe: {  	_ =	strace s3  }
0xf: {  	_ =	strace $0x8FFFFFFF  }
0x10: {  	s20 =	sld [smem:$0x3FDB];
	_ =	sdelay $0x1  }
0x11: {  	s4 =	simm.s32 $_scs_section_size  }
0x12: {  	s5 =	simm.s32 $_size__tile_overlayer_lowered;
	s6 =	simm.s32 $_tile_overlayer_lowered  }
0x13: {  	s23 =	simm.s32 $0x1BFF;
	s22 =	sshll.u32 s6, $0x1;
	s3 =	sadd.s32 s4, s20  }
0x14: {  	s7 =	simm.s32 $0x0;
	s21 =	sshll.u32 s5, $0x1;
	s5 =	sadd.s32 s22, s3  }
0x15: {  	[timem:s7], [sflag:s23] =	dma.local [hbm:s5], s21  }
0x16: {  	_ =	swait.ge [sflag:s23], s21  }
0x17: {  	s4 =	ssub.s32 $0x0, s21;
	[sflag:s23] =	ssyncset.done $0x0  }
0x18: {  	[sflag:s23] =	ssyncadd.s32 s4;
	_ =	sdelay $0x1  }
0x19: {  	s24 =	simm.s32 $0x1B8B  }
0x1a: {  	_ =	swait.ge [sflag:s24], $0x1  }
0x1b: {  	[sflag:s24] =	ssyncset.done $0x0  }
0x1c: {  	s26 =	simm.s32 $0x1B8E;
	s25 =	sld [smem:$0x3FFE];
	[sflag:s24] =	ssyncadd.s32 $0xFFFFFFFF  }
0x1d: {  	s27 =	simm.s32 $execute0_lowered;
	[smem:$0x3FD2] =	sst s26  }
0x1e: {  	s5 =	sshll.u32 s27, $0x1;
	_ =	strace $0x80000046;
	[dreg:$0x1] =	wrdreg $0xFFFFFFFF  }
0x1f: {  	s28 =	simm.s32 $_size_execute0_lowered;
	s3 =	sadd.s32 s3, s5;
	[dreg:$0x0] =	wrdreg $0x0  }
0x20: {  	s5 =	sshll.u32 s28, $0x1;
	[dreg:$0x2] =	wrdreg s3  }
0x21: {  	[dreg:$0x3] =	wrdreg s5  }
0x22: {  	[dreg:$0x4] =	wrdreg $0xC0  }
0x23: {  	_ =	task [dreg:s7], $0x5FFFF  }
0x24: {  	[dreg:$0x1] =	wrdreg $0xFFFFFFFF  }
0x25: {  	[dreg:$0x0] =	wrdreg $0x60  }
0x26: {  	[dreg:$0x2] =	wrdreg s2  }
0x27: {  	[dreg:$0x3] =	wrdreg s25  }
0x28: {  	[dreg:$0x4] =	wrdreg $0x9  }
0x29: {  	_ =	task.clear_ibuf [dreg:s7], $0x5FFFF;
	_ =	strace $0x90000046  }
0x2a: {  	s29 =	simm.s32 $0x9;
	_ =	strace $0x80000048  }
0x2b: {  	_ =	swait.ge [sflag:s29], $0x1  }
0x2c: {  	[sflag:s29] =	ssyncadd.s32 $0xFFFFFFFF  }
0x2d: {  	_ =	strace $0x90000048  }
0x2e: {  	_ =	sfence  }
0x2f: {  	s30 =	sld [smem:$0x0];
	_ =	sdelay $0x2  }
0x30: {  	s31 =	sshll.u32 s1, $0xD;
	s1 =	sshrl.u32 s1, $0x2  }
0x31: {  	s3 =	sand.u32 $0x4000, s31;
	s1 =	sadd.s32 s1, s30  }
0x32: {  	s0 =	sor.u32 s3, s0;
	s1 =	sshll.u32 s1, $0x11  }
0x33: {  	s0 =	sor.u32 s1, s0  }
0x34: {  	s0 =	sadd.s32 $0x8F2B, s0  }
0x35: {  	[sflag:s0] =	ssyncadd.remote.s32 $0x1  }
0x36: {  	_ =	sfence.sel $0xFFFF  }
0x37: {  	[dreg:$0x0] =	wrdreg $0xFFFFFFFF;
	(pc) =	sbr.abs _section_cstart, $3  }
0x38: {  	[dreg:$0x1] =	wrdreg $0xFFFFFFFF  }
0x39: {  	_ =	task.clear_ibuf [dreg:s7], $0x2FFFF;
	_ =	strace $0x9FFFFFFF  }
0x3a: {  	(tm) =	ssettm $0x7FFFFFFF  }
0x3b: {  	_ =	shalt  }
tec
execute0_lowered:
.L_overlay_start_1:
0x0: {  	(tag) =	ssettag $0x1  }
0x1: {  	s0 =	srdreg.scid  }
0x2: {  	s1 =	sshll.u32 s0, $0x4  }
0x3: {  	s2 =	rddreg [dreg:$0x0];
	s0 =	stileid.u32;
	s1 =	sand.u32 $0x10, s1  }
0x4: {  	s4 =	rddreg [dreg:$0x1];
	s7 =	simm.s32 $0x1;
	s1 =	sor.u32 s0, s1  }
0x5: {  	s8 =	simm.s32 $0x2;
	s9 =	simm.s32 $0x0;
	s3 =	sshll.u32 s1, $0x2  }
0x6: {  	s12 =	simm.s32 $0x0;
	s11 =	simm.s32 $0x0;
	s6 =	ssub.s32 $0x2600, s3  }
.Ltmp0:
0x7: {  	s4 =	sadd.s32 $0xE00, s4;
	s5 =	sand.u32 $0x7C, s6;
	(pc) =	sbr.rel .LBB1_1-.Ltmp0, $4  }
0x8: {  	s1 =	rddreg [dreg:$0x2];
	_ =	strace $0x80000047;
	p0 =	sne.s32 s5, $0x0  }
0x9: {  	s6 =	sshrl.u32 s6, $0x7;
	s5 =	simm.s32 $0x1;
	s7 =	simm.s32 @!p0 $0x0  }
0xa: {  	s10 =	smov.u32 s3;
	[sflag:s5] =	ssyncpa.u1 $0x0;
	s6 =	sadd.s32 s7, s6  }
0xb: {  	[sflag:s8] =	ssyncpa.u1 $0x0;
	s8 =	simm.s32 $0x0;
	s7 =	sadd.s32 $0x1, s6  }
.LBB1_9:
0xc: {  	s14 =	sadd.s32 $0x80, s10  }
0xd: {  	p1 =	sgt.s32 s14, $0x25FF  }
0xe: {  	s14 =	smov.u32 @p1 s3;
	p1 =	sne.s32 s11, s7  }
.Ltmp1:
0xf: {  	p0 =	slt.u32 s11, $0x2;
	(pc) =	sbr.rel @!p1 .LBB1_10-.Ltmp1, $4  }
0x10: {  	s13 =	simm.s32 @!p0 $0x2  }
0x11: {  	s15 =	sadd.s32 $0x1, s11;
	_ =	swait.ge @!p0 [sflag:s13], $0x4000  }
0x12: {  	s12 =	smov.u32 s10;
	s9 =	sadd.s32 $0x4000, s9;
	[sflag:s13] =	ssyncset.done @!p0 $0x0  }
0x13: {  	s11 =	smov.u32 s15;
	s10 =	smov.u32 s14;
	[sflag:s13] =	ssyncadd.s32 @!p0 $0xFFFFC000  }
.LBB1_1:
0x14: {  	p0 =	sge.u32 s11, s6  }
0x15: {  	s13 =	sxor.u32 @!p0 $0xFFFFFFFF, s11  }
0x16: {  	s31 =	sadd.s32 $0xFFFFFFFF, s11;
	s14 =	sshll.u32 @!p0 s10, $0x9;
	s13 =	sshll.u32 @!p0 s13, $0xE  }
0x17: {  	s15 =	simm.s32 @!p0 $0x0;
	s14 =	sadd.s32 @!p0 s2, s14;
	s13 =	sand.u32 @!p0 $0x4000, s13  }
0x18: {  	[tilespmem:s13], [sflag:$0x1] =	stream.linear.gather @!p0 [hbm4b:s14+s15], $0x4000, $0x38;
	[tilespmem:$0x10000] =	vst v63  }
0x19: {  	p0 =	sge.u32 s31, s6  }
.Ltmp2:
0x1a: {  	_ = 	snop;
	(pc) =	sbr.rel @p0 .LBB1_9-.Ltmp2, $1  }
0x1b: {  	_ =	sdelay $0x3  }
0x1c: {  	s14 =	sand.u32 $0x4000, s9  }
0x1d: {  	_ =	swait.ge [sflag:s5], $0x4000;
	s15 =	sshll.u32 s11, $0xE;
	s16 =	simm.s32 $0x0  }
0x1e: {  	s13 =	sor.u32 $0x40, s14;
	[sflag:s5] =	ssyncset.done $0x0;
	s15 =	sand.u32 $0x4000, s15  }
0x1f: {  	s14 =	sor.u32 $0x8040, s14;
	[sflag:s5] =	ssyncadd.s32 $0xFFFFC000;
	s15 =	sor.u32 $0x8000, s15  }
.LBB1_3:
0x20: {  	s17 =	smov.u32 s14;
	s18 =	smov.u32 s13;
	s19 =	simm.s32 $0x0  }
.LBB1_4:
0x21: {  	v0 =	vmov s17;
	v2 =	vld [tilespmem:s18+$0x30]  }
0x22: {  	v4 =	vld [tilespmem:s18+$0xFFFFFFD0]  }
0x23: {  	v6 =	vld [tilespmem:s18+$0xFFFFFFE0]  }
0x24: {  	v7 =	vld [tilespmem:s18+$0xFFFFFFF0]  }
0x25: {  	s20 =	simm.s32 $0x0;
	v1 =	vld [tilespmem:s18+$0x0]  }
0x26: {  	v3 =	vld [tilespmem:s18+$0x10];
	[tilespmem:v0+s20+$0x30 ss:$0x1] =	vst.idx.msk $0xffff, v2  }
0x27: {  	v5 =	vld [tilespmem:s18+$0x20];
	[tilespmem:v0+s20+$0xFFFFFFD0 ss:$0x1] =	vst.idx.msk $0xffff, v4  }
0x28: {  	s21 =	sadd.s32 $0x80, s18;
	v2 =	vld [tilespmem:s18+$0xFFFFFFC0];
	[tilespmem:v0+s20+$0xFFFFFFE0 ss:$0x1] =	vst.idx.msk $0xffff, v6  }
0x29: {  	s22 =	simm.s32 $0x800;
	s23 =	simm.s32 $0x1000;
	v4 =	vld [tilespmem:s21+$0x30];
	[tilespmem:v0+s20+$0xFFFFFFF0 ss:$0x1] =	vst.idx.msk $0xffff, v7  }
.LBB1_5:
0x2a: {  	p0 =	sne.s32 s23, $0x3800;
	v6 =	vld [tilespmem:s21+$0xFFFFFFD0];
	[tilespmem:v0+s20+$0x0 ss:$0x1] =	vst.idx.msk $0xffff, v1  }
0x2b: {  	v7 =	vld [tilespmem:s21+$0xFFFFFFE0];
	[tilespmem:v0+s20+$0x10 ss:$0x1] =	vst.idx.msk $0xffff, v3  }
0x2c: {  	v8 =	vld [tilespmem:s21+$0xFFFFFFF0];
	[tilespmem:v0+s20+$0x20 ss:$0x1] =	vst.idx.msk $0xffff, v5  }
.Ltmp3:
0x2d: {  	v1 =	vld [tilespmem:s21+$0x0];
	[tilespmem:v0+s20+$0xFFFFFFC0 ss:$0x1] =	vst.idx.msk $0xffff, v2;
	s20 =	sshra.s32 s22, $0x2;
	s22 =	smov.u32 s23;
	(pc) =	sbr.rel @p0 .LBB1_5-.Ltmp3, $4  }
0x2e: {  	v3 =	vld [tilespmem:s21+$0x10];
	[tilespmem:v0+s20+$0x30 ss:$0x1] =	vst.idx.msk $0xffff, v4  }
0x2f: {  	[tilespmem:v0+s20+$0xFFFFFFD0 ss:$0x1] =	vst.idx.msk $0xffff, v6;
	v5 =	vld [tilespmem:s21+$0x20]  }
0x30: {  	v2 =	vld [tilespmem:s21+$0xFFFFFFC0];
	[tilespmem:v0+s20+$0xFFFFFFE0 ss:$0x1] =	vst.idx.msk $0xffff, v7;
	s21 =	sadd.s32 $0x80, s21  }
0x31: {  	s23 =	sadd.s32 $0x800, s23;
	v4 =	vld [tilespmem:s21+$0x30];
	[tilespmem:v0+s20+$0xFFFFFFF0 ss:$0x1] =	vst.idx.msk $0xffff, v8  }
0x32: {  	_ =	sdelay $0x3  }
0x33: {  	v6 =	vld [tilespmem:s21+$0xFFFFFFD0];
	[tilespmem:v0+s20+$0x0 ss:$0x1] =	vst.idx.msk $0xffff, v1  }
0x34: {  	v58 =	vld [tilespmem:s21+$0xFFFFFFE0];
	[tilespmem:v0+s20+$0x10 ss:$0x1] =	vst.idx.msk $0xffff, v3  }
0x35: {  	v59 =	vld [tilespmem:s21+$0xFFFFFFF0];
	[tilespmem:v0+s20+$0x20 ss:$0x1] =	vst.idx.msk $0xffff, v5  }
0x36: {  	s22 =	sshra.s32 s22, $0x2;
	v60 =	vld [tilespmem:s21+$0x0];
	[tilespmem:v0+s20+$0xFFFFFFC0 ss:$0x1] =	vst.idx.msk $0xffff, v2  }
0x37: {  	v61 =	vld [tilespmem:s21+$0x10];
	[tilespmem:v0+s22+$0x30 ss:$0x1] =	vst.idx.msk $0xffff, v4  }
0x38: {  	v62 =	vld [tilespmem:s21+$0x20];
	s19 =	sadd.s32 $0x1, s19;
	[tilespmem:v0+s22+$0xFFFFFFD0 ss:$0x1] =	vst.idx.msk $0xffff, v6  }
0x39: {  	v63 =	vld [tilespmem:s21+$0xFFFFFFC0];
	p0 =	sne.s32 s19, $0x4;
	[tilespmem:v0+s22+$0xFFFFFFE0 ss:$0x1] =	vst.idx.msk $0xffff, v58  }
.Ltmp4:
0x3a: {  	[tilespmem:v0+s22+$0xFFFFFFF0 ss:$0x1] =	vst.idx.msk $0xffff, v59;
	(pc) =	sbr.rel @p0 .LBB1_4-.Ltmp4, $4  }
0x3b: {  	[tilespmem:v0+s22+$0x0 ss:$0x1] =	vst.idx.msk $0xffff, v60  }
0x3c: {  	[tilespmem:v0+s22+$0x10 ss:$0x1] =	vst.idx.msk $0xffff, v61  }
0x3d: {  	[tilespmem:v0+s22+$0x20 ss:$0x1] =	vst.idx.msk $0xffff, v62  }
0x3e: {  	s18 =	sadd.s32 $0x400, s18;
	s17 =	sadd.s32 $0x80, s17;
	[tilespmem:v0+s22+$0xFFFFFFC0 ss:$0x1] =	vst.idx.msk $0xffff, v63  }
0x3f: {  	s16 =	sadd.s32 $0x1, s16  }
0x40: {  	p0 =	sne.s32 s16, $0x4  }
.Ltmp5:
0x41: {  	_ = 	snop;
	(pc) =	sbr.rel @p0 .LBB1_3-.Ltmp5, $2  }
0x42: {  	_ =	sdelay $0x2  }
0x43: {  	s13 =	sadd.s32 $0x1000, s13;
	s14 =	sadd.s32 $0x1000, s14  }
.Ltmp6:
0x44: {  	(pc) =	sbr.rel .LBB1_9-.Ltmp6, $4  }
0x45: {  	_ = 	snop  }
0x46: {  	s12 =	sshll.u32 s12, $0x9  }
0x47: {  	s12 =	sadd.s32 s4, s12  }
0x48: {  	[hbm4b:s12+s8] =	stream.linear.scatter [tilespmem:s15], [sflag:$0x2], $0x4000, $0x38;
	[tilespmem:$0x10000] =	vst v63  }
.LBB1_10:
0x49: {  	_ =	sfence.sel $0x180000  }
0x4a: {  	s2 =	simm.s32 $0x1;
	[bflag:$0x0] =	sbarrier.arrive $0xFFFF  }
0x4b: {  	s31 =	simm.s32 $0x2;
	[sflag:s2] =	ssyncpa.u1 $0x1  }
0x4c: {  	[sflag:s31] =	ssyncpa.u1 $0x1  }
0x4d: {  	p0 =	sne.s32 s0, $0x0;
	_ =	strace $0x90000047  }
0x4e: {  	s0 =	sadd.s32 @!p0 $0x100000, s1;
	[bflag:$0x2] =	sbarrier.arrive $0xFFFF  }
0x4f: {  	[sflag:s0] =	ssyncadd.tile.s32 @!p0 $0x1;
	_ =	shalt  }
.Lfunc_end1:
_tile_overlayer_lowered:
.L_overlay_start_2:
0x50: {  	(tag) =	ssettag $0x2  }
0x51: {  	s0 =	rddreg [dreg:$0x0];
	s2 =	stileid.u32  }
0x52: {  	s1 =	rddreg [dreg:$0x1];
	p0 =	sne.s32 s2, $0x0  }
0x53: {  	s3 =	rddreg [dreg:$0x2];
	[bflag:$0x3] =	sbarrier.arrive $0xFFFF;
	s2 =	simm.s32 @!p0 $0x1C01  }
0x54: {  	[timem:s3], [sflag:s2] =	dma.local @!p0 [hbm:s0], s1  }
0x55: {  	s0 =	simm.s32 @!p0 $0x1  }
0x56: {  	_ =	swait.ge @!p0 [sflag:s0], s1  }
0x57: {  	s1 =	ssub.s32 @!p0 $0x0, s1;
	[sflag:s0] =	ssyncset.done @!p0 $0x0  }
0x58: {  	[sflag:s0] =	ssyncadd.s32 @!p0 s1  }
0x59: {  	[bflag:$0x3] =	sbarrier.arrive $0xFFFF  }
0x5a: {  	_ =	shalt  }

</sc_bundles>
